<compile_context>
chip_gen: v7x
topology: tpu7x:2x2x1
jax: 0.10.2.dev20260603
libtpu: 0.0.44.dev20260713+nightly
codegen_flags: <defaults>
</compile_context>

<pallas_src>
import jax
import jax.numpy as jnp
from jax import lax
from jax.experimental import pallas as pl
from jax.experimental.pallas import tpu as pltpu
from jax.experimental.pallas import tpu_sc as plsc

B, T, H = 16, 4096, 32
BT = 64
NC, NS, L = 2, 16, 16

HT = H // 8
TT = T // 128
VPC = BT // L
BLK_TT = TT // 2


def _compute(buf):
    def tt_body(tt, _):
        for h8 in range(8):
            for chunk in range(2):
                base = chunk * BT
                car = jnp.float32(0.0)
                for k in range(VPC):
                    off = base + k * L
                    v = buf[tt, h8, pl.ds(off, L)]
                    s = plsc.cumsum(v) + car
                    buf[tt, h8, pl.ds(off, L)] = s
                    car = jnp.squeeze(lax.slice(s, (15,), (16,)))
        return 0

    lax.fori_loop(0, BLK_TT, tt_body, 0)


def _body(x_hbm, out_hbm, bufs, sins, souts):
    wid = lax.axis_index("s") * NC + lax.axis_index("c")
    q0 = wid * 2
    blocks = []
    for j in range(4):
        q = q0 + j // 2
        blocks.append((q // HT, q % HT, (j % 2) * BLK_TT))

    d_ins = [
        pltpu.async_copy(
            x_hbm.at[b, ht, pl.ds(t, BLK_TT)], bufs[j], sins[j])
        for j, (b, ht, t) in enumerate(blocks)
    ]
    d_outs = []
    for j, (b, ht, t) in enumerate(blocks):
        d_ins[j].wait()
        _compute(bufs[j])
        d_outs.append(pltpu.async_copy(
            bufs[j], out_hbm.at[b, ht, pl.ds(t, BLK_TT)], souts[j]))
    for d in d_outs:
        d.wait()


@jax.jit
def kernel(g):
    x = g.transpose(0, 2, 1).reshape(B, HT, 8, TT, 128).transpose(0, 1, 3, 2, 4)
    run = pl.kernel(
        _body,
        out_type=jax.ShapeDtypeStruct((B, HT, TT, 8, 128), jnp.float32),
        mesh=plsc.VectorSubcoreMesh(
            core_axis_name="c", subcore_axis_name="s",
            num_cores=NC, num_subcores=NS,
        ),
        scratch_types=[
            [pltpu.VMEM((BLK_TT, 8, 128), jnp.float32)] * 4,
            [pltpu.SemaphoreType.DMA] * 4,
            [pltpu.SemaphoreType.DMA] * 4,
        ],
        compiler_params=pltpu.CompilerParams(needs_layout_passes=False),
    )
    y = run(x)
    return y.transpose(0, 1, 3, 2, 4).reshape(B, H, T).transpose(0, 2, 1)

# --- scband reference (transcript-rebuilt; emitter-appended) ---
"""Pipeline reference for scband-model-68186900792054 (READ-ONLY COPY).

The authoritative reference and input builder live on the scoring server;
editing this copy changes nothing except your own understanding.
"""

import jax, jax.numpy as jnp
import numpy as np

BT = 64  # chunk_size

def setup_inputs(seed: int = 0) -> dict:
    key = jax.random.key(seed)
    g = jax.random.normal(key, (16, 4096, 32), dtype=jnp.float32)
    return {"g": g}

def reference(g):
    # chunk_local_cumsum_scalar with head_first=False, reverse=False, scale=None,
    # cu_seqlens=None, output_dtype=float32.
    # g: [B, T, H]; cumsum is computed independently within each chunk of BT
    # timesteps, per batch and per head.
    B, T, H = g.shape
    gb = g.reshape(B, T // BT, BT, H).astype(jnp.float32)
    out = jnp.cumsum(gb, axis=2)
    return out.reshape(B, T, H).astype(jnp.float32)

if __name__ == "__main__":
    import jax
    _d = setup_inputs()
    print(jax.jit(kernel)(*tuple(_d.values())))

</pallas_src>

<mosaic_0001>
#map = affine_map<(d0, d1) -> (0, 0, 0, 0, 0)>
module attributes {stable_mosaic.version = 14 : i64} {
  func.func @_body(%arg0: i32, %arg1: i32, %arg2: memref<16x4x32x8x128xf32, #tpu.memory_space<hbm>>, %arg3: memref<16x4x32x8x128xf32, #tpu.memory_space<hbm>>, %arg4: memref<16x8x128xf32, #tpu.memory_space<vmem>>, %arg5: memref<16x8x128xf32, #tpu.memory_space<vmem>>, %arg6: memref<16x8x128xf32, #tpu.memory_space<vmem>>, %arg7: memref<16x8x128xf32, #tpu.memory_space<vmem>>, %arg8: memref<!tpu.dma_semaphore, #tpu.memory_space<semaphore_mem>>, %arg9: memref<!tpu.dma_semaphore, #tpu.memory_space<semaphore_mem>>, %arg10: memref<!tpu.dma_semaphore, #tpu.memory_space<semaphore_mem>>, %arg11: memref<!tpu.dma_semaphore, #tpu.memory_space<semaphore_mem>>, %arg12: memref<!tpu.dma_semaphore, #tpu.memory_space<semaphore_mem>>, %arg13: memref<!tpu.dma_semaphore, #tpu.memory_space<semaphore_mem>>, %arg14: memref<!tpu.dma_semaphore, #tpu.memory_space<semaphore_mem>>, %arg15: memref<!tpu.dma_semaphore, #tpu.memory_space<semaphore_mem>>) attributes {dimension_semantics = [#tpu.dimension_semantics<core_parallel>, #tpu.dimension_semantics<subcore_parallel>], iteration_bounds = array<i64: 2, 16>, scalar_prefetch = 0 : i64, scratch_operands = 12 : i64, tpu.core_type = #tpu.core_type<sc_vector_subcore>, window_params = [{transform_indices = #map}, {transform_indices = #map}]} {
    %mul3A = arith.constant 2 : i32
    %mul3A_0 = arith.muli %arg1, %mul3A : i32
    %add3A = arith.addi %mul3A_0, %arg0 : i32
    %mul3A_1 = arith.constant 2 : i32
    %mul3A_2 = arith.muli %add3A, %mul3A_1 : i32
    %add3A_3 = arith.constant 0 : i32
    %add3A_4 = arith.addi %mul3A_2, %add3A_3 : i32
    %jit3A = arith.constant 4 : i32
    %div3A = arith.divsi %add3A_4, %jit3A : i32
    %sign3A = arith.constant 0 : i32
    %sign3A_5 = arith.cmpi sgt, %add3A_4, %sign3A : i32
    %sign3A_6 = arith.extui %sign3A_5 : i1 to i32
    %sign3A_7 = arith.constant 0 : i32
    %sign3A_8 = arith.cmpi slt, %add3A_4, %sign3A_7 : i32
    %sign3A_9 = arith.extui %sign3A_8 : i1 to i32
    %sign3A_10 = arith.subi %sign3A_6, %sign3A_9 : i32
    %sign3A_11 = arith.constant 0 : i32
    %sign3A_12 = arith.cmpi sgt, %jit3A, %sign3A_11 : i32
    %sign3A_13 = arith.extui %sign3A_12 : i1 to i32
    %sign3A_14 = arith.constant 0 : i32
    %sign3A_15 = arith.cmpi slt, %jit3A, %sign3A_14 : i32
    %sign3A_16 = arith.extui %sign3A_15 : i1 to i32
    %sign3A_17 = arith.subi %sign3A_13, %sign3A_16 : i32
    %ne3A = arith.cmpi ne, %sign3A_10, %sign3A_17 : i32
    %rem3A = arith.remsi %add3A_4, %jit3A : i32
    %ne3A_18 = arith.constant 0 : i32
    %ne3A_19 = arith.cmpi ne, %rem3A, %ne3A_18 : i32
    %and3A = arith.andi %ne3A, %ne3A_19 : i1
    %sub3A = arith.constant 1 : i32
    %sub3A_20 = arith.subi %div3A, %sub3A : i32
    %select_n3A = arith.select %and3A, %sub3A_20, %div3A : i32
    %jit3A_21 = arith.constant 4 : i32
    %eq3A = arith.constant 0 : i32
    %eq3A_22 = arith.cmpi eq, %jit3A_21, %eq3A : i32
    %jit3A_23 = arith.constant 1 : i32
    %select_n3A_24 = arith.select %eq3A_22, %jit3A_23, %jit3A_21 : i32
    %rem3A_25 = arith.remsi %add3A_4, %select_n3A_24 : i32
    %ne3A_26 = arith.constant 0 : i32
    %ne3A_27 = arith.cmpi ne, %rem3A_25, %ne3A_26 : i32
    %lt3A = arith.constant 0 : i32
    %lt3A_28 = arith.cmpi slt, %rem3A_25, %lt3A : i32
    %lt3A_29 = arith.constant 0 : i32
    %lt3A_30 = arith.cmpi slt, %select_n3A_24, %lt3A_29 : i32
    %ne3A_31 = arith.xori %lt3A_28, %lt3A_30 : i1
    %and3A_32 = arith.andi %ne3A_31, %ne3A_27 : i1
    %add3A_33 = arith.addi %rem3A_25, %select_n3A_24 : i32
    %select_n3A_34 = arith.select %and3A_32, %add3A_33, %rem3A_25 : i32
    %add3A_35 = arith.constant 0 : i32
    %add3A_36 = arith.addi %mul3A_2, %add3A_35 : i32
    %jit3A_37 = arith.constant 4 : i32
    %div3A_38 = arith.divsi %add3A_36, %jit3A_37 : i32
    %sign3A_39 = arith.constant 0 : i32
    %sign3A_40 = arith.cmpi sgt, %add3A_36, %sign3A_39 : i32
    %sign3A_41 = arith.extui %sign3A_40 : i1 to i32
    %sign3A_42 = arith.constant 0 : i32
    %sign3A_43 = arith.cmpi slt, %add3A_36, %sign3A_42 : i32
    %sign3A_44 = arith.extui %sign3A_43 : i1 to i32
    %sign3A_45 = arith.subi %sign3A_41, %sign3A_44 : i32
    %sign3A_46 = arith.constant 0 : i32
    %sign3A_47 = arith.cmpi sgt, %jit3A_37, %sign3A_46 : i32
    %sign3A_48 = arith.extui %sign3A_47 : i1 to i32
    %sign3A_49 = arith.constant 0 : i32
    %sign3A_50 = arith.cmpi slt, %jit3A_37, %sign3A_49 : i32
    %sign3A_51 = arith.extui %sign3A_50 : i1 to i32
    %sign3A_52 = arith.subi %sign3A_48, %sign3A_51 : i32
    %ne3A_53 = arith.cmpi ne, %sign3A_45, %sign3A_52 : i32
    %rem3A_54 = arith.remsi %add3A_36, %jit3A_37 : i32
    %ne3A_55 = arith.constant 0 : i32
    %ne3A_56 = arith.cmpi ne, %rem3A_54, %ne3A_55 : i32
    %and3A_57 = arith.andi %ne3A_53, %ne3A_56 : i1
    %sub3A_58 = arith.constant 1 : i32
    %sub3A_59 = arith.subi %div3A_38, %sub3A_58 : i32
    %select_n3A_60 = arith.select %and3A_57, %sub3A_59, %div3A_38 : i32
    %jit3A_61 = arith.constant 4 : i32
    %eq3A_62 = arith.constant 0 : i32
    %eq3A_63 = arith.cmpi eq, %jit3A_61, %eq3A_62 : i32
    %jit3A_64 = arith.constant 1 : i32
    %select_n3A_65 = arith.select %eq3A_63, %jit3A_64, %jit3A_61 : i32
    %rem3A_66 = arith.remsi %add3A_36, %select_n3A_65 : i32
    %ne3A_67 = arith.constant 0 : i32
    %ne3A_68 = arith.cmpi ne, %rem3A_66, %ne3A_67 : i32
    %lt3A_69 = arith.constant 0 : i32
    %lt3A_70 = arith.cmpi slt, %rem3A_66, %lt3A_69 : i32
    %lt3A_71 = arith.constant 0 : i32
    %lt3A_72 = arith.cmpi slt, %select_n3A_65, %lt3A_71 : i32
    %ne3A_73 = arith.xori %lt3A_70, %lt3A_72 : i1
    %and3A_74 = arith.andi %ne3A_73, %ne3A_68 : i1
    %add3A_75 = arith.addi %rem3A_66, %select_n3A_65 : i32
    %select_n3A_76 = arith.select %and3A_74, %add3A_75, %rem3A_66 : i32
    %add3A_77 = arith.constant 1 : i32
    %add3A_78 = arith.addi %mul3A_2, %add3A_77 : i32
    %jit3A_79 = arith.constant 4 : i32
    %div3A_80 = arith.divsi %add3A_78, %jit3A_79 : i32
    %sign3A_81 = arith.constant 0 : i32
    %sign3A_82 = arith.cmpi sgt, %add3A_78, %sign3A_81 : i32
    %sign3A_83 = arith.extui %sign3A_82 : i1 to i32
    %sign3A_84 = arith.constant 0 : i32
    %sign3A_85 = arith.cmpi slt, %add3A_78, %sign3A_84 : i32
    %sign3A_86 = arith.extui %sign3A_85 : i1 to i32
    %sign3A_87 = arith.subi %sign3A_83, %sign3A_86 : i32
    %sign3A_88 = arith.constant 0 : i32
    %sign3A_89 = arith.cmpi sgt, %jit3A_79, %sign3A_88 : i32
    %sign3A_90 = arith.extui %sign3A_89 : i1 to i32
    %sign3A_91 = arith.constant 0 : i32
    %sign3A_92 = arith.cmpi slt, %jit3A_79, %sign3A_91 : i32
    %sign3A_93 = arith.extui %sign3A_92 : i1 to i32
    %sign3A_94 = arith.subi %sign3A_90, %sign3A_93 : i32
    %ne3A_95 = arith.cmpi ne, %sign3A_87, %sign3A_94 : i32
    %rem3A_96 = arith.remsi %add3A_78, %jit3A_79 : i32
    %ne3A_97 = arith.constant 0 : i32
    %ne3A_98 = arith.cmpi ne, %rem3A_96, %ne3A_97 : i32
    %and3A_99 = arith.andi %ne3A_95, %ne3A_98 : i1
    %sub3A_100 = arith.constant 1 : i32
    %sub3A_101 = arith.subi %div3A_80, %sub3A_100 : i32
    %select_n3A_102 = arith.select %and3A_99, %sub3A_101, %div3A_80 : i32
    %jit3A_103 = arith.constant 4 : i32
    %eq3A_104 = arith.constant 0 : i32
    %eq3A_105 = arith.cmpi eq, %jit3A_103, %eq3A_104 : i32
    %jit3A_106 = arith.constant 1 : i32
    %select_n3A_107 = arith.select %eq3A_105, %jit3A_106, %jit3A_103 : i32
    %rem3A_108 = arith.remsi %add3A_78, %select_n3A_107 : i32
    %ne3A_109 = arith.constant 0 : i32
    %ne3A_110 = arith.cmpi ne, %rem3A_108, %ne3A_109 : i32
    %lt3A_111 = arith.constant 0 : i32
    %lt3A_112 = arith.cmpi slt, %rem3A_108, %lt3A_111 : i32
    %lt3A_113 = arith.constant 0 : i32
    %lt3A_114 = arith.cmpi slt, %select_n3A_107, %lt3A_113 : i32
    %ne3A_115 = arith.xori %lt3A_112, %lt3A_114 : i1
    %and3A_116 = arith.andi %ne3A_115, %ne3A_110 : i1
    %add3A_117 = arith.addi %rem3A_108, %select_n3A_107 : i32
    %select_n3A_118 = arith.select %and3A_116, %add3A_117, %rem3A_108 : i32
    %add3A_119 = arith.constant 1 : i32
    %add3A_120 = arith.addi %mul3A_2, %add3A_119 : i32
    %jit3A_121 = arith.constant 4 : i32
    %div3A_122 = arith.divsi %add3A_120, %jit3A_121 : i32
    %sign3A_123 = arith.constant 0 : i32
    %sign3A_124 = arith.cmpi sgt, %add3A_120, %sign3A_123 : i32
    %sign3A_125 = arith.extui %sign3A_124 : i1 to i32
    %sign3A_126 = arith.constant 0 : i32
    %sign3A_127 = arith.cmpi slt, %add3A_120, %sign3A_126 : i32
    %sign3A_128 = arith.extui %sign3A_127 : i1 to i32
    %sign3A_129 = arith.subi %sign3A_125, %sign3A_128 : i32
    %sign3A_130 = arith.constant 0 : i32
    %sign3A_131 = arith.cmpi sgt, %jit3A_121, %sign3A_130 : i32
    %sign3A_132 = arith.extui %sign3A_131 : i1 to i32
    %sign3A_133 = arith.constant 0 : i32
    %sign3A_134 = arith.cmpi slt, %jit3A_121, %sign3A_133 : i32
    %sign3A_135 = arith.extui %sign3A_134 : i1 to i32
    %sign3A_136 = arith.subi %sign3A_132, %sign3A_135 : i32
    %ne3A_137 = arith.cmpi ne, %sign3A_129, %sign3A_136 : i32
    %rem3A_138 = arith.remsi %add3A_120, %jit3A_121 : i32
    %ne3A_139 = arith.constant 0 : i32
    %ne3A_140 = arith.cmpi ne, %rem3A_138, %ne3A_139 : i32
    %and3A_141 = arith.andi %ne3A_137, %ne3A_140 : i1
    %sub3A_142 = arith.constant 1 : i32
    %sub3A_143 = arith.subi %div3A_122, %sub3A_142 : i32
    %select_n3A_144 = arith.select %and3A_141, %sub3A_143, %div3A_122 : i32
    %jit3A_145 = arith.constant 4 : i32
    %eq3A_146 = arith.constant 0 : i32
    %eq3A_147 = arith.cmpi eq, %jit3A_145, %eq3A_146 : i32
    %jit3A_148 = arith.constant 1 : i32
    %select_n3A_149 = arith.select %eq3A_147, %jit3A_148, %jit3A_145 : i32
    %rem3A_150 = arith.remsi %add3A_120, %select_n3A_149 : i32
    %ne3A_151 = arith.constant 0 : i32
    %ne3A_152 = arith.cmpi ne, %rem3A_150, %ne3A_151 : i32
    %lt3A_153 = arith.constant 0 : i32
    %lt3A_154 = arith.cmpi slt, %rem3A_150, %lt3A_153 : i32
    %lt3A_155 = arith.constant 0 : i32
    %lt3A_156 = arith.cmpi slt, %select_n3A_149, %lt3A_155 : i32
    %ne3A_157 = arith.xori %lt3A_154, %lt3A_156 : i1
    %and3A_158 = arith.andi %ne3A_157, %ne3A_152 : i1
    %add3A_159 = arith.addi %rem3A_150, %select_n3A_149 : i32
    %select_n3A_160 = arith.select %and3A_158, %add3A_159, %rem3A_150 : i32
    %dma_start3A = arith.constant 0 : i32
    %dma_start3A_161 = arith.constant 0 : i32
    %dma_start3A_162 = arith.constant 0 : i32
    %dma_start3A_163 = tpu.memref_slice %arg2[%select_n3A, %select_n3A_34, %dma_start3A, %dma_start3A_161, %dma_start3A_162] : memref<16x4x32x8x128xf32, #tpu.memory_space<hbm>> -> memref<1x1x16x8x128xf32, #tpu.memory_space<hbm>>
    %dma_start3A_164 = tpu.memref_squeeze %dma_start3A_163 : memref<1x1x16x8x128xf32, #tpu.memory_space<hbm>> -> memref<16x8x128xf32, #tpu.memory_space<hbm>>
    %dma_start3A_165 = arith.constant 0 : i32
    %dma_start3A_166 = arith.constant 0 : i32
    %dma_start3A_167 = arith.constant 0 : i32
    %dma_start3A_168 = tpu.memref_slice %arg2[%select_n3A, %select_n3A_34, %dma_start3A_165, %dma_start3A_166, %dma_start3A_167] : memref<16x4x32x8x128xf32, #tpu.memory_space<hbm>> -> memref<1x1x16x8x128xf32, #tpu.memory_space<hbm>>
    %dma_start3A_169 = tpu.memref_squeeze %dma_start3A_168 : memref<1x1x16x8x128xf32, #tpu.memory_space<hbm>> -> memref<16x8x128xf32, #tpu.memory_space<hbm>>
    tpu.enqueue_dma source(%dma_start3A_169 : memref<16x8x128xf32, #tpu.memory_space<hbm>>) target(%arg4 : memref<16x8x128xf32, #tpu.memory_space<vmem>>) target_semaphore(%arg8 : memref<!tpu.dma_semaphore, #tpu.memory_space<semaphore_mem>>)
    %dma_start3A_170 = arith.constant 16 : i32
    %dma_start3A_171 = arith.constant 0 : i32
    %dma_start3A_172 = arith.constant 0 : i32
    %dma_start3A_173 = tpu.memref_slice %arg2[%select_n3A_60, %select_n3A_76, %dma_start3A_170, %dma_start3A_171, %dma_start3A_172] : memref<16x4x32x8x128xf32, #tpu.memory_space<hbm>> -> memref<1x1x16x8x128xf32, #tpu.memory_space<hbm>>
    %dma_start3A_174 = tpu.memref_squeeze %dma_start3A_173 : memref<1x1x16x8x128xf32, #tpu.memory_space<hbm>> -> memref<16x8x128xf32, #tpu.memory_space<hbm>>
    %dma_start3A_175 = arith.constant 16 : i32
    %dma_start3A_176 = arith.constant 0 : i32
    %dma_start3A_177 = arith.constant 0 : i32
    %dma_start3A_178 = tpu.memref_slice %arg2[%select_n3A_60, %select_n3A_76, %dma_start3A_175, %dma_start3A_176, %dma_start3A_177] : memref<16x4x32x8x128xf32, #tpu.memory_space<hbm>> -> memref<1x1x16x8x128xf32, #tpu.memory_space<hbm>>
    %dma_start3A_179 = tpu.memref_squeeze %dma_start3A_178 : memref<1x1x16x8x128xf32, #tpu.memory_space<hbm>> -> memref<16x8x128xf32, #tpu.memory_space<hbm>>
    tpu.enqueue_dma source(%dma_start3A_179 : memref<16x8x128xf32, #tpu.memory_space<hbm>>) target(%arg5 : memref<16x8x128xf32, #tpu.memory_space<vmem>>) target_semaphore(%arg9 : memref<!tpu.dma_semaphore, #tpu.memory_space<semaphore_mem>>)
    %dma_start3A_180 = arith.constant 0 : i32
    %dma_start3A_181 = arith.constant 0 : i32
    %dma_start3A_182 = arith.constant 0 : i32
    %dma_start3A_183 = tpu.memref_slice %arg2[%select_n3A_102, %select_n3A_118, %dma_start3A_180, %dma_start3A_181, %dma_start3A_182] : memref<16x4x32x8x128xf32, #tpu.memory_space<hbm>> -> memref<1x1x16x8x128xf32, #tpu.memory_space<hbm>>
    %dma_start3A_184 = tpu.memref_squeeze %dma_start3A_183 : memref<1x1x16x8x128xf32, #tpu.memory_space<hbm>> -> memref<16x8x128xf32, #tpu.memory_space<hbm>>
    %dma_start3A_185 = arith.constant 0 : i32
    %dma_start3A_186 = arith.constant 0 : i32
    %dma_start3A_187 = arith.constant 0 : i32
    %dma_start3A_188 = tpu.memref_slice %arg2[%select_n3A_102, %select_n3A_118, %dma_start3A_185, %dma_start3A_186, %dma_start3A_187] : memref<16x4x32x8x128xf32, #tpu.memory_space<hbm>> -> memref<1x1x16x8x128xf32, #tpu.memory_space<hbm>>
    %dma_start3A_189 = tpu.memref_squeeze %dma_start3A_188 : memref<1x1x16x8x128xf32, #tpu.memory_space<hbm>> -> memref<16x8x128xf32, #tpu.memory_space<hbm>>
    tpu.enqueue_dma source(%dma_start3A_189 : memref<16x8x128xf32, #tpu.memory_space<hbm>>) target(%arg6 : memref<16x8x128xf32, #tpu.memory_space<vmem>>) target_semaphore(%arg10 : memref<!tpu.dma_semaphore, #tpu.memory_space<semaphore_mem>>)
    %dma_start3A_190 = arith.constant 16 : i32
    %dma_start3A_191 = arith.constant 0 : i32
    %dma_start3A_192 = arith.constant 0 : i32
    %dma_start3A_193 = tpu.memref_slice %arg2[%select_n3A_144, %select_n3A_160, %dma_start3A_190, %dma_start3A_191, %dma_start3A_192] : memref<16x4x32x8x128xf32, #tpu.memory_space<hbm>> -> memref<1x1x16x8x128xf32, #tpu.memory_space<hbm>>
    %dma_start3A_194 = tpu.memref_squeeze %dma_start3A_193 : memref<1x1x16x8x128xf32, #tpu.memory_space<hbm>> -> memref<16x8x128xf32, #tpu.memory_space<hbm>>
    %dma_start3A_195 = arith.constant 16 : i32
    %dma_start3A_196 = arith.constant 0 : i32
    %dma_start3A_197 = arith.constant 0 : i32
    %dma_start3A_198 = tpu.memref_slice %arg2[%select_n3A_144, %select_n3A_160, %dma_start3A_195, %dma_start3A_196, %dma_start3A_197] : memref<16x4x32x8x128xf32, #tpu.memory_space<hbm>> -> memref<1x1x16x8x128xf32, #tpu.memory_space<hbm>>
    %dma_start3A_199 = tpu.memref_squeeze %dma_start3A_198 : memref<1x1x16x8x128xf32, #tpu.memory_space<hbm>> -> memref<16x8x128xf32, #tpu.memory_space<hbm>>
    tpu.enqueue_dma source(%dma_start3A_199 : memref<16x8x128xf32, #tpu.memory_space<hbm>>) target(%arg7 : memref<16x8x128xf32, #tpu.memory_space<vmem>>) target_semaphore(%arg11 : memref<!tpu.dma_semaphore, #tpu.memory_space<semaphore_mem>>)
    %dma_wait3A = arith.constant 0 : i32
    %dma_wait3A_200 = arith.constant 0 : i32
    %dma_wait3A_201 = arith.constant 0 : i32
    %dma_wait3A_202 = tpu.memref_slice %arg2[%select_n3A, %select_n3A_34, %dma_wait3A, %dma_wait3A_200, %dma_wait3A_201] : memref<16x4x32x8x128xf32, #tpu.memory_space<hbm>> -> memref<1x1x16x8x128xf32, #tpu.memory_space<hbm>>
    %dma_wait3A_203 = tpu.memref_squeeze %dma_wait3A_202 : memref<1x1x16x8x128xf32, #tpu.memory_space<hbm>> -> memref<16x8x128xf32, #tpu.memory_space<hbm>>
    %dma_wait3A_204 = arith.constant 0 : i32
    %dma_wait3A_205 = arith.constant 0 : i32
    %dma_wait3A_206 = arith.constant 0 : i32
    %dma_wait3A_207 = tpu.memref_slice %arg2[%select_n3A, %select_n3A_34, %dma_wait3A_204, %dma_wait3A_205, %dma_wait3A_206] : memref<16x4x32x8x128xf32, #tpu.memory_space<hbm>> -> memref<1x1x16x8x128xf32, #tpu.memory_space<hbm>>
    %dma_wait3A_208 = tpu.memref_squeeze %dma_wait3A_207 : memref<1x1x16x8x128xf32, #tpu.memory_space<hbm>> -> memref<16x8x128xf32, #tpu.memory_space<hbm>>
    tpu.wait_dma2 semaphore(%arg8 : memref<!tpu.dma_semaphore, #tpu.memory_space<semaphore_mem>>) src(%dma_wait3A_208 : memref<16x8x128xf32, #tpu.memory_space<hbm>>) dst(%arg4 : memref<16x8x128xf32, #tpu.memory_space<vmem>>)
    %scan3A = arith.constant 0 : i32
    %scan3A_209 = arith.constant 0 : i32
    %scan3A_210 = arith.constant 16 : i32
    %scan3A_211 = arith.addi %scan3A_209, %scan3A_210 : i32
    %scan3A_212 = arith.constant 1 : i32
    %scan3A_213 = scf.for %scan3A_346 = %scan3A_209 to %scan3A_211 step %scan3A_212 iter_args(%scan3A_347 = %scan3A) -> (i32)  : i32 {
      %get3A = arith.constant 0 : i32
      %get3A_348 = arith.index_cast %scan3A_346 : i32 to index
      %get3A_349 = arith.index_cast %get3A : i32 to index
      %get3A_350 = arith.constant 0 : index
      %get3A_351 = tpu.vector_load %arg4[%get3A_348, %get3A_349, %get3A_350] {strides = array<i32>} : memref<16x8x128xf32, #tpu.memory_space<vmem>>, vector<16xf32>,
      %broadcast_in_dim3A = arith.constant true
      %broadcast_in_dim3A_352 = vector.broadcast %broadcast_in_dim3A : i1 to vector<16xi1>
      %masked_cumsum3A = tpu.scan <sum>, %get3A_351 masked %broadcast_in_dim3A_352 : vector<16xf32>, vector<16xi1> -> vector<16xf32>
      %add3A_353 = arith.constant 0.000000e+00 : f32
      %add3A_354 = vector.broadcast %add3A_353 : f32 to vector<16xf32>
      %add3A_355 = arith.addf %masked_cumsum3A, %add3A_354 : vector<16xf32>
      %swap3A = arith.constant 0 : i32
      %swap3A_356 = arith.index_cast %scan3A_346 : i32 to index
      %swap3A_357 = arith.index_cast %swap3A : i32 to index
      %swap3A_358 = arith.constant 0 : index
      %swap3A_359 = tpu.vector_load %arg4[%swap3A_356, %swap3A_357, %swap3A_358] {strides = array<i32>} : memref<16x8x128xf32, #tpu.memory_space<vmem>>, vector<16xf32>,
      tpu.vector_store %arg4[%swap3A_356, %swap3A_357, %swap3A_358], %add3A_355 {strides = array<i32>} : memref<16x8x128xf32, #tpu.memory_space<vmem>>, vector<16xf32>,
      %slice3A = vector.extract_strided_slice %add3A_355 {offsets = [15], sizes = [1], strides = [1]} : vector<16xf32> to vector<1xf32>
      %squeeze3A = vector.extract %slice3A[0] : f32 from vector<1xf32>
      %get3A_360 = arith.constant 0 : i32
      %get3A_361 = arith.index_cast %scan3A_346 : i32 to index
      %get3A_362 = arith.index_cast %get3A_360 : i32 to index
      %get3A_363 = arith.constant 16 : index
      %get3A_364 = tpu.vector_load %arg4[%get3A_361, %get3A_362, %get3A_363] {strides = array<i32>} : memref<16x8x128xf32, #tpu.memory_space<vmem>>, vector<16xf32>,
      %broadcast_in_dim3A_365 = arith.constant true
      %broadcast_in_dim3A_366 = vector.broadcast %broadcast_in_dim3A_365 : i1 to vector<16xi1>
      %masked_cumsum3A_367 = tpu.scan <sum>, %get3A_364 masked %broadcast_in_dim3A_366 : vector<16xf32>, vector<16xi1> -> vector<16xf32>
      %add3A_368 = vector.broadcast %squeeze3A : f32 to vector<16xf32>
      %add3A_369 = arith.addf %masked_cumsum3A_367, %add3A_368 : vector<16xf32>
      %swap3A_370 = arith.constant 0 : i32
      %swap3A_371 = arith.index_cast %scan3A_346 : i32 to index
      %swap3A_372 = arith.index_cast %swap3A_370 : i32 to index
      %swap3A_373 = arith.constant 16 : index
      %swap3A_374 = tpu.vector_load %arg4[%swap3A_371, %swap3A_372, %swap3A_373] {strides = array<i32>} : memref<16x8x128xf32, #tpu.memory_space<vmem>>, vector<16xf32>,
      tpu.vector_store %arg4[%swap3A_371, %swap3A_372, %swap3A_373], %add3A_369 {strides = array<i32>} : memref<16x8x128xf32, #tpu.memory_space<vmem>>, vector<16xf32>,
      %slice3A_375 = vector.extract_strided_slice %add3A_369 {offsets = [15], sizes = [1], strides = [1]} : vector<16xf32> to vector<1xf32>
      %squeeze3A_376 = vector.extract %slice3A_375[0] : f32 from vector<1xf32>
      %get3A_377 = arith.constant 0 : i32
      %get3A_378 = arith.index_cast %scan3A_346 : i32 to index
      %get3A_379 = arith.index_cast %get3A_377 : i32 to index
      %get3A_380 = arith.constant 32 : index
      %get3A_381 = tpu.vector_load %arg4[%get3A_378, %get3A_379, %get3A_380] {strides = array<i32>} : memref<16x8x128xf32, #tpu.memory_space<vmem>>, vector<16xf32>,
      %broadcast_in_dim3A_382 = arith.constant true
      %broadcast_in_dim3A_383 = vector.broadcast %broadcast_in_dim3A_382 : i1 to vector<16xi1>
      %masked_cumsum3A_384 = tpu.scan <sum>, %get3A_381 masked %broadcast_in_dim3A_383 : vector<16xf32>, vector<16xi1> -> vector<16xf32>
      %add3A_385 = vector.broadcast %squeeze3A_376 : f32 to vector<16xf32>
      %add3A_386 = arith.addf %masked_cumsum3A_384, %add3A_385 : vector<16xf32>
      %swap3A_387 = arith.constant 0 : i32
      %swap3A_388 = arith.index_cast %scan3A_346 : i32 to index
      %swap3A_389 = arith.index_cast %swap3A_387 : i32 to index
      %swap3A_390 = arith.constant 32 : index
      %swap3A_391 = tpu.vector_load %arg4[%swap3A_388, %swap3A_389, %swap3A_390] {strides = array<i32>} : memref<16x8x128xf32, #tpu.memory_space<vmem>>, vector<16xf32>,
      tpu.vector_store %arg4[%swap3A_388, %swap3A_389, %swap3A_390], %add3A_386 {strides = array<i32>} : memref<16x8x128xf32, #tpu.memory_space<vmem>>, vector<16xf32>,
      %slice3A_392 = vector.extract_strided_slice %add3A_386 {offsets = [15], sizes = [1], strides = [1]} : vector<16xf32> to vector<1xf32>
      %squeeze3A_393 = vector.extract %slice3A_392[0] : f32 from vector<1xf32>
      %get3A_394 = arith.constant 0 : i32
      %get3A_395 = arith.index_cast %scan3A_346 : i32 to index
      %get3A_396 = arith.index_cast %get3A_394 : i32 to index
      %get3A_397 = arith.constant 48 : index
      %get3A_398 = tpu.vector_load %arg4[%get3A_395, %get3A_396, %get3A_397] {strides = array<i32>} : memref<16x8x128xf32, #tpu.memory_space<vmem>>, vector<16xf32>,
      %broadcast_in_dim3A_399 = arith.constant true
      %broadcast_in_dim3A_400 = vector.broadcast %broadcast_in_dim3A_399 : i1 to vector<16xi1>
      %masked_cumsum3A_401 = tpu.scan <sum>, %get3A_398 masked %broadcast_in_dim3A_400 : vector<16xf32>, vector<16xi1> -> vector<16xf32>
      %add3A_402 = vector.broadcast %squeeze3A_393 : f32 to vector<16xf32>
      %add3A_403 = arith.addf %masked_cumsum3A_401, %add3A_402 : vector<16xf32>
      %swap3A_404 = arith.constant 0 : i32
      %swap3A_405 = arith.index_cast %scan3A_346 : i32 to index
      %swap3A_406 = arith.index_cast %swap3A_404 : i32 to index
      %swap3A_407 = arith.constant 48 : index
      %swap3A_408 = tpu.vector_load %arg4[%swap3A_405, %swap3A_406, %swap3A_407] {strides = array<i32>} : memref<16x8x128xf32, #tpu.memory_space<vmem>>, vector<16xf32>,
      tpu.vector_store %arg4[%swap3A_405, %swap3A_406, %swap3A_407], %add3A_403 {strides = array<i32>} : memref<16x8x128xf32, #tpu.memory_space<vmem>>, vector<16xf32>,
      %slice3A_409 = vector.extract_strided_slice %add3A_403 {offsets = [15], sizes = [1], strides = [1]} : vector<16xf32> to vector<1xf32>
      %squeeze3A_410 = vector.extract %slice3A_409[0] : f32 from vector<1xf32>
      %get3A_411 = arith.constant 0 : i32
      %get3A_412 = arith.index_cast %scan3A_346 : i32 to index
      %get3A_413 = arith.index_cast %get3A_411 : i32 to index
      %get3A_414 = arith.constant 64 : index
      %get3A_415 = tpu.vector_load %arg4[%get3A_412, %get3A_413, %get3A_414] {strides = array<i32>} : memref<16x8x128xf32, #tpu.memory_space<vmem>>, vector<16xf32>,
      %broadcast_in_dim3A_416 = arith.constant true
      %broadcast_in_dim3A_417 = vector.broadcast %broadcast_in_dim3A_416 : i1 to vector<16xi1>
      %masked_cumsum3A_418 = tpu.scan <sum>, %get3A_415 masked %broadcast_in_dim3A_417 : vector<16xf32>, vector<16xi1> -> vector<16xf32>
      %add3A_419 = arith.constant 0.000000e+00 : f32
      %add3A_420 = vector.broadcast %add3A_419 : f32 to vector<16xf32>
      %add3A_421 = arith.addf %masked_cumsum3A_418, %add3A_420 : vector<16xf32>
      %swap3A_422 = arith.constant 0 : i32
      %swap3A_423 = arith.index_cast %scan3A_346 : i32 to index
      %swap3A_424 = arith.index_cast %swap3A_422 : i32 to index
      %swap3A_425 = arith.constant 64 : index
      %swap3A_426 = tpu.vector_load %arg4[%swap3A_423, %swap3A_424, %swap3A_425] {strides = array<i32>} : memref<16x8x128xf32, #tpu.memory_space<vmem>>, vector<16xf32>,
      tpu.vector_store %arg4[%swap3A_423, %swap3A_424, %swap3A_425], %add3A_421 {strides = array<i32>} : memref<16x8x128xf32, #tpu.memory_space<vmem>>, vector<16xf32>,
      %slice3A_427 = vector.extract_strided_slice %add3A_421 {offsets = [15], sizes = [1], strides = [1]} : vector<16xf32> to vector<1xf32>
      %squeeze3A_428 = vector.extract %slice3A_427[0] : f32 from vector<1xf32>
      %get3A_429 = arith.constant 0 : i32
      %get3A_430 = arith.index_cast %scan3A_346 : i32 to index
      %get3A_431 = arith.index_cast %get3A_429 : i32 to index
      %get3A_432 = arith.constant 80 : index
      %get3A_433 = tpu.vector_load %arg4[%get3A_430, %get3A_431, %get3A_432] {strides = array<i32>} : memref<16x8x128xf32, #tpu.memory_space<vmem>>, vector<16xf32>,
      %broadcast_in_dim3A_434 = arith.constant true
      %broadcast_in_dim3A_435 = vector.broadcast %broadcast_in_dim3A_434 : i1 to vector<16xi1>
      %masked_cumsum3A_436 = tpu.scan <sum>, %get3A_433 masked %broadcast_in_dim3A_435 : vector<16xf32>, vector<16xi1> -> vector<16xf32>
      %add3A_437 = vector.broadcast %squeeze3A_428 : f32 to vector<16xf32>
      %add3A_438 = arith.addf %masked_cumsum3A_436, %add3A_437 : vector<16xf32>
      %swap3A_439 = arith.constant 0 : i32
      %swap3A_440 = arith.index_cast %scan3A_346 : i32 to index
      %swap3A_441 = arith.index_cast %swap3A_439 : i32 to index
      %swap3A_442 = arith.constant 80 : index
      %swap3A_443 = tpu.vector_load %arg4[%swap3A_440, %swap3A_441, %swap3A_442] {strides = array<i32>} : memref<16x8x128xf32, #tpu.memory_space<vmem>>, vector<16xf32>,
      tpu.vector_store %arg4[%swap3A_440, %swap3A_441, %swap3A_442], %add3A_438 {strides = array<i32>} : memref<16x8x128xf32, #tpu.memory_space<vmem>>, vector<16xf32>,
      %slice3A_444 = vector.extract_strided_slice %add3A_438 {offsets = [15], sizes = [1], strides = [1]} : vector<16xf32> to vector<1xf32>
      %squeeze3A_445 = vector.extract %slice3A_444[0] : f32 from vector<1xf32>
      %get3A_446 = arith.constant 0 : i32
      %get3A_447 = arith.index_cast %scan3A_346 : i32 to index
      %get3A_448 = arith.index_cast %get3A_446 : i32 to index
      %get3A_449 = arith.constant 96 : index
      %get3A_450 = tpu.vector_load %arg4[%get3A_447, %get3A_448, %get3A_449] {strides = array<i32>} : memref<16x8x128xf32, #tpu.memory_space<vmem>>, vector<16xf32>,
      %broadcast_in_dim3A_451 = arith.constant true
      %broadcast_in_dim3A_452 = vector.broadcast %broadcast_in_dim3A_451 : i1 to vector<16xi1>
      %masked_cumsum3A_453 = tpu.scan <sum>, %get3A_450 masked %broadcast_in_dim3A_452 : vector<16xf32>, vector<16xi1> -> vector<16xf32>
      %add3A_454 = vector.broadcast %squeeze3A_445 : f32 to vector<16xf32>
      %add3A_455 = arith.addf %masked_cumsum3A_453, %add3A_454 : vector<16xf32>
      %swap3A_456 = arith.constant 0 : i32
      %swap3A_457 = arith.index_cast %scan3A_346 : i32 to index
      %swap3A_458 = arith.index_cast %swap3A_456 : i32 to index
      %swap3A_459 = arith.constant 96 : index
      %swap3A_460 = tpu.vector_load %arg4[%swap3A_457, %swap3A_458, %swap3A_459] {strides = array<i32>} : memref<16x8x128xf32, #tpu.memory_space<vmem>>, vector<16xf32>,
      tpu.vector_store %arg4[%swap3A_457, %swap3A_458, %swap3A_459], %add3A_455 {strides = array<i32>} : memref<16x8x128xf32, #tpu.memory_space<vmem>>, vector<16xf32>,
      %slice3A_461 = vector.extract_strided_slice %add3A_455 {offsets = [15], sizes = [1], strides = [1]} : vector<16xf32> to vector<1xf32>
      %squeeze3A_462 = vector.extract %slice3A_461[0] : f32 from vector<1xf32>
      %get3A_463 = arith.constant 0 : i32
      %get3A_464 = arith.index_cast %scan3A_346 : i32 to index
      %get3A_465 = arith.index_cast %get3A_463 : i32 to index
      %get3A_466 = arith.constant 112 : index
      %get3A_467 = tpu.vector_load %arg4[%get3A_464, %get3A_465, %get3A_466] {strides = array<i32>} : memref<16x8x128xf32, #tpu.memory_space<vmem>>, vector<16xf32>,
      %broadcast_in_dim3A_468 = arith.constant true
      %broadcast_in_dim3A_469 = vector.broadcast %broadcast_in_dim3A_468 : i1 to vector<16xi1>
      %masked_cumsum3A_470 = tpu.scan <sum>, %get3A_467 masked %broadcast_in_dim3A_469 : vector<16xf32>, vector<16xi1> -> vector<16xf32>
      %add3A_471 = vector.broadcast %squeeze3A_462 : f32 to vector<16xf32>
      %add3A_472 = arith.addf %masked_cumsum3A_470, %add3A_471 : vector<16xf32>
      %swap3A_473 = arith.constant 0 : i32
      %swap3A_474 = arith.index_cast %scan3A_346 : i32 to index
      %swap3A_475 = arith.index_cast %swap3A_473 : i32 to index
      %swap3A_476 = arith.constant 112 : index
      %swap3A_477 = tpu.vector_load %arg4[%swap3A_474, %swap3A_475, %swap3A_476] {strides = array<i32>} : memref<16x8x128xf32, #tpu.memory_space<vmem>>, vector<16xf32>,
      tpu.vector_store %arg4[%swap3A_474, %swap3A_475, %swap3A_476], %add3A_472 {strides = array<i32>} : memref<16x8x128xf32, #tpu.memory_space<vmem>>, vector<16xf32>,
      %slice3A_478 = vector.extract_strided_slice %add3A_472 {offsets = [15], sizes = [1], strides = [1]} : vector<16xf32> to vector<1xf32>
      %squeeze3A_479 = vector.extract %slice3A_478[0] : f32 from vector<1xf32>
      %get3A_480 = arith.constant 1 : i32
      %get3A_481 = arith.index_cast %scan3A_346 : i32 to index
      %get3A_482 = arith.index_cast %get3A_480 : i32 to index
      %get3A_483 = arith.constant 0 : index
      %get3A_484 = tpu.vector_load %arg4[%get3A_481, %get3A_482, %get3A_483] {strides = array<i32>} : memref<16x8x128xf32, #tpu.memory_space<vmem>>, vector<16xf32>,
      %broadcast_in_dim3A_485 = arith.constant true
      %broadcast_in_dim3A_486 = vector.broadcast %broadcast_in_dim3A_485 : i1 to vector<16xi1>
      %masked_cumsum3A_487 = tpu.scan <sum>, %get3A_484 masked %broadcast_in_dim3A_486 : vector<16xf32>, vector<16xi1> -> vector<16xf32>
      %add3A_488 = arith.constant 0.000000e+00 : f32
      %add3A_489 = vector.broadcast %add3A_488 : f32 to vector<16xf32>
      %add3A_490 = arith.addf %masked_cumsum3A_487, %add3A_489 : vector<16xf32>
      %swap3A_491 = arith.constant 1 : i32
      %swap3A_492 = arith.index_cast %scan3A_346 : i32 to index
      %swap3A_493 = arith.index_cast %swap3A_491 : i32 to index
      %swap3A_494 = arith.constant 0 : index
      %swap3A_495 = tpu.vector_load %arg4[%swap3A_492, %swap3A_493, %swap3A_494] {strides = array<i32>} : memref<16x8x128xf32, #tpu.memory_space<vmem>>, vector<16xf32>,
      tpu.vector_store %arg4[%swap3A_492, %swap3A_493, %swap3A_494], %add3A_490 {strides = array<i32>} : memref<16x8x128xf32, #tpu.memory_space<vmem>>, vector<16xf32>,
      %slice3A_496 = vector.extract_strided_slice %add3A_490 {offsets = [15], sizes = [1], strides = [1]} : vector<16xf32> to vector<1xf32>
      %squeeze3A_497 = vector.extract %slice3A_496[0] : f32 from vector<1xf32>
      %get3A_498 = arith.constant 1 : i32
      %get3A_499 = arith.index_cast %scan3A_346 : i32 to index
      %get3A_500 = arith.index_cast %get3A_498 : i32 to index
      %get3A_501 = arith.constant 16 : index
      %get3A_502 = tpu.vector_load %arg4[%get3A_499, %get3A_500, %get3A_501] {strides = array<i32>} : memref<16x8x128xf32, #tpu.memory_space<vmem>>, vector<16xf32>,
      %broadcast_in_dim3A_503 = arith.constant true
      %broadcast_in_dim3A_504 = vector.broadcast %broadcast_in_dim3A_503 : i1 to vector<16xi1>
      %masked_cumsum3A_505 = tpu.scan <sum>, %get3A_502 masked %broadcast_in_dim3A_504 : vector<16xf32>, vector<16xi1> -> vector<16xf32>
      %add3A_506 = vector.broadcast %squeeze3A_497 : f32 to vector<16xf32>
      %add3A_507 = arith.addf %masked_cumsum3A_505, %add3A_506 : vector<16xf32>
      %swap3A_508 = arith.constant 1 : i32
      %swap3A_509 = arith.index_cast %scan3A_346 : i32 to index
      %swap3A_510 = arith.index_cast %swap3A_508 : i32 to index
      %swap3A_511 = arith.constant 16 : index
      %swap3A_512 = tpu.vector_load %arg4[%swap3A_509, %swap3A_510, %swap3A_511] {strides = array<i32>} : memref<16x8x128xf32, #tpu.memory_space<vmem>>, vector<16xf32>,
      tpu.vector_store %arg4[%swap3A_509, %swap3A_510, %swap3A_511], %add3A_507 {strides = array<i32>} : memref<16x8x128xf32, #tpu.memory_space<vmem>>, vector<16xf32>,
      %slice3A_513 = vector.extract_strided_slice %add3A_507 {offsets = [15], sizes = [1], strides = [1]} : vector<16xf32> to vector<1xf32>
      %squeeze3A_514 = vector.extract %slice3A_513[0] : f32 from vector<1xf32>
      %get3A_515 = arith.constant 1 : i32
      %get3A_516 = arith.index_cast %scan3A_346 : i32 to index
      %get3A_517 = arith.index_cast %get3A_515 : i32 to index
      %get3A_518 = arith.constant 32 : index
      %get3A_519 = tpu.vector_load %arg4[%get3A_516, %get3A_517, %get3A_518] {strides = array<i32>} : memref<16x8x128xf32, #tpu.memory_space<vmem>>, vector<16xf32>,
      %broadcast_in_dim3A_520 = arith.constant true
      %broadcast_in_dim3A_521 = vector.broadcast %broadcast_in_dim3A_520 : i1 to vector<16xi1>
      %masked_cumsum3A_522 = tpu.scan <sum>, %get3A_519 masked %broadcast_in_dim3A_521 : vector<16xf32>, vector<16xi1> -> vector<16xf32>
      %add3A_523 = vector.broadcast %squeeze3A_514 : f32 to vector<16xf32>
      %add3A_524 = arith.addf %masked_cumsum3A_522, %add3A_523 : vector<16xf32>
      %swap3A_525 = arith.constant 1 : i32
      %swap3A_526 = arith.index_cast %scan3A_346 : i32 to index
      %swap3A_527 = arith.index_cast %swap3A_525 : i32 to index
      %swap3A_528 = arith.constant 32 : index
      %swap3A_529 = tpu.vector_load %arg4[%swap3A_526, %swap3A_527, %swap3A_528] {strides = array<i32>} : memref<16x8x128xf32, #tpu.memory_space<vmem>>, vector<16xf32>,
      tpu.vector_store %arg4[%swap3A_526, %swap3A_527, %swap3A_528], %add3A_524 {strides = array<i32>} : memref<16x8x128xf32, #tpu.memory_space<vmem>>, vector<16xf32>,
      %slice3A_530 = vector.extract_strided_slice %add3A_524 {offsets = [15], sizes = [1], strides = [1]} : vector<16xf32> to vector<1xf32>
      %squeeze3A_531 = vector.extract %slice3A_530[0] : f32 from vector<1xf32>
      %get3A_532 = arith.constant 1 : i32
      %get3A_533 = arith.index_cast %scan3A_346 : i32 to index
      %get3A_534 = arith.index_cast %get3A_532 : i32 to index
      %get3A_535 = arith.constant 48 : index
      %get3A_536 = tpu.vector_load %arg4[%get3A_533, %get3A_534, %get3A_535] {strides = array<i32>} : memref<16x8x128xf32, #tpu.memory_space<vmem>>, vector<16xf32>,
      %broadcast_in_dim3A_537 = arith.constant true
      %broadcast_in_dim3A_538 = vector.broadcast %broadcast_in_dim3A_537 : i1 to vector<16xi1>
      %masked_cumsum3A_539 = tpu.scan <sum>, %get3A_536 masked %broadcast_in_dim3A_538 : vector<16xf32>, vector<16xi1> -> vector<16xf32>
      %add3A_540 = vector.broadcast %squeeze3A_531 : f32 to vector<16xf32>
      %add3A_541 = arith.addf %masked_cumsum3A_539, %add3A_540 : vector<16xf32>
      %swap3A_542 = arith.constant 1 : i32
      %swap3A_543 = arith.index_cast %scan3A_346 : i32 to index
      %swap3A_544 = arith.index_cast %swap3A_542 : i32 to index
      %swap3A_545 = arith.constant 48 : index
      %swap3A_546 = tpu.vector_load %arg4[%swap3A_543, %swap3A_544, %swap3A_545] {strides = array<i32>} : memref<16x8x128xf32, #tpu.memory_space<vmem>>, vector<16xf32>,
      tpu.vector_store %arg4[%swap3A_543, %swap3A_544, %swap3A_545], %add3A_541 {strides = array<i32>} : memref<16x8x128xf32, #tpu.memory_space<vmem>>, vector<16xf32>,
      %slice3A_547 = vector.extract_strided_slice %add3A_541 {offsets = [15], sizes = [1], strides = [1]} : vector<16xf32> to vector<1xf32>
      %squeeze3A_548 = vector.extract %slice3A_547[0] : f32 from vector<1xf32>
      %get3A_549 = arith.constant 1 : i32
      %get3A_550 = arith.index_cast %scan3A_346 : i32 to index
      %get3A_551 = arith.index_cast %get3A_549 : i32 to index
      %get3A_552 = arith.constant 64 : index
      %get3A_553 = tpu.vector_load %arg4[%get3A_550, %get3A_551, %get3A_552] {strides = array<i32>} : memref<16x8x128xf32, #tpu.memory_space<vmem>>, vector<16xf32>,
      %broadcast_in_dim3A_554 = arith.constant true
      %broadcast_in_dim3A_555 = vector.broadcast %broadcast_in_dim3A_554 : i1 to vector<16xi1>
      %masked_cumsum3A_556 = tpu.scan <sum>, %get3A_553 masked %broadcast_in_dim3A_555 : vector<16xf32>, vector<16xi1> -> vector<16xf32>
      %add3A_557 = arith.constant 0.000000e+00 : f32
      %add3A_558 = vector.broadcast %add3A_557 : f32 to vector<16xf32>
      %add3A_559 = arith.addf %masked_cumsum3A_556, %add3A_558 : vector<16xf32>
      %swap3A_560 = arith.constant 1 : i32
      %swap3A_561 = arith.index_cast %scan3A_346 : i32 to index
      %swap3A_562 = arith.index_cast %swap3A_560 : i32 to index
      %swap3A_563 = arith.constant 64 : index
      %swap3A_564 = tpu.vector_load %arg4[%swap3A_561, %swap3A_562, %swap3A_563] {strides = array<i32>} : memref<16x8x128xf32, #tpu.memory_space<vmem>>, vector<16xf32>,
      tpu.vector_store %arg4[%swap3A_561, %swap3A_562, %swap3A_563], %add3A_559 {strides = array<i32>} : memref<16x8x128xf32, #tpu.memory_space<vmem>>, vector<16xf32>,
      %slice3A_565 = vector.extract_strided_slice %add3A_559 {offsets = [15], sizes = [1], strides = [1]} : vector<16xf32> to vector<1xf32>
      %squeeze3A_566 = vector.extract %slice3A_565[0] : f32 from vector<1xf32>
      %get3A_567 = arith.constant 1 : i32
      %get3A_568 = arith.index_cast %scan3A_346 : i32 to index
      %get3A_569 = arith.index_cast %get3A_567 : i32 to index
      %get3A_570 = arith.constant 80 : index
      %get3A_571 = tpu.vector_load %arg4[%get3A_568, %get3A_569, %get3A_570] {strides = array<i32>} : memref<16x8x128xf32, #tpu.memory_space<vmem>>, vector<16xf32>,
      %broadcast_in_dim3A_572 = arith.constant true
      %broadcast_in_dim3A_573 = vector.broadcast %broadcast_in_dim3A_572 : i1 to vector<16xi1>
      %masked_cumsum3A_574 = tpu.scan <sum>, %get3A_571 masked %broadcast_in_dim3A_573 : vector<16xf32>, vector<16xi1> -> vector<16xf32>
      %add3A_575 = vector.broadcast %squeeze3A_566 : f32 to vector<16xf32>
      %add3A_576 = arith.addf %masked_cumsum3A_574, %add3A_575 : vector<16xf32>
      %swap3A_577 = arith.constant 1 : i32
      %swap3A_578 = arith.index_cast %scan3A_346 : i32 to index
      %swap3A_579 = arith.index_cast %swap3A_577 : i32 to index
      %swap3A_580 = arith.constant 80 : index
      %swap3A_581 = tpu.vector_load %arg4[%swap3A_578, %swap3A_579, %swap3A_580] {strides = array<i32>} : memref<16x8x128xf32, #tpu.memory_space<vmem>>, vector<16xf32>,
      tpu.vector_store %arg4[%swap3A_578, %swap3A_579, %swap3A_580], %add3A_576 {strides = array<i32>} : memref<16x8x128xf32, #tpu.memory_space<vmem>>, vector<16xf32>,
      %slice3A_582 = vector.extract_strided_slice %add3A_576 {offsets = [15], sizes = [1], strides = [1]} : vector<16xf32> to vector<1xf32>
      %squeeze3A_583 = vector.extract %slice3A_582[0] : f32 from vector<1xf32>
      %get3A_584 = arith.constant 1 : i32
      %get3A_585 = arith.index_cast %scan3A_346 : i32 to index
      %get3A_586 = arith.index_cast %get3A_584 : i32 to index
      %get3A_587 = arith.constant 96 : index
      %get3A_588 = tpu.vector_load %arg4[%get3A_585, %get3A_586, %get3A_587] {strides = array<i32>} : memref<16x8x128xf32, #tpu.memory_space<vmem>>, vector<16xf32>,
      %broadcast_in_dim3A_589 = arith.constant true
      %broadcast_in_dim3A_590 = vector.broadcast %broadcast_in_dim3A_589 : i1 to vector<16xi1>
      %masked_cumsum3A_591 = tpu.scan <sum>, %get3A_588 masked %broadcast_in_dim3A_590 : vector<16xf32>, vector<16xi1> -> vector<16xf32>
      %add3A_592 = vector.broadcast %squeeze3A_583 : f32 to vector<16xf32>
      %add3A_593 = arith.addf %masked_cumsum3A_591, %add3A_592 : vector<16xf32>
      %swap3A_594 = arith.constant 1 : i32
      %swap3A_595 = arith.index_cast %scan3A_346 : i32 to index
      %swap3A_596 = arith.index_cast %swap3A_594 : i32 to index
      %swap3A_597 = arith.constant 96 : index
      %swap3A_598 = tpu.vector_load %arg4[%swap3A_595, %swap3A_596, %swap3A_597] {strides = array<i32>} : memref<16x8x128xf32, #tpu.memory_space<vmem>>, vector<16xf32>,
      tpu.vector_store %arg4[%swap3A_595, %swap3A_596, %swap3A_597], %add3A_593 {strides = array<i32>} : memref<16x8x128xf32, #tpu.memory_space<vmem>>, vector<16xf32>,
      %slice3A_599 = vector.extract_strided_slice %add3A_593 {offsets = [15], sizes = [1], strides = [1]} : vector<16xf32> to vector<1xf32>
      %squeeze3A_600 = vector.extract %slice3A_599[0] : f32 from vector<1xf32>
      %get3A_601 = arith.constant 1 : i32
      %get3A_602 = arith.index_cast %scan3A_346 : i32 to index
      %get3A_603 = arith.index_cast %get3A_601 : i32 to index
      %get3A_604 = arith.constant 112 : index
      %get3A_605 = tpu.vector_load %arg4[%get3A_602, %get3A_603, %get3A_604] {strides = array<i32>} : memref<16x8x128xf32, #tpu.memory_space<vmem>>, vector<16xf32>,
      %broadcast_in_dim3A_606 = arith.constant true
      %broadcast_in_dim3A_607 = vector.broadcast %broadcast_in_dim3A_606 : i1 to vector<16xi1>
      %masked_cumsum3A_608 = tpu.scan <sum>, %get3A_605 masked %broadcast_in_dim3A_607 : vector<16xf32>, vector<16xi1> -> vector<16xf32>
      %add3A_609 = vector.broadcast %squeeze3A_600 : f32 to vector<16xf32>
      %add3A_610 = arith.addf %masked_cumsum3A_608, %add3A_609 : vector<16xf32>
      %swap3A_611 = arith.constant 1 : i32
      %swap3A_612 = arith.index_cast %scan3A_346 : i32 to index
      %swap3A_613 = arith.index_cast %swap3A_611 : i32 to index
      %swap3A_614 = arith.constant 112 : index
      %swap3A_615 = tpu.vector_load %arg4[%swap3A_612, %swap3A_613, %swap3A_614] {strides = array<i32>} : memref<16x8x128xf32, #tpu.memory_space<vmem>>, vector<16xf32>,
      tpu.vector_store %arg4[%swap3A_612, %swap3A_613, %swap3A_614], %add3A_610 {strides = array<i32>} : memref<16x8x128xf32, #tpu.memory_space<vmem>>, vector<16xf32>,
      %slice3A_616 = vector.extract_strided_slice %add3A_610 {offsets = [15], sizes = [1], strides = [1]} : vector<16xf32> to vector<1xf32>
      %squeeze3A_617 = vector.extract %slice3A_616[0] : f32 from vector<1xf32>
      %get3A_618 = arith.constant 2 : i32
      %get3A_619 = arith.index_cast %scan3A_346 : i32 to index
      %get3A_620 = arith.index_cast %get3A_618 : i32 to index
      %get3A_621 = arith.constant 0 : index
      %get3A_622 = tpu.vector_load %arg4[%get3A_619, %get3A_620, %get3A_621] {strides = array<i32>} : memref<16x8x128xf32, #tpu.memory_space<vmem>>, vector<16xf32>,
      %broadcast_in_dim3A_623 = arith.constant true
      %broadcast_in_dim3A_624 = vector.broadcast %broadcast_in_dim3A_623 : i1 to vector<16xi1>
      %masked_cumsum3A_625 = tpu.scan <sum>, %get3A_622 masked %broadcast_in_dim3A_624 : vector<16xf32>, vector<16xi1> -> vector<16xf32>
      %add3A_626 = arith.constant 0.000000e+00 : f32
      %add3A_627 = vector.broadcast %add3A_626 : f32 to vector<16xf32>
      %add3A_628 = arith.addf %masked_cumsum3A_625, %add3A_627 : vector<16xf32>
      %swap3A_629 = arith.constant 2 : i32
      %swap3A_630 = arith.index_cast %scan3A_346 : i32 to index
      %swap3A_631 = arith.index_cast %swap3A_629 : i32 to index
      %swap3A_632 = arith.constant 0 : index
      %swap3A_633 = tpu.vector_load %arg4[%swap3A_630, %swap3A_631, %swap3A_632] {strides = array<i32>} : memref<16x8x128xf32, #tpu.memory_space<vmem>>, vector<16xf32>,
      tpu.vector_store %arg4[%swap3A_630, %swap3A_631, %swap3A_632], %add3A_628 {strides = array<i32>} : memref<16x8x128xf32, #tpu.memory_space<vmem>>, vector<16xf32>,
      %slice3A_634 = vector.extract_strided_slice %add3A_628 {offsets = [15], sizes = [1], strides = [1]} : vector<16xf32> to vector<1xf32>
      %squeeze3A_635 = vector.extract %slice3A_634[0] : f32 from vector<1xf32>
      %get3A_636 = arith.constant 2 : i32
      %get3A_637 = arith.index_cast %scan3A_346 : i32 to index
      %get3A_638 = arith.index_cast %get3A_636 : i32 to index
      %get3A_639 = arith.constant 16 : index
      %get3A_640 = tpu.vector_load %arg4[%get3A_637, %get3A_638, %get3A_639] {strides = array<i32>} : memref<16x8x128xf32, #tpu.memory_space<vmem>>, vector<16xf32>,
      %broadcast_in_dim3A_641 = arith.constant true
      %broadcast_in_dim3A_642 = vector.broadcast %broadcast_in_dim3A_641 : i1 to vector<16xi1>
      %masked_cumsum3A_643 = tpu.scan <sum>, %get3A_640 masked %broadcast_in_dim3A_642 : vector<16xf32>, vector<16xi1> -> vector<16xf32>
      %add3A_644 = vector.broadcast %squeeze3A_635 : f32 to vector<16xf32>
      %add3A_645 = arith.addf %masked_cumsum3A_643, %add3A_644 : vector<16xf32>
      %swap3A_646 = arith.constant 2 : i32
      %swap3A_647 = arith.index_cast %scan3A_346 : i32 to index
      %swap3A_648 = arith.index_cast %swap3A_646 : i32 to index
      %swap3A_649 = arith.constant 16 : index
      %swap3A_650 = tpu.vector_load %arg4[%swap3A_647, %swap3A_648, %swap3A_649] {strides = array<i32>} : memref<16x8x128xf32, #tpu.memory_space<vmem>>, vector<16xf32>,
      tpu.vector_store %arg4[%swap3A_647, %swap3A_648, %swap3A_649], %add3A_645 {strides = array<i32>} : memref<16x8x128xf32, #tpu.memory_space<vmem>>, vector<16xf32>,
      %slice3A_651 = vector.extract_strided_slice %add3A_645 {offsets = [15], sizes = [1], strides = [1]} : vector<16xf32> to vector<1xf32>
      %squeeze3A_652 = vector.extract %slice3A_651[0] : f32 from vector<1xf32>
      %get3A_653 = arith.constant 2 : i32
      %get3A_654 = arith.index_cast %scan3A_346 : i32 to index
      %get3A_655 = arith.index_cast %get3A_653 : i32 to index
      %get3A_656 = arith.constant 32 : index
      %get3A_657 = tpu.vector_load %arg4[%get3A_654, %get3A_655, %get3A_656] {strides = array<i32>} : memref<16x8x128xf32, #tpu.memory_space<vmem>>, vector<16xf32>,
      %broadcast_in_dim3A_658 = arith.constant true
      %broadcast_in_dim3A_659 = vector.broadcast %broadcast_in_dim3A_658 : i1 to vector<16xi1>
      %masked_cumsum3A_660 = tpu.scan <sum>, %get3A_657 masked %broadcast_in_dim3A_659 : vector<16xf32>, vector<16xi1> -> vector<16xf32>
      %add3A_661 = vector.broadcast %squeeze3A_652 : f32 to vector<16xf32>
      %add3A_662 = arith.addf %masked_cumsum3A_660, %add3A_661 : vector<16xf32>
      %swap3A_663 = arith.constant 2 : i32
      %swap3A_664 = arith.index_cast %scan3A_346 : i32 to index
      %swap3A_665 = arith.index_cast %swap3A_663 : i32 to index
      %swap3A_666 = arith.constant 32 : index
      %swap3A_667 = tpu.vector_load %arg4[%swap3A_664, %swap3A_665, %swap3A_666] {strides = array<i32>} : memref<16x8x128xf32, #tpu.memory_space<vmem>>, vector<16xf32>,
      tpu.vector_store %arg4[%swap3A_664, %swap3A_665, %swap3A_666], %add3A_662 {strides = array<i32>} : memref<16x8x128xf32, #tpu.memory_space<vmem>>, vector<16xf32>,
      %slice3A_668 = vector.extract_strided_slice %add3A_662 {offsets = [15], sizes = [1], strides = [1]} : vector<16xf32> to vector<1xf32>
      %squeeze3A_669 = vector.extract %slice3A_668[0] : f32 from vector<1xf32>
      %get3A_670 = arith.constant 2 : i32
      %get3A_671 = arith.index_cast %scan3A_346 : i32 to index
      %get3A_672 = arith.index_cast %get3A_670 : i32 to index
      %get3A_673 = arith.constant 48 : index
      %get3A_674 = tpu.vector_load %arg4[%get3A_671, %get3A_672, %get3A_673] {strides = array<i32>} : memref<16x8x128xf32, #tpu.memory_space<vmem>>, vector<16xf32>,
      %broadcast_in_dim3A_675 = arith.constant true
      %broadcast_in_dim3A_676 = vector.broadcast %broadcast_in_dim3A_675 : i1 to vector<16xi1>
      %masked_cumsum3A_677 = tpu.scan <sum>, %get3A_674 masked %broadcast_in_dim3A_676 : vector<16xf32>, vector<16xi1> -> vector<16xf32>
      %add3A_678 = vector.broadcast %squeeze3A_669 : f32 to vector<16xf32>
      %add3A_679 = arith.addf %masked_cumsum3A_677, %add3A_678 : vector<16xf32>
      %swap3A_680 = arith.constant 2 : i32
      %swap3A_681 = arith.index_cast %scan3A_346 : i32 to index
      %swap3A_682 = arith.index_cast %swap3A_680 : i32 to index
      %swap3A_683 = arith.constant 48 : index
      %swap3A_684 = tpu.vector_load %arg4[%swap3A_681, %swap3A_682, %swap3A_683] {strides = array<i32>} : memref<16x8x128xf32, #tpu.memory_space<vmem>>, vector<16xf32>,
      tpu.vector_store %arg4[%swap3A_681, %swap3A_682, %swap3A_683], %add3A_679 {strides = array<i32>} : memref<16x8x128xf32, #tpu.memory_space<vmem>>, vector<16xf32>,
      %slice3A_685 = vector.extract_strided_slice %add3A_679 {offsets = [15], sizes = [1], strides = [1]} : vector<16xf32> to vector<1xf32>
      %squeeze3A_686 = vector.extract %slice3A_685[0] : f32 from vector<1xf32>
      %get3A_687 = arith.constant 2 : i32
      %get3A_688 = arith.index_cast %scan3A_346 : i32 to index
      %get3A_689 = arith.index_cast %get3A_687 : i32 to index
      %get3A_690 = arith.constant 64 : index
      %get3A_691 = tpu.vector_load %arg4[%get3A_688, %get3A_689, %get3A_690] {strides = array<i32>} : memref<16x8x128xf32, #tpu.memory_space<vmem>>, vector<16xf32>,
      %broadcast_in_dim3A_692 = arith.constant true
      %broadcast_in_dim3A_693 = vector.broadcast %broadcast_in_dim3A_692 : i1 to vector<16xi1>
      %masked_cumsum3A_694 = tpu.scan <sum>, %get3A_691 masked %broadcast_in_dim3A_693 : vector<16xf32>, vector<16xi1> -> vector<16xf32>
      %add3A_695 = arith.constant 0.000000e+00 : f32
      %add3A_696 = vector.broadcast %add3A_695 : f32 to vector<16xf32>
      %add3A_697 = arith.addf %masked_cumsum3A_694, %add3A_696 : vector<16xf32>
      %swap3A_698 = arith.constant 2 : i32
      %swap3A_699 = arith.index_cast %scan3A_346 : i32 to index
      %swap3A_700 = arith.index_cast %swap3A_698 : i32 to index
      %swap3A_701 = arith.constant 64 : index
      %swap3A_702 = tpu.vector_load %arg4[%swap3A_699, %swap3A_700, %swap3A_701] {strides = array<i32>} : memref<16x8x128xf32, #tpu.memory_space<vmem>>, vector<16xf32>,
      tpu.vector_store %arg4[%swap3A_699, %swap3A_700, %swap3A_701], %add3A_697 {strides = array<i32>} : memref<16x8x128xf32, #tpu.memory_space<vmem>>, vector<16xf32>,
      %slice3A_703 = vector.extract_strided_slice %add3A_697 {offsets = [15], sizes = [1], strides = [1]} : vector<16xf32> to vector<1xf32>
      %squeeze3A_704 = vector.extract %slice3A_703[0] : f32 from vector<1xf32>
      %get3A_705 = arith.constant 2 : i32
      %get3A_706 = arith.index_cast %scan3A_346 : i32 to index
      %get3A_707 = arith.index_cast %get3A_705 : i32 to index
      %get3A_708 = arith.constant 80 : index
      %get3A_709 = tpu.vector_load %arg4[%get3A_706, %get3A_707, %get3A_708] {strides = array<i32>} : memref<16x8x128xf32, #tpu.memory_space<vmem>>, vector<16xf32>,
      %broadcast_in_dim3A_710 = arith.constant true
      %broadcast_in_dim3A_711 = vector.broadcast %broadcast_in_dim3A_710 : i1 to vector<16xi1>
      %masked_cumsum3A_712 = tpu.scan <sum>, %get3A_709 masked %broadcast_in_dim3A_711 : vector<16xf32>, vector<16xi1> -> vector<16xf32>
      %add3A_713 = vector.broadcast %squeeze3A_704 : f32 to vector<16xf32>
      %add3A_714 = arith.addf %masked_cumsum3A_712, %add3A_713 : vector<16xf32>
      %swap3A_715 = arith.constant 2 : i32
      %swap3A_716 = arith.index_cast %scan3A_346 : i32 to index
      %swap3A_717 = arith.index_cast %swap3A_715 : i32 to index
      %swap3A_718 = arith.constant 80 : index
      %swap3A_719 = tpu.vector_load %arg4[%swap3A_716, %swap3A_717, %swap3A_718] {strides = array<i32>} : memref<16x8x128xf32, #tpu.memory_space<vmem>>, vector<16xf32>,
      tpu.vector_store %arg4[%swap3A_716, %swap3A_717, %swap3A_718], %add3A_714 {strides = array<i32>} : memref<16x8x128xf32, #tpu.memory_space<vmem>>, vector<16xf32>,
      %slice3A_720 = vector.extract_strided_slice %add3A_714 {offsets = [15], sizes = [1], strides = [1]} : vector<16xf32> to vector<1xf32>
      %squeeze3A_721 = vector.extract %slice3A_720[0] : f32 from vector<1xf32>
      %get3A_722 = arith.constant 2 : i32
      %get3A_723 = arith.index_cast %scan3A_346 : i32 to index
      %get3A_724 = arith.index_cast %get3A_722 : i32 to index
      %get3A_725 = arith.constant 96 : index
      %get3A_726 = tpu.vector_load %arg4[%get3A_723, %get3A_724, %get3A_725] {strides = array<i32>} : memref<16x8x128xf32, #tpu.memory_space<vmem>>, vector<16xf32>,
      %broadcast_in_dim3A_727 = arith.constant true
      %broadcast_in_dim3A_728 = vector.broadcast %broadcast_in_dim3A_727 : i1 to vector<16xi1>
      %masked_cumsum3A_729 = tpu.scan <sum>, %get3A_726 masked %broadcast_in_dim3A_728 : vector<16xf32>, vector<16xi1> -> vector<16xf32>
      %add3A_730 = vector.broadcast %squeeze3A_721 : f32 to vector<16xf32>
      %add3A_731 = arith.addf %masked_cumsum3A_729, %add3A_730 : vector<16xf32>
      %swap3A_732 = arith.constant 2 : i32
      %swap3A_733 = arith.index_cast %scan3A_346 : i32 to index
      %swap3A_734 = arith.index_cast %swap3A_732 : i32 to index
      %swap3A_735 = arith.constant 96 : index
      %swap3A_736 = tpu.vector_load %arg4[%swap3A_733, %swap3A_734, %swap3A_735] {strides = array<i32>} : memref<16x8x128xf32, #tpu.memory_space<vmem>>, vector<16xf32>,
      tpu.vector_store %arg4[%swap3A_733, %swap3A_734, %swap3A_735], %add3A_731 {strides = array<i32>} : memref<16x8x128xf32, #tpu.memory_space<vmem>>, vector<16xf32>,
      %slice3A_737 = vector.extract_strided_slice %add3A_731 {offsets = [15], sizes = [1], strides = [1]} : vector<16xf32> to vector<1xf32>
      %squeeze3A_738 = vector.extract %slice3A_737[0] : f32 from vector<1xf32>
      %get3A_739 = arith.constant 2 : i32
      %get3A_740 = arith.index_cast %scan3A_346 : i32 to index
      %get3A_741 = arith.index_cast %get3A_739 : i32 to index
      %get3A_742 = arith.constant 112 : index
      %get3A_743 = tpu.vector_load %arg4[%get3A_740, %get3A_741, %get3A_742] {strides = array<i32>} : memref<16x8x128xf32, #tpu.memory_space<vmem>>, vector<16xf32>,
      %broadcast_in_dim3A_744 = arith.constant true
      %broadcast_in_dim3A_745 = vector.broadcast %broadcast_in_dim3A_744 : i1 to vector<16xi1>
      %masked_cumsum3A_746 = tpu.scan <sum>, %get3A_743 masked %broadcast_in_dim3A_745 : vector<16xf32>, vector<16xi1> -> vector<16xf32>
      %add3A_747 = vector.broadcast %squeeze3A_738 : f32 to vector<16xf32>
      %add3A_748 = arith.addf %masked_cumsum3A_746, %add3A_747 : vector<16xf32>
      %swap3A_749 = arith.constant 2 : i32
      %swap3A_750 = arith.index_cast %scan3A_346 : i32 to index
      %swap3A_751 = arith.index_cast %swap3A_749 : i32 to index
      %swap3A_752 = arith.constant 112 : index
      %swap3A_753 = tpu.vector_load %arg4[%swap3A_750, %swap3A_751, %swap3A_752] {strides = array<i32>} : memref<16x8x128xf32, #tpu.memory_space<vmem>>, vector<16xf32>,
      tpu.vector_store %arg4[%swap3A_750, %swap3A_751, %swap3A_752], %add3A_748 {strides = array<i32>} : memref<16x8x128xf32, #tpu.memory_space<vmem>>, vector<16xf32>,
      %slice3A_754 = vector.extract_strided_slice %add3A_748 {offsets = [15], sizes = [1], strides = [1]} : vector<16xf32> to vector<1xf32>
      %squeeze3A_755 = vector.extract %slice3A_754[0] : f32 from vector<1xf32>
      %get3A_756 = arith.constant 3 : i32
      %get3A_757 = arith.index_cast %scan3A_346 : i32 to index
      %get3A_758 = arith.index_cast %get3A_756 : i32 to index
      %get3A_759 = arith.constant 0 : index
      %get3A_760 = tpu.vector_load %arg4[%get3A_757, %get3A_758, %get3A_759] {strides = array<i32>} : memref<16x8x128xf32, #tpu.memory_space<vmem>>, vector<16xf32>,
      %broadcast_in_dim3A_761 = arith.constant true
      %broadcast_in_dim3A_762 = vector.broadcast %broadcast_in_dim3A_761 : i1 to vector<16xi1>
      %masked_cumsum3A_763 = tpu.scan <sum>, %get3A_760 masked %broadcast_in_dim3A_762 : vector<16xf32>, vector<16xi1> -> vector<16xf32>
      %add3A_764 = arith.constant 0.000000e+00 : f32
      %add3A_765 = vector.broadcast %add3A_764 : f32 to vector<16xf32>
      %add3A_766 = arith.addf %masked_cumsum3A_763, %add3A_765 : vector<16xf32>
      %swap3A_767 = arith.constant 3 : i32
      %swap3A_768 = arith.index_cast %scan3A_346 : i32 to index
      %swap3A_769 = arith.index_cast %swap3A_767 : i32 to index
      %swap3A_770 = arith.constant 0 : index
      %swap3A_771 = tpu.vector_load %arg4[%swap3A_768, %swap3A_769, %swap3A_770] {strides = array<i32>} : memref<16x8x128xf32, #tpu.memory_space<vmem>>, vector<16xf32>,
      tpu.vector_store %arg4[%swap3A_768, %swap3A_769, %swap3A_770], %add3A_766 {strides = array<i32>} : memref<16x8x128xf32, #tpu.memory_space<vmem>>, vector<16xf32>,
      %slice3A_772 = vector.extract_strided_slice %add3A_766 {offsets = [15], sizes = [1], strides = [1]} : vector<16xf32> to vector<1xf32>
      %squeeze3A_773 = vector.extract %slice3A_772[0] : f32 from vector<1xf32>
      %get3A_774 = arith.constant 3 : i32
      %get3A_775 = arith.index_cast %scan3A_346 : i32 to index
      %get3A_776 = arith.index_cast %get3A_774 : i32 to index
      %get3A_777 = arith.constant 16 : index
      %get3A_778 = tpu.vector_load %arg4[%get3A_775, %get3A_776, %get3A_777] {strides = array<i32>} : memref<16x8x128xf32, #tpu.memory_space<vmem>>, vector<16xf32>,
      %broadcast_in_dim3A_779 = arith.constant true
      %broadcast_in_dim3A_780 = vector.broadcast %broadcast_in_dim3A_779 : i1 to vector<16xi1>
      %masked_cumsum3A_781 = tpu.scan <sum>, %get3A_778 masked %broadcast_in_dim3A_780 : vector<16xf32>, vector<16xi1> -> vector<16xf32>
      %add3A_782 = vector.broadcast %squeeze3A_773 : f32 to vector<16xf32>
      %add3A_783 = arith.addf %masked_cumsum3A_781, %add3A_782 : vector<16xf32>
      %swap3A_784 = arith.constant 3 : i32
      %swap3A_785 = arith.index_cast %scan3A_346 : i32 to index
      %swap3A_786 = arith.index_cast %swap3A_784 : i32 to index
      %swap3A_787 = arith.constant 16 : index
      %swap3A_788 = tpu.vector_load %arg4[%swap3A_785, %swap3A_786, %swap3A_787] {strides = array<i32>} : memref<16x8x128xf32, #tpu.memory_space<vmem>>, vector<16xf32>,
      tpu.vector_store %arg4[%swap3A_785, %swap3A_786, %swap3A_787], %add3A_783 {strides = array<i32>} : memref<16x8x128xf32, #tpu.memory_space<vmem>>, vector<16xf32>,
      %slice3A_789 = vector.extract_strided_slice %add3A_783 {offsets = [15], sizes = [1], strides = [1]} : vector<16xf32> to vector<1xf32>
      %squeeze3A_790 = vector.extract %slice3A_789[0] : f32 from vector<1xf32>
      %get3A_791 = arith.constant 3 : i32
      %get3A_792 = arith.index_cast %scan3A_346 : i32 to index
      %get3A_793 = arith.index_cast %get3A_791 : i32 to index
      %get3A_794 = arith.constant 32 : index
      %get3A_795 = tpu.vector_load %arg4[%get3A_792, %get3A_793, %get3A_794] {strides = array<i32>} : memref<16x8x128xf32, #tpu.memory_space<vmem>>, vector<16xf32>,
      %broadcast_in_dim3A_796 = arith.constant true
      %broadcast_in_dim3A_797 = vector.broadcast %broadcast_in_dim3A_796 : i1 to vector<16xi1>
      %masked_cumsum3A_798 = tpu.scan <sum>, %get3A_795 masked %broadcast_in_dim3A_797 : vector<16xf32>, vector<16xi1> -> vector<16xf32>
      %add3A_799 = vector.broadcast %squeeze3A_790 : f32 to vector<16xf32>
      %add3A_800 = arith.addf %masked_cumsum3A_798, %add3A_799 : vector<16xf32>
      %swap3A_801 = arith.constant 3 : i32
      %swap3A_802 = arith.index_cast %scan3A_346 : i32 to index
      %swap3A_803 = arith.index_cast %swap3A_801 : i32 to index
      %swap3A_804 = arith.constant 32 : index
      %swap3A_805 = tpu.vector_load %arg4[%swap3A_802, %swap3A_803, %swap3A_804] {strides = array<i32>} : memref<16x8x128xf32, #tpu.memory_space<vmem>>, vector<16xf32>,
      tpu.vector_store %arg4[%swap3A_802, %swap3A_803, %swap3A_804], %add3A_800 {strides = array<i32>} : memref<16x8x128xf32, #tpu.memory_space<vmem>>, vector<16xf32>,
      %slice3A_806 = vector.extract_strided_slice %add3A_800 {offsets = [15], sizes = [1], strides = [1]} : vector<16xf32> to vector<1xf32>
      %squeeze3A_807 = vector.extract %slice3A_806[0] : f32 from vector<1xf32>
      %get3A_808 = arith.constant 3 : i32
      %get3A_809 = arith.index_cast %scan3A_346 : i32 to index
      %get3A_810 = arith.index_cast %get3A_808 : i32 to index
      %get3A_811 = arith.constant 48 : index
      %get3A_812 = tpu.vector_load %arg4[%get3A_809, %get3A_810, %get3A_811] {strides = array<i32>} : memref<16x8x128xf32, #tpu.memory_space<vmem>>, vector<16xf32>,
      %broadcast_in_dim3A_813 = arith.constant true
      %broadcast_in_dim3A_814 = vector.broadcast %broadcast_in_dim3A_813 : i1 to vector<16xi1>
      %masked_cumsum3A_815 = tpu.scan <sum>, %get3A_812 masked %broadcast_in_dim3A_814 : vector<16xf32>, vector<16xi1> -> vector<16xf32>
      %add3A_816 = vector.broadcast %squeeze3A_807 : f32 to vector<16xf32>
      %add3A_817 = arith.addf %masked_cumsum3A_815, %add3A_816 : vector<16xf32>
      %swap3A_818 = arith.constant 3 : i32
      %swap3A_819 = arith.index_cast %scan3A_346 : i32 to index
      %swap3A_820 = arith.index_cast %swap3A_818 : i32 to index
      %swap3A_821 = arith.constant 48 : index
      %swap3A_822 = tpu.vector_load %arg4[%swap3A_819, %swap3A_820, %swap3A_821] {strides = array<i32>} : memref<16x8x128xf32, #tpu.memory_space<vmem>>, vector<16xf32>,
      tpu.vector_store %arg4[%swap3A_819, %swap3A_820, %swap3A_821], %add3A_817 {strides = array<i32>} : memref<16x8x128xf32, #tpu.memory_space<vmem>>, vector<16xf32>,
      %slice3A_823 = vector.extract_strided_slice %add3A_817 {offsets = [15], sizes = [1], strides = [1]} : vector<16xf32> to vector<1xf32>
      %squeeze3A_824 = vector.extract %slice3A_823[0] : f32 from vector<1xf32>
      %get3A_825 = arith.constant 3 : i32
      %get3A_826 = arith.index_cast %scan3A_346 : i32 to index
      %get3A_827 = arith.index_cast %get3A_825 : i32 to index
      %get3A_828 = arith.constant 64 : index
      %get3A_829 = tpu.vector_load %arg4[%get3A_826, %get3A_827, %get3A_828] {strides = array<i32>} : memref<16x8x128xf32, #tpu.memory_space<vmem>>, vector<16xf32>,
      %broadcast_in_dim3A_830 = arith.constant true
      %broadcast_in_dim3A_831 = vector.broadcast %broadcast_in_dim3A_830 : i1 to vector<16xi1>
      %masked_cumsum3A_832 = tpu.scan <sum>, %get3A_829 masked %broadcast_in_dim3A_831 : vector<16xf32>, vector<16xi1> -> vector<16xf32>
      %add3A_833 = arith.constant 0.000000e+00 : f32
      %add3A_834 = vector.broadcast %add3A_833 : f32 to vector<16xf32>
      %add3A_835 = arith.addf %masked_cumsum3A_832, %add3A_834 : vector<16xf32>
      %swap3A_836 = arith.constant 3 : i32
      %swap3A_837 = arith.index_cast %scan3A_346 : i32 to index
      %swap3A_838 = arith.index_cast %swap3A_836 : i32 to index
      %swap3A_839 = arith.constant 64 : index
      %swap3A_840 = tpu.vector_load %arg4[%swap3A_837, %swap3A_838, %swap3A_839] {strides = array<i32>} : memref<16x8x128xf32, #tpu.memory_space<vmem>>, vector<16xf32>,
      tpu.vector_store %arg4[%swap3A_837, %swap3A_838, %swap3A_839], %add3A_835 {strides = array<i32>} : memref<16x8x128xf32, #tpu.memory_space<vmem>>, vector<16xf32>,
      %slice3A_841 = vector.extract_strided_slice %add3A_835 {offsets = [15], sizes = [1], strides = [1]} : vector<16xf32> to vector<1xf32>
      %squeeze3A_842 = vector.extract %slice3A_841[0] : f32 from vector<1xf32>
      %get3A_843 = arith.constant 3 : i32
      %get3A_844 = arith.index_cast %scan3A_346 : i32 to index
      %get3A_845 = arith.index_cast %get3A_843 : i32 to index
      %get3A_846 = arith.constant 80 : index
      %get3A_847 = tpu.vector_load %arg4[%get3A_844, %get3A_845, %get3A_846] {strides = array<i32>} : memref<16x8x128xf32, #tpu.memory_space<vmem>>, vector<16xf32>,
      %broadcast_in_dim3A_848 = arith.constant true
      %broadcast_in_dim3A_849 = vector.broadcast %broadcast_in_dim3A_848 : i1 to vector<16xi1>
      %masked_cumsum3A_850 = tpu.scan <sum>, %get3A_847 masked %broadcast_in_dim3A_849 : vector<16xf32>, vector<16xi1> -> vector<16xf32>
      %add3A_851 = vector.broadcast %squeeze3A_842 : f32 to vector<16xf32>
      %add3A_852 = arith.addf %masked_cumsum3A_850, %add3A_851 : vector<16xf32>
      %swap3A_853 = arith.constant 3 : i32
      %swap3A_854 = arith.index_cast %scan3A_346 : i32 to index
      %swap3A_855 = arith.index_cast %swap3A_853 : i32 to index
      %swap3A_856 = arith.constant 80 : index
      %swap3A_857 = tpu.vector_load %arg4[%swap3A_854, %swap3A_855, %swap3A_856] {strides = array<i32>} : memref<16x8x128xf32, #tpu.memory_space<vmem>>, vector<16xf32>,
      tpu.vector_store %arg4[%swap3A_854, %swap3A_855, %swap3A_856], %add3A_852 {strides = array<i32>} : memref<16x8x128xf32, #tpu.memory_space<vmem>>, vector<16xf32>,
      %slice3A_858 = vector.extract_strided_slice %add3A_852 {offsets = [15], sizes = [1], strides = [1]} : vector<16xf32> to vector<1xf32>
      %squeeze3A_859 = vector.extract %slice3A_858[0] : f32 from vector<1xf32>
      %get3A_860 = arith.constant 3 : i32
      %get3A_861 = arith.index_cast %scan3A_346 : i32 to index
      %get3A_862 = arith.index_cast %get3A_860 : i32 to index
      %get3A_863 = arith.constant 96 : index
      %get3A_864 = tpu.vector_load %arg4[%get3A_861, %get3A_862, %get3A_863] {strides = array<i32>} : memref<16x8x128xf32, #tpu.memory_space<vmem>>, vector<16xf32>,
      %broadcast_in_dim3A_865 = arith.constant true
      %broadcast_in_dim3A_866 = vector.broadcast %broadcast_in_dim3A_865 : i1 to vector<16xi1>
      %masked_cumsum3A_867 = tpu.scan <sum>, %get3A_864 masked %broadcast_in_dim3A_866 : vector<16xf32>, vector<16xi1> -> vector<16xf32>
      %add3A_868 = vector.broadcast %squeeze3A_859 : f32 to vector<16xf32>
      %add3A_869 = arith.addf %masked_cumsum3A_867, %add3A_868 : vector<16xf32>
      %swap3A_870 = arith.constant 3 : i32
      %swap3A_871 = arith.index_cast %scan3A_346 : i32 to index
      %swap3A_872 = arith.index_cast %swap3A_870 : i32 to index
      %swap3A_873 = arith.constant 96 : index
      %swap3A_874 = tpu.vector_load %arg4[%swap3A_871, %swap3A_872, %swap3A_873] {strides = array<i32>} : memref<16x8x128xf32, #tpu.memory_space<vmem>>, vector<16xf32>,
      tpu.vector_store %arg4[%swap3A_871, %swap3A_872, %swap3A_873], %add3A_869 {strides = array<i32>} : memref<16x8x128xf32, #tpu.memory_space<vmem>>, vector<16xf32>,
      %slice3A_875 = vector.extract_strided_slice %add3A_869 {offsets = [15], sizes = [1], strides = [1]} : vector<16xf32> to vector<1xf32>
      %squeeze3A_876 = vector.extract %slice3A_875[0] : f32 from vector<1xf32>
      %get3A_877 = arith.constant 3 : i32
      %get3A_878 = arith.index_cast %scan3A_346 : i32 to index
      %get3A_879 = arith.index_cast %get3A_877 : i32 to index
      %get3A_880 = arith.constant 112 : index
      %get3A_881 = tpu.vector_load %arg4[%get3A_878, %get3A_879, %get3A_880] {strides = array<i32>} : memref<16x8x128xf32, #tpu.memory_space<vmem>>, vector<16xf32>,
      %broadcast_in_dim3A_882 = arith.constant true
      %broadcast_in_dim3A_883 = vector.broadcast %broadcast_in_dim3A_882 : i1 to vector<16xi1>
      %masked_cumsum3A_884 = tpu.scan <sum>, %get3A_881 masked %broadcast_in_dim3A_883 : vector<16xf32>, vector<16xi1> -> vector<16xf32>
      %add3A_885 = vector.broadcast %squeeze3A_876 : f32 to vector<16xf32>
      %add3A_886 = arith.addf %masked_cumsum3A_884, %add3A_885 : vector<16xf32>
      %swap3A_887 = arith.constant 3 : i32
      %swap3A_888 = arith.index_cast %scan3A_346 : i32 to index
      %swap3A_889 = arith.index_cast %swap3A_887 : i32 to index
      %swap3A_890 = arith.constant 112 : index
      %swap3A_891 = tpu.vector_load %arg4[%swap3A_888, %swap3A_889, %swap3A_890] {strides = array<i32>} : memref<16x8x128xf32, #tpu.memory_space<vmem>>, vector<16xf32>,
      tpu.vector_store %arg4[%swap3A_888, %swap3A_889, %swap3A_890], %add3A_886 {strides = array<i32>} : memref<16x8x128xf32, #tpu.memory_space<vmem>>, vector<16xf32>,
      %slice3A_892 = vector.extract_strided_slice %add3A_886 {offsets = [15], sizes = [1], strides = [1]} : vector<16xf32> to vector<1xf32>
      %squeeze3A_893 = vector.extract %slice3A_892[0] : f32 from vector<1xf32>
      %get3A_894 = arith.constant 4 : i32
      %get3A_895 = arith.index_cast %scan3A_346 : i32 to index
      %get3A_896 = arith.index_cast %get3A_894 : i32 to index
      %get3A_897 = arith.constant 0 : index
      %get3A_898 = tpu.vector_load %arg4[%get3A_895, %get3A_896, %get3A_897] {strides = array<i32>} : memref<16x8x128xf32, #tpu.memory_space<vmem>>, vector<16xf32>,
      %broadcast_in_dim3A_899 = arith.constant true
      %broadcast_in_dim3A_900 = vector.broadcast %broadcast_in_dim3A_899 : i1 to vector<16xi1>
      %masked_cumsum3A_901 = tpu.scan <sum>, %get3A_898 masked %broadcast_in_dim3A_900 : vector<16xf32>, vector<16xi1> -> vector<16xf32>
      %add3A_902 = arith.constant 0.000000e+00 : f32
      %add3A_903 = vector.broadcast %add3A_902 : f32 to vector<16xf32>
      %add3A_904 = arith.addf %masked_cumsum3A_901, %add3A_903 : vector<16xf32>
      %swap3A_905 = arith.constant 4 : i32
      %swap3A_906 = arith.index_cast %scan3A_346 : i32 to index
      %swap3A_907 = arith.index_cast %swap3A_905 : i32 to index
      %swap3A_908 = arith.constant 0 : index
      %swap3A_909 = tpu.vector_load %arg4[%swap3A_906, %swap3A_907, %swap3A_908] {strides = array<i32>} : memref<16x8x128xf32, #tpu.memory_space<vmem>>, vector<16xf32>,
      tpu.vector_store %arg4[%swap3A_906, %swap3A_907, %swap3A_908], %add3A_904 {strides = array<i32>} : memref<16x8x128xf32, #tpu.memory_space<vmem>>, vector<16xf32>,
      %slice3A_910 = vector.extract_strided_slice %add3A_904 {offsets = [15], sizes = [1], strides = [1]} : vector<16xf32> to vector<1xf32>
      %squeeze3A_911 = vector.extract %slice3A_910[0] : f32 from vector<1xf32>
      %get3A_912 = arith.constant 4 : i32
      %get3A_913 = arith.index_cast %scan3A_346 : i32 to index
      %get3A_914 = arith.index_cast %get3A_912 : i32 to index
      %get3A_915 = arith.constant 16 : index
      %get3A_916 = tpu.vector_load %arg4[%get3A_913, %get3A_914, %get3A_915] {strides = array<i32>} : memref<16x8x128xf32, #tpu.memory_space<vmem>>, vector<16xf32>,
      %broadcast_in_dim3A_917 = arith.constant true
      %broadcast_in_dim3A_918 = vector.broadcast %broadcast_in_dim3A_917 : i1 to vector<16xi1>
      %masked_cumsum3A_919 = tpu.scan <sum>, %get3A_916 masked %broadcast_in_dim3A_918 : vector<16xf32>, vector<16xi1> -> vector<16xf32>
      %add3A_920 = vector.broadcast %squeeze3A_911 : f32 to vector<16xf32>
      %add3A_921 = arith.addf %masked_cumsum3A_919, %add3A_920 : vector<16xf32>
      %swap3A_922 = arith.constant 4 : i32
      %swap3A_923 = arith.index_cast %scan3A_346 : i32 to index
      %swap3A_924 = arith.index_cast %swap3A_922 : i32 to index
      %swap3A_925 = arith.constant 16 : index
      %swap3A_926 = tpu.vector_load %arg4[%swap3A_923, %swap3A_924, %swap3A_925] {strides = array<i32>} : memref<16x8x128xf32, #tpu.memory_space<vmem>>, vector<16xf32>,
      tpu.vector_store %arg4[%swap3A_923, %swap3A_924, %swap3A_925], %add3A_921 {strides = array<i32>} : memref<16x8x128xf32, #tpu.memory_space<vmem>>, vector<16xf32>,
      %slice3A_927 = vector.extract_strided_slice %add3A_921 {offsets = [15], sizes = [1], strides = [1]} : vector<16xf32> to vector<1xf32>
      %squeeze3A_928 = vector.extract %slice3A_927[0] : f32 from vector<1xf32>
      %get3A_929 = arith.constant 4 : i32
      %get3A_930 = arith.index_cast %scan3A_346 : i32 to index
      %get3A_931 = arith.index_cast %get3A_929 : i32 to index
      %get3A_932 = arith.constant 32 : index
      %get3A_933 = tpu.vector_load %arg4[%get3A_930, %get3A_931, %get3A_932] {strides = array<i32>} : memref<16x8x128xf32, #tpu.memory_space<vmem>>, vector<16xf32>,
      %broadcast_in_dim3A_934 = arith.constant true
      %broadcast_in_dim3A_935 = vector.broadcast %broadcast_in_dim3A_934 : i1 to vector<16xi1>
      %masked_cumsum3A_936 = tpu.scan <sum>, %get3A_933 masked %broadcast_in_dim3A_935 : vector<16xf32>, vector<16xi1> -> vector<16xf32>
      %add3A_937 = vector.broadcast %squeeze3A_928 : f32 to vector<16xf32>
      %add3A_938 = arith.addf %masked_cumsum3A_936, %add3A_937 : vector<16xf32>
      %swap3A_939 = arith.constant 4 : i32
      %swap3A_940 = arith.index_cast %scan3A_346 : i32 to index
      %swap3A_941 = arith.index_cast %swap3A_939 : i32 to index
      %swap3A_942 = arith.constant 32 : index
      %swap3A_943 = tpu.vector_load %arg4[%swap3A_940, %swap3A_941, %swap3A_942] {strides = array<i32>} : memref<16x8x128xf32, #tpu.memory_space<vmem>>, vector<16xf32>,
      tpu.vector_store %arg4[%swap3A_940, %swap3A_941, %swap3A_942], %add3A_938 {strides = array<i32>} : memref<16x8x128xf32, #tpu.memory_space<vmem>>, vector<16xf32>,
      %slice3A_944 = vector.extract_strided_slice %add3A_938 {offsets = [15], sizes = [1], strides = [1]} : vector<16xf32> to vector<1xf32>
      %squeeze3A_945 = vector.extract %slice3A_944[0] : f32 from vector<1xf32>
      %get3A_946 = arith.constant 4 : i32
      %get3A_947 = arith.index_cast %scan3A_346 : i32 to index
      %get3A_948 = arith.index_cast %get3A_946 : i32 to index
      %get3A_949 = arith.constant 48 : index
      %get3A_950 = tpu.vector_load %arg4[%get3A_947, %get3A_948, %get3A_949] {strides = array<i32>} : memref<16x8x128xf32, #tpu.memory_space<vmem>>, vector<16xf32>,
      %broadcast_in_dim3A_951 = arith.constant true
      %broadcast_in_dim3A_952 = vector.broadcast %broadcast_in_dim3A_951 : i1 to vector<16xi1>
      %masked_cumsum3A_953 = tpu.scan <sum>, %get3A_950 masked %broadcast_in_dim3A_952 : vector<16xf32>, vector<16xi1> -> vector<16xf32>
      %add3A_954 = vector.broadcast %squeeze3A_945 : f32 to vector<16xf32>
      %add3A_955 = arith.addf %masked_cumsum3A_953, %add3A_954 : vector<16xf32>
      %swap3A_956 = arith.constant 4 : i32
      %swap3A_957 = arith.index_cast %scan3A_346 : i32 to index
      %swap3A_958 = arith.index_cast %swap3A_956 : i32 to index
      %swap3A_959 = arith.constant 48 : index
      %swap3A_960 = tpu.vector_load %arg4[%swap3A_957, %swap3A_958, %swap3A_959] {strides = array<i32>} : memref<16x8x128xf32, #tpu.memory_space<vmem>>, vector<16xf32>,
      tpu.vector_store %arg4[%swap3A_957, %swap3A_958, %swap3A_959], %add3A_955 {strides = array<i32>} : memref<16x8x128xf32, #tpu.memory_space<vmem>>, vector<16xf32>,
      %slice3A_961 = vector.extract_strided_slice %add3A_955 {offsets = [15], sizes = [1], strides = [1]} : vector<16xf32> to vector<1xf32>
      %squeeze3A_962 = vector.extract %slice3A_961[0] : f32 from vector<1xf32>
      %get3A_963 = arith.constant 4 : i32
      %get3A_964 = arith.index_cast %scan3A_346 : i32 to index
      %get3A_965 = arith.index_cast %get3A_963 : i32 to index
      %get3A_966 = arith.constant 64 : index
      %get3A_967 = tpu.vector_load %arg4[%get3A_964, %get3A_965, %get3A_966] {strides = array<i32>} : memref<16x8x128xf32, #tpu.memory_space<vmem>>, vector<16xf32>,
      %broadcast_in_dim3A_968 = arith.constant true
      %broadcast_in_dim3A_969 = vector.broadcast %broadcast_in_dim3A_968 : i1 to vector<16xi1>
      %masked_cumsum3A_970 = tpu.scan <sum>, %get3A_967 masked %broadcast_in_dim3A_969 : vector<16xf32>, vector<16xi1> -> vector<16xf32>
      %add3A_971 = arith.constant 0.000000e+00 : f32
      %add3A_972 = vector.broadcast %add3A_971 : f32 to vector<16xf32>
      %add3A_973 = arith.addf %masked_cumsum3A_970, %add3A_972 : vector<16xf32>
      %swap3A_974 = arith.constant 4 : i32
      %swap3A_975 = arith.index_cast %scan3A_346 : i32 to index
      %swap3A_976 = arith.index_cast %swap3A_974 : i32 to index
      %swap3A_977 = arith.constant 64 : index
      %swap3A_978 = tpu.vector_load %arg4[%swap3A_975, %swap3A_976, %swap3A_977] {strides = array<i32>} : memref<16x8x128xf32, #tpu.memory_space<vmem>>, vector<16xf32>,
      tpu.vector_store %arg4[%swap3A_975, %swap3A_976, %swap3A_977], %add3A_973 {strides = array<i32>} : memref<16x8x128xf32, #tpu.memory_space<vmem>>, vector<16xf32>,
      %slice3A_979 = vector.extract_strided_slice %add3A_973 {offsets = [15], sizes = [1], strides = [1]} : vector<16xf32> to vector<1xf32>
      %squeeze3A_980 = vector.extract %slice3A_979[0] : f32 from vector<1xf32>
      %get3A_981 = arith.constant 4 : i32
      %get3A_982 = arith.index_cast %scan3A_346 : i32 to index
      %get3A_983 = arith.index_cast %get3A_981 : i32 to index
      %get3A_984 = arith.constant 80 : index
      %get3A_985 = tpu.vector_load %arg4[%get3A_982, %get3A_983, %get3A_984] {strides = array<i32>} : memref<16x8x128xf32, #tpu.memory_space<vmem>>, vector<16xf32>,
      %broadcast_in_dim3A_986 = arith.constant true
      %broadcast_in_dim3A_987 = vector.broadcast %broadcast_in_dim3A_986 : i1 to vector<16xi1>
      %masked_cumsum3A_988 = tpu.scan <sum>, %get3A_985 masked %broadcast_in_dim3A_987 : vector<16xf32>, vector<16xi1> -> vector<16xf32>
      %add3A_989 = vector.broadcast %squeeze3A_980 : f32 to vector<16xf32>
      %add3A_990 = arith.addf %masked_cumsum3A_988, %add3A_989 : vector<16xf32>
      %swap3A_991 = arith.constant 4 : i32
      %swap3A_992 = arith.index_cast %scan3A_346 : i32 to index
      %swap3A_993 = arith.index_cast %swap3A_991 : i32 to index
      %swap3A_994 = arith.constant 80 : index
      %swap3A_995 = tpu.vector_load %arg4[%swap3A_992, %swap3A_993, %swap3A_994] {strides = array<i32>} : memref<16x8x128xf32, #tpu.memory_space<vmem>>, vector<16xf32>,
      tpu.vector_store %arg4[%swap3A_992, %swap3A_993, %swap3A_994], %add3A_990 {strides = array<i32>} : memref<16x8x128xf32, #tpu.memory_space<vmem>>, vector<16xf32>,
      %slice3A_996 = vector.extract_strided_slice %add3A_990 {offsets = [15], sizes = [1], strides = [1]} : vector<16xf32> to vector<1xf32>
      %squeeze3A_997 = vector.extract %slice3A_996[0] : f32 from vector<1xf32>
      %get3A_998 = arith.constant 4 : i32
      %get3A_999 = arith.index_cast %scan3A_346 : i32 to index
      %get3A_1000 = arith.index_cast %get3A_998 : i32 to index
      %get3A_1001 = arith.constant 96 : index
      %get3A_1002 = tpu.vector_load %arg4[%get3A_999, %get3A_1000, %get3A_1001] {strides = array<i32>} : memref<16x8x128xf32, #tpu.memory_space<vmem>>, vector<16xf32>,
      %broadcast_in_dim3A_1003 = arith.constant true
      %broadcast_in_dim3A_1004 = vector.broadcast %broadcast_in_dim3A_1003 : i1 to vector<16xi1>
      %masked_cumsum3A_1005 = tpu.scan <sum>, %get3A_1002 masked %broadcast_in_dim3A_1004 : vector<16xf32>, vector<16xi1> -> vector<16xf32>
      %add3A_1006 = vector.broadcast %squeeze3A_997 : f32 to vector<16xf32>
      %add3A_1007 = arith.addf %masked_cumsum3A_1005, %add3A_1006 : vector<16xf32>
      %swap3A_1008 = arith.constant 4 : i32
      %swap3A_1009 = arith.index_cast %scan3A_346 : i32 to index
      %swap3A_1010 = arith.index_cast %swap3A_1008 : i32 to index
      %swap3A_1011 = arith.constant 96 : index
      %swap3A_1012 = tpu.vector_load %arg4[%swap3A_1009, %swap3A_1010, %swap3A_1011] {strides = array<i32>} : memref<16x8x128xf32, #tpu.memory_space<vmem>>, vector<16xf32>,
      tpu.vector_store %arg4[%swap3A_1009, %swap3A_1010, %swap3A_1011], %add3A_1007 {strides = array<i32>} : memref<16x8x128xf32, #tpu.memory_space<vmem>>, vector<16xf32>,
      %slice3A_1013 = vector.extract_strided_slice %add3A_1007 {offsets = [15], sizes = [1], strides = [1]} : vector<16xf32> to vector<1xf32>
      %squeeze3A_1014 = vector.extract %slice3A_1013[0] : f32 from vector<1xf32>
      %get3A_1015 = arith.constant 4 : i32
      %get3A_1016 = arith.index_cast %scan3A_346 : i32 to index
      %get3A_1017 = arith.index_cast %get3A_1015 : i32 to index
      %get3A_1018 = arith.constant 112 : index
      %get3A_1019 = tpu.vector_load %arg4[%get3A_1016, %get3A_1017, %get3A_1018] {strides = array<i32>} : memref<16x8x128xf32, #tpu.memory_space<vmem>>, vector<16xf32>,
      %broadcast_in_dim3A_1020 = arith.constant true
      %broadcast_in_dim3A_1021 = vector.broadcast %broadcast_in_dim3A_1020 : i1 to vector<16xi1>
      %masked_cumsum3A_1022 = tpu.scan <sum>, %get3A_1019 masked %broadcast_in_dim3A_1021 : vector<16xf32>, vector<16xi1> -> vector<16xf32>
      %add3A_1023 = vector.broadcast %squeeze3A_1014 : f32 to vector<16xf32>
      %add3A_1024 = arith.addf %masked_cumsum3A_1022, %add3A_1023 : vector<16xf32>
      %swap3A_1025 = arith.constant 4 : i32
      %swap3A_1026 = arith.index_cast %scan3A_346 : i32 to index
      %swap3A_1027 = arith.index_cast %swap3A_1025 : i32 to index
      %swap3A_1028 = arith.constant 112 : index
      %swap3A_1029 = tpu.vector_load %arg4[%swap3A_1026, %swap3A_1027, %swap3A_1028] {strides = array<i32>} : memref<16x8x128xf32, #tpu.memory_space<vmem>>, vector<16xf32>,
      tpu.vector_store %arg4[%swap3A_1026, %swap3A_1027, %swap3A_1028], %add3A_1024 {strides = array<i32>} : memref<16x8x128xf32, #tpu.memory_space<vmem>>, vector<16xf32>,
      %slice3A_1030 = vector.extract_strided_slice %add3A_1024 {offsets = [15], sizes = [1], strides = [1]} : vector<16xf32> to vector<1xf32>
      %squeeze3A_1031 = vector.extract %slice3A_1030[0] : f32 from vector<1xf32>
      %get3A_1032 = arith.constant 5 : i32
      %get3A_1033 = arith.index_cast %scan3A_346 : i32 to index
      %get3A_1034 = arith.index_cast %get3A_1032 : i32 to index
      %get3A_1035 = arith.constant 0 : index
      %get3A_1036 = tpu.vector_load %arg4[%get3A_1033, %get3A_1034, %get3A_1035] {strides = array<i32>} : memref<16x8x128xf32, #tpu.memory_space<vmem>>, vector<16xf32>,
      %broadcast_in_dim3A_1037 = arith.constant true
      %broadcast_in_dim3A_1038 = vector.broadcast %broadcast_in_dim3A_1037 : i1 to vector<16xi1>
      %masked_cumsum3A_1039 = tpu.scan <sum>, %get3A_1036 masked %broadcast_in_dim3A_1038 : vector<16xf32>, vector<16xi1> -> vector<16xf32>
      %add3A_1040 = arith.constant 0.000000e+00 : f32
      %add3A_1041 = vector.broadcast %add3A_1040 : f32 to vector<16xf32>
      %add3A_1042 = arith.addf %masked_cumsum3A_1039, %add3A_1041 : vector<16xf32>
      %swap3A_1043 = arith.constant 5 : i32
      %swap3A_1044 = arith.index_cast %scan3A_346 : i32 to index
      %swap3A_1045 = arith.index_cast %swap3A_1043 : i32 to index
      %swap3A_1046 = arith.constant 0 : index
      %swap3A_1047 = tpu.vector_load %arg4[%swap3A_1044, %swap3A_1045, %swap3A_1046] {strides = array<i32>} : memref<16x8x128xf32, #tpu.memory_space<vmem>>, vector<16xf32>,
      tpu.vector_store %arg4[%swap3A_1044, %swap3A_1045, %swap3A_1046], %add3A_1042 {strides = array<i32>} : memref<16x8x128xf32, #tpu.memory_space<vmem>>, vector<16xf32>,
      %slice3A_1048 = vector.extract_strided_slice %add3A_1042 {offsets = [15], sizes = [1], strides = [1]} : vector<16xf32> to vector<1xf32>
      %squeeze3A_1049 = vector.extract %slice3A_1048[0] : f32 from vector<1xf32>
      %get3A_1050 = arith.constant 5 : i32
      %get3A_1051 = arith.index_cast %scan3A_346 : i32 to index
      %get3A_1052 = arith.index_cast %get3A_1050 : i32 to index
      %get3A_1053 = arith.constant 16 : index
      %get3A_1054 = tpu.vector_load %arg4[%get3A_1051, %get3A_1052, %get3A_1053] {strides = array<i32>} : memref<16x8x128xf32, #tpu.memory_space<vmem>>, vector<16xf32>,
      %broadcast_in_dim3A_1055 = arith.constant true
      %broadcast_in_dim3A_1056 = vector.broadcast %broadcast_in_dim3A_1055 : i1 to vector<16xi1>
      %masked_cumsum3A_1057 = tpu.scan <sum>, %get3A_1054 masked %broadcast_in_dim3A_1056 : vector<16xf32>, vector<16xi1> -> vector<16xf32>
      %add3A_1058 = vector.broadcast %squeeze3A_1049 : f32 to vector<16xf32>
      %add3A_1059 = arith.addf %masked_cumsum3A_1057, %add3A_1058 : vector<16xf32>
      %swap3A_1060 = arith.constant 5 : i32
      %swap3A_1061 = arith.index_cast %scan3A_346 : i32 to index
      %swap3A_1062 = arith.index_cast %swap3A_1060 : i32 to index
      %swap3A_1063 = arith.constant 16 : index
      %swap3A_1064 = tpu.vector_load %arg4[%swap3A_1061, %swap3A_1062, %swap3A_1063] {strides = array<i32>} : memref<16x8x128xf32, #tpu.memory_space<vmem>>, vector<16xf32>,
      tpu.vector_store %arg4[%swap3A_1061, %swap3A_1062, %swap3A_1063], %add3A_1059 {strides = array<i32>} : memref<16x8x128xf32, #tpu.memory_space<vmem>>, vector<16xf32>,
      %slice3A_1065 = vector.extract_strided_slice %add3A_1059 {offsets = [15], sizes = [1], strides = [1]} : vector<16xf32> to vector<1xf32>
      %squeeze3A_1066 = vector.extract %slice3A_1065[0] : f32 from vector<1xf32>
      %get3A_1067 = arith.constant 5 : i32
      %get3A_1068 = arith.index_cast %scan3A_346 : i32 to index
      %get3A_1069 = arith.index_cast %get3A_1067 : i32 to index
      %get3A_1070 = arith.constant 32 : index
      %get3A_1071 = tpu.vector_load %arg4[%get3A_1068, %get3A_1069, %get3A_1070] {strides = array<i32>} : memref<16x8x128xf32, #tpu.memory_space<vmem>>, vector<16xf32>,
      %broadcast_in_dim3A_1072 = arith.constant true
      %broadcast_in_dim3A_1073 = vector.broadcast %broadcast_in_dim3A_1072 : i1 to vector<16xi1>
      %masked_cumsum3A_1074 = tpu.scan <sum>, %get3A_1071 masked %broadcast_in_dim3A_1073 : vector<16xf32>, vector<16xi1> -> vector<16xf32>
      %add3A_1075 = vector.broadcast %squeeze3A_1066 : f32 to vector<16xf32>
      %add3A_1076 = arith.addf %masked_cumsum3A_1074, %add3A_1075 : vector<16xf32>
      %swap3A_1077 = arith.constant 5 : i32
      %swap3A_1078 = arith.index_cast %scan3A_346 : i32 to index
      %swap3A_1079 = arith.index_cast %swap3A_1077 : i32 to index
      %swap3A_1080 = arith.constant 32 : index
      %swap3A_1081 = tpu.vector_load %arg4[%swap3A_1078, %swap3A_1079, %swap3A_1080] {strides = array<i32>} : memref<16x8x128xf32, #tpu.memory_space<vmem>>, vector<16xf32>,
      tpu.vector_store %arg4[%swap3A_1078, %swap3A_1079, %swap3A_1080], %add3A_1076 {strides = array<i32>} : memref<16x8x128xf32, #tpu.memory_space<vmem>>, vector<16xf32>,
      %slice3A_1082 = vector.extract_strided_slice %add3A_1076 {offsets = [15], sizes = [1], strides = [1]} : vector<16xf32> to vector<1xf32>
      %squeeze3A_1083 = vector.extract %slice3A_1082[0] : f32 from vector<1xf32>
      %get3A_1084 = arith.constant 5 : i32
      %get3A_1085 = arith.index_cast %scan3A_346 : i32 to index
      %get3A_1086 = arith.index_cast %get3A_1084 : i32 to index
      %get3A_1087 = arith.constant 48 : index
      %get3A_1088 = tpu.vector_load %arg4[%get3A_1085, %get3A_1086, %get3A_1087] {strides = array<i32>} : memref<16x8x128xf32, #tpu.memory_space<vmem>>, vector<16xf32>,
      %broadcast_in_dim3A_1089 = arith.constant true
      %broadcast_in_dim3A_1090 = vector.broadcast %broadcast_in_dim3A_1089 : i1 to vector<16xi1>
      %masked_cumsum3A_1091 = tpu.scan <sum>, %get3A_1088 masked %broadcast_in_dim3A_1090 : vector<16xf32>, vector<16xi1> -> vector<16xf32>
      %add3A_1092 = vector.broadcast %squeeze3A_1083 : f32 to vector<16xf32>
      %add3A_1093 = arith.addf %masked_cumsum3A_1091, %add3A_1092 : vector<16xf32>
      %swap3A_1094 = arith.constant 5 : i32
      %swap3A_1095 = arith.index_cast %scan3A_346 : i32 to index
      %swap3A_1096 = arith.index_cast %swap3A_1094 : i32 to index
      %swap3A_1097 = arith.constant 48 : index
      %swap3A_1098 = tpu.vector_load %arg4[%swap3A_1095, %swap3A_1096, %swap3A_1097] {strides = array<i32>} : memref<16x8x128xf32, #tpu.memory_space<vmem>>, vector<16xf32>,
      tpu.vector_store %arg4[%swap3A_1095, %swap3A_1096, %swap3A_1097], %add3A_1093 {strides = array<i32>} : memref<16x8x128xf32, #tpu.memory_space<vmem>>, vector<16xf32>,
      %slice3A_1099 = vector.extract_strided_slice %add3A_1093 {offsets = [15], sizes = [1], strides = [1]} : vector<16xf32> to vector<1xf32>
      %squeeze3A_1100 = vector.extract %slice3A_1099[0] : f32 from vector<1xf32>
      %get3A_1101 = arith.constant 5 : i32
      %get3A_1102 = arith.index_cast %scan3A_346 : i32 to index
      %get3A_1103 = arith.index_cast %get3A_1101 : i32 to index
      %get3A_1104 = arith.constant 64 : index
      %get3A_1105 = tpu.vector_load %arg4[%get3A_1102, %get3A_1103, %get3A_1104] {strides = array<i32>} : memref<16x8x128xf32, #tpu.memory_space<vmem>>, vector<16xf32>,
      %broadcast_in_dim3A_1106 = arith.constant true
      %broadcast_in_dim3A_1107 = vector.broadcast %broadcast_in_dim3A_1106 : i1 to vector<16xi1>
      %masked_cumsum3A_1108 = tpu.scan <sum>, %get3A_1105 masked %broadcast_in_dim3A_1107 : vector<16xf32>, vector<16xi1> -> vector<16xf32>
      %add3A_1109 = arith.constant 0.000000e+00 : f32
      %add3A_1110 = vector.broadcast %add3A_1109 : f32 to vector<16xf32>
      %add3A_1111 = arith.addf %masked_cumsum3A_1108, %add3A_1110 : vector<16xf32>
      %swap3A_1112 = arith.constant 5 : i32
      %swap3A_1113 = arith.index_cast %scan3A_346 : i32 to index
      %swap3A_1114 = arith.index_cast %swap3A_1112 : i32 to index
      %swap3A_1115 = arith.constant 64 : index
      %swap3A_1116 = tpu.vector_load %arg4[%swap3A_1113, %swap3A_1114, %swap3A_1115] {strides = array<i32>} : memref<16x8x128xf32, #tpu.memory_space<vmem>>, vector<16xf32>,
      tpu.vector_store %arg4[%swap3A_1113, %swap3A_1114, %swap3A_1115], %add3A_1111 {strides = array<i32>} : memref<16x8x128xf32, #tpu.memory_space<vmem>>, vector<16xf32>,
      %slice3A_1117 = vector.extract_strided_slice %add3A_1111 {offsets = [15], sizes = [1], strides = [1]} : vector<16xf32> to vector<1xf32>
      %squeeze3A_1118 = vector.extract %slice3A_1117[0] : f32 from vector<1xf32>
      %get3A_1119 = arith.constant 5 : i32
      %get3A_1120 = arith.index_cast %scan3A_346 : i32 to index
      %get3A_1121 = arith.index_cast %get3A_1119 : i32 to index
      %get3A_1122 = arith.constant 80 : index
      %get3A_1123 = tpu.vector_load %arg4[%get3A_1120, %get3A_1121, %get3A_1122] {strides = array<i32>} : memref<16x8x128xf32, #tpu.memory_space<vmem>>, vector<16xf32>,
      %broadcast_in_dim3A_1124 = arith.constant true
      %broadcast_in_dim3A_1125 = vector.broadcast %broadcast_in_dim3A_1124 : i1 to vector<16xi1>
      %masked_cumsum3A_1126 = tpu.scan <sum>, %get3A_1123 masked %broadcast_in_dim3A_1125 : vector<16xf32>, vector<16xi1> -> vector<16xf32>
      %add3A_1127 = vector.broadcast %squeeze3A_1118 : f32 to vector<16xf32>
      %add3A_1128 = arith.addf %masked_cumsum3A_1126, %add3A_1127 : vector<16xf32>
      %swap3A_1129 = arith.constant 5 : i32
      %swap3A_1130 = arith.index_cast %scan3A_346 : i32 to index
      %swap3A_1131 = arith.index_cast %swap3A_1129 : i32 to index
      %swap3A_1132 = arith.constant 80 : index
      %swap3A_1133 = tpu.vector_load %arg4[%swap3A_1130, %swap3A_1131, %swap3A_1132] {strides = array<i32>} : memref<16x8x128xf32, #tpu.memory_space<vmem>>, vector<16xf32>,
      tpu.vector_store %arg4[%swap3A_1130, %swap3A_1131, %swap3A_1132], %add3A_1128 {strides = array<i32>} : memref<16x8x128xf32, #tpu.memory_space<vmem>>, vector<16xf32>,
      %slice3A_1134 = vector.extract_strided_slice %add3A_1128 {offsets = [15], sizes = [1], strides = [1]} : vector<16xf32> to vector<1xf32>
      %squeeze3A_1135 = vector.extract %slice3A_1134[0] : f32 from vector<1xf32>
      %get3A_1136 = arith.constant 5 : i32
      %get3A_1137 = arith.index_cast %scan3A_346 : i32 to index
      %get3A_1138 = arith.index_cast %get3A_1136 : i32 to index
      %get3A_1139 = arith.constant 96 : index
      %get3A_1140 = tpu.vector_load %arg4[%get3A_1137, %get3A_1138, %get3A_1139] {strides = array<i32>} : memref<16x8x128xf32, #tpu.memory_space<vmem>>, vector<16xf32>,
      %broadcast_in_dim3A_1141 = arith.constant true
      %broadcast_in_dim3A_1142 = vector.broadcast %broadcast_in_dim3A_1141 : i1 to vector<16xi1>
      %masked_cumsum3A_1143 = tpu.scan <sum>, %get3A_1140 masked %broadcast_in_dim3A_1142 : vector<16xf32>, vector<16xi1> -> vector<16xf32>
      %add3A_1144 = vector.broadcast %squeeze3A_1135 : f32 to vector<16xf32>
      %add3A_1145 = arith.addf %masked_cumsum3A_1143, %add3A_1144 : vector<16xf32>
      %swap3A_1146 = arith.constant 5 : i32
      %swap3A_1147 = arith.index_cast %scan3A_346 : i32 to index
      %swap3A_1148 = arith.index_cast %swap3A_1146 : i32 to index
      %swap3A_1149 = arith.constant 96 : index
      %swap3A_1150 = tpu.vector_load %arg4[%swap3A_1147, %swap3A_1148, %swap3A_1149] {strides = array<i32>} : memref<16x8x128xf32, #tpu.memory_space<vmem>>, vector<16xf32>,
      tpu.vector_store %arg4[%swap3A_1147, %swap3A_1148, %swap3A_1149], %add3A_1145 {strides = array<i32>} : memref<16x8x128xf32, #tpu.memory_space<vmem>>, vector<16xf32>,
      %slice3A_1151 = vector.extract_strided_slice %add3A_1145 {offsets = [15], sizes = [1], strides = [1]} : vector<16xf32> to vector<1xf32>
      %squeeze3A_1152 = vector.extract %slice3A_1151[0] : f32 from vector<1xf32>
      %get3A_1153 = arith.constant 5 : i32
      %get3A_1154 = arith.index_cast %scan3A_346 : i32 to index
      %get3A_1155 = arith.index_cast %get3A_1153 : i32 to index
      %get3A_1156 = arith.constant 112 : index
      %get3A_1157 = tpu.vector_load %arg4[%get3A_1154, %get3A_1155, %get3A_1156] {strides = array<i32>} : memref<16x8x128xf32, #tpu.memory_space<vmem>>, vector<16xf32>,
      %broadcast_in_dim3A_1158 = arith.constant true
      %broadcast_in_dim3A_1159 = vector.broadcast %broadcast_in_dim3A_1158 : i1 to vector<16xi1>
      %masked_cumsum3A_1160 = tpu.scan <sum>, %get3A_1157 masked %broadcast_in_dim3A_1159 : vector<16xf32>, vector<16xi1> -> vector<16xf32>
      %add3A_1161 = vector.broadcast %squeeze3A_1152 : f32 to vector<16xf32>
      %add3A_1162 = arith.addf %masked_cumsum3A_1160, %add3A_1161 : vector<16xf32>
      %swap3A_1163 = arith.constant 5 : i32
      %swap3A_1164 = arith.index_cast %scan3A_346 : i32 to index
      %swap3A_1165 = arith.index_cast %swap3A_1163 : i32 to index
      %swap3A_1166 = arith.constant 112 : index
      %swap3A_1167 = tpu.vector_load %arg4[%swap3A_1164, %swap3A_1165, %swap3A_1166] {strides = array<i32>} : memref<16x8x128xf32, #tpu.memory_space<vmem>>, vector<16xf32>,
      tpu.vector_store %arg4[%swap3A_1164, %swap3A_1165, %swap3A_1166], %add3A_1162 {strides = array<i32>} : memref<16x8x128xf32, #tpu.memory_space<vmem>>, vector<16xf32>,
      %slice3A_1168 = vector.extract_strided_slice %add3A_1162 {offsets = [15], sizes = [1], strides = [1]} : vector<16xf32> to vector<1xf32>
      %squeeze3A_1169 = vector.extract %slice3A_1168[0] : f32 from vector<1xf32>
      %get3A_1170 = arith.constant 6 : i32
      %get3A_1171 = arith.index_cast %scan3A_346 : i32 to index
      %get3A_1172 = arith.index_cast %get3A_1170 : i32 to index
      %get3A_1173 = arith.constant 0 : index
      %get3A_1174 = tpu.vector_load %arg4[%get3A_1171, %get3A_1172, %get3A_1173] {strides = array<i32>} : memref<16x8x128xf32, #tpu.memory_space<vmem>>, vector<16xf32>,
      %broadcast_in_dim3A_1175 = arith.constant true
      %broadcast_in_dim3A_1176 = vector.broadcast %broadcast_in_dim3A_1175 : i1 to vector<16xi1>
      %masked_cumsum3A_1177 = tpu.scan <sum>, %get3A_1174 masked %broadcast_in_dim3A_1176 : vector<16xf32>, vector<16xi1> -> vector<16xf32>
      %add3A_1178 = arith.constant 0.000000e+00 : f32
      %add3A_1179 = vector.broadcast %add3A_1178 : f32 to vector<16xf32>
      %add3A_1180 = arith.addf %masked_cumsum3A_1177, %add3A_1179 : vector<16xf32>
      %swap3A_1181 = arith.constant 6 : i32
      %swap3A_1182 = arith.index_cast %scan3A_346 : i32 to index
      %swap3A_1183 = arith.index_cast %swap3A_1181 : i32 to index
      %swap3A_1184 = arith.constant 0 : index
      %swap3A_1185 = tpu.vector_load %arg4[%swap3A_1182, %swap3A_1183, %swap3A_1184] {strides = array<i32>} : memref<16x8x128xf32, #tpu.memory_space<vmem>>, vector<16xf32>,
      tpu.vector_store %arg4[%swap3A_1182, %swap3A_1183, %swap3A_1184], %add3A_1180 {strides = array<i32>} : memref<16x8x128xf32, #tpu.memory_space<vmem>>, vector<16xf32>,
      %slice3A_1186 = vector.extract_strided_slice %add3A_1180 {offsets = [15], sizes = [1], strides = [1]} : vector<16xf32> to vector<1xf32>
      %squeeze3A_1187 = vector.extract %slice3A_1186[0] : f32 from vector<1xf32>
      %get3A_1188 = arith.constant 6 : i32
      %get3A_1189 = arith.index_cast %scan3A_346 : i32 to index
      %get3A_1190 = arith.index_cast %get3A_1188 : i32 to index
      %get3A_1191 = arith.constant 16 : index
      %get3A_1192 = tpu.vector_load %arg4[%get3A_1189, %get3A_1190, %get3A_1191] {strides = array<i32>} : memref<16x8x128xf32, #tpu.memory_space<vmem>>, vector<16xf32>,
      %broadcast_in_dim3A_1193 = arith.constant true
      %broadcast_in_dim3A_1194 = vector.broadcast %broadcast_in_dim3A_1193 : i1 to vector<16xi1>
      %masked_cumsum3A_1195 = tpu.scan <sum>, %get3A_1192 masked %broadcast_in_dim3A_1194 : vector<16xf32>, vector<16xi1> -> vector<16xf32>
      %add3A_1196 = vector.broadcast %squeeze3A_1187 : f32 to vector<16xf32>
      %add3A_1197 = arith.addf %masked_cumsum3A_1195, %add3A_1196 : vector<16xf32>
      %swap3A_1198 = arith.constant 6 : i32
      %swap3A_1199 = arith.index_cast %scan3A_346 : i32 to index
      %swap3A_1200 = arith.index_cast %swap3A_1198 : i32 to index
      %swap3A_1201 = arith.constant 16 : index
      %swap3A_1202 = tpu.vector_load %arg4[%swap3A_1199, %swap3A_1200, %swap3A_1201] {strides = array<i32>} : memref<16x8x128xf32, #tpu.memory_space<vmem>>, vector<16xf32>,
      tpu.vector_store %arg4[%swap3A_1199, %swap3A_1200, %swap3A_1201], %add3A_1197 {strides = array<i32>} : memref<16x8x128xf32, #tpu.memory_space<vmem>>, vector<16xf32>,
      %slice3A_1203 = vector.extract_strided_slice %add3A_1197 {offsets = [15], sizes = [1], strides = [1]} : vector<16xf32> to vector<1xf32>
      %squeeze3A_1204 = vector.extract %slice3A_1203[0] : f32 from vector<1xf32>
      %get3A_1205 = arith.constant 6 : i32
      %get3A_1206 = arith.index_cast %scan3A_346 : i32 to index
      %get3A_1207 = arith.index_cast %get3A_1205 : i32 to index
      %get3A_1208 = arith.constant 32 : index
      %get3A_1209 = tpu.vector_load %arg4[%get3A_1206, %get3A_1207, %get3A_1208] {strides = array<i32>} : memref<16x8x128xf32, #tpu.memory_space<vmem>>, vector<16xf32>,
      %broadcast_in_dim3A_1210 = arith.constant true
      %broadcast_in_dim3A_1211 = vector.broadcast %broadcast_in_dim3A_1210 : i1 to vector<16xi1>
      %masked_cumsum3A_1212 = tpu.scan <sum>, %get3A_1209 masked %broadcast_in_dim3A_1211 : vector<16xf32>, vector<16xi1> -> vector<16xf32>
      %add3A_1213 = vector.broadcast %squeeze3A_1204 : f32 to vector<16xf32>
      %add3A_1214 = arith.addf %masked_cumsum3A_1212, %add3A_1213 : vector<16xf32>
      %swap3A_1215 = arith.constant 6 : i32
      %swap3A_1216 = arith.index_cast %scan3A_346 : i32 to index
      %swap3A_1217 = arith.index_cast %swap3A_1215 : i32 to index
      %swap3A_1218 = arith.constant 32 : index
      %swap3A_1219 = tpu.vector_load %arg4[%swap3A_1216, %swap3A_1217, %swap3A_1218] {strides = array<i32>} : memref<16x8x128xf32, #tpu.memory_space<vmem>>, vector<16xf32>,
      tpu.vector_store %arg4[%swap3A_1216, %swap3A_1217, %swap3A_1218], %add3A_1214 {strides = array<i32>} : memref<16x8x128xf32, #tpu.memory_space<vmem>>, vector<16xf32>,
      %slice3A_1220 = vector.extract_strided_slice %add3A_1214 {offsets = [15], sizes = [1], strides = [1]} : vector<16xf32> to vector<1xf32>
      %squeeze3A_1221 = vector.extract %slice3A_1220[0] : f32 from vector<1xf32>
      %get3A_1222 = arith.constant 6 : i32
      %get3A_1223 = arith.index_cast %scan3A_346 : i32 to index
      %get3A_1224 = arith.index_cast %get3A_1222 : i32 to index
      %get3A_1225 = arith.constant 48 : index
      %get3A_1226 = tpu.vector_load %arg4[%get3A_1223, %get3A_1224, %get3A_1225] {strides = array<i32>} : memref<16x8x128xf32, #tpu.memory_space<vmem>>, vector<16xf32>,
      %broadcast_in_dim3A_1227 = arith.constant true
      %broadcast_in_dim3A_1228 = vector.broadcast %broadcast_in_dim3A_1227 : i1 to vector<16xi1>
      %masked_cumsum3A_1229 = tpu.scan <sum>, %get3A_1226 masked %broadcast_in_dim3A_1228 : vector<16xf32>, vector<16xi1> -> vector<16xf32>
      %add3A_1230 = vector.broadcast %squeeze3A_1221 : f32 to vector<16xf32>
      %add3A_1231 = arith.addf %masked_cumsum3A_1229, %add3A_1230 : vector<16xf32>
      %swap3A_1232 = arith.constant 6 : i32
      %swap3A_1233 = arith.index_cast %scan3A_346 : i32 to index
      %swap3A_1234 = arith.index_cast %swap3A_1232 : i32 to index
      %swap3A_1235 = arith.constant 48 : index
      %swap3A_1236 = tpu.vector_load %arg4[%swap3A_1233, %swap3A_1234, %swap3A_1235] {strides = array<i32>} : memref<16x8x128xf32, #tpu.memory_space<vmem>>, vector<16xf32>,
      tpu.vector_store %arg4[%swap3A_1233, %swap3A_1234, %swap3A_1235], %add3A_1231 {strides = array<i32>} : memref<16x8x128xf32, #tpu.memory_space<vmem>>, vector<16xf32>,
      %slice3A_1237 = vector.extract_strided_slice %add3A_1231 {offsets = [15], sizes = [1], strides = [1]} : vector<16xf32> to vector<1xf32>
      %squeeze3A_1238 = vector.extract %slice3A_1237[0] : f32 from vector<1xf32>
      %get3A_1239 = arith.constant 6 : i32
      %get3A_1240 = arith.index_cast %scan3A_346 : i32 to index
      %get3A_1241 = arith.index_cast %get3A_1239 : i32 to index
      %get3A_1242 = arith.constant 64 : index
      %get3A_1243 = tpu.vector_load %arg4[%get3A_1240, %get3A_1241, %get3A_1242] {strides = array<i32>} : memref<16x8x128xf32, #tpu.memory_space<vmem>>, vector<16xf32>,
      %broadcast_in_dim3A_1244 = arith.constant true
      %broadcast_in_dim3A_1245 = vector.broadcast %broadcast_in_dim3A_1244 : i1 to vector<16xi1>
      %masked_cumsum3A_1246 = tpu.scan <sum>, %get3A_1243 masked %broadcast_in_dim3A_1245 : vector<16xf32>, vector<16xi1> -> vector<16xf32>
      %add3A_1247 = arith.constant 0.000000e+00 : f32
      %add3A_1248 = vector.broadcast %add3A_1247 : f32 to vector<16xf32>
      %add3A_1249 = arith.addf %masked_cumsum3A_1246, %add3A_1248 : vector<16xf32>
      %swap3A_1250 = arith.constant 6 : i32
      %swap3A_1251 = arith.index_cast %scan3A_346 : i32 to index
      %swap3A_1252 = arith.index_cast %swap3A_1250 : i32 to index
      %swap3A_1253 = arith.constant 64 : index
      %swap3A_1254 = tpu.vector_load %arg4[%swap3A_1251, %swap3A_1252, %swap3A_1253] {strides = array<i32>} : memref<16x8x128xf32, #tpu.memory_space<vmem>>, vector<16xf32>,
      tpu.vector_store %arg4[%swap3A_1251, %swap3A_1252, %swap3A_1253], %add3A_1249 {strides = array<i32>} : memref<16x8x128xf32, #tpu.memory_space<vmem>>, vector<16xf32>,
      %slice3A_1255 = vector.extract_strided_slice %add3A_1249 {offsets = [15], sizes = [1], strides = [1]} : vector<16xf32> to vector<1xf32>
      %squeeze3A_1256 = vector.extract %slice3A_1255[0] : f32 from vector<1xf32>
      %get3A_1257 = arith.constant 6 : i32
      %get3A_1258 = arith.index_cast %scan3A_346 : i32 to index
      %get3A_1259 = arith.index_cast %get3A_1257 : i32 to index
      %get3A_1260 = arith.constant 80 : index
      %get3A_1261 = tpu.vector_load %arg4[%get3A_1258, %get3A_1259, %get3A_1260] {strides = array<i32>} : memref<16x8x128xf32, #tpu.memory_space<vmem>>, vector<16xf32>,
      %broadcast_in_dim3A_1262 = arith.constant true
      %broadcast_in_dim3A_1263 = vector.broadcast %broadcast_in_dim3A_1262 : i1 to vector<16xi1>
      %masked_cumsum3A_1264 = tpu.scan <sum>, %get3A_1261 masked %broadcast_in_dim3A_1263 : vector<16xf32>, vector<16xi1> -> vector<16xf32>
      %add3A_1265 = vector.broadcast %squeeze3A_1256 : f32 to vector<16xf32>
      %add3A_1266 = arith.addf %masked_cumsum3A_1264, %add3A_1265 : vector<16xf32>
      %swap3A_1267 = arith.constant 6 : i32
      %swap3A_1268 = arith.index_cast %scan3A_346 : i32 to index
      %swap3A_1269 = arith.index_cast %swap3A_1267 : i32 to index
      %swap3A_1270 = arith.constant 80 : index
      %swap3A_1271 = tpu.vector_load %arg4[%swap3A_1268, %swap3A_1269, %swap3A_1270] {strides = array<i32>} : memref<16x8x128xf32, #tpu.memory_space<vmem>>, vector<16xf32>,
      tpu.vector_store %arg4[%swap3A_1268, %swap3A_1269, %swap3A_1270], %add3A_1266 {strides = array<i32>} : memref<16x8x128xf32, #tpu.memory_space<vmem>>, vector<16xf32>,
      %slice3A_1272 = vector.extract_strided_slice %add3A_1266 {offsets = [15], sizes = [1], strides = [1]} : vector<16xf32> to vector<1xf32>
      %squeeze3A_1273 = vector.extract %slice3A_1272[0] : f32 from vector<1xf32>
      %get3A_1274 = arith.constant 6 : i32
      %get3A_1275 = arith.index_cast %scan3A_346 : i32 to index
      %get3A_1276 = arith.index_cast %get3A_1274 : i32 to index
      %get3A_1277 = arith.constant 96 : index
      %get3A_1278 = tpu.vector_load %arg4[%get3A_1275, %get3A_1276, %get3A_1277] {strides = array<i32>} : memref<16x8x128xf32, #tpu.memory_space<vmem>>, vector<16xf32>,
      %broadcast_in_dim3A_1279 = arith.constant true
      %broadcast_in_dim3A_1280 = vector.broadcast %broadcast_in_dim3A_1279 : i1 to vector<16xi1>
      %masked_cumsum3A_1281 = tpu.scan <sum>, %get3A_1278 masked %broadcast_in_dim3A_1280 : vector<16xf32>, vector<16xi1> -> vector<16xf32>
      %add3A_1282 = vector.broadcast %squeeze3A_1273 : f32 to vector<16xf32>
      %add3A_1283 = arith.addf %masked_cumsum3A_1281, %add3A_1282 : vector<16xf32>
      %swap3A_1284 = arith.constant 6 : i32
      %swap3A_1285 = arith.index_cast %scan3A_346 : i32 to index
      %swap3A_1286 = arith.index_cast %swap3A_1284 : i32 to index
      %swap3A_1287 = arith.constant 96 : index
      %swap3A_1288 = tpu.vector_load %arg4[%swap3A_1285, %swap3A_1286, %swap3A_1287] {strides = array<i32>} : memref<16x8x128xf32, #tpu.memory_space<vmem>>, vector<16xf32>,
      tpu.vector_store %arg4[%swap3A_1285, %swap3A_1286, %swap3A_1287], %add3A_1283 {strides = array<i32>} : memref<16x8x128xf32, #tpu.memory_space<vmem>>, vector<16xf32>,
      %slice3A_1289 = vector.extract_strided_slice %add3A_1283 {offsets = [15], sizes = [1], strides = [1]} : vector<16xf32> to vector<1xf32>
      %squeeze3A_1290 = vector.extract %slice3A_1289[0] : f32 from vector<1xf32>
      %get3A_1291 = arith.constant 6 : i32
      %get3A_1292 = arith.index_cast %scan3A_346 : i32 to index
      %get3A_1293 = arith.index_cast %get3A_1291 : i32 to index
      %get3A_1294 = arith.constant 112 : index
      %get3A_1295 = tpu.vector_load %arg4[%get3A_1292, %get3A_1293, %get3A_1294] {strides = array<i32>} : memref<16x8x128xf32, #tpu.memory_space<vmem>>, vector<16xf32>,
      %broadcast_in_dim3A_1296 = arith.constant true
      %broadcast_in_dim3A_1297 = vector.broadcast %broadcast_in_dim3A_1296 : i1 to vector<16xi1>
      %masked_cumsum3A_1298 = tpu.scan <sum>, %get3A_1295 masked %broadcast_in_dim3A_1297 : vector<16xf32>, vector<16xi1> -> vector<16xf32>
      %add3A_1299 = vector.broadcast %squeeze3A_1290 : f32 to vector<16xf32>
      %add3A_1300 = arith.addf %masked_cumsum3A_1298, %add3A_1299 : vector<16xf32>
      %swap3A_1301 = arith.constant 6 : i32
      %swap3A_1302 = arith.index_cast %scan3A_346 : i32 to index
      %swap3A_1303 = arith.index_cast %swap3A_1301 : i32 to index
      %swap3A_1304 = arith.constant 112 : index
      %swap3A_1305 = tpu.vector_load %arg4[%swap3A_1302, %swap3A_1303, %swap3A_1304] {strides = array<i32>} : memref<16x8x128xf32, #tpu.memory_space<vmem>>, vector<16xf32>,
      tpu.vector_store %arg4[%swap3A_1302, %swap3A_1303, %swap3A_1304], %add3A_1300 {strides = array<i32>} : memref<16x8x128xf32, #tpu.memory_space<vmem>>, vector<16xf32>,
      %slice3A_1306 = vector.extract_strided_slice %add3A_1300 {offsets = [15], sizes = [1], strides = [1]} : vector<16xf32> to vector<1xf32>
      %squeeze3A_1307 = vector.extract %slice3A_1306[0] : f32 from vector<1xf32>
      %get3A_1308 = arith.constant 7 : i32
      %get3A_1309 = arith.index_cast %scan3A_346 : i32 to index
      %get3A_1310 = arith.index_cast %get3A_1308 : i32 to index
      %get3A_1311 = arith.constant 0 : index
      %get3A_1312 = tpu.vector_load %arg4[%get3A_1309, %get3A_1310, %get3A_1311] {strides = array<i32>} : memref<16x8x128xf32, #tpu.memory_space<vmem>>, vector<16xf32>,
      %broadcast_in_dim3A_1313 = arith.constant true
      %broadcast_in_dim3A_1314 = vector.broadcast %broadcast_in_dim3A_1313 : i1 to vector<16xi1>
      %masked_cumsum3A_1315 = tpu.scan <sum>, %get3A_1312 masked %broadcast_in_dim3A_1314 : vector<16xf32>, vector<16xi1> -> vector<16xf32>
      %add3A_1316 = arith.constant 0.000000e+00 : f32
      %add3A_1317 = vector.broadcast %add3A_1316 : f32 to vector<16xf32>
      %add3A_1318 = arith.addf %masked_cumsum3A_1315, %add3A_1317 : vector<16xf32>
      %swap3A_1319 = arith.constant 7 : i32
      %swap3A_1320 = arith.index_cast %scan3A_346 : i32 to index
      %swap3A_1321 = arith.index_cast %swap3A_1319 : i32 to index
      %swap3A_1322 = arith.constant 0 : index
      %swap3A_1323 = tpu.vector_load %arg4[%swap3A_1320, %swap3A_1321, %swap3A_1322] {strides = array<i32>} : memref<16x8x128xf32, #tpu.memory_space<vmem>>, vector<16xf32>,
      tpu.vector_store %arg4[%swap3A_1320, %swap3A_1321, %swap3A_1322], %add3A_1318 {strides = array<i32>} : memref<16x8x128xf32, #tpu.memory_space<vmem>>, vector<16xf32>,
      %slice3A_1324 = vector.extract_strided_slice %add3A_1318 {offsets = [15], sizes = [1], strides = [1]} : vector<16xf32> to vector<1xf32>
      %squeeze3A_1325 = vector.extract %slice3A_1324[0] : f32 from vector<1xf32>
      %get3A_1326 = arith.constant 7 : i32
      %get3A_1327 = arith.index_cast %scan3A_346 : i32 to index
      %get3A_1328 = arith.index_cast %get3A_1326 : i32 to index
      %get3A_1329 = arith.constant 16 : index
      %get3A_1330 = tpu.vector_load %arg4[%get3A_1327, %get3A_1328, %get3A_1329] {strides = array<i32>} : memref<16x8x128xf32, #tpu.memory_space<vmem>>, vector<16xf32>,
      %broadcast_in_dim3A_1331 = arith.constant true
      %broadcast_in_dim3A_1332 = vector.broadcast %broadcast_in_dim3A_1331 : i1 to vector<16xi1>
      %masked_cumsum3A_1333 = tpu.scan <sum>, %get3A_1330 masked %broadcast_in_dim3A_1332 : vector<16xf32>, vector<16xi1> -> vector<16xf32>
      %add3A_1334 = vector.broadcast %squeeze3A_1325 : f32 to vector<16xf32>
      %add3A_1335 = arith.addf %masked_cumsum3A_1333, %add3A_1334 : vector<16xf32>
      %swap3A_1336 = arith.constant 7 : i32
      %swap3A_1337 = arith.index_cast %scan3A_346 : i32 to index
      %swap3A_1338 = arith.index_cast %swap3A_1336 : i32 to index
      %swap3A_1339 = arith.constant 16 : index
      %swap3A_1340 = tpu.vector_load %arg4[%swap3A_1337, %swap3A_1338, %swap3A_1339] {strides = array<i32>} : memref<16x8x128xf32, #tpu.memory_space<vmem>>, vector<16xf32>,
      tpu.vector_store %arg4[%swap3A_1337, %swap3A_1338, %swap3A_1339], %add3A_1335 {strides = array<i32>} : memref<16x8x128xf32, #tpu.memory_space<vmem>>, vector<16xf32>,
      %slice3A_1341 = vector.extract_strided_slice %add3A_1335 {offsets = [15], sizes = [1], strides = [1]} : vector<16xf32> to vector<1xf32>
      %squeeze3A_1342 = vector.extract %slice3A_1341[0] : f32 from vector<1xf32>
      %get3A_1343 = arith.constant 7 : i32
      %get3A_1344 = arith.index_cast %scan3A_346 : i32 to index
      %get3A_1345 = arith.index_cast %get3A_1343 : i32 to index
      %get3A_1346 = arith.constant 32 : index
      %get3A_1347 = tpu.vector_load %arg4[%get3A_1344, %get3A_1345, %get3A_1346] {strides = array<i32>} : memref<16x8x128xf32, #tpu.memory_space<vmem>>, vector<16xf32>,
      %broadcast_in_dim3A_1348 = arith.constant true
      %broadcast_in_dim3A_1349 = vector.broadcast %broadcast_in_dim3A_1348 : i1 to vector<16xi1>
      %masked_cumsum3A_1350 = tpu.scan <sum>, %get3A_1347 masked %broadcast_in_dim3A_1349 : vector<16xf32>, vector<16xi1> -> vector<16xf32>
      %add3A_1351 = vector.broadcast %squeeze3A_1342 : f32 to vector<16xf32>
      %add3A_1352 = arith.addf %masked_cumsum3A_1350, %add3A_1351 : vector<16xf32>
      %swap3A_1353 = arith.constant 7 : i32
      %swap3A_1354 = arith.index_cast %scan3A_346 : i32 to index
      %swap3A_1355 = arith.index_cast %swap3A_1353 : i32 to index
      %swap3A_1356 = arith.constant 32 : index
      %swap3A_1357 = tpu.vector_load %arg4[%swap3A_1354, %swap3A_1355, %swap3A_1356] {strides = array<i32>} : memref<16x8x128xf32, #tpu.memory_space<vmem>>, vector<16xf32>,
      tpu.vector_store %arg4[%swap3A_1354, %swap3A_1355, %swap3A_1356], %add3A_1352 {strides = array<i32>} : memref<16x8x128xf32, #tpu.memory_space<vmem>>, vector<16xf32>,
      %slice3A_1358 = vector.extract_strided_slice %add3A_1352 {offsets = [15], sizes = [1], strides = [1]} : vector<16xf32> to vector<1xf32>
      %squeeze3A_1359 = vector.extract %slice3A_1358[0] : f32 from vector<1xf32>
      %get3A_1360 = arith.constant 7 : i32
      %get3A_1361 = arith.index_cast %scan3A_346 : i32 to index
      %get3A_1362 = arith.index_cast %get3A_1360 : i32 to index
      %get3A_1363 = arith.constant 48 : index
      %get3A_1364 = tpu.vector_load %arg4[%get3A_1361, %get3A_1362, %get3A_1363] {strides = array<i32>} : memref<16x8x128xf32, #tpu.memory_space<vmem>>, vector<16xf32>,
      %broadcast_in_dim3A_1365 = arith.constant true
      %broadcast_in_dim3A_1366 = vector.broadcast %broadcast_in_dim3A_1365 : i1 to vector<16xi1>
      %masked_cumsum3A_1367 = tpu.scan <sum>, %get3A_1364 masked %broadcast_in_dim3A_1366 : vector<16xf32>, vector<16xi1> -> vector<16xf32>
      %add3A_1368 = vector.broadcast %squeeze3A_1359 : f32 to vector<16xf32>
      %add3A_1369 = arith.addf %masked_cumsum3A_1367, %add3A_1368 : vector<16xf32>
      %swap3A_1370 = arith.constant 7 : i32
      %swap3A_1371 = arith.index_cast %scan3A_346 : i32 to index
      %swap3A_1372 = arith.index_cast %swap3A_1370 : i32 to index
      %swap3A_1373 = arith.constant 48 : index
      %swap3A_1374 = tpu.vector_load %arg4[%swap3A_1371, %swap3A_1372, %swap3A_1373] {strides = array<i32>} : memref<16x8x128xf32, #tpu.memory_space<vmem>>, vector<16xf32>,
      tpu.vector_store %arg4[%swap3A_1371, %swap3A_1372, %swap3A_1373], %add3A_1369 {strides = array<i32>} : memref<16x8x128xf32, #tpu.memory_space<vmem>>, vector<16xf32>,
      %slice3A_1375 = vector.extract_strided_slice %add3A_1369 {offsets = [15], sizes = [1], strides = [1]} : vector<16xf32> to vector<1xf32>
      %squeeze3A_1376 = vector.extract %slice3A_1375[0] : f32 from vector<1xf32>
      %get3A_1377 = arith.constant 7 : i32
      %get3A_1378 = arith.index_cast %scan3A_346 : i32 to index
      %get3A_1379 = arith.index_cast %get3A_1377 : i32 to index
      %get3A_1380 = arith.constant 64 : index
      %get3A_1381 = tpu.vector_load %arg4[%get3A_1378, %get3A_1379, %get3A_1380] {strides = array<i32>} : memref<16x8x128xf32, #tpu.memory_space<vmem>>, vector<16xf32>,
      %broadcast_in_dim3A_1382 = arith.constant true
      %broadcast_in_dim3A_1383 = vector.broadcast %broadcast_in_dim3A_1382 : i1 to vector<16xi1>
      %masked_cumsum3A_1384 = tpu.scan <sum>, %get3A_1381 masked %broadcast_in_dim3A_1383 : vector<16xf32>, vector<16xi1> -> vector<16xf32>
      %add3A_1385 = arith.constant 0.000000e+00 : f32
      %add3A_1386 = vector.broadcast %add3A_1385 : f32 to vector<16xf32>
      %add3A_1387 = arith.addf %masked_cumsum3A_1384, %add3A_1386 : vector<16xf32>
      %swap3A_1388 = arith.constant 7 : i32
      %swap3A_1389 = arith.index_cast %scan3A_346 : i32 to index
      %swap3A_1390 = arith.index_cast %swap3A_1388 : i32 to index
      %swap3A_1391 = arith.constant 64 : index
      %swap3A_1392 = tpu.vector_load %arg4[%swap3A_1389, %swap3A_1390, %swap3A_1391] {strides = array<i32>} : memref<16x8x128xf32, #tpu.memory_space<vmem>>, vector<16xf32>,
      tpu.vector_store %arg4[%swap3A_1389, %swap3A_1390, %swap3A_1391], %add3A_1387 {strides = array<i32>} : memref<16x8x128xf32, #tpu.memory_space<vmem>>, vector<16xf32>,
      %slice3A_1393 = vector.extract_strided_slice %add3A_1387 {offsets = [15], sizes = [1], strides = [1]} : vector<16xf32> to vector<1xf32>
      %squeeze3A_1394 = vector.extract %slice3A_1393[0] : f32 from vector<1xf32>
      %get3A_1395 = arith.constant 7 : i32
      %get3A_1396 = arith.index_cast %scan3A_346 : i32 to index
      %get3A_1397 = arith.index_cast %get3A_1395 : i32 to index
      %get3A_1398 = arith.constant 80 : index
      %get3A_1399 = tpu.vector_load %arg4[%get3A_1396, %get3A_1397, %get3A_1398] {strides = array<i32>} : memref<16x8x128xf32, #tpu.memory_space<vmem>>, vector<16xf32>,
      %broadcast_in_dim3A_1400 = arith.constant true
      %broadcast_in_dim3A_1401 = vector.broadcast %broadcast_in_dim3A_1400 : i1 to vector<16xi1>
      %masked_cumsum3A_1402 = tpu.scan <sum>, %get3A_1399 masked %broadcast_in_dim3A_1401 : vector<16xf32>, vector<16xi1> -> vector<16xf32>
      %add3A_1403 = vector.broadcast %squeeze3A_1394 : f32 to vector<16xf32>
      %add3A_1404 = arith.addf %masked_cumsum3A_1402, %add3A_1403 : vector<16xf32>
      %swap3A_1405 = arith.constant 7 : i32
      %swap3A_1406 = arith.index_cast %scan3A_346 : i32 to index
      %swap3A_1407 = arith.index_cast %swap3A_1405 : i32 to index
      %swap3A_1408 = arith.constant 80 : index
      %swap3A_1409 = tpu.vector_load %arg4[%swap3A_1406, %swap3A_1407, %swap3A_1408] {strides = array<i32>} : memref<16x8x128xf32, #tpu.memory_space<vmem>>, vector<16xf32>,
      tpu.vector_store %arg4[%swap3A_1406, %swap3A_1407, %swap3A_1408], %add3A_1404 {strides = array<i32>} : memref<16x8x128xf32, #tpu.memory_space<vmem>>, vector<16xf32>,
      %slice3A_1410 = vector.extract_strided_slice %add3A_1404 {offsets = [15], sizes = [1], strides = [1]} : vector<16xf32> to vector<1xf32>
      %squeeze3A_1411 = vector.extract %slice3A_1410[0] : f32 from vector<1xf32>
      %get3A_1412 = arith.constant 7 : i32
      %get3A_1413 = arith.index_cast %scan3A_346 : i32 to index
      %get3A_1414 = arith.index_cast %get3A_1412 : i32 to index
      %get3A_1415 = arith.constant 96 : index
      %get3A_1416 = tpu.vector_load %arg4[%get3A_1413, %get3A_1414, %get3A_1415] {strides = array<i32>} : memref<16x8x128xf32, #tpu.memory_space<vmem>>, vector<16xf32>,
      %broadcast_in_dim3A_1417 = arith.constant true
      %broadcast_in_dim3A_1418 = vector.broadcast %broadcast_in_dim3A_1417 : i1 to vector<16xi1>
      %masked_cumsum3A_1419 = tpu.scan <sum>, %get3A_1416 masked %broadcast_in_dim3A_1418 : vector<16xf32>, vector<16xi1> -> vector<16xf32>
      %add3A_1420 = vector.broadcast %squeeze3A_1411 : f32 to vector<16xf32>
      %add3A_1421 = arith.addf %masked_cumsum3A_1419, %add3A_1420 : vector<16xf32>
      %swap3A_1422 = arith.constant 7 : i32
      %swap3A_1423 = arith.index_cast %scan3A_346 : i32 to index
      %swap3A_1424 = arith.index_cast %swap3A_1422 : i32 to index
      %swap3A_1425 = arith.constant 96 : index
      %swap3A_1426 = tpu.vector_load %arg4[%swap3A_1423, %swap3A_1424, %swap3A_1425] {strides = array<i32>} : memref<16x8x128xf32, #tpu.memory_space<vmem>>, vector<16xf32>,
      tpu.vector_store %arg4[%swap3A_1423, %swap3A_1424, %swap3A_1425], %add3A_1421 {strides = array<i32>} : memref<16x8x128xf32, #tpu.memory_space<vmem>>, vector<16xf32>,
      %slice3A_1427 = vector.extract_strided_slice %add3A_1421 {offsets = [15], sizes = [1], strides = [1]} : vector<16xf32> to vector<1xf32>
      %squeeze3A_1428 = vector.extract %slice3A_1427[0] : f32 from vector<1xf32>
      %get3A_1429 = arith.constant 7 : i32
      %get3A_1430 = arith.index_cast %scan3A_346 : i32 to index
      %get3A_1431 = arith.index_cast %get3A_1429 : i32 to index
      %get3A_1432 = arith.constant 112 : index
      %get3A_1433 = tpu.vector_load %arg4[%get3A_1430, %get3A_1431, %get3A_1432] {strides = array<i32>} : memref<16x8x128xf32, #tpu.memory_space<vmem>>, vector<16xf32>,
      %broadcast_in_dim3A_1434 = arith.constant true
      %broadcast_in_dim3A_1435 = vector.broadcast %broadcast_in_dim3A_1434 : i1 to vector<16xi1>
      %masked_cumsum3A_1436 = tpu.scan <sum>, %get3A_1433 masked %broadcast_in_dim3A_1435 : vector<16xf32>, vector<16xi1> -> vector<16xf32>
      %add3A_1437 = vector.broadcast %squeeze3A_1428 : f32 to vector<16xf32>
      %add3A_1438 = arith.addf %masked_cumsum3A_1436, %add3A_1437 : vector<16xf32>
      %swap3A_1439 = arith.constant 7 : i32
      %swap3A_1440 = arith.index_cast %scan3A_346 : i32 to index
      %swap3A_1441 = arith.index_cast %swap3A_1439 : i32 to index
      %swap3A_1442 = arith.constant 112 : index
      %swap3A_1443 = tpu.vector_load %arg4[%swap3A_1440, %swap3A_1441, %swap3A_1442] {strides = array<i32>} : memref<16x8x128xf32, #tpu.memory_space<vmem>>, vector<16xf32>,
      tpu.vector_store %arg4[%swap3A_1440, %swap3A_1441, %swap3A_1442], %add3A_1438 {strides = array<i32>} : memref<16x8x128xf32, #tpu.memory_space<vmem>>, vector<16xf32>,
      %slice3A_1444 = vector.extract_strided_slice %add3A_1438 {offsets = [15], sizes = [1], strides = [1]} : vector<16xf32> to vector<1xf32>
      %squeeze3A_1445 = vector.extract %slice3A_1444[0] : f32 from vector<1xf32>
      %scan3A_1446 = arith.constant 0 : i32
      scf.yield %scan3A_1446 : i32
    }
    %scan3A_214 = arith.constant 16 : i32
    %dma_start3A_215 = arith.constant 0 : i32
    %dma_start3A_216 = arith.constant 0 : i32
    %dma_start3A_217 = arith.constant 0 : i32
    %dma_start3A_218 = tpu.memref_slice %arg3[%select_n3A, %select_n3A_34, %dma_start3A_215, %dma_start3A_216, %dma_start3A_217] : memref<16x4x32x8x128xf32, #tpu.memory_space<hbm>> -> memref<1x1x16x8x128xf32, #tpu.memory_space<hbm>>
    %dma_start3A_219 = tpu.memref_squeeze %dma_start3A_218 : memref<1x1x16x8x128xf32, #tpu.memory_space<hbm>> -> memref<16x8x128xf32, #tpu.memory_space<hbm>>
    %dma_start3A_220 = arith.constant 0 : i32
    %dma_start3A_221 = arith.constant 0 : i32
    %dma_start3A_222 = arith.constant 0 : i32
    %dma_start3A_223 = tpu.memref_slice %arg3[%select_n3A, %select_n3A_34, %dma_start3A_220, %dma_start3A_221, %dma_start3A_222] : memref<16x4x32x8x128xf32, #tpu.memory_space<hbm>> -> memref<1x1x16x8x128xf32, #tpu.memory_space<hbm>>
    %dma_start3A_224 = tpu.memref_squeeze %dma_start3A_223 : memref<1x1x16x8x128xf32, #tpu.memory_space<hbm>> -> memref<16x8x128xf32, #tpu.memory_space<hbm>>
    tpu.enqueue_dma source(%arg4 : memref<16x8x128xf32, #tpu.memory_space<vmem>>) target(%dma_start3A_224 : memref<16x8x128xf32, #tpu.memory_space<hbm>>) target_semaphore(%arg12 : memref<!tpu.dma_semaphore, #tpu.memory_space<semaphore_mem>>)
    %dma_wait3A_225 = arith.constant 16 : i32
    %dma_wait3A_226 = arith.constant 0 : i32
    %dma_wait3A_227 = arith.constant 0 : i32
    %dma_wait3A_228 = tpu.memref_slice %arg2[%select_n3A_60, %select_n3A_76, %dma_wait3A_225, %dma_wait3A_226, %dma_wait3A_227] : memref<16x4x32x8x128xf32, #tpu.memory_space<hbm>> -> memref<1x1x16x8x128xf32, #tpu.memory_space<hbm>>
    %dma_wait3A_229 = tpu.memref_squeeze %dma_wait3A_228 : memref<1x1x16x8x128xf32, #tpu.memory_space<hbm>> -> memref<16x8x128xf32, #tpu.memory_space<hbm>>
    %dma_wait3A_230 = arith.constant 16 : i32
    %dma_wait3A_231 = arith.constant 0 : i32
    %dma_wait3A_232 = arith.constant 0 : i32
    %dma_wait3A_233 = tpu.memref_slice %arg2[%select_n3A_60, %select_n3A_76, %dma_wait3A_230, %dma_wait3A_231, %dma_wait3A_232] : memref<16x4x32x8x128xf32, #tpu.memory_space<hbm>> -> memref<1x1x16x8x128xf32, #tpu.memory_space<hbm>>
    %dma_wait3A_234 = tpu.memref_squeeze %dma_wait3A_233 : memref<1x1x16x8x128xf32, #tpu.memory_space<hbm>> -> memref<16x8x128xf32, #tpu.memory_space<hbm>>
    tpu.wait_dma2 semaphore(%arg9 : memref<!tpu.dma_semaphore, #tpu.memory_space<semaphore_mem>>) src(%dma_wait3A_234 : memref<16x8x128xf32, #tpu.memory_space<hbm>>) dst(%arg5 : memref<16x8x128xf32, #tpu.memory_space<vmem>>)
    %scan3A_235 = arith.constant 0 : i32
    %scan3A_236 = arith.constant 0 : i32
    %scan3A_237 = arith.constant 16 : i32
    %scan3A_238 = arith.addi %scan3A_236, %scan3A_237 : i32
    %scan3A_239 = arith.constant 1 : i32
    %scan3A_240 = scf.for %scan3A_346 = %scan3A_236 to %scan3A_238 step %scan3A_239 iter_args(%scan3A_347 = %scan3A_235) -> (i32)  : i32 {
      %get3A = arith.constant 0 : i32
      %get3A_348 = arith.index_cast %scan3A_346 : i32 to index
      %get3A_349 = arith.index_cast %get3A : i32 to index
      %get3A_350 = arith.constant 0 : index
      %get3A_351 = tpu.vector_load %arg5[%get3A_348, %get3A_349, %get3A_350] {strides = array<i32>} : memref<16x8x128xf32, #tpu.memory_space<vmem>>, vector<16xf32>,
      %broadcast_in_dim3A = arith.constant true
      %broadcast_in_dim3A_352 = vector.broadcast %broadcast_in_dim3A : i1 to vector<16xi1>
      %masked_cumsum3A = tpu.scan <sum>, %get3A_351 masked %broadcast_in_dim3A_352 : vector<16xf32>, vector<16xi1> -> vector<16xf32>
      %add3A_353 = arith.constant 0.000000e+00 : f32
      %add3A_354 = vector.broadcast %add3A_353 : f32 to vector<16xf32>
      %add3A_355 = arith.addf %masked_cumsum3A, %add3A_354 : vector<16xf32>
      %swap3A = arith.constant 0 : i32
      %swap3A_356 = arith.index_cast %scan3A_346 : i32 to index
      %swap3A_357 = arith.index_cast %swap3A : i32 to index
      %swap3A_358 = arith.constant 0 : index
      %swap3A_359 = tpu.vector_load %arg5[%swap3A_356, %swap3A_357, %swap3A_358] {strides = array<i32>} : memref<16x8x128xf32, #tpu.memory_space<vmem>>, vector<16xf32>,
      tpu.vector_store %arg5[%swap3A_356, %swap3A_357, %swap3A_358], %add3A_355 {strides = array<i32>} : memref<16x8x128xf32, #tpu.memory_space<vmem>>, vector<16xf32>,
      %slice3A = vector.extract_strided_slice %add3A_355 {offsets = [15], sizes = [1], strides = [1]} : vector<16xf32> to vector<1xf32>
      %squeeze3A = vector.extract %slice3A[0] : f32 from vector<1xf32>
      %get3A_360 = arith.constant 0 : i32
      %get3A_361 = arith.index_cast %scan3A_346 : i32 to index
      %get3A_362 = arith.index_cast %get3A_360 : i32 to index
      %get3A_363 = arith.constant 16 : index
      %get3A_364 = tpu.vector_load %arg5[%get3A_361, %get3A_362, %get3A_363] {strides = array<i32>} : memref<16x8x128xf32, #tpu.memory_space<vmem>>, vector<16xf32>,
      %broadcast_in_dim3A_365 = arith.constant true
      %broadcast_in_dim3A_366 = vector.broadcast %broadcast_in_dim3A_365 : i1 to vector<16xi1>
      %masked_cumsum3A_367 = tpu.scan <sum>, %get3A_364 masked %broadcast_in_dim3A_366 : vector<16xf32>, vector<16xi1> -> vector<16xf32>
      %add3A_368 = vector.broadcast %squeeze3A : f32 to vector<16xf32>
      %add3A_369 = arith.addf %masked_cumsum3A_367, %add3A_368 : vector<16xf32>
      %swap3A_370 = arith.constant 0 : i32
      %swap3A_371 = arith.index_cast %scan3A_346 : i32 to index
      %swap3A_372 = arith.index_cast %swap3A_370 : i32 to index
      %swap3A_373 = arith.constant 16 : index
      %swap3A_374 = tpu.vector_load %arg5[%swap3A_371, %swap3A_372, %swap3A_373] {strides = array<i32>} : memref<16x8x128xf32, #tpu.memory_space<vmem>>, vector<16xf32>,
      tpu.vector_store %arg5[%swap3A_371, %swap3A_372, %swap3A_373], %add3A_369 {strides = array<i32>} : memref<16x8x128xf32, #tpu.memory_space<vmem>>, vector<16xf32>,
      %slice3A_375 = vector.extract_strided_slice %add3A_369 {offsets = [15], sizes = [1], strides = [1]} : vector<16xf32> to vector<1xf32>
      %squeeze3A_376 = vector.extract %slice3A_375[0] : f32 from vector<1xf32>
      %get3A_377 = arith.constant 0 : i32
      %get3A_378 = arith.index_cast %scan3A_346 : i32 to index
      %get3A_379 = arith.index_cast %get3A_377 : i32 to index
      %get3A_380 = arith.constant 32 : index
      %get3A_381 = tpu.vector_load %arg5[%get3A_378, %get3A_379, %get3A_380] {strides = array<i32>} : memref<16x8x128xf32, #tpu.memory_space<vmem>>, vector<16xf32>,
      %broadcast_in_dim3A_382 = arith.constant true
      %broadcast_in_dim3A_383 = vector.broadcast %broadcast_in_dim3A_382 : i1 to vector<16xi1>
      %masked_cumsum3A_384 = tpu.scan <sum>, %get3A_381 masked %broadcast_in_dim3A_383 : vector<16xf32>, vector<16xi1> -> vector<16xf32>
      %add3A_385 = vector.broadcast %squeeze3A_376 : f32 to vector<16xf32>
      %add3A_386 = arith.addf %masked_cumsum3A_384, %add3A_385 : vector<16xf32>
      %swap3A_387 = arith.constant 0 : i32
      %swap3A_388 = arith.index_cast %scan3A_346 : i32 to index
      %swap3A_389 = arith.index_cast %swap3A_387 : i32 to index
      %swap3A_390 = arith.constant 32 : index
      %swap3A_391 = tpu.vector_load %arg5[%swap3A_388, %swap3A_389, %swap3A_390] {strides = array<i32>} : memref<16x8x128xf32, #tpu.memory_space<vmem>>, vector<16xf32>,
      tpu.vector_store %arg5[%swap3A_388, %swap3A_389, %swap3A_390], %add3A_386 {strides = array<i32>} : memref<16x8x128xf32, #tpu.memory_space<vmem>>, vector<16xf32>,
      %slice3A_392 = vector.extract_strided_slice %add3A_386 {offsets = [15], sizes = [1], strides = [1]} : vector<16xf32> to vector<1xf32>
      %squeeze3A_393 = vector.extract %slice3A_392[0] : f32 from vector<1xf32>
      %get3A_394 = arith.constant 0 : i32
      %get3A_395 = arith.index_cast %scan3A_346 : i32 to index
      %get3A_396 = arith.index_cast %get3A_394 : i32 to index
      %get3A_397 = arith.constant 48 : index
      %get3A_398 = tpu.vector_load %arg5[%get3A_395, %get3A_396, %get3A_397] {strides = array<i32>} : memref<16x8x128xf32, #tpu.memory_space<vmem>>, vector<16xf32>,
      %broadcast_in_dim3A_399 = arith.constant true
      %broadcast_in_dim3A_400 = vector.broadcast %broadcast_in_dim3A_399 : i1 to vector<16xi1>
      %masked_cumsum3A_401 = tpu.scan <sum>, %get3A_398 masked %broadcast_in_dim3A_400 : vector<16xf32>, vector<16xi1> -> vector<16xf32>
      %add3A_402 = vector.broadcast %squeeze3A_393 : f32 to vector<16xf32>
      %add3A_403 = arith.addf %masked_cumsum3A_401, %add3A_402 : vector<16xf32>
      %swap3A_404 = arith.constant 0 : i32
      %swap3A_405 = arith.index_cast %scan3A_346 : i32 to index
      %swap3A_406 = arith.index_cast %swap3A_404 : i32 to index
      %swap3A_407 = arith.constant 48 : index
      %swap3A_408 = tpu.vector_load %arg5[%swap3A_405, %swap3A_406, %swap3A_407] {strides = array<i32>} : memref<16x8x128xf32, #tpu.memory_space<vmem>>, vector<16xf32>,
      tpu.vector_store %arg5[%swap3A_405, %swap3A_406, %swap3A_407], %add3A_403 {strides = array<i32>} : memref<16x8x128xf32, #tpu.memory_space<vmem>>, vector<16xf32>,
      %slice3A_409 = vector.extract_strided_slice %add3A_403 {offsets = [15], sizes = [1], strides = [1]} : vector<16xf32> to vector<1xf32>
      %squeeze3A_410 = vector.extract %slice3A_409[0] : f32 from vector<1xf32>
      %get3A_411 = arith.constant 0 : i32
      %get3A_412 = arith.index_cast %scan3A_346 : i32 to index
      %get3A_413 = arith.index_cast %get3A_411 : i32 to index
      %get3A_414 = arith.constant 64 : index
      %get3A_415 = tpu.vector_load %arg5[%get3A_412, %get3A_413, %get3A_414] {strides = array<i32>} : memref<16x8x128xf32, #tpu.memory_space<vmem>>, vector<16xf32>,
      %broadcast_in_dim3A_416 = arith.constant true
      %broadcast_in_dim3A_417 = vector.broadcast %broadcast_in_dim3A_416 : i1 to vector<16xi1>
      %masked_cumsum3A_418 = tpu.scan <sum>, %get3A_415 masked %broadcast_in_dim3A_417 : vector<16xf32>, vector<16xi1> -> vector<16xf32>
      %add3A_419 = arith.constant 0.000000e+00 : f32
      %add3A_420 = vector.broadcast %add3A_419 : f32 to vector<16xf32>
      %add3A_421 = arith.addf %masked_cumsum3A_418, %add3A_420 : vector<16xf32>
      %swap3A_422 = arith.constant 0 : i32
      %swap3A_423 = arith.index_cast %scan3A_346 : i32 to index
      %swap3A_424 = arith.index_cast %swap3A_422 : i32 to index
      %swap3A_425 = arith.constant 64 : index
      %swap3A_426 = tpu.vector_load %arg5[%swap3A_423, %swap3A_424, %swap3A_425] {strides = array<i32>} : memref<16x8x128xf32, #tpu.memory_space<vmem>>, vector<16xf32>,
      tpu.vector_store %arg5[%swap3A_423, %swap3A_424, %swap3A_425], %add3A_421 {strides = array<i32>} : memref<16x8x128xf32, #tpu.memory_space<vmem>>, vector<16xf32>,
      %slice3A_427 = vector.extract_strided_slice %add3A_421 {offsets = [15], sizes = [1], strides = [1]} : vector<16xf32> to vector<1xf32>
      %squeeze3A_428 = vector.extract %slice3A_427[0] : f32 from vector<1xf32>
      %get3A_429 = arith.constant 0 : i32
      %get3A_430 = arith.index_cast %scan3A_346 : i32 to index
      %get3A_431 = arith.index_cast %get3A_429 : i32 to index
      %get3A_432 = arith.constant 80 : index
      %get3A_433 = tpu.vector_load %arg5[%get3A_430, %get3A_431, %get3A_432] {strides = array<i32>} : memref<16x8x128xf32, #tpu.memory_space<vmem>>, vector<16xf32>,
      %broadcast_in_dim3A_434 = arith.constant true
      %broadcast_in_dim3A_435 = vector.broadcast %broadcast_in_dim3A_434 : i1 to vector<16xi1>
      %masked_cumsum3A_436 = tpu.scan <sum>, %get3A_433 masked %broadcast_in_dim3A_435 : vector<16xf32>, vector<16xi1> -> vector<16xf32>
      %add3A_437 = vector.broadcast %squeeze3A_428 : f32 to vector<16xf32>
      %add3A_438 = arith.addf %masked_cumsum3A_436, %add3A_437 : vector<16xf32>
      %swap3A_439 = arith.constant 0 : i32
      %swap3A_440 = arith.index_cast %scan3A_346 : i32 to index
      %swap3A_441 = arith.index_cast %swap3A_439 : i32 to index
      %swap3A_442 = arith.constant 80 : index
      %swap3A_443 = tpu.vector_load %arg5[%swap3A_440, %swap3A_441, %swap3A_442] {strides = array<i32>} : memref<16x8x128xf32, #tpu.memory_space<vmem>>, vector<16xf32>,
      tpu.vector_store %arg5[%swap3A_440, %swap3A_441, %swap3A_442], %add3A_438 {strides = array<i32>} : memref<16x8x128xf32, #tpu.memory_space<vmem>>, vector<16xf32>,
      %slice3A_444 = vector.extract_strided_slice %add3A_438 {offsets = [15], sizes = [1], strides = [1]} : vector<16xf32> to vector<1xf32>
      %squeeze3A_445 = vector.extract %slice3A_444[0] : f32 from vector<1xf32>
      %get3A_446 = arith.constant 0 : i32
      %get3A_447 = arith.index_cast %scan3A_346 : i32 to index
      %get3A_448 = arith.index_cast %get3A_446 : i32 to index
      %get3A_449 = arith.constant 96 : index
      %get3A_450 = tpu.vector_load %arg5[%get3A_447, %get3A_448, %get3A_449] {strides = array<i32>} : memref<16x8x128xf32, #tpu.memory_space<vmem>>, vector<16xf32>,
      %broadcast_in_dim3A_451 = arith.constant true
      %broadcast_in_dim3A_452 = vector.broadcast %broadcast_in_dim3A_451 : i1 to vector<16xi1>
      %masked_cumsum3A_453 = tpu.scan <sum>, %get3A_450 masked %broadcast_in_dim3A_452 : vector<16xf32>, vector<16xi1> -> vector<16xf32>
      %add3A_454 = vector.broadcast %squeeze3A_445 : f32 to vector<16xf32>
      %add3A_455 = arith.addf %masked_cumsum3A_453, %add3A_454 : vector<16xf32>
      %swap3A_456 = arith.constant 0 : i32
      %swap3A_457 = arith.index_cast %scan3A_346 : i32 to index
      %swap3A_458 = arith.index_cast %swap3A_456 : i32 to index
      %swap3A_459 = arith.constant 96 : index
      %swap3A_460 = tpu.vector_load %arg5[%swap3A_457, %swap3A_458, %swap3A_459] {strides = array<i32>} : memref<16x8x128xf32, #tpu.memory_space<vmem>>, vector<16xf32>,
      tpu.vector_store %arg5[%swap3A_457, %swap3A_458, %swap3A_459], %add3A_455 {strides = array<i32>} : memref<16x8x128xf32, #tpu.memory_space<vmem>>, vector<16xf32>,
      %slice3A_461 = vector.extract_strided_slice %add3A_455 {offsets = [15], sizes = [1], strides = [1]} : vector<16xf32> to vector<1xf32>
      %squeeze3A_462 = vector.extract %slice3A_461[0] : f32 from vector<1xf32>
      %get3A_463 = arith.constant 0 : i32
      %get3A_464 = arith.index_cast %scan3A_346 : i32 to index
      %get3A_465 = arith.index_cast %get3A_463 : i32 to index
      %get3A_466 = arith.constant 112 : index
      %get3A_467 = tpu.vector_load %arg5[%get3A_464, %get3A_465, %get3A_466] {strides = array<i32>} : memref<16x8x128xf32, #tpu.memory_space<vmem>>, vector<16xf32>,
      %broadcast_in_dim3A_468 = arith.constant true
      %broadcast_in_dim3A_469 = vector.broadcast %broadcast_in_dim3A_468 : i1 to vector<16xi1>
      %masked_cumsum3A_470 = tpu.scan <sum>, %get3A_467 masked %broadcast_in_dim3A_469 : vector<16xf32>, vector<16xi1> -> vector<16xf32>
      %add3A_471 = vector.broadcast %squeeze3A_462 : f32 to vector<16xf32>
      %add3A_472 = arith.addf %masked_cumsum3A_470, %add3A_471 : vector<16xf32>
      %swap3A_473 = arith.constant 0 : i32
      %swap3A_474 = arith.index_cast %scan3A_346 : i32 to index
      %swap3A_475 = arith.index_cast %swap3A_473 : i32 to index
      %swap3A_476 = arith.constant 112 : index
      %swap3A_477 = tpu.vector_load %arg5[%swap3A_474, %swap3A_475, %swap3A_476] {strides = array<i32>} : memref<16x8x128xf32, #tpu.memory_space<vmem>>, vector<16xf32>,
      tpu.vector_store %arg5[%swap3A_474, %swap3A_475, %swap3A_476], %add3A_472 {strides = array<i32>} : memref<16x8x128xf32, #tpu.memory_space<vmem>>, vector<16xf32>,
      %slice3A_478 = vector.extract_strided_slice %add3A_472 {offsets = [15], sizes = [1], strides = [1]} : vector<16xf32> to vector<1xf32>
      %squeeze3A_479 = vector.extract %slice3A_478[0] : f32 from vector<1xf32>
      %get3A_480 = arith.constant 1 : i32
      %get3A_481 = arith.index_cast %scan3A_346 : i32 to index
      %get3A_482 = arith.index_cast %get3A_480 : i32 to index
      %get3A_483 = arith.constant 0 : index
      %get3A_484 = tpu.vector_load %arg5[%get3A_481, %get3A_482, %get3A_483] {strides = array<i32>} : memref<16x8x128xf32, #tpu.memory_space<vmem>>, vector<16xf32>,
      %broadcast_in_dim3A_485 = arith.constant true
      %broadcast_in_dim3A_486 = vector.broadcast %broadcast_in_dim3A_485 : i1 to vector<16xi1>
      %masked_cumsum3A_487 = tpu.scan <sum>, %get3A_484 masked %broadcast_in_dim3A_486 : vector<16xf32>, vector<16xi1> -> vector<16xf32>
      %add3A_488 = arith.constant 0.000000e+00 : f32
      %add3A_489 = vector.broadcast %add3A_488 : f32 to vector<16xf32>
      %add3A_490 = arith.addf %masked_cumsum3A_487, %add3A_489 : vector<16xf32>
      %swap3A_491 = arith.constant 1 : i32
      %swap3A_492 = arith.index_cast %scan3A_346 : i32 to index
      %swap3A_493 = arith.index_cast %swap3A_491 : i32 to index
      %swap3A_494 = arith.constant 0 : index
      %swap3A_495 = tpu.vector_load %arg5[%swap3A_492, %swap3A_493, %swap3A_494] {strides = array<i32>} : memref<16x8x128xf32, #tpu.memory_space<vmem>>, vector<16xf32>,
      tpu.vector_store %arg5[%swap3A_492, %swap3A_493, %swap3A_494], %add3A_490 {strides = array<i32>} : memref<16x8x128xf32, #tpu.memory_space<vmem>>, vector<16xf32>,
      %slice3A_496 = vector.extract_strided_slice %add3A_490 {offsets = [15], sizes = [1], strides = [1]} : vector<16xf32> to vector<1xf32>
      %squeeze3A_497 = vector.extract %slice3A_496[0] : f32 from vector<1xf32>
      %get3A_498 = arith.constant 1 : i32
      %get3A_499 = arith.index_cast %scan3A_346 : i32 to index
      %get3A_500 = arith.index_cast %get3A_498 : i32 to index
      %get3A_501 = arith.constant 16 : index
      %get3A_502 = tpu.vector_load %arg5[%get3A_499, %get3A_500, %get3A_501] {strides = array<i32>} : memref<16x8x128xf32, #tpu.memory_space<vmem>>, vector<16xf32>,
      %broadcast_in_dim3A_503 = arith.constant true
      %broadcast_in_dim3A_504 = vector.broadcast %broadcast_in_dim3A_503 : i1 to vector<16xi1>
      %masked_cumsum3A_505 = tpu.scan <sum>, %get3A_502 masked %broadcast_in_dim3A_504 : vector<16xf32>, vector<16xi1> -> vector<16xf32>
      %add3A_506 = vector.broadcast %squeeze3A_497 : f32 to vector<16xf32>
      %add3A_507 = arith.addf %masked_cumsum3A_505, %add3A_506 : vector<16xf32>
      %swap3A_508 = arith.constant 1 : i32
      %swap3A_509 = arith.index_cast %scan3A_346 : i32 to index
      %swap3A_510 = arith.index_cast %swap3A_508 : i32 to index
      %swap3A_511 = arith.constant 16 : index
      %swap3A_512 = tpu.vector_load %arg5[%swap3A_509, %swap3A_510, %swap3A_511] {strides = array<i32>} : memref<16x8x128xf32, #tpu.memory_space<vmem>>, vector<16xf32>,
      tpu.vector_store %arg5[%swap3A_509, %swap3A_510, %swap3A_511], %add3A_507 {strides = array<i32>} : memref<16x8x128xf32, #tpu.memory_space<vmem>>, vector<16xf32>,
      %slice3A_513 = vector.extract_strided_slice %add3A_507 {offsets = [15], sizes = [1], strides = [1]} : vector<16xf32> to vector<1xf32>
      %squeeze3A_514 = vector.extract %slice3A_513[0] : f32 from vector<1xf32>
      %get3A_515 = arith.constant 1 : i32
      %get3A_516 = arith.index_cast %scan3A_346 : i32 to index
      %get3A_517 = arith.index_cast %get3A_515 : i32 to index
      %get3A_518 = arith.constant 32 : index
      %get3A_519 = tpu.vector_load %arg5[%get3A_516, %get3A_517, %get3A_518] {strides = array<i32>} : memref<16x8x128xf32, #tpu.memory_space<vmem>>, vector<16xf32>,
      %broadcast_in_dim3A_520 = arith.constant true
      %broadcast_in_dim3A_521 = vector.broadcast %broadcast_in_dim3A_520 : i1 to vector<16xi1>
      %masked_cumsum3A_522 = tpu.scan <sum>, %get3A_519 masked %broadcast_in_dim3A_521 : vector<16xf32>, vector<16xi1> -> vector<16xf32>
      %add3A_523 = vector.broadcast %squeeze3A_514 : f32 to vector<16xf32>
      %add3A_524 = arith.addf %masked_cumsum3A_522, %add3A_523 : vector<16xf32>
      %swap3A_525 = arith.constant 1 : i32
      %swap3A_526 = arith.index_cast %scan3A_346 : i32 to index
      %swap3A_527 = arith.index_cast %swap3A_525 : i32 to index
      %swap3A_528 = arith.constant 32 : index
      %swap3A_529 = tpu.vector_load %arg5[%swap3A_526, %swap3A_527, %swap3A_528] {strides = array<i32>} : memref<16x8x128xf32, #tpu.memory_space<vmem>>, vector<16xf32>,
      tpu.vector_store %arg5[%swap3A_526, %swap3A_527, %swap3A_528], %add3A_524 {strides = array<i32>} : memref<16x8x128xf32, #tpu.memory_space<vmem>>, vector<16xf32>,
      %slice3A_530 = vector.extract_strided_slice %add3A_524 {offsets = [15], sizes = [1], strides = [1]} : vector<16xf32> to vector<1xf32>
      %squeeze3A_531 = vector.extract %slice3A_530[0] : f32 from vector<1xf32>
      %get3A_532 = arith.constant 1 : i32
      %get3A_533 = arith.index_cast %scan3A_346 : i32 to index
      %get3A_534 = arith.index_cast %get3A_532 : i32 to index
      %get3A_535 = arith.constant 48 : index
      %get3A_536 = tpu.vector_load %arg5[%get3A_533, %get3A_534, %get3A_535] {strides = array<i32>} : memref<16x8x128xf32, #tpu.memory_space<vmem>>, vector<16xf32>,
      %broadcast_in_dim3A_537 = arith.constant true
      %broadcast_in_dim3A_538 = vector.broadcast %broadcast_in_dim3A_537 : i1 to vector<16xi1>
      %masked_cumsum3A_539 = tpu.scan <sum>, %get3A_536 masked %broadcast_in_dim3A_538 : vector<16xf32>, vector<16xi1> -> vector<16xf32>
      %add3A_540 = vector.broadcast %squeeze3A_531 : f32 to vector<16xf32>
      %add3A_541 = arith.addf %masked_cumsum3A_539, %add3A_540 : vector<16xf32>
      %swap3A_542 = arith.constant 1 : i32
      %swap3A_543 = arith.index_cast %scan3A_346 : i32 to index
      %swap3A_544 = arith.index_cast %swap3A_542 : i32 to index
      %swap3A_545 = arith.constant 48 : index
      %swap3A_546 = tpu.vector_load %arg5[%swap3A_543, %swap3A_544, %swap3A_545] {strides = array<i32>} : memref<16x8x128xf32, #tpu.memory_space<vmem>>, vector<16xf32>,
      tpu.vector_store %arg5[%swap3A_543, %swap3A_544, %swap3A_545], %add3A_541 {strides = array<i32>} : memref<16x8x128xf32, #tpu.memory_space<vmem>>, vector<16xf32>,
      %slice3A_547 = vector.extract_strided_slice %add3A_541 {offsets = [15], sizes = [1], strides = [1]} : vector<16xf32> to vector<1xf32>
      %squeeze3A_548 = vector.extract %slice3A_547[0] : f32 from vector<1xf32>
      %get3A_549 = arith.constant 1 : i32
      %get3A_550 = arith.index_cast %scan3A_346 : i32 to index
      %get3A_551 = arith.index_cast %get3A_549 : i32 to index
      %get3A_552 = arith.constant 64 : index
      %get3A_553 = tpu.vector_load %arg5[%get3A_550, %get3A_551, %get3A_552] {strides = array<i32>} : memref<16x8x128xf32, #tpu.memory_space<vmem>>, vector<16xf32>,
      %broadcast_in_dim3A_554 = arith.constant true
      %broadcast_in_dim3A_555 = vector.broadcast %broadcast_in_dim3A_554 : i1 to vector<16xi1>
      %masked_cumsum3A_556 = tpu.scan <sum>, %get3A_553 masked %broadcast_in_dim3A_555 : vector<16xf32>, vector<16xi1> -> vector<16xf32>
      %add3A_557 = arith.constant 0.000000e+00 : f32
      %add3A_558 = vector.broadcast %add3A_557 : f32 to vector<16xf32>
      %add3A_559 = arith.addf %masked_cumsum3A_556, %add3A_558 : vector<16xf32>
      %swap3A_560 = arith.constant 1 : i32
      %swap3A_561 = arith.index_cast %scan3A_346 : i32 to index
      %swap3A_562 = arith.index_cast %swap3A_560 : i32 to index
      %swap3A_563 = arith.constant 64 : index
      %swap3A_564 = tpu.vector_load %arg5[%swap3A_561, %swap3A_562, %swap3A_563] {strides = array<i32>} : memref<16x8x128xf32, #tpu.memory_space<vmem>>, vector<16xf32>,
      tpu.vector_store %arg5[%swap3A_561, %swap3A_562, %swap3A_563], %add3A_559 {strides = array<i32>} : memref<16x8x128xf32, #tpu.memory_space<vmem>>, vector<16xf32>,
      %slice3A_565 = vector.extract_strided_slice %add3A_559 {offsets = [15], sizes = [1], strides = [1]} : vector<16xf32> to vector<1xf32>
      %squeeze3A_566 = vector.extract %slice3A_565[0] : f32 from vector<1xf32>
      %get3A_567 = arith.constant 1 : i32
      %get3A_568 = arith.index_cast %scan3A_346 : i32 to index
      %get3A_569 = arith.index_cast %get3A_567 : i32 to index
      %get3A_570 = arith.constant 80 : index
      %get3A_571 = tpu.vector_load %arg5[%get3A_568, %get3A_569, %get3A_570] {strides = array<i32>} : memref<16x8x128xf32, #tpu.memory_space<vmem>>, vector<16xf32>,
      %broadcast_in_dim3A_572 = arith.constant true
      %broadcast_in_dim3A_573 = vector.broadcast %broadcast_in_dim3A_572 : i1 to vector<16xi1>
      %masked_cumsum3A_574 = tpu.scan <sum>, %get3A_571 masked %broadcast_in_dim3A_573 : vector<16xf32>, vector<16xi1> -> vector<16xf32>
      %add3A_575 = vector.broadcast %squeeze3A_566 : f32 to vector<16xf32>
      %add3A_576 = arith.addf %masked_cumsum3A_574, %add3A_575 : vector<16xf32>
      %swap3A_577 = arith.constant 1 : i32
      %swap3A_578 = arith.index_cast %scan3A_346 : i32 to index
      %swap3A_579 = arith.index_cast %swap3A_577 : i32 to index
      %swap3A_580 = arith.constant 80 : index
      %swap3A_581 = tpu.vector_load %arg5[%swap3A_578, %swap3A_579, %swap3A_580] {strides = array<i32>} : memref<16x8x128xf32, #tpu.memory_space<vmem>>, vector<16xf32>,
      tpu.vector_store %arg5[%swap3A_578, %swap3A_579, %swap3A_580], %add3A_576 {strides = array<i32>} : memref<16x8x128xf32, #tpu.memory_space<vmem>>, vector<16xf32>,
      %slice3A_582 = vector.extract_strided_slice %add3A_576 {offsets = [15], sizes = [1], strides = [1]} : vector<16xf32> to vector<1xf32>
      %squeeze3A_583 = vector.extract %slice3A_582[0] : f32 from vector<1xf32>
      %get3A_584 = arith.constant 1 : i32
      %get3A_585 = arith.index_cast %scan3A_346 : i32 to index
      %get3A_586 = arith.index_cast %get3A_584 : i32 to index
      %get3A_587 = arith.constant 96 : index
      %get3A_588 = tpu.vector_load %arg5[%get3A_585, %get3A_586, %get3A_587] {strides = array<i32>} : memref<16x8x128xf32, #tpu.memory_space<vmem>>, vector<16xf32>,
      %broadcast_in_dim3A_589 = arith.constant true
      %broadcast_in_dim3A_590 = vector.broadcast %broadcast_in_dim3A_589 : i1 to vector<16xi1>
      %masked_cumsum3A_591 = tpu.scan <sum>, %get3A_588 masked %broadcast_in_dim3A_590 : vector<16xf32>, vector<16xi1> -> vector<16xf32>
      %add3A_592 = vector.broadcast %squeeze3A_583 : f32 to vector<16xf32>
      %add3A_593 = arith.addf %masked_cumsum3A_591, %add3A_592 : vector<16xf32>
      %swap3A_594 = arith.constant 1 : i32
      %swap3A_595 = arith.index_cast %scan3A_346 : i32 to index
      %swap3A_596 = arith.index_cast %swap3A_594 : i32 to index
      %swap3A_597 = arith.constant 96 : index
      %swap3A_598 = tpu.vector_load %arg5[%swap3A_595, %swap3A_596, %swap3A_597] {strides = array<i32>} : memref<16x8x128xf32, #tpu.memory_space<vmem>>, vector<16xf32>,
      tpu.vector_store %arg5[%swap3A_595, %swap3A_596, %swap3A_597], %add3A_593 {strides = array<i32>} : memref<16x8x128xf32, #tpu.memory_space<vmem>>, vector<16xf32>,
      %slice3A_599 = vector.extract_strided_slice %add3A_593 {offsets = [15], sizes = [1], strides = [1]} : vector<16xf32> to vector<1xf32>
      %squeeze3A_600 = vector.extract %slice3A_599[0] : f32 from vector<1xf32>
      %get3A_601 = arith.constant 1 : i32
      %get3A_602 = arith.index_cast %scan3A_346 : i32 to index
      %get3A_603 = arith.index_cast %get3A_601 : i32 to index
      %get3A_604 = arith.constant 112 : index
      %get3A_605 = tpu.vector_load %arg5[%get3A_602, %get3A_603, %get3A_604] {strides = array<i32>} : memref<16x8x128xf32, #tpu.memory_space<vmem>>, vector<16xf32>,
      %broadcast_in_dim3A_606 = arith.constant true
      %broadcast_in_dim3A_607 = vector.broadcast %broadcast_in_dim3A_606 : i1 to vector<16xi1>
      %masked_cumsum3A_608 = tpu.scan <sum>, %get3A_605 masked %broadcast_in_dim3A_607 : vector<16xf32>, vector<16xi1> -> vector<16xf32>
      %add3A_609 = vector.broadcast %squeeze3A_600 : f32 to vector<16xf32>
      %add3A_610 = arith.addf %masked_cumsum3A_608, %add3A_609 : vector<16xf32>
      %swap3A_611 = arith.constant 1 : i32
      %swap3A_612 = arith.index_cast %scan3A_346 : i32 to index
      %swap3A_613 = arith.index_cast %swap3A_611 : i32 to index
      %swap3A_614 = arith.constant 112 : index
      %swap3A_615 = tpu.vector_load %arg5[%swap3A_612, %swap3A_613, %swap3A_614] {strides = array<i32>} : memref<16x8x128xf32, #tpu.memory_space<vmem>>, vector<16xf32>,
      tpu.vector_store %arg5[%swap3A_612, %swap3A_613, %swap3A_614], %add3A_610 {strides = array<i32>} : memref<16x8x128xf32, #tpu.memory_space<vmem>>, vector<16xf32>,
      %slice3A_616 = vector.extract_strided_slice %add3A_610 {offsets = [15], sizes = [1], strides = [1]} : vector<16xf32> to vector<1xf32>
      %squeeze3A_617 = vector.extract %slice3A_616[0] : f32 from vector<1xf32>
      %get3A_618 = arith.constant 2 : i32
      %get3A_619 = arith.index_cast %scan3A_346 : i32 to index
      %get3A_620 = arith.index_cast %get3A_618 : i32 to index
      %get3A_621 = arith.constant 0 : index
      %get3A_622 = tpu.vector_load %arg5[%get3A_619, %get3A_620, %get3A_621] {strides = array<i32>} : memref<16x8x128xf32, #tpu.memory_space<vmem>>, vector<16xf32>,
      %broadcast_in_dim3A_623 = arith.constant true
      %broadcast_in_dim3A_624 = vector.broadcast %broadcast_in_dim3A_623 : i1 to vector<16xi1>
      %masked_cumsum3A_625 = tpu.scan <sum>, %get3A_622 masked %broadcast_in_dim3A_624 : vector<16xf32>, vector<16xi1> -> vector<16xf32>
      %add3A_626 = arith.constant 0.000000e+00 : f32
      %add3A_627 = vector.broadcast %add3A_626 : f32 to vector<16xf32>
      %add3A_628 = arith.addf %masked_cumsum3A_625, %add3A_627 : vector<16xf32>
      %swap3A_629 = arith.constant 2 : i32
      %swap3A_630 = arith.index_cast %scan3A_346 : i32 to index
      %swap3A_631 = arith.index_cast %swap3A_629 : i32 to index
      %swap3A_632 = arith.constant 0 : index
      %swap3A_633 = tpu.vector_load %arg5[%swap3A_630, %swap3A_631, %swap3A_632] {strides = array<i32>} : memref<16x8x128xf32, #tpu.memory_space<vmem>>, vector<16xf32>,
      tpu.vector_store %arg5[%swap3A_630, %swap3A_631, %swap3A_632], %add3A_628 {strides = array<i32>} : memref<16x8x128xf32, #tpu.memory_space<vmem>>, vector<16xf32>,
      %slice3A_634 = vector.extract_strided_slice %add3A_628 {offsets = [15], sizes = [1], strides = [1]} : vector<16xf32> to vector<1xf32>
      %squeeze3A_635 = vector.extract %slice3A_634[0] : f32 from vector<1xf32>
      %get3A_636 = arith.constant 2 : i32
      %get3A_637 = arith.index_cast %scan3A_346 : i32 to index
      %get3A_638 = arith.index_cast %get3A_636 : i32 to index
      %get3A_639 = arith.constant 16 : index
      %get3A_640 = tpu.vector_load %arg5[%get3A_637, %get3A_638, %get3A_639] {strides = array<i32>} : memref<16x8x128xf32, #tpu.memory_space<vmem>>, vector<16xf32>,
      %broadcast_in_dim3A_641 = arith.constant true
      %broadcast_in_dim3A_642 = vector.broadcast %broadcast_in_dim3A_641 : i1 to vector<16xi1>
      %masked_cumsum3A_643 = tpu.scan <sum>, %get3A_640 masked %broadcast_in_dim3A_642 : vector<16xf32>, vector<16xi1> -> vector<16xf32>
      %add3A_644 = vector.broadcast %squeeze3A_635 : f32 to vector<16xf32>
      %add3A_645 = arith.addf %masked_cumsum3A_643, %add3A_644 : vector<16xf32>
      %swap3A_646 = arith.constant 2 : i32
      %swap3A_647 = arith.index_cast %scan3A_346 : i32 to index
      %swap3A_648 = arith.index_cast %swap3A_646 : i32 to index
      %swap3A_649 = arith.constant 16 : index
      %swap3A_650 = tpu.vector_load %arg5[%swap3A_647, %swap3A_648, %swap3A_649] {strides = array<i32>} : memref<16x8x128xf32, #tpu.memory_space<vmem>>, vector<16xf32>,
      tpu.vector_store %arg5[%swap3A_647, %swap3A_648, %swap3A_649], %add3A_645 {strides = array<i32>} : memref<16x8x128xf32, #tpu.memory_space<vmem>>, vector<16xf32>,
      %slice3A_651 = vector.extract_strided_slice %add3A_645 {offsets = [15], sizes = [1], strides = [1]} : vector<16xf32> to vector<1xf32>
      %squeeze3A_652 = vector.extract %slice3A_651[0] : f32 from vector<1xf32>
      %get3A_653 = arith.constant 2 : i32
      %get3A_654 = arith.index_cast %scan3A_346 : i32 to index
      %get3A_655 = arith.index_cast %get3A_653 : i32 to index
      %get3A_656 = arith.constant 32 : index
      %get3A_657 = tpu.vector_load %arg5[%get3A_654, %get3A_655, %get3A_656] {strides = array<i32>} : memref<16x8x128xf32, #tpu.memory_space<vmem>>, vector<16xf32>,
      %broadcast_in_dim3A_658 = arith.constant true
      %broadcast_in_dim3A_659 = vector.broadcast %broadcast_in_dim3A_658 : i1 to vector<16xi1>
      %masked_cumsum3A_660 = tpu.scan <sum>, %get3A_657 masked %broadcast_in_dim3A_659 : vector<16xf32>, vector<16xi1> -> vector<16xf32>
      %add3A_661 = vector.broadcast %squeeze3A_652 : f32 to vector<16xf32>
      %add3A_662 = arith.addf %masked_cumsum3A_660, %add3A_661 : vector<16xf32>
      %swap3A_663 = arith.constant 2 : i32
      %swap3A_664 = arith.index_cast %scan3A_346 : i32 to index
      %swap3A_665 = arith.index_cast %swap3A_663 : i32 to index
      %swap3A_666 = arith.constant 32 : index
      %swap3A_667 = tpu.vector_load %arg5[%swap3A_664, %swap3A_665, %swap3A_666] {strides = array<i32>} : memref<16x8x128xf32, #tpu.memory_space<vmem>>, vector<16xf32>,
      tpu.vector_store %arg5[%swap3A_664, %swap3A_665, %swap3A_666], %add3A_662 {strides = array<i32>} : memref<16x8x128xf32, #tpu.memory_space<vmem>>, vector<16xf32>,
      %slice3A_668 = vector.extract_strided_slice %add3A_662 {offsets = [15], sizes = [1], strides = [1]} : vector<16xf32> to vector<1xf32>
      %squeeze3A_669 = vector.extract %slice3A_668[0] : f32 from vector<1xf32>
      %get3A_670 = arith.constant 2 : i32
      %get3A_671 = arith.index_cast %scan3A_346 : i32 to index
      %get3A_672 = arith.index_cast %get3A_670 : i32 to index
      %get3A_673 = arith.constant 48 : index
      %get3A_674 = tpu.vector_load %arg5[%get3A_671, %get3A_672, %get3A_673] {strides = array<i32>} : memref<16x8x128xf32, #tpu.memory_space<vmem>>, vector<16xf32>,
      %broadcast_in_dim3A_675 = arith.constant true
      %broadcast_in_dim3A_676 = vector.broadcast %broadcast_in_dim3A_675 : i1 to vector<16xi1>
      %masked_cumsum3A_677 = tpu.scan <sum>, %get3A_674 masked %broadcast_in_dim3A_676 : vector<16xf32>, vector<16xi1> -> vector<16xf32>
      %add3A_678 = vector.broadcast %squeeze3A_669 : f32 to vector<16xf32>
      %add3A_679 = arith.addf %masked_cumsum3A_677, %add3A_678 : vector<16xf32>
      %swap3A_680 = arith.constant 2 : i32
      %swap3A_681 = arith.index_cast %scan3A_346 : i32 to index
      %swap3A_682 = arith.index_cast %swap3A_680 : i32 to index
      %swap3A_683 = arith.constant 48 : index
      %swap3A_684 = tpu.vector_load %arg5[%swap3A_681, %swap3A_682, %swap3A_683] {strides = array<i32>} : memref<16x8x128xf32, #tpu.memory_space<vmem>>, vector<16xf32>,
      tpu.vector_store %arg5[%swap3A_681, %swap3A_682, %swap3A_683], %add3A_679 {strides = array<i32>} : memref<16x8x128xf32, #tpu.memory_space<vmem>>, vector<16xf32>,
      %slice3A_685 = vector.extract_strided_slice %add3A_679 {offsets = [15], sizes = [1], strides = [1]} : vector<16xf32> to vector<1xf32>
      %squeeze3A_686 = vector.extract %slice3A_685[0] : f32 from vector<1xf32>
      %get3A_687 = arith.constant 2 : i32
      %get3A_688 = arith.index_cast %scan3A_346 : i32 to index
      %get3A_689 = arith.index_cast %get3A_687 : i32 to index
      %get3A_690 = arith.constant 64 : index
      %get3A_691 = tpu.vector_load %arg5[%get3A_688, %get3A_689, %get3A_690] {strides = array<i32>} : memref<16x8x128xf32, #tpu.memory_space<vmem>>, vector<16xf32>,
      %broadcast_in_dim3A_692 = arith.constant true
      %broadcast_in_dim3A_693 = vector.broadcast %broadcast_in_dim3A_692 : i1 to vector<16xi1>
      %masked_cumsum3A_694 = tpu.scan <sum>, %get3A_691 masked %broadcast_in_dim3A_693 : vector<16xf32>, vector<16xi1> -> vector<16xf32>
      %add3A_695 = arith.constant 0.000000e+00 : f32
      %add3A_696 = vector.broadcast %add3A_695 : f32 to vector<16xf32>
      %add3A_697 = arith.addf %masked_cumsum3A_694, %add3A_696 : vector<16xf32>
      %swap3A_698 = arith.constant 2 : i32
      %swap3A_699 = arith.index_cast %scan3A_346 : i32 to index
      %swap3A_700 = arith.index_cast %swap3A_698 : i32 to index
      %swap3A_701 = arith.constant 64 : index
      %swap3A_702 = tpu.vector_load %arg5[%swap3A_699, %swap3A_700, %swap3A_701] {strides = array<i32>} : memref<16x8x128xf32, #tpu.memory_space<vmem>>, vector<16xf32>,
      tpu.vector_store %arg5[%swap3A_699, %swap3A_700, %swap3A_701], %add3A_697 {strides = array<i32>} : memref<16x8x128xf32, #tpu.memory_space<vmem>>, vector<16xf32>,
      %slice3A_703 = vector.extract_strided_slice %add3A_697 {offsets = [15], sizes = [1], strides = [1]} : vector<16xf32> to vector<1xf32>
      %squeeze3A_704 = vector.extract %slice3A_703[0] : f32 from vector<1xf32>
      %get3A_705 = arith.constant 2 : i32
      %get3A_706 = arith.index_cast %scan3A_346 : i32 to index
      %get3A_707 = arith.index_cast %get3A_705 : i32 to index
      %get3A_708 = arith.constant 80 : index
      %get3A_709 = tpu.vector_load %arg5[%get3A_706, %get3A_707, %get3A_708] {strides = array<i32>} : memref<16x8x128xf32, #tpu.memory_space<vmem>>, vector<16xf32>,
      %broadcast_in_dim3A_710 = arith.constant true
      %broadcast_in_dim3A_711 = vector.broadcast %broadcast_in_dim3A_710 : i1 to vector<16xi1>
      %masked_cumsum3A_712 = tpu.scan <sum>, %get3A_709 masked %broadcast_in_dim3A_711 : vector<16xf32>, vector<16xi1> -> vector<16xf32>
      %add3A_713 = vector.broadcast %squeeze3A_704 : f32 to vector<16xf32>
      %add3A_714 = arith.addf %masked_cumsum3A_712, %add3A_713 : vector<16xf32>
      %swap3A_715 = arith.constant 2 : i32
      %swap3A_716 = arith.index_cast %scan3A_346 : i32 to index
      %swap3A_717 = arith.index_cast %swap3A_715 : i32 to index
      %swap3A_718 = arith.constant 80 : index
      %swap3A_719 = tpu.vector_load %arg5[%swap3A_716, %swap3A_717, %swap3A_718] {strides = array<i32>} : memref<16x8x128xf32, #tpu.memory_space<vmem>>, vector<16xf32>,
      tpu.vector_store %arg5[%swap3A_716, %swap3A_717, %swap3A_718], %add3A_714 {strides = array<i32>} : memref<16x8x128xf32, #tpu.memory_space<vmem>>, vector<16xf32>,
      %slice3A_720 = vector.extract_strided_slice %add3A_714 {offsets = [15], sizes = [1], strides = [1]} : vector<16xf32> to vector<1xf32>
      %squeeze3A_721 = vector.extract %slice3A_720[0] : f32 from vector<1xf32>
      %get3A_722 = arith.constant 2 : i32
      %get3A_723 = arith.index_cast %scan3A_346 : i32 to index
      %get3A_724 = arith.index_cast %get3A_722 : i32 to index
      %get3A_725 = arith.constant 96 : index
      %get3A_726 = tpu.vector_load %arg5[%get3A_723, %get3A_724, %get3A_725] {strides = array<i32>} : memref<16x8x128xf32, #tpu.memory_space<vmem>>, vector<16xf32>,
      %broadcast_in_dim3A_727 = arith.constant true
      %broadcast_in_dim3A_728 = vector.broadcast %broadcast_in_dim3A_727 : i1 to vector<16xi1>
      %masked_cumsum3A_729 = tpu.scan <sum>, %get3A_726 masked %broadcast_in_dim3A_728 : vector<16xf32>, vector<16xi1> -> vector<16xf32>
      %add3A_730 = vector.broadcast %squeeze3A_721 : f32 to vector<16xf32>
      %add3A_731 = arith.addf %masked_cumsum3A_729, %add3A_730 : vector<16xf32>
      %swap3A_732 = arith.constant 2 : i32
      %swap3A_733 = arith.index_cast %scan3A_346 : i32 to index
      %swap3A_734 = arith.index_cast %swap3A_732 : i32 to index
      %swap3A_735 = arith.constant 96 : index
      %swap3A_736 = tpu.vector_load %arg5[%swap3A_733, %swap3A_734, %swap3A_735] {strides = array<i32>} : memref<16x8x128xf32, #tpu.memory_space<vmem>>, vector<16xf32>,
      tpu.vector_store %arg5[%swap3A_733, %swap3A_734, %swap3A_735], %add3A_731 {strides = array<i32>} : memref<16x8x128xf32, #tpu.memory_space<vmem>>, vector<16xf32>,
      %slice3A_737 = vector.extract_strided_slice %add3A_731 {offsets = [15], sizes = [1], strides = [1]} : vector<16xf32> to vector<1xf32>
      %squeeze3A_738 = vector.extract %slice3A_737[0] : f32 from vector<1xf32>
      %get3A_739 = arith.constant 2 : i32
      %get3A_740 = arith.index_cast %scan3A_346 : i32 to index
      %get3A_741 = arith.index_cast %get3A_739 : i32 to index
      %get3A_742 = arith.constant 112 : index
      %get3A_743 = tpu.vector_load %arg5[%get3A_740, %get3A_741, %get3A_742] {strides = array<i32>} : memref<16x8x128xf32, #tpu.memory_space<vmem>>, vector<16xf32>,
      %broadcast_in_dim3A_744 = arith.constant true
      %broadcast_in_dim3A_745 = vector.broadcast %broadcast_in_dim3A_744 : i1 to vector<16xi1>
      %masked_cumsum3A_746 = tpu.scan <sum>, %get3A_743 masked %broadcast_in_dim3A_745 : vector<16xf32>, vector<16xi1> -> vector<16xf32>
      %add3A_747 = vector.broadcast %squeeze3A_738 : f32 to vector<16xf32>
      %add3A_748 = arith.addf %masked_cumsum3A_746, %add3A_747 : vector<16xf32>
      %swap3A_749 = arith.constant 2 : i32
      %swap3A_750 = arith.index_cast %scan3A_346 : i32 to index
      %swap3A_751 = arith.index_cast %swap3A_749 : i32 to index
      %swap3A_752 = arith.constant 112 : index
      %swap3A_753 = tpu.vector_load %arg5[%swap3A_750, %swap3A_751, %swap3A_752] {strides = array<i32>} : memref<16x8x128xf32, #tpu.memory_space<vmem>>, vector<16xf32>,
      tpu.vector_store %arg5[%swap3A_750, %swap3A_751, %swap3A_752], %add3A_748 {strides = array<i32>} : memref<16x8x128xf32, #tpu.memory_space<vmem>>, vector<16xf32>,
      %slice3A_754 = vector.extract_strided_slice %add3A_748 {offsets = [15], sizes = [1], strides = [1]} : vector<16xf32> to vector<1xf32>
      %squeeze3A_755 = vector.extract %slice3A_754[0] : f32 from vector<1xf32>
      %get3A_756 = arith.constant 3 : i32
      %get3A_757 = arith.index_cast %scan3A_346 : i32 to index
      %get3A_758 = arith.index_cast %get3A_756 : i32 to index
      %get3A_759 = arith.constant 0 : index
      %get3A_760 = tpu.vector_load %arg5[%get3A_757, %get3A_758, %get3A_759] {strides = array<i32>} : memref<16x8x128xf32, #tpu.memory_space<vmem>>, vector<16xf32>,
      %broadcast_in_dim3A_761 = arith.constant true
      %broadcast_in_dim3A_762 = vector.broadcast %broadcast_in_dim3A_761 : i1 to vector<16xi1>
      %masked_cumsum3A_763 = tpu.scan <sum>, %get3A_760 masked %broadcast_in_dim3A_762 : vector<16xf32>, vector<16xi1> -> vector<16xf32>
      %add3A_764 = arith.constant 0.000000e+00 : f32
      %add3A_765 = vector.broadcast %add3A_764 : f32 to vector<16xf32>
      %add3A_766 = arith.addf %masked_cumsum3A_763, %add3A_765 : vector<16xf32>
      %swap3A_767 = arith.constant 3 : i32
      %swap3A_768 = arith.index_cast %scan3A_346 : i32 to index
      %swap3A_769 = arith.index_cast %swap3A_767 : i32 to index
      %swap3A_770 = arith.constant 0 : index
      %swap3A_771 = tpu.vector_load %arg5[%swap3A_768, %swap3A_769, %swap3A_770] {strides = array<i32>} : memref<16x8x128xf32, #tpu.memory_space<vmem>>, vector<16xf32>,
      tpu.vector_store %arg5[%swap3A_768, %swap3A_769, %swap3A_770], %add3A_766 {strides = array<i32>} : memref<16x8x128xf32, #tpu.memory_space<vmem>>, vector<16xf32>,
      %slice3A_772 = vector.extract_strided_slice %add3A_766 {offsets = [15], sizes = [1], strides = [1]} : vector<16xf32> to vector<1xf32>
      %squeeze3A_773 = vector.extract %slice3A_772[0] : f32 from vector<1xf32>
      %get3A_774 = arith.constant 3 : i32
      %get3A_775 = arith.index_cast %scan3A_346 : i32 to index
      %get3A_776 = arith.index_cast %get3A_774 : i32 to index
      %get3A_777 = arith.constant 16 : index
      %get3A_778 = tpu.vector_load %arg5[%get3A_775, %get3A_776, %get3A_777] {strides = array<i32>} : memref<16x8x128xf32, #tpu.memory_space<vmem>>, vector<16xf32>,
      %broadcast_in_dim3A_779 = arith.constant true
      %broadcast_in_dim3A_780 = vector.broadcast %broadcast_in_dim3A_779 : i1 to vector<16xi1>
      %masked_cumsum3A_781 = tpu.scan <sum>, %get3A_778 masked %broadcast_in_dim3A_780 : vector<16xf32>, vector<16xi1> -> vector<16xf32>
      %add3A_782 = vector.broadcast %squeeze3A_773 : f32 to vector<16xf32>
      %add3A_783 = arith.addf %masked_cumsum3A_781, %add3A_782 : vector<16xf32>
      %swap3A_784 = arith.constant 3 : i32
      %swap3A_785 = arith.index_cast %scan3A_346 : i32 to index
      %swap3A_786 = arith.index_cast %swap3A_784 : i32 to index
      %swap3A_787 = arith.constant 16 : index
      %swap3A_788 = tpu.vector_load %arg5[%swap3A_785, %swap3A_786, %swap3A_787] {strides = array<i32>} : memref<16x8x128xf32, #tpu.memory_space<vmem>>, vector<16xf32>,
      tpu.vector_store %arg5[%swap3A_785, %swap3A_786, %swap3A_787], %add3A_783 {strides = array<i32>} : memref<16x8x128xf32, #tpu.memory_space<vmem>>, vector<16xf32>,
      %slice3A_789 = vector.extract_strided_slice %add3A_783 {offsets = [15], sizes = [1], strides = [1]} : vector<16xf32> to vector<1xf32>
      %squeeze3A_790 = vector.extract %slice3A_789[0] : f32 from vector<1xf32>
      %get3A_791 = arith.constant 3 : i32
      %get3A_792 = arith.index_cast %scan3A_346 : i32 to index
      %get3A_793 = arith.index_cast %get3A_791 : i32 to index
      %get3A_794 = arith.constant 32 : index
      %get3A_795 = tpu.vector_load %arg5[%get3A_792, %get3A_793, %get3A_794] {strides = array<i32>} : memref<16x8x128xf32, #tpu.memory_space<vmem>>, vector<16xf32>,
      %broadcast_in_dim3A_796 = arith.constant true
      %broadcast_in_dim3A_797 = vector.broadcast %broadcast_in_dim3A_796 : i1 to vector<16xi1>
      %masked_cumsum3A_798 = tpu.scan <sum>, %get3A_795 masked %broadcast_in_dim3A_797 : vector<16xf32>, vector<16xi1> -> vector<16xf32>
      %add3A_799 = vector.broadcast %squeeze3A_790 : f32 to vector<16xf32>
      %add3A_800 = arith.addf %masked_cumsum3A_798, %add3A_799 : vector<16xf32>
      %swap3A_801 = arith.constant 3 : i32
      %swap3A_802 = arith.index_cast %scan3A_346 : i32 to index
      %swap3A_803 = arith.index_cast %swap3A_801 : i32 to index
      %swap3A_804 = arith.constant 32 : index
      %swap3A_805 = tpu.vector_load %arg5[%swap3A_802, %swap3A_803, %swap3A_804] {strides = array<i32>} : memref<16x8x128xf32, #tpu.memory_space<vmem>>, vector<16xf32>,
      tpu.vector_store %arg5[%swap3A_802, %swap3A_803, %swap3A_804], %add3A_800 {strides = array<i32>} : memref<16x8x128xf32, #tpu.memory_space<vmem>>, vector<16xf32>,
      %slice3A_806 = vector.extract_strided_slice %add3A_800 {offsets = [15], sizes = [1], strides = [1]} : vector<16xf32> to vector<1xf32>
      %squeeze3A_807 = vector.extract %slice3A_806[0] : f32 from vector<1xf32>
      %get3A_808 = arith.constant 3 : i32
      %get3A_809 = arith.index_cast %scan3A_346 : i32 to index
      %get3A_810 = arith.index_cast %get3A_808 : i32 to index
      %get3A_811 = arith.constant 48 : index
      %get3A_812 = tpu.vector_load %arg5[%get3A_809, %get3A_810, %get3A_811] {strides = array<i32>} : memref<16x8x128xf32, #tpu.memory_space<vmem>>, vector<16xf32>,
      %broadcast_in_dim3A_813 = arith.constant true
      %broadcast_in_dim3A_814 = vector.broadcast %broadcast_in_dim3A_813 : i1 to vector<16xi1>
      %masked_cumsum3A_815 = tpu.scan <sum>, %get3A_812 masked %broadcast_in_dim3A_814 : vector<16xf32>, vector<16xi1> -> vector<16xf32>
      %add3A_816 = vector.broadcast %squeeze3A_807 : f32 to vector<16xf32>
      %add3A_817 = arith.addf %masked_cumsum3A_815, %add3A_816 : vector<16xf32>
      %swap3A_818 = arith.constant 3 : i32
      %swap3A_819 = arith.index_cast %scan3A_346 : i32 to index
      %swap3A_820 = arith.index_cast %swap3A_818 : i32 to index
      %swap3A_821 = arith.constant 48 : index
      %swap3A_822 = tpu.vector_load %arg5[%swap3A_819, %swap3A_820, %swap3A_821] {strides = array<i32>} : memref<16x8x128xf32, #tpu.memory_space<vmem>>, vector<16xf32>,
      tpu.vector_store %arg5[%swap3A_819, %swap3A_820, %swap3A_821], %add3A_817 {strides = array<i32>} : memref<16x8x128xf32, #tpu.memory_space<vmem>>, vector<16xf32>,
      %slice3A_823 = vector.extract_strided_slice %add3A_817 {offsets = [15], sizes = [1], strides = [1]} : vector<16xf32> to vector<1xf32>
      %squeeze3A_824 = vector.extract %slice3A_823[0] : f32 from vector<1xf32>
      %get3A_825 = arith.constant 3 : i32
      %get3A_826 = arith.index_cast %scan3A_346 : i32 to index
      %get3A_827 = arith.index_cast %get3A_825 : i32 to index
      %get3A_828 = arith.constant 64 : index
      %get3A_829 = tpu.vector_load %arg5[%get3A_826, %get3A_827, %get3A_828] {strides = array<i32>} : memref<16x8x128xf32, #tpu.memory_space<vmem>>, vector<16xf32>,
      %broadcast_in_dim3A_830 = arith.constant true
      %broadcast_in_dim3A_831 = vector.broadcast %broadcast_in_dim3A_830 : i1 to vector<16xi1>
      %masked_cumsum3A_832 = tpu.scan <sum>, %get3A_829 masked %broadcast_in_dim3A_831 : vector<16xf32>, vector<16xi1> -> vector<16xf32>
      %add3A_833 = arith.constant 0.000000e+00 : f32
      %add3A_834 = vector.broadcast %add3A_833 : f32 to vector<16xf32>
      %add3A_835 = arith.addf %masked_cumsum3A_832, %add3A_834 : vector<16xf32>
      %swap3A_836 = arith.constant 3 : i32
      %swap3A_837 = arith.index_cast %scan3A_346 : i32 to index
      %swap3A_838 = arith.index_cast %swap3A_836 : i32 to index
      %swap3A_839 = arith.constant 64 : index
      %swap3A_840 = tpu.vector_load %arg5[%swap3A_837, %swap3A_838, %swap3A_839] {strides = array<i32>} : memref<16x8x128xf32, #tpu.memory_space<vmem>>, vector<16xf32>,
      tpu.vector_store %arg5[%swap3A_837, %swap3A_838, %swap3A_839], %add3A_835 {strides = array<i32>} : memref<16x8x128xf32, #tpu.memory_space<vmem>>, vector<16xf32>,
      %slice3A_841 = vector.extract_strided_slice %add3A_835 {offsets = [15], sizes = [1], strides = [1]} : vector<16xf32> to vector<1xf32>
      %squeeze3A_842 = vector.extract %slice3A_841[0] : f32 from vector<1xf32>
      %get3A_843 = arith.constant 3 : i32
      %get3A_844 = arith.index_cast %scan3A_346 : i32 to index
      %get3A_845 = arith.index_cast %get3A_843 : i32 to index
      %get3A_846 = arith.constant 80 : index
      %get3A_847 = tpu.vector_load %arg5[%get3A_844, %get3A_845, %get3A_846] {strides = array<i32>} : memref<16x8x128xf32, #tpu.memory_space<vmem>>, vector<16xf32>,
      %broadcast_in_dim3A_848 = arith.constant true
      %broadcast_in_dim3A_849 = vector.broadcast %broadcast_in_dim3A_848 : i1 to vector<16xi1>
      %masked_cumsum3A_850 = tpu.scan <sum>, %get3A_847 masked %broadcast_in_dim3A_849 : vector<16xf32>, vector<16xi1> -> vector<16xf32>
      %add3A_851 = vector.broadcast %squeeze3A_842 : f32 to vector<16xf32>
      %add3A_852 = arith.addf %masked_cumsum3A_850, %add3A_851 : vector<16xf32>
      %swap3A_853 = arith.constant 3 : i32
      %swap3A_854 = arith.index_cast %scan3A_346 : i32 to index
      %swap3A_855 = arith.index_cast %swap3A_853 : i32 to index
      %swap3A_856 = arith.constant 80 : index
      %swap3A_857 = tpu.vector_load %arg5[%swap3A_854, %swap3A_855, %swap3A_856] {strides = array<i32>} : memref<16x8x128xf32, #tpu.memory_space<vmem>>, vector<16xf32>,
      tpu.vector_store %arg5[%swap3A_854, %swap3A_855, %swap3A_856], %add3A_852 {strides = array<i32>} : memref<16x8x128xf32, #tpu.memory_space<vmem>>, vector<16xf32>,
      %slice3A_858 = vector.extract_strided_slice %add3A_852 {offsets = [15], sizes = [1], strides = [1]} : vector<16xf32> to vector<1xf32>
      %squeeze3A_859 = vector.extract %slice3A_858[0] : f32 from vector<1xf32>
      %get3A_860 = arith.constant 3 : i32
      %get3A_861 = arith.index_cast %scan3A_346 : i32 to index
      %get3A_862 = arith.index_cast %get3A_860 : i32 to index
      %get3A_863 = arith.constant 96 : index
      %get3A_864 = tpu.vector_load %arg5[%get3A_861, %get3A_862, %get3A_863] {strides = array<i32>} : memref<16x8x128xf32, #tpu.memory_space<vmem>>, vector<16xf32>,
      %broadcast_in_dim3A_865 = arith.constant true
      %broadcast_in_dim3A_866 = vector.broadcast %broadcast_in_dim3A_865 : i1 to vector<16xi1>
      %masked_cumsum3A_867 = tpu.scan <sum>, %get3A_864 masked %broadcast_in_dim3A_866 : vector<16xf32>, vector<16xi1> -> vector<16xf32>
      %add3A_868 = vector.broadcast %squeeze3A_859 : f32 to vector<16xf32>
      %add3A_869 = arith.addf %masked_cumsum3A_867, %add3A_868 : vector<16xf32>
      %swap3A_870 = arith.constant 3 : i32
      %swap3A_871 = arith.index_cast %scan3A_346 : i32 to index
      %swap3A_872 = arith.index_cast %swap3A_870 : i32 to index
      %swap3A_873 = arith.constant 96 : index
      %swap3A_874 = tpu.vector_load %arg5[%swap3A_871, %swap3A_872, %swap3A_873] {strides = array<i32>} : memref<16x8x128xf32, #tpu.memory_space<vmem>>, vector<16xf32>,
      tpu.vector_store %arg5[%swap3A_871, %swap3A_872, %swap3A_873], %add3A_869 {strides = array<i32>} : memref<16x8x128xf32, #tpu.memory_space<vmem>>, vector<16xf32>,
      %slice3A_875 = vector.extract_strided_slice %add3A_869 {offsets = [15], sizes = [1], strides = [1]} : vector<16xf32> to vector<1xf32>
      %squeeze3A_876 = vector.extract %slice3A_875[0] : f32 from vector<1xf32>
      %get3A_877 = arith.constant 3 : i32
      %get3A_878 = arith.index_cast %scan3A_346 : i32 to index
      %get3A_879 = arith.index_cast %get3A_877 : i32 to index
      %get3A_880 = arith.constant 112 : index
      %get3A_881 = tpu.vector_load %arg5[%get3A_878, %get3A_879, %get3A_880] {strides = array<i32>} : memref<16x8x128xf32, #tpu.memory_space<vmem>>, vector<16xf32>,
      %broadcast_in_dim3A_882 = arith.constant true
      %broadcast_in_dim3A_883 = vector.broadcast %broadcast_in_dim3A_882 : i1 to vector<16xi1>
      %masked_cumsum3A_884 = tpu.scan <sum>, %get3A_881 masked %broadcast_in_dim3A_883 : vector<16xf32>, vector<16xi1> -> vector<16xf32>
      %add3A_885 = vector.broadcast %squeeze3A_876 : f32 to vector<16xf32>
      %add3A_886 = arith.addf %masked_cumsum3A_884, %add3A_885 : vector<16xf32>
      %swap3A_887 = arith.constant 3 : i32
      %swap3A_888 = arith.index_cast %scan3A_346 : i32 to index
      %swap3A_889 = arith.index_cast %swap3A_887 : i32 to index
      %swap3A_890 = arith.constant 112 : index
      %swap3A_891 = tpu.vector_load %arg5[%swap3A_888, %swap3A_889, %swap3A_890] {strides = array<i32>} : memref<16x8x128xf32, #tpu.memory_space<vmem>>, vector<16xf32>,
      tpu.vector_store %arg5[%swap3A_888, %swap3A_889, %swap3A_890], %add3A_886 {strides = array<i32>} : memref<16x8x128xf32, #tpu.memory_space<vmem>>, vector<16xf32>,
      %slice3A_892 = vector.extract_strided_slice %add3A_886 {offsets = [15], sizes = [1], strides = [1]} : vector<16xf32> to vector<1xf32>
      %squeeze3A_893 = vector.extract %slice3A_892[0] : f32 from vector<1xf32>
      %get3A_894 = arith.constant 4 : i32
      %get3A_895 = arith.index_cast %scan3A_346 : i32 to index
      %get3A_896 = arith.index_cast %get3A_894 : i32 to index
      %get3A_897 = arith.constant 0 : index
      %get3A_898 = tpu.vector_load %arg5[%get3A_895, %get3A_896, %get3A_897] {strides = array<i32>} : memref<16x8x128xf32, #tpu.memory_space<vmem>>, vector<16xf32>,
      %broadcast_in_dim3A_899 = arith.constant true
      %broadcast_in_dim3A_900 = vector.broadcast %broadcast_in_dim3A_899 : i1 to vector<16xi1>
      %masked_cumsum3A_901 = tpu.scan <sum>, %get3A_898 masked %broadcast_in_dim3A_900 : vector<16xf32>, vector<16xi1> -> vector<16xf32>
      %add3A_902 = arith.constant 0.000000e+00 : f32
      %add3A_903 = vector.broadcast %add3A_902 : f32 to vector<16xf32>
      %add3A_904 = arith.addf %masked_cumsum3A_901, %add3A_903 : vector<16xf32>
      %swap3A_905 = arith.constant 4 : i32
      %swap3A_906 = arith.index_cast %scan3A_346 : i32 to index
      %swap3A_907 = arith.index_cast %swap3A_905 : i32 to index
      %swap3A_908 = arith.constant 0 : index
      %swap3A_909 = tpu.vector_load %arg5[%swap3A_906, %swap3A_907, %swap3A_908] {strides = array<i32>} : memref<16x8x128xf32, #tpu.memory_space<vmem>>, vector<16xf32>,
      tpu.vector_store %arg5[%swap3A_906, %swap3A_907, %swap3A_908], %add3A_904 {strides = array<i32>} : memref<16x8x128xf32, #tpu.memory_space<vmem>>, vector<16xf32>,
      %slice3A_910 = vector.extract_strided_slice %add3A_904 {offsets = [15], sizes = [1], strides = [1]} : vector<16xf32> to vector<1xf32>
      %squeeze3A_911 = vector.extract %slice3A_910[0] : f32 from vector<1xf32>
      %get3A_912 = arith.constant 4 : i32
      %get3A_913 = arith.index_cast %scan3A_346 : i32 to index
      %get3A_914 = arith.index_cast %get3A_912 : i32 to index
      %get3A_915 = arith.constant 16 : index
      %get3A_916 = tpu.vector_load %arg5[%get3A_913, %get3A_914, %get3A_915] {strides = array<i32>} : memref<16x8x128xf32, #tpu.memory_space<vmem>>, vector<16xf32>,
      %broadcast_in_dim3A_917 = arith.constant true
      %broadcast_in_dim3A_918 = vector.broadcast %broadcast_in_dim3A_917 : i1 to vector<16xi1>
      %masked_cumsum3A_919 = tpu.scan <sum>, %get3A_916 masked %broadcast_in_dim3A_918 : vector<16xf32>, vector<16xi1> -> vector<16xf32>
      %add3A_920 = vector.broadcast %squeeze3A_911 : f32 to vector<16xf32>
      %add3A_921 = arith.addf %masked_cumsum3A_919, %add3A_920 : vector<16xf32>
      %swap3A_922 = arith.constant 4 : i32
      %swap3A_923 = arith.index_cast %scan3A_346 : i32 to index
      %swap3A_924 = arith.index_cast %swap3A_922 : i32 to index
      %swap3A_925 = arith.constant 16 : index
      %swap3A_926 = tpu.vector_load %arg5[%swap3A_923, %swap3A_924, %swap3A_925] {strides = array<i32>} : memref<16x8x128xf32, #tpu.memory_space<vmem>>, vector<16xf32>,
      tpu.vector_store %arg5[%swap3A_923, %swap3A_924, %swap3A_925], %add3A_921 {strides = array<i32>} : memref<16x8x128xf32, #tpu.memory_space<vmem>>, vector<16xf32>,
      %slice3A_927 = vector.extract_strided_slice %add3A_921 {offsets = [15], sizes = [1], strides = [1]} : vector<16xf32> to vector<1xf32>
      %squeeze3A_928 = vector.extract %slice3A_927[0] : f32 from vector<1xf32>
      %get3A_929 = arith.constant 4 : i32
      %get3A_930 = arith.index_cast %scan3A_346 : i32 to index
      %get3A_931 = arith.index_cast %get3A_929 : i32 to index
      %get3A_932 = arith.constant 32 : index
      %get3A_933 = tpu.vector_load %arg5[%get3A_930, %get3A_931, %get3A_932] {strides = array<i32>} : memref<16x8x128xf32, #tpu.memory_space<vmem>>, vector<16xf32>,
      %broadcast_in_dim3A_934 = arith.constant true
      %broadcast_in_dim3A_935 = vector.broadcast %broadcast_in_dim3A_934 : i1 to vector<16xi1>
      %masked_cumsum3A_936 = tpu.scan <sum>, %get3A_933 masked %broadcast_in_dim3A_935 : vector<16xf32>, vector<16xi1> -> vector<16xf32>
      %add3A_937 = vector.broadcast %squeeze3A_928 : f32 to vector<16xf32>
      %add3A_938 = arith.addf %masked_cumsum3A_936, %add3A_937 : vector<16xf32>
      %swap3A_939 = arith.constant 4 : i32
      %swap3A_940 = arith.index_cast %scan3A_346 : i32 to index
      %swap3A_941 = arith.index_cast %swap3A_939 : i32 to index
      %swap3A_942 = arith.constant 32 : index
      %swap3A_943 = tpu.vector_load %arg5[%swap3A_940, %swap3A_941, %swap3A_942] {strides = array<i32>} : memref<16x8x128xf32, #tpu.memory_space<vmem>>, vector<16xf32>,
      tpu.vector_store %arg5[%swap3A_940, %swap3A_941, %swap3A_942], %add3A_938 {strides = array<i32>} : memref<16x8x128xf32, #tpu.memory_space<vmem>>, vector<16xf32>,
      %slice3A_944 = vector.extract_strided_slice %add3A_938 {offsets = [15], sizes = [1], strides = [1]} : vector<16xf32> to vector<1xf32>
      %squeeze3A_945 = vector.extract %slice3A_944[0] : f32 from vector<1xf32>
      %get3A_946 = arith.constant 4 : i32
      %get3A_947 = arith.index_cast %scan3A_346 : i32 to index
      %get3A_948 = arith.index_cast %get3A_946 : i32 to index
      %get3A_949 = arith.constant 48 : index
      %get3A_950 = tpu.vector_load %arg5[%get3A_947, %get3A_948, %get3A_949] {strides = array<i32>} : memref<16x8x128xf32, #tpu.memory_space<vmem>>, vector<16xf32>,
      %broadcast_in_dim3A_951 = arith.constant true
      %broadcast_in_dim3A_952 = vector.broadcast %broadcast_in_dim3A_951 : i1 to vector<16xi1>
      %masked_cumsum3A_953 = tpu.scan <sum>, %get3A_950 masked %broadcast_in_dim3A_952 : vector<16xf32>, vector<16xi1> -> vector<16xf32>
      %add3A_954 = vector.broadcast %squeeze3A_945 : f32 to vector<16xf32>
      %add3A_955 = arith.addf %masked_cumsum3A_953, %add3A_954 : vector<16xf32>
      %swap3A_956 = arith.constant 4 : i32
      %swap3A_957 = arith.index_cast %scan3A_346 : i32 to index
      %swap3A_958 = arith.index_cast %swap3A_956 : i32 to index
      %swap3A_959 = arith.constant 48 : index
      %swap3A_960 = tpu.vector_load %arg5[%swap3A_957, %swap3A_958, %swap3A_959] {strides = array<i32>} : memref<16x8x128xf32, #tpu.memory_space<vmem>>, vector<16xf32>,
      tpu.vector_store %arg5[%swap3A_957, %swap3A_958, %swap3A_959], %add3A_955 {strides = array<i32>} : memref<16x8x128xf32, #tpu.memory_space<vmem>>, vector<16xf32>,
      %slice3A_961 = vector.extract_strided_slice %add3A_955 {offsets = [15], sizes = [1], strides = [1]} : vector<16xf32> to vector<1xf32>
      %squeeze3A_962 = vector.extract %slice3A_961[0] : f32 from vector<1xf32>
      %get3A_963 = arith.constant 4 : i32
      %get3A_964 = arith.index_cast %scan3A_346 : i32 to index
      %get3A_965 = arith.index_cast %get3A_963 : i32 to index
      %get3A_966 = arith.constant 64 : index
      %get3A_967 = tpu.vector_load %arg5[%get3A_964, %get3A_965, %get3A_966] {strides = array<i32>} : memref<16x8x128xf32, #tpu.memory_space<vmem>>, vector<16xf32>,
      %broadcast_in_dim3A_968 = arith.constant true
      %broadcast_in_dim3A_969 = vector.broadcast %broadcast_in_dim3A_968 : i1 to vector<16xi1>
      %masked_cumsum3A_970 = tpu.scan <sum>, %get3A_967 masked %broadcast_in_dim3A_969 : vector<16xf32>, vector<16xi1> -> vector<16xf32>
      %add3A_971 = arith.constant 0.000000e+00 : f32
      %add3A_972 = vector.broadcast %add3A_971 : f32 to vector<16xf32>
      %add3A_973 = arith.addf %masked_cumsum3A_970, %add3A_972 : vector<16xf32>
      %swap3A_974 = arith.constant 4 : i32
      %swap3A_975 = arith.index_cast %scan3A_346 : i32 to index
      %swap3A_976 = arith.index_cast %swap3A_974 : i32 to index
      %swap3A_977 = arith.constant 64 : index
      %swap3A_978 = tpu.vector_load %arg5[%swap3A_975, %swap3A_976, %swap3A_977] {strides = array<i32>} : memref<16x8x128xf32, #tpu.memory_space<vmem>>, vector<16xf32>,
      tpu.vector_store %arg5[%swap3A_975, %swap3A_976, %swap3A_977], %add3A_973 {strides = array<i32>} : memref<16x8x128xf32, #tpu.memory_space<vmem>>, vector<16xf32>,
      %slice3A_979 = vector.extract_strided_slice %add3A_973 {offsets = [15], sizes = [1], strides = [1]} : vector<16xf32> to vector<1xf32>
      %squeeze3A_980 = vector.extract %slice3A_979[0] : f32 from vector<1xf32>
      %get3A_981 = arith.constant 4 : i32
      %get3A_982 = arith.index_cast %scan3A_346 : i32 to index
      %get3A_983 = arith.index_cast %get3A_981 : i32 to index
      %get3A_984 = arith.constant 80 : index
      %get3A_985 = tpu.vector_load %arg5[%get3A_982, %get3A_983, %get3A_984] {strides = array<i32>} : memref<16x8x128xf32, #tpu.memory_space<vmem>>, vector<16xf32>,
      %broadcast_in_dim3A_986 = arith.constant true
      %broadcast_in_dim3A_987 = vector.broadcast %broadcast_in_dim3A_986 : i1 to vector<16xi1>
      %masked_cumsum3A_988 = tpu.scan <sum>, %get3A_985 masked %broadcast_in_dim3A_987 : vector<16xf32>, vector<16xi1> -> vector<16xf32>
      %add3A_989 = vector.broadcast %squeeze3A_980 : f32 to vector<16xf32>
      %add3A_990 = arith.addf %masked_cumsum3A_988, %add3A_989 : vector<16xf32>
      %swap3A_991 = arith.constant 4 : i32
      %swap3A_992 = arith.index_cast %scan3A_346 : i32 to index
      %swap3A_993 = arith.index_cast %swap3A_991 : i32 to index
      %swap3A_994 = arith.constant 80 : index
      %swap3A_995 = tpu.vector_load %arg5[%swap3A_992, %swap3A_993, %swap3A_994] {strides = array<i32>} : memref<16x8x128xf32, #tpu.memory_space<vmem>>, vector<16xf32>,
      tpu.vector_store %arg5[%swap3A_992, %swap3A_993, %swap3A_994], %add3A_990 {strides = array<i32>} : memref<16x8x128xf32, #tpu.memory_space<vmem>>, vector<16xf32>,
      %slice3A_996 = vector.extract_strided_slice %add3A_990 {offsets = [15], sizes = [1], strides = [1]} : vector<16xf32> to vector<1xf32>
      %squeeze3A_997 = vector.extract %slice3A_996[0] : f32 from vector<1xf32>
      %get3A_998 = arith.constant 4 : i32
      %get3A_999 = arith.index_cast %scan3A_346 : i32 to index
      %get3A_1000 = arith.index_cast %get3A_998 : i32 to index
      %get3A_1001 = arith.constant 96 : index
      %get3A_1002 = tpu.vector_load %arg5[%get3A_999, %get3A_1000, %get3A_1001] {strides = array<i32>} : memref<16x8x128xf32, #tpu.memory_space<vmem>>, vector<16xf32>,
      %broadcast_in_dim3A_1003 = arith.constant true
      %broadcast_in_dim3A_1004 = vector.broadcast %broadcast_in_dim3A_1003 : i1 to vector<16xi1>
      %masked_cumsum3A_1005 = tpu.scan <sum>, %get3A_1002 masked %broadcast_in_dim3A_1004 : vector<16xf32>, vector<16xi1> -> vector<16xf32>
      %add3A_1006 = vector.broadcast %squeeze3A_997 : f32 to vector<16xf32>
      %add3A_1007 = arith.addf %masked_cumsum3A_1005, %add3A_1006 : vector<16xf32>
      %swap3A_1008 = arith.constant 4 : i32
      %swap3A_1009 = arith.index_cast %scan3A_346 : i32 to index
      %swap3A_1010 = arith.index_cast %swap3A_1008 : i32 to index
      %swap3A_1011 = arith.constant 96 : index
      %swap3A_1012 = tpu.vector_load %arg5[%swap3A_1009, %swap3A_1010, %swap3A_1011] {strides = array<i32>} : memref<16x8x128xf32, #tpu.memory_space<vmem>>, vector<16xf32>,
      tpu.vector_store %arg5[%swap3A_1009, %swap3A_1010, %swap3A_1011], %add3A_1007 {strides = array<i32>} : memref<16x8x128xf32, #tpu.memory_space<vmem>>, vector<16xf32>,
      %slice3A_1013 = vector.extract_strided_slice %add3A_1007 {offsets = [15], sizes = [1], strides = [1]} : vector<16xf32> to vector<1xf32>
      %squeeze3A_1014 = vector.extract %slice3A_1013[0] : f32 from vector<1xf32>
      %get3A_1015 = arith.constant 4 : i32
      %get3A_1016 = arith.index_cast %scan3A_346 : i32 to index
      %get3A_1017 = arith.index_cast %get3A_1015 : i32 to index
      %get3A_1018 = arith.constant 112 : index
      %get3A_1019 = tpu.vector_load %arg5[%get3A_1016, %get3A_1017, %get3A_1018] {strides = array<i32>} : memref<16x8x128xf32, #tpu.memory_space<vmem>>, vector<16xf32>,
      %broadcast_in_dim3A_1020 = arith.constant true
      %broadcast_in_dim3A_1021 = vector.broadcast %broadcast_in_dim3A_1020 : i1 to vector<16xi1>
      %masked_cumsum3A_1022 = tpu.scan <sum>, %get3A_1019 masked %broadcast_in_dim3A_1021 : vector<16xf32>, vector<16xi1> -> vector<16xf32>
      %add3A_1023 = vector.broadcast %squeeze3A_1014 : f32 to vector<16xf32>
      %add3A_1024 = arith.addf %masked_cumsum3A_1022, %add3A_1023 : vector<16xf32>
      %swap3A_1025 = arith.constant 4 : i32
      %swap3A_1026 = arith.index_cast %scan3A_346 : i32 to index
      %swap3A_1027 = arith.index_cast %swap3A_1025 : i32 to index
      %swap3A_1028 = arith.constant 112 : index
      %swap3A_1029 = tpu.vector_load %arg5[%swap3A_1026, %swap3A_1027, %swap3A_1028] {strides = array<i32>} : memref<16x8x128xf32, #tpu.memory_space<vmem>>, vector<16xf32>,
      tpu.vector_store %arg5[%swap3A_1026, %swap3A_1027, %swap3A_1028], %add3A_1024 {strides = array<i32>} : memref<16x8x128xf32, #tpu.memory_space<vmem>>, vector<16xf32>,
      %slice3A_1030 = vector.extract_strided_slice %add3A_1024 {offsets = [15], sizes = [1], strides = [1]} : vector<16xf32> to vector<1xf32>
      %squeeze3A_1031 = vector.extract %slice3A_1030[0] : f32 from vector<1xf32>
      %get3A_1032 = arith.constant 5 : i32
      %get3A_1033 = arith.index_cast %scan3A_346 : i32 to index
      %get3A_1034 = arith.index_cast %get3A_1032 : i32 to index
      %get3A_1035 = arith.constant 0 : index
      %get3A_1036 = tpu.vector_load %arg5[%get3A_1033, %get3A_1034, %get3A_1035] {strides = array<i32>} : memref<16x8x128xf32, #tpu.memory_space<vmem>>, vector<16xf32>,
      %broadcast_in_dim3A_1037 = arith.constant true
      %broadcast_in_dim3A_1038 = vector.broadcast %broadcast_in_dim3A_1037 : i1 to vector<16xi1>
      %masked_cumsum3A_1039 = tpu.scan <sum>, %get3A_1036 masked %broadcast_in_dim3A_1038 : vector<16xf32>, vector<16xi1> -> vector<16xf32>
      %add3A_1040 = arith.constant 0.000000e+00 : f32
      %add3A_1041 = vector.broadcast %add3A_1040 : f32 to vector<16xf32>
      %add3A_1042 = arith.addf %masked_cumsum3A_1039, %add3A_1041 : vector<16xf32>
      %swap3A_1043 = arith.constant 5 : i32
      %swap3A_1044 = arith.index_cast %scan3A_346 : i32 to index
      %swap3A_1045 = arith.index_cast %swap3A_1043 : i32 to index
      %swap3A_1046 = arith.constant 0 : index
      %swap3A_1047 = tpu.vector_load %arg5[%swap3A_1044, %swap3A_1045, %swap3A_1046] {strides = array<i32>} : memref<16x8x128xf32, #tpu.memory_space<vmem>>, vector<16xf32>,
      tpu.vector_store %arg5[%swap3A_1044, %swap3A_1045, %swap3A_1046], %add3A_1042 {strides = array<i32>} : memref<16x8x128xf32, #tpu.memory_space<vmem>>, vector<16xf32>,
      %slice3A_1048 = vector.extract_strided_slice %add3A_1042 {offsets = [15], sizes = [1], strides = [1]} : vector<16xf32> to vector<1xf32>
      %squeeze3A_1049 = vector.extract %slice3A_1048[0] : f32 from vector<1xf32>
      %get3A_1050 = arith.constant 5 : i32
      %get3A_1051 = arith.index_cast %scan3A_346 : i32 to index
      %get3A_1052 = arith.index_cast %get3A_1050 : i32 to index
      %get3A_1053 = arith.constant 16 : index
      %get3A_1054 = tpu.vector_load %arg5[%get3A_1051, %get3A_1052, %get3A_1053] {strides = array<i32>} : memref<16x8x128xf32, #tpu.memory_space<vmem>>, vector<16xf32>,
      %broadcast_in_dim3A_1055 = arith.constant true
      %broadcast_in_dim3A_1056 = vector.broadcast %broadcast_in_dim3A_1055 : i1 to vector<16xi1>
      %masked_cumsum3A_1057 = tpu.scan <sum>, %get3A_1054 masked %broadcast_in_dim3A_1056 : vector<16xf32>, vector<16xi1> -> vector<16xf32>
      %add3A_1058 = vector.broadcast %squeeze3A_1049 : f32 to vector<16xf32>
      %add3A_1059 = arith.addf %masked_cumsum3A_1057, %add3A_1058 : vector<16xf32>
      %swap3A_1060 = arith.constant 5 : i32
      %swap3A_1061 = arith.index_cast %scan3A_346 : i32 to index
      %swap3A_1062 = arith.index_cast %swap3A_1060 : i32 to index
      %swap3A_1063 = arith.constant 16 : index
      %swap3A_1064 = tpu.vector_load %arg5[%swap3A_1061, %swap3A_1062, %swap3A_1063] {strides = array<i32>} : memref<16x8x128xf32, #tpu.memory_space<vmem>>, vector<16xf32>,
      tpu.vector_store %arg5[%swap3A_1061, %swap3A_1062, %swap3A_1063], %add3A_1059 {strides = array<i32>} : memref<16x8x128xf32, #tpu.memory_space<vmem>>, vector<16xf32>,
      %slice3A_1065 = vector.extract_strided_slice %add3A_1059 {offsets = [15], sizes = [1], strides = [1]} : vector<16xf32> to vector<1xf32>
      %squeeze3A_1066 = vector.extract %slice3A_1065[0] : f32 from vector<1xf32>
      %get3A_1067 = arith.constant 5 : i32
      %get3A_1068 = arith.index_cast %scan3A_346 : i32 to index
      %get3A_1069 = arith.index_cast %get3A_1067 : i32 to index
      %get3A_1070 = arith.constant 32 : index
      %get3A_1071 = tpu.vector_load %arg5[%get3A_1068, %get3A_1069, %get3A_1070] {strides = array<i32>} : memref<16x8x128xf32, #tpu.memory_space<vmem>>, vector<16xf32>,
      %broadcast_in_dim3A_1072 = arith.constant true
      %broadcast_in_dim3A_1073 = vector.broadcast %broadcast_in_dim3A_1072 : i1 to vector<16xi1>
      %masked_cumsum3A_1074 = tpu.scan <sum>, %get3A_1071 masked %broadcast_in_dim3A_1073 : vector<16xf32>, vector<16xi1> -> vector<16xf32>
      %add3A_1075 = vector.broadcast %squeeze3A_1066 : f32 to vector<16xf32>
      %add3A_1076 = arith.addf %masked_cumsum3A_1074, %add3A_1075 : vector<16xf32>
      %swap3A_1077 = arith.constant 5 : i32
      %swap3A_1078 = arith.index_cast %scan3A_346 : i32 to index
      %swap3A_1079 = arith.index_cast %swap3A_1077 : i32 to index
      %swap3A_1080 = arith.constant 32 : index
      %swap3A_1081 = tpu.vector_load %arg5[%swap3A_1078, %swap3A_1079, %swap3A_1080] {strides = array<i32>} : memref<16x8x128xf32, #tpu.memory_space<vmem>>, vector<16xf32>,
      tpu.vector_store %arg5[%swap3A_1078, %swap3A_1079, %swap3A_1080], %add3A_1076 {strides = array<i32>} : memref<16x8x128xf32, #tpu.memory_space<vmem>>, vector<16xf32>,
      %slice3A_1082 = vector.extract_strided_slice %add3A_1076 {offsets = [15], sizes = [1], strides = [1]} : vector<16xf32> to vector<1xf32>
      %squeeze3A_1083 = vector.extract %slice3A_1082[0] : f32 from vector<1xf32>
      %get3A_1084 = arith.constant 5 : i32
      %get3A_1085 = arith.index_cast %scan3A_346 : i32 to index
      %get3A_1086 = arith.index_cast %get3A_1084 : i32 to index
      %get3A_1087 = arith.constant 48 : index
      %get3A_1088 = tpu.vector_load %arg5[%get3A_1085, %get3A_1086, %get3A_1087] {strides = array<i32>} : memref<16x8x128xf32, #tpu.memory_space<vmem>>, vector<16xf32>,
      %broadcast_in_dim3A_1089 = arith.constant true
      %broadcast_in_dim3A_1090 = vector.broadcast %broadcast_in_dim3A_1089 : i1 to vector<16xi1>
      %masked_cumsum3A_1091 = tpu.scan <sum>, %get3A_1088 masked %broadcast_in_dim3A_1090 : vector<16xf32>, vector<16xi1> -> vector<16xf32>
      %add3A_1092 = vector.broadcast %squeeze3A_1083 : f32 to vector<16xf32>
      %add3A_1093 = arith.addf %masked_cumsum3A_1091, %add3A_1092 : vector<16xf32>
      %swap3A_1094 = arith.constant 5 : i32
      %swap3A_1095 = arith.index_cast %scan3A_346 : i32 to index
      %swap3A_1096 = arith.index_cast %swap3A_1094 : i32 to index
      %swap3A_1097 = arith.constant 48 : index
      %swap3A_1098 = tpu.vector_load %arg5[%swap3A_1095, %swap3A_1096, %swap3A_1097] {strides = array<i32>} : memref<16x8x128xf32, #tpu.memory_space<vmem>>, vector<16xf32>,
      tpu.vector_store %arg5[%swap3A_1095, %swap3A_1096, %swap3A_1097], %add3A_1093 {strides = array<i32>} : memref<16x8x128xf32, #tpu.memory_space<vmem>>, vector<16xf32>,
      %slice3A_1099 = vector.extract_strided_slice %add3A_1093 {offsets = [15], sizes = [1], strides = [1]} : vector<16xf32> to vector<1xf32>
      %squeeze3A_1100 = vector.extract %slice3A_1099[0] : f32 from vector<1xf32>
      %get3A_1101 = arith.constant 5 : i32
      %get3A_1102 = arith.index_cast %scan3A_346 : i32 to index
      %get3A_1103 = arith.index_cast %get3A_1101 : i32 to index
      %get3A_1104 = arith.constant 64 : index
      %get3A_1105 = tpu.vector_load %arg5[%get3A_1102, %get3A_1103, %get3A_1104] {strides = array<i32>} : memref<16x8x128xf32, #tpu.memory_space<vmem>>, vector<16xf32>,
      %broadcast_in_dim3A_1106 = arith.constant true
      %broadcast_in_dim3A_1107 = vector.broadcast %broadcast_in_dim3A_1106 : i1 to vector<16xi1>
      %masked_cumsum3A_1108 = tpu.scan <sum>, %get3A_1105 masked %broadcast_in_dim3A_1107 : vector<16xf32>, vector<16xi1> -> vector<16xf32>
      %add3A_1109 = arith.constant 0.000000e+00 : f32
      %add3A_1110 = vector.broadcast %add3A_1109 : f32 to vector<16xf32>
      %add3A_1111 = arith.addf %masked_cumsum3A_1108, %add3A_1110 : vector<16xf32>
      %swap3A_1112 = arith.constant 5 : i32
      %swap3A_1113 = arith.index_cast %scan3A_346 : i32 to index
      %swap3A_1114 = arith.index_cast %swap3A_1112 : i32 to index
      %swap3A_1115 = arith.constant 64 : index
      %swap3A_1116 = tpu.vector_load %arg5[%swap3A_1113, %swap3A_1114, %swap3A_1115] {strides = array<i32>} : memref<16x8x128xf32, #tpu.memory_space<vmem>>, vector<16xf32>,
      tpu.vector_store %arg5[%swap3A_1113, %swap3A_1114, %swap3A_1115], %add3A_1111 {strides = array<i32>} : memref<16x8x128xf32, #tpu.memory_space<vmem>>, vector<16xf32>,
      %slice3A_1117 = vector.extract_strided_slice %add3A_1111 {offsets = [15], sizes = [1], strides = [1]} : vector<16xf32> to vector<1xf32>
      %squeeze3A_1118 = vector.extract %slice3A_1117[0] : f32 from vector<1xf32>
      %get3A_1119 = arith.constant 5 : i32
      %get3A_1120 = arith.index_cast %scan3A_346 : i32 to index
      %get3A_1121 = arith.index_cast %get3A_1119 : i32 to index
      %get3A_1122 = arith.constant 80 : index
      %get3A_1123 = tpu.vector_load %arg5[%get3A_1120, %get3A_1121, %get3A_1122] {strides = array<i32>} : memref<16x8x128xf32, #tpu.memory_space<vmem>>, vector<16xf32>,
      %broadcast_in_dim3A_1124 = arith.constant true
      %broadcast_in_dim3A_1125 = vector.broadcast %broadcast_in_dim3A_1124 : i1 to vector<16xi1>
      %masked_cumsum3A_1126 = tpu.scan <sum>, %get3A_1123 masked %broadcast_in_dim3A_1125 : vector<16xf32>, vector<16xi1> -> vector<16xf32>
      %add3A_1127 = vector.broadcast %squeeze3A_1118 : f32 to vector<16xf32>
      %add3A_1128 = arith.addf %masked_cumsum3A_1126, %add3A_1127 : vector<16xf32>
      %swap3A_1129 = arith.constant 5 : i32
      %swap3A_1130 = arith.index_cast %scan3A_346 : i32 to index
      %swap3A_1131 = arith.index_cast %swap3A_1129 : i32 to index
      %swap3A_1132 = arith.constant 80 : index
      %swap3A_1133 = tpu.vector_load %arg5[%swap3A_1130, %swap3A_1131, %swap3A_1132] {strides = array<i32>} : memref<16x8x128xf32, #tpu.memory_space<vmem>>, vector<16xf32>,
      tpu.vector_store %arg5[%swap3A_1130, %swap3A_1131, %swap3A_1132], %add3A_1128 {strides = array<i32>} : memref<16x8x128xf32, #tpu.memory_space<vmem>>, vector<16xf32>,
      %slice3A_1134 = vector.extract_strided_slice %add3A_1128 {offsets = [15], sizes = [1], strides = [1]} : vector<16xf32> to vector<1xf32>
      %squeeze3A_1135 = vector.extract %slice3A_1134[0] : f32 from vector<1xf32>
      %get3A_1136 = arith.constant 5 : i32
      %get3A_1137 = arith.index_cast %scan3A_346 : i32 to index
      %get3A_1138 = arith.index_cast %get3A_1136 : i32 to index
      %get3A_1139 = arith.constant 96 : index
      %get3A_1140 = tpu.vector_load %arg5[%get3A_1137, %get3A_1138, %get3A_1139] {strides = array<i32>} : memref<16x8x128xf32, #tpu.memory_space<vmem>>, vector<16xf32>,
      %broadcast_in_dim3A_1141 = arith.constant true
      %broadcast_in_dim3A_1142 = vector.broadcast %broadcast_in_dim3A_1141 : i1 to vector<16xi1>
      %masked_cumsum3A_1143 = tpu.scan <sum>, %get3A_1140 masked %broadcast_in_dim3A_1142 : vector<16xf32>, vector<16xi1> -> vector<16xf32>
      %add3A_1144 = vector.broadcast %squeeze3A_1135 : f32 to vector<16xf32>
      %add3A_1145 = arith.addf %masked_cumsum3A_1143, %add3A_1144 : vector<16xf32>
      %swap3A_1146 = arith.constant 5 : i32
      %swap3A_1147 = arith.index_cast %scan3A_346 : i32 to index
      %swap3A_1148 = arith.index_cast %swap3A_1146 : i32 to index
      %swap3A_1149 = arith.constant 96 : index
      %swap3A_1150 = tpu.vector_load %arg5[%swap3A_1147, %swap3A_1148, %swap3A_1149] {strides = array<i32>} : memref<16x8x128xf32, #tpu.memory_space<vmem>>, vector<16xf32>,
      tpu.vector_store %arg5[%swap3A_1147, %swap3A_1148, %swap3A_1149], %add3A_1145 {strides = array<i32>} : memref<16x8x128xf32, #tpu.memory_space<vmem>>, vector<16xf32>,
      %slice3A_1151 = vector.extract_strided_slice %add3A_1145 {offsets = [15], sizes = [1], strides = [1]} : vector<16xf32> to vector<1xf32>
      %squeeze3A_1152 = vector.extract %slice3A_1151[0] : f32 from vector<1xf32>
      %get3A_1153 = arith.constant 5 : i32
      %get3A_1154 = arith.index_cast %scan3A_346 : i32 to index
      %get3A_1155 = arith.index_cast %get3A_1153 : i32 to index
      %get3A_1156 = arith.constant 112 : index
      %get3A_1157 = tpu.vector_load %arg5[%get3A_1154, %get3A_1155, %get3A_1156] {strides = array<i32>} : memref<16x8x128xf32, #tpu.memory_space<vmem>>, vector<16xf32>,
      %broadcast_in_dim3A_1158 = arith.constant true
      %broadcast_in_dim3A_1159 = vector.broadcast %broadcast_in_dim3A_1158 : i1 to vector<16xi1>
      %masked_cumsum3A_1160 = tpu.scan <sum>, %get3A_1157 masked %broadcast_in_dim3A_1159 : vector<16xf32>, vector<16xi1> -> vector<16xf32>
      %add3A_1161 = vector.broadcast %squeeze3A_1152 : f32 to vector<16xf32>
      %add3A_1162 = arith.addf %masked_cumsum3A_1160, %add3A_1161 : vector<16xf32>
      %swap3A_1163 = arith.constant 5 : i32
      %swap3A_1164 = arith.index_cast %scan3A_346 : i32 to index
      %swap3A_1165 = arith.index_cast %swap3A_1163 : i32 to index
      %swap3A_1166 = arith.constant 112 : index
      %swap3A_1167 = tpu.vector_load %arg5[%swap3A_1164, %swap3A_1165, %swap3A_1166] {strides = array<i32>} : memref<16x8x128xf32, #tpu.memory_space<vmem>>, vector<16xf32>,
      tpu.vector_store %arg5[%swap3A_1164, %swap3A_1165, %swap3A_1166], %add3A_1162 {strides = array<i32>} : memref<16x8x128xf32, #tpu.memory_space<vmem>>, vector<16xf32>,
      %slice3A_1168 = vector.extract_strided_slice %add3A_1162 {offsets = [15], sizes = [1], strides = [1]} : vector<16xf32> to vector<1xf32>
      %squeeze3A_1169 = vector.extract %slice3A_1168[0] : f32 from vector<1xf32>
      %get3A_1170 = arith.constant 6 : i32
      %get3A_1171 = arith.index_cast %scan3A_346 : i32 to index
      %get3A_1172 = arith.index_cast %get3A_1170 : i32 to index
      %get3A_1173 = arith.constant 0 : index
      %get3A_1174 = tpu.vector_load %arg5[%get3A_1171, %get3A_1172, %get3A_1173] {strides = array<i32>} : memref<16x8x128xf32, #tpu.memory_space<vmem>>, vector<16xf32>,
      %broadcast_in_dim3A_1175 = arith.constant true
      %broadcast_in_dim3A_1176 = vector.broadcast %broadcast_in_dim3A_1175 : i1 to vector<16xi1>
      %masked_cumsum3A_1177 = tpu.scan <sum>, %get3A_1174 masked %broadcast_in_dim3A_1176 : vector<16xf32>, vector<16xi1> -> vector<16xf32>
      %add3A_1178 = arith.constant 0.000000e+00 : f32
      %add3A_1179 = vector.broadcast %add3A_1178 : f32 to vector<16xf32>
      %add3A_1180 = arith.addf %masked_cumsum3A_1177, %add3A_1179 : vector<16xf32>
      %swap3A_1181 = arith.constant 6 : i32
      %swap3A_1182 = arith.index_cast %scan3A_346 : i32 to index
      %swap3A_1183 = arith.index_cast %swap3A_1181 : i32 to index
      %swap3A_1184 = arith.constant 0 : index
      %swap3A_1185 = tpu.vector_load %arg5[%swap3A_1182, %swap3A_1183, %swap3A_1184] {strides = array<i32>} : memref<16x8x128xf32, #tpu.memory_space<vmem>>, vector<16xf32>,
      tpu.vector_store %arg5[%swap3A_1182, %swap3A_1183, %swap3A_1184], %add3A_1180 {strides = array<i32>} : memref<16x8x128xf32, #tpu.memory_space<vmem>>, vector<16xf32>,
      %slice3A_1186 = vector.extract_strided_slice %add3A_1180 {offsets = [15], sizes = [1], strides = [1]} : vector<16xf32> to vector<1xf32>
      %squeeze3A_1187 = vector.extract %slice3A_1186[0] : f32 from vector<1xf32>
      %get3A_1188 = arith.constant 6 : i32
      %get3A_1189 = arith.index_cast %scan3A_346 : i32 to index
      %get3A_1190 = arith.index_cast %get3A_1188 : i32 to index
      %get3A_1191 = arith.constant 16 : index
      %get3A_1192 = tpu.vector_load %arg5[%get3A_1189, %get3A_1190, %get3A_1191] {strides = array<i32>} : memref<16x8x128xf32, #tpu.memory_space<vmem>>, vector<16xf32>,
      %broadcast_in_dim3A_1193 = arith.constant true
      %broadcast_in_dim3A_1194 = vector.broadcast %broadcast_in_dim3A_1193 : i1 to vector<16xi1>
      %masked_cumsum3A_1195 = tpu.scan <sum>, %get3A_1192 masked %broadcast_in_dim3A_1194 : vector<16xf32>, vector<16xi1> -> vector<16xf32>
      %add3A_1196 = vector.broadcast %squeeze3A_1187 : f32 to vector<16xf32>
      %add3A_1197 = arith.addf %masked_cumsum3A_1195, %add3A_1196 : vector<16xf32>
      %swap3A_1198 = arith.constant 6 : i32
      %swap3A_1199 = arith.index_cast %scan3A_346 : i32 to index
      %swap3A_1200 = arith.index_cast %swap3A_1198 : i32 to index
      %swap3A_1201 = arith.constant 16 : index
      %swap3A_1202 = tpu.vector_load %arg5[%swap3A_1199, %swap3A_1200, %swap3A_1201] {strides = array<i32>} : memref<16x8x128xf32, #tpu.memory_space<vmem>>, vector<16xf32>,
      tpu.vector_store %arg5[%swap3A_1199, %swap3A_1200, %swap3A_1201], %add3A_1197 {strides = array<i32>} : memref<16x8x128xf32, #tpu.memory_space<vmem>>, vector<16xf32>,
      %slice3A_1203 = vector.extract_strided_slice %add3A_1197 {offsets = [15], sizes = [1], strides = [1]} : vector<16xf32> to vector<1xf32>
      %squeeze3A_1204 = vector.extract %slice3A_1203[0] : f32 from vector<1xf32>
      %get3A_1205 = arith.constant 6 : i32
      %get3A_1206 = arith.index_cast %scan3A_346 : i32 to index
      %get3A_1207 = arith.index_cast %get3A_1205 : i32 to index
      %get3A_1208 = arith.constant 32 : index
      %get3A_1209 = tpu.vector_load %arg5[%get3A_1206, %get3A_1207, %get3A_1208] {strides = array<i32>} : memref<16x8x128xf32, #tpu.memory_space<vmem>>, vector<16xf32>,
      %broadcast_in_dim3A_1210 = arith.constant true
      %broadcast_in_dim3A_1211 = vector.broadcast %broadcast_in_dim3A_1210 : i1 to vector<16xi1>
      %masked_cumsum3A_1212 = tpu.scan <sum>, %get3A_1209 masked %broadcast_in_dim3A_1211 : vector<16xf32>, vector<16xi1> -> vector<16xf32>
      %add3A_1213 = vector.broadcast %squeeze3A_1204 : f32 to vector<16xf32>
      %add3A_1214 = arith.addf %masked_cumsum3A_1212, %add3A_1213 : vector<16xf32>
      %swap3A_1215 = arith.constant 6 : i32
      %swap3A_1216 = arith.index_cast %scan3A_346 : i32 to index
      %swap3A_1217 = arith.index_cast %swap3A_1215 : i32 to index
      %swap3A_1218 = arith.constant 32 : index
      %swap3A_1219 = tpu.vector_load %arg5[%swap3A_1216, %swap3A_1217, %swap3A_1218] {strides = array<i32>} : memref<16x8x128xf32, #tpu.memory_space<vmem>>, vector<16xf32>,
      tpu.vector_store %arg5[%swap3A_1216, %swap3A_1217, %swap3A_1218], %add3A_1214 {strides = array<i32>} : memref<16x8x128xf32, #tpu.memory_space<vmem>>, vector<16xf32>,
      %slice3A_1220 = vector.extract_strided_slice %add3A_1214 {offsets = [15], sizes = [1], strides = [1]} : vector<16xf32> to vector<1xf32>
      %squeeze3A_1221 = vector.extract %slice3A_1220[0] : f32 from vector<1xf32>
      %get3A_1222 = arith.constant 6 : i32
      %get3A_1223 = arith.index_cast %scan3A_346 : i32 to index
      %get3A_1224 = arith.index_cast %get3A_1222 : i32 to index
      %get3A_1225 = arith.constant 48 : index
      %get3A_1226 = tpu.vector_load %arg5[%get3A_1223, %get3A_1224, %get3A_1225] {strides = array<i32>} : memref<16x8x128xf32, #tpu.memory_space<vmem>>, vector<16xf32>,
      %broadcast_in_dim3A_1227 = arith.constant true
      %broadcast_in_dim3A_1228 = vector.broadcast %broadcast_in_dim3A_1227 : i1 to vector<16xi1>
      %masked_cumsum3A_1229 = tpu.scan <sum>, %get3A_1226 masked %broadcast_in_dim3A_1228 : vector<16xf32>, vector<16xi1> -> vector<16xf32>
      %add3A_1230 = vector.broadcast %squeeze3A_1221 : f32 to vector<16xf32>
      %add3A_1231 = arith.addf %masked_cumsum3A_1229, %add3A_1230 : vector<16xf32>
      %swap3A_1232 = arith.constant 6 : i32
      %swap3A_1233 = arith.index_cast %scan3A_346 : i32 to index
      %swap3A_1234 = arith.index_cast %swap3A_1232 : i32 to index
      %swap3A_1235 = arith.constant 48 : index
      %swap3A_1236 = tpu.vector_load %arg5[%swap3A_1233, %swap3A_1234, %swap3A_1235] {strides = array<i32>} : memref<16x8x128xf32, #tpu.memory_space<vmem>>, vector<16xf32>,
      tpu.vector_store %arg5[%swap3A_1233, %swap3A_1234, %swap3A_1235], %add3A_1231 {strides = array<i32>} : memref<16x8x128xf32, #tpu.memory_space<vmem>>, vector<16xf32>,
      %slice3A_1237 = vector.extract_strided_slice %add3A_1231 {offsets = [15], sizes = [1], strides = [1]} : vector<16xf32> to vector<1xf32>
      %squeeze3A_1238 = vector.extract %slice3A_1237[0] : f32 from vector<1xf32>
      %get3A_1239 = arith.constant 6 : i32
      %get3A_1240 = arith.index_cast %scan3A_346 : i32 to index
      %get3A_1241 = arith.index_cast %get3A_1239 : i32 to index
      %get3A_1242 = arith.constant 64 : index
      %get3A_1243 = tpu.vector_load %arg5[%get3A_1240, %get3A_1241, %get3A_1242] {strides = array<i32>} : memref<16x8x128xf32, #tpu.memory_space<vmem>>, vector<16xf32>,
      %broadcast_in_dim3A_1244 = arith.constant true
      %broadcast_in_dim3A_1245 = vector.broadcast %broadcast_in_dim3A_1244 : i1 to vector<16xi1>
      %masked_cumsum3A_1246 = tpu.scan <sum>, %get3A_1243 masked %broadcast_in_dim3A_1245 : vector<16xf32>, vector<16xi1> -> vector<16xf32>
      %add3A_1247 = arith.constant 0.000000e+00 : f32
      %add3A_1248 = vector.broadcast %add3A_1247 : f32 to vector<16xf32>
      %add3A_1249 = arith.addf %masked_cumsum3A_1246, %add3A_1248 : vector<16xf32>
      %swap3A_1250 = arith.constant 6 : i32
      %swap3A_1251 = arith.index_cast %scan3A_346 : i32 to index
      %swap3A_1252 = arith.index_cast %swap3A_1250 : i32 to index
      %swap3A_1253 = arith.constant 64 : index
      %swap3A_1254 = tpu.vector_load %arg5[%swap3A_1251, %swap3A_1252, %swap3A_1253] {strides = array<i32>} : memref<16x8x128xf32, #tpu.memory_space<vmem>>, vector<16xf32>,
      tpu.vector_store %arg5[%swap3A_1251, %swap3A_1252, %swap3A_1253], %add3A_1249 {strides = array<i32>} : memref<16x8x128xf32, #tpu.memory_space<vmem>>, vector<16xf32>,
      %slice3A_1255 = vector.extract_strided_slice %add3A_1249 {offsets = [15], sizes = [1], strides = [1]} : vector<16xf32> to vector<1xf32>
      %squeeze3A_1256 = vector.extract %slice3A_1255[0] : f32 from vector<1xf32>
      %get3A_1257 = arith.constant 6 : i32
      %get3A_1258 = arith.index_cast %scan3A_346 : i32 to index
      %get3A_1259 = arith.index_cast %get3A_1257 : i32 to index
      %get3A_1260 = arith.constant 80 : index
      %get3A_1261 = tpu.vector_load %arg5[%get3A_1258, %get3A_1259, %get3A_1260] {strides = array<i32>} : memref<16x8x128xf32, #tpu.memory_space<vmem>>, vector<16xf32>,
      %broadcast_in_dim3A_1262 = arith.constant true
      %broadcast_in_dim3A_1263 = vector.broadcast %broadcast_in_dim3A_1262 : i1 to vector<16xi1>
      %masked_cumsum3A_1264 = tpu.scan <sum>, %get3A_1261 masked %broadcast_in_dim3A_1263 : vector<16xf32>, vector<16xi1> -> vector<16xf32>
      %add3A_1265 = vector.broadcast %squeeze3A_1256 : f32 to vector<16xf32>
      %add3A_1266 = arith.addf %masked_cumsum3A_1264, %add3A_1265 : vector<16xf32>
      %swap3A_1267 = arith.constant 6 : i32
      %swap3A_1268 = arith.index_cast %scan3A_346 : i32 to index
      %swap3A_1269 = arith.index_cast %swap3A_1267 : i32 to index
      %swap3A_1270 = arith.constant 80 : index
      %swap3A_1271 = tpu.vector_load %arg5[%swap3A_1268, %swap3A_1269, %swap3A_1270] {strides = array<i32>} : memref<16x8x128xf32, #tpu.memory_space<vmem>>, vector<16xf32>,
      tpu.vector_store %arg5[%swap3A_1268, %swap3A_1269, %swap3A_1270], %add3A_1266 {strides = array<i32>} : memref<16x8x128xf32, #tpu.memory_space<vmem>>, vector<16xf32>,
      %slice3A_1272 = vector.extract_strided_slice %add3A_1266 {offsets = [15], sizes = [1], strides = [1]} : vector<16xf32> to vector<1xf32>
      %squeeze3A_1273 = vector.extract %slice3A_1272[0] : f32 from vector<1xf32>
      %get3A_1274 = arith.constant 6 : i32
      %get3A_1275 = arith.index_cast %scan3A_346 : i32 to index
      %get3A_1276 = arith.index_cast %get3A_1274 : i32 to index
      %get3A_1277 = arith.constant 96 : index
      %get3A_1278 = tpu.vector_load %arg5[%get3A_1275, %get3A_1276, %get3A_1277] {strides = array<i32>} : memref<16x8x128xf32, #tpu.memory_space<vmem>>, vector<16xf32>,
      %broadcast_in_dim3A_1279 = arith.constant true
      %broadcast_in_dim3A_1280 = vector.broadcast %broadcast_in_dim3A_1279 : i1 to vector<16xi1>
      %masked_cumsum3A_1281 = tpu.scan <sum>, %get3A_1278 masked %broadcast_in_dim3A_1280 : vector<16xf32>, vector<16xi1> -> vector<16xf32>
      %add3A_1282 = vector.broadcast %squeeze3A_1273 : f32 to vector<16xf32>
      %add3A_1283 = arith.addf %masked_cumsum3A_1281, %add3A_1282 : vector<16xf32>
      %swap3A_1284 = arith.constant 6 : i32
      %swap3A_1285 = arith.index_cast %scan3A_346 : i32 to index
      %swap3A_1286 = arith.index_cast %swap3A_1284 : i32 to index
      %swap3A_1287 = arith.constant 96 : index
      %swap3A_1288 = tpu.vector_load %arg5[%swap3A_1285, %swap3A_1286, %swap3A_1287] {strides = array<i32>} : memref<16x8x128xf32, #tpu.memory_space<vmem>>, vector<16xf32>,
      tpu.vector_store %arg5[%swap3A_1285, %swap3A_1286, %swap3A_1287], %add3A_1283 {strides = array<i32>} : memref<16x8x128xf32, #tpu.memory_space<vmem>>, vector<16xf32>,
      %slice3A_1289 = vector.extract_strided_slice %add3A_1283 {offsets = [15], sizes = [1], strides = [1]} : vector<16xf32> to vector<1xf32>
      %squeeze3A_1290 = vector.extract %slice3A_1289[0] : f32 from vector<1xf32>
      %get3A_1291 = arith.constant 6 : i32
      %get3A_1292 = arith.index_cast %scan3A_346 : i32 to index
      %get3A_1293 = arith.index_cast %get3A_1291 : i32 to index
      %get3A_1294 = arith.constant 112 : index
      %get3A_1295 = tpu.vector_load %arg5[%get3A_1292, %get3A_1293, %get3A_1294] {strides = array<i32>} : memref<16x8x128xf32, #tpu.memory_space<vmem>>, vector<16xf32>,
      %broadcast_in_dim3A_1296 = arith.constant true
      %broadcast_in_dim3A_1297 = vector.broadcast %broadcast_in_dim3A_1296 : i1 to vector<16xi1>
      %masked_cumsum3A_1298 = tpu.scan <sum>, %get3A_1295 masked %broadcast_in_dim3A_1297 : vector<16xf32>, vector<16xi1> -> vector<16xf32>
      %add3A_1299 = vector.broadcast %squeeze3A_1290 : f32 to vector<16xf32>
      %add3A_1300 = arith.addf %masked_cumsum3A_1298, %add3A_1299 : vector<16xf32>
      %swap3A_1301 = arith.constant 6 : i32
      %swap3A_1302 = arith.index_cast %scan3A_346 : i32 to index
      %swap3A_1303 = arith.index_cast %swap3A_1301 : i32 to index
      %swap3A_1304 = arith.constant 112 : index
      %swap3A_1305 = tpu.vector_load %arg5[%swap3A_1302, %swap3A_1303, %swap3A_1304] {strides = array<i32>} : memref<16x8x128xf32, #tpu.memory_space<vmem>>, vector<16xf32>,
      tpu.vector_store %arg5[%swap3A_1302, %swap3A_1303, %swap3A_1304], %add3A_1300 {strides = array<i32>} : memref<16x8x128xf32, #tpu.memory_space<vmem>>, vector<16xf32>,
      %slice3A_1306 = vector.extract_strided_slice %add3A_1300 {offsets = [15], sizes = [1], strides = [1]} : vector<16xf32> to vector<1xf32>
      %squeeze3A_1307 = vector.extract %slice3A_1306[0] : f32 from vector<1xf32>
      %get3A_1308 = arith.constant 7 : i32
      %get3A_1309 = arith.index_cast %scan3A_346 : i32 to index
      %get3A_1310 = arith.index_cast %get3A_1308 : i32 to index
      %get3A_1311 = arith.constant 0 : index
      %get3A_1312 = tpu.vector_load %arg5[%get3A_1309, %get3A_1310, %get3A_1311] {strides = array<i32>} : memref<16x8x128xf32, #tpu.memory_space<vmem>>, vector<16xf32>,
      %broadcast_in_dim3A_1313 = arith.constant true
      %broadcast_in_dim3A_1314 = vector.broadcast %broadcast_in_dim3A_1313 : i1 to vector<16xi1>
      %masked_cumsum3A_1315 = tpu.scan <sum>, %get3A_1312 masked %broadcast_in_dim3A_1314 : vector<16xf32>, vector<16xi1> -> vector<16xf32>
      %add3A_1316 = arith.constant 0.000000e+00 : f32
      %add3A_1317 = vector.broadcast %add3A_1316 : f32 to vector<16xf32>
      %add3A_1318 = arith.addf %masked_cumsum3A_1315, %add3A_1317 : vector<16xf32>
      %swap3A_1319 = arith.constant 7 : i32
      %swap3A_1320 = arith.index_cast %scan3A_346 : i32 to index
      %swap3A_1321 = arith.index_cast %swap3A_1319 : i32 to index
      %swap3A_1322 = arith.constant 0 : index
      %swap3A_1323 = tpu.vector_load %arg5[%swap3A_1320, %swap3A_1321, %swap3A_1322] {strides = array<i32>} : memref<16x8x128xf32, #tpu.memory_space<vmem>>, vector<16xf32>,
      tpu.vector_store %arg5[%swap3A_1320, %swap3A_1321, %swap3A_1322], %add3A_1318 {strides = array<i32>} : memref<16x8x128xf32, #tpu.memory_space<vmem>>, vector<16xf32>,
      %slice3A_1324 = vector.extract_strided_slice %add3A_1318 {offsets = [15], sizes = [1], strides = [1]} : vector<16xf32> to vector<1xf32>
      %squeeze3A_1325 = vector.extract %slice3A_1324[0] : f32 from vector<1xf32>
      %get3A_1326 = arith.constant 7 : i32
      %get3A_1327 = arith.index_cast %scan3A_346 : i32 to index
      %get3A_1328 = arith.index_cast %get3A_1326 : i32 to index
      %get3A_1329 = arith.constant 16 : index
      %get3A_1330 = tpu.vector_load %arg5[%get3A_1327, %get3A_1328, %get3A_1329] {strides = array<i32>} : memref<16x8x128xf32, #tpu.memory_space<vmem>>, vector<16xf32>,
      %broadcast_in_dim3A_1331 = arith.constant true
      %broadcast_in_dim3A_1332 = vector.broadcast %broadcast_in_dim3A_1331 : i1 to vector<16xi1>
      %masked_cumsum3A_1333 = tpu.scan <sum>, %get3A_1330 masked %broadcast_in_dim3A_1332 : vector<16xf32>, vector<16xi1> -> vector<16xf32>
      %add3A_1334 = vector.broadcast %squeeze3A_1325 : f32 to vector<16xf32>
      %add3A_1335 = arith.addf %masked_cumsum3A_1333, %add3A_1334 : vector<16xf32>
      %swap3A_1336 = arith.constant 7 : i32
      %swap3A_1337 = arith.index_cast %scan3A_346 : i32 to index
      %swap3A_1338 = arith.index_cast %swap3A_1336 : i32 to index
      %swap3A_1339 = arith.constant 16 : index
      %swap3A_1340 = tpu.vector_load %arg5[%swap3A_1337, %swap3A_1338, %swap3A_1339] {strides = array<i32>} : memref<16x8x128xf32, #tpu.memory_space<vmem>>, vector<16xf32>,
      tpu.vector_store %arg5[%swap3A_1337, %swap3A_1338, %swap3A_1339], %add3A_1335 {strides = array<i32>} : memref<16x8x128xf32, #tpu.memory_space<vmem>>, vector<16xf32>,
      %slice3A_1341 = vector.extract_strided_slice %add3A_1335 {offsets = [15], sizes = [1], strides = [1]} : vector<16xf32> to vector<1xf32>
      %squeeze3A_1342 = vector.extract %slice3A_1341[0] : f32 from vector<1xf32>
      %get3A_1343 = arith.constant 7 : i32
      %get3A_1344 = arith.index_cast %scan3A_346 : i32 to index
      %get3A_1345 = arith.index_cast %get3A_1343 : i32 to index
      %get3A_1346 = arith.constant 32 : index
      %get3A_1347 = tpu.vector_load %arg5[%get3A_1344, %get3A_1345, %get3A_1346] {strides = array<i32>} : memref<16x8x128xf32, #tpu.memory_space<vmem>>, vector<16xf32>,
      %broadcast_in_dim3A_1348 = arith.constant true
      %broadcast_in_dim3A_1349 = vector.broadcast %broadcast_in_dim3A_1348 : i1 to vector<16xi1>
      %masked_cumsum3A_1350 = tpu.scan <sum>, %get3A_1347 masked %broadcast_in_dim3A_1349 : vector<16xf32>, vector<16xi1> -> vector<16xf32>
      %add3A_1351 = vector.broadcast %squeeze3A_1342 : f32 to vector<16xf32>
      %add3A_1352 = arith.addf %masked_cumsum3A_1350, %add3A_1351 : vector<16xf32>
      %swap3A_1353 = arith.constant 7 : i32
      %swap3A_1354 = arith.index_cast %scan3A_346 : i32 to index
      %swap3A_1355 = arith.index_cast %swap3A_1353 : i32 to index
      %swap3A_1356 = arith.constant 32 : index
      %swap3A_1357 = tpu.vector_load %arg5[%swap3A_1354, %swap3A_1355, %swap3A_1356] {strides = array<i32>} : memref<16x8x128xf32, #tpu.memory_space<vmem>>, vector<16xf32>,
      tpu.vector_store %arg5[%swap3A_1354, %swap3A_1355, %swap3A_1356], %add3A_1352 {strides = array<i32>} : memref<16x8x128xf32, #tpu.memory_space<vmem>>, vector<16xf32>,
      %slice3A_1358 = vector.extract_strided_slice %add3A_1352 {offsets = [15], sizes = [1], strides = [1]} : vector<16xf32> to vector<1xf32>
      %squeeze3A_1359 = vector.extract %slice3A_1358[0] : f32 from vector<1xf32>
      %get3A_1360 = arith.constant 7 : i32
      %get3A_1361 = arith.index_cast %scan3A_346 : i32 to index
      %get3A_1362 = arith.index_cast %get3A_1360 : i32 to index
      %get3A_1363 = arith.constant 48 : index
      %get3A_1364 = tpu.vector_load %arg5[%get3A_1361, %get3A_1362, %get3A_1363] {strides = array<i32>} : memref<16x8x128xf32, #tpu.memory_space<vmem>>, vector<16xf32>,
      %broadcast_in_dim3A_1365 = arith.constant true
      %broadcast_in_dim3A_1366 = vector.broadcast %broadcast_in_dim3A_1365 : i1 to vector<16xi1>
      %masked_cumsum3A_1367 = tpu.scan <sum>, %get3A_1364 masked %broadcast_in_dim3A_1366 : vector<16xf32>, vector<16xi1> -> vector<16xf32>
      %add3A_1368 = vector.broadcast %squeeze3A_1359 : f32 to vector<16xf32>
      %add3A_1369 = arith.addf %masked_cumsum3A_1367, %add3A_1368 : vector<16xf32>
      %swap3A_1370 = arith.constant 7 : i32
      %swap3A_1371 = arith.index_cast %scan3A_346 : i32 to index
      %swap3A_1372 = arith.index_cast %swap3A_1370 : i32 to index
      %swap3A_1373 = arith.constant 48 : index
      %swap3A_1374 = tpu.vector_load %arg5[%swap3A_1371, %swap3A_1372, %swap3A_1373] {strides = array<i32>} : memref<16x8x128xf32, #tpu.memory_space<vmem>>, vector<16xf32>,
      tpu.vector_store %arg5[%swap3A_1371, %swap3A_1372, %swap3A_1373], %add3A_1369 {strides = array<i32>} : memref<16x8x128xf32, #tpu.memory_space<vmem>>, vector<16xf32>,
      %slice3A_1375 = vector.extract_strided_slice %add3A_1369 {offsets = [15], sizes = [1], strides = [1]} : vector<16xf32> to vector<1xf32>
      %squeeze3A_1376 = vector.extract %slice3A_1375[0] : f32 from vector<1xf32>
      %get3A_1377 = arith.constant 7 : i32
      %get3A_1378 = arith.index_cast %scan3A_346 : i32 to index
      %get3A_1379 = arith.index_cast %get3A_1377 : i32 to index
      %get3A_1380 = arith.constant 64 : index
      %get3A_1381 = tpu.vector_load %arg5[%get3A_1378, %get3A_1379, %get3A_1380] {strides = array<i32>} : memref<16x8x128xf32, #tpu.memory_space<vmem>>, vector<16xf32>,
      %broadcast_in_dim3A_1382 = arith.constant true
      %broadcast_in_dim3A_1383 = vector.broadcast %broadcast_in_dim3A_1382 : i1 to vector<16xi1>
      %masked_cumsum3A_1384 = tpu.scan <sum>, %get3A_1381 masked %broadcast_in_dim3A_1383 : vector<16xf32>, vector<16xi1> -> vector<16xf32>
      %add3A_1385 = arith.constant 0.000000e+00 : f32
      %add3A_1386 = vector.broadcast %add3A_1385 : f32 to vector<16xf32>
      %add3A_1387 = arith.addf %masked_cumsum3A_1384, %add3A_1386 : vector<16xf32>
      %swap3A_1388 = arith.constant 7 : i32
      %swap3A_1389 = arith.index_cast %scan3A_346 : i32 to index
      %swap3A_1390 = arith.index_cast %swap3A_1388 : i32 to index
      %swap3A_1391 = arith.constant 64 : index
      %swap3A_1392 = tpu.vector_load %arg5[%swap3A_1389, %swap3A_1390, %swap3A_1391] {strides = array<i32>} : memref<16x8x128xf32, #tpu.memory_space<vmem>>, vector<16xf32>,
      tpu.vector_store %arg5[%swap3A_1389, %swap3A_1390, %swap3A_1391], %add3A_1387 {strides = array<i32>} : memref<16x8x128xf32, #tpu.memory_space<vmem>>, vector<16xf32>,
      %slice3A_1393 = vector.extract_strided_slice %add3A_1387 {offsets = [15], sizes = [1], strides = [1]} : vector<16xf32> to vector<1xf32>
      %squeeze3A_1394 = vector.extract %slice3A_1393[0] : f32 from vector<1xf32>
      %get3A_1395 = arith.constant 7 : i32
      %get3A_1396 = arith.index_cast %scan3A_346 : i32 to index
      %get3A_1397 = arith.index_cast %get3A_1395 : i32 to index
      %get3A_1398 = arith.constant 80 : index
      %get3A_1399 = tpu.vector_load %arg5[%get3A_1396, %get3A_1397, %get3A_1398] {strides = array<i32>} : memref<16x8x128xf32, #tpu.memory_space<vmem>>, vector<16xf32>,
      %broadcast_in_dim3A_1400 = arith.constant true
      %broadcast_in_dim3A_1401 = vector.broadcast %broadcast_in_dim3A_1400 : i1 to vector<16xi1>
      %masked_cumsum3A_1402 = tpu.scan <sum>, %get3A_1399 masked %broadcast_in_dim3A_1401 : vector<16xf32>, vector<16xi1> -> vector<16xf32>
      %add3A_1403 = vector.broadcast %squeeze3A_1394 : f32 to vector<16xf32>
      %add3A_1404 = arith.addf %masked_cumsum3A_1402, %add3A_1403 : vector<16xf32>
      %swap3A_1405 = arith.constant 7 : i32
      %swap3A_1406 = arith.index_cast %scan3A_346 : i32 to index
      %swap3A_1407 = arith.index_cast %swap3A_1405 : i32 to index
      %swap3A_1408 = arith.constant 80 : index
      %swap3A_1409 = tpu.vector_load %arg5[%swap3A_1406, %swap3A_1407, %swap3A_1408] {strides = array<i32>} : memref<16x8x128xf32, #tpu.memory_space<vmem>>, vector<16xf32>,
      tpu.vector_store %arg5[%swap3A_1406, %swap3A_1407, %swap3A_1408], %add3A_1404 {strides = array<i32>} : memref<16x8x128xf32, #tpu.memory_space<vmem>>, vector<16xf32>,
      %slice3A_1410 = vector.extract_strided_slice %add3A_1404 {offsets = [15], sizes = [1], strides = [1]} : vector<16xf32> to vector<1xf32>
      %squeeze3A_1411 = vector.extract %slice3A_1410[0] : f32 from vector<1xf32>
      %get3A_1412 = arith.constant 7 : i32
      %get3A_1413 = arith.index_cast %scan3A_346 : i32 to index
      %get3A_1414 = arith.index_cast %get3A_1412 : i32 to index
      %get3A_1415 = arith.constant 96 : index
      %get3A_1416 = tpu.vector_load %arg5[%get3A_1413, %get3A_1414, %get3A_1415] {strides = array<i32>} : memref<16x8x128xf32, #tpu.memory_space<vmem>>, vector<16xf32>,
      %broadcast_in_dim3A_1417 = arith.constant true
      %broadcast_in_dim3A_1418 = vector.broadcast %broadcast_in_dim3A_1417 : i1 to vector<16xi1>
      %masked_cumsum3A_1419 = tpu.scan <sum>, %get3A_1416 masked %broadcast_in_dim3A_1418 : vector<16xf32>, vector<16xi1> -> vector<16xf32>
      %add3A_1420 = vector.broadcast %squeeze3A_1411 : f32 to vector<16xf32>
      %add3A_1421 = arith.addf %masked_cumsum3A_1419, %add3A_1420 : vector<16xf32>
      %swap3A_1422 = arith.constant 7 : i32
      %swap3A_1423 = arith.index_cast %scan3A_346 : i32 to index
      %swap3A_1424 = arith.index_cast %swap3A_1422 : i32 to index
      %swap3A_1425 = arith.constant 96 : index
      %swap3A_1426 = tpu.vector_load %arg5[%swap3A_1423, %swap3A_1424, %swap3A_1425] {strides = array<i32>} : memref<16x8x128xf32, #tpu.memory_space<vmem>>, vector<16xf32>,
      tpu.vector_store %arg5[%swap3A_1423, %swap3A_1424, %swap3A_1425], %add3A_1421 {strides = array<i32>} : memref<16x8x128xf32, #tpu.memory_space<vmem>>, vector<16xf32>,
      %slice3A_1427 = vector.extract_strided_slice %add3A_1421 {offsets = [15], sizes = [1], strides = [1]} : vector<16xf32> to vector<1xf32>
      %squeeze3A_1428 = vector.extract %slice3A_1427[0] : f32 from vector<1xf32>
      %get3A_1429 = arith.constant 7 : i32
      %get3A_1430 = arith.index_cast %scan3A_346 : i32 to index
      %get3A_1431 = arith.index_cast %get3A_1429 : i32 to index
      %get3A_1432 = arith.constant 112 : index
      %get3A_1433 = tpu.vector_load %arg5[%get3A_1430, %get3A_1431, %get3A_1432] {strides = array<i32>} : memref<16x8x128xf32, #tpu.memory_space<vmem>>, vector<16xf32>,
      %broadcast_in_dim3A_1434 = arith.constant true
      %broadcast_in_dim3A_1435 = vector.broadcast %broadcast_in_dim3A_1434 : i1 to vector<16xi1>
      %masked_cumsum3A_1436 = tpu.scan <sum>, %get3A_1433 masked %broadcast_in_dim3A_1435 : vector<16xf32>, vector<16xi1> -> vector<16xf32>
      %add3A_1437 = vector.broadcast %squeeze3A_1428 : f32 to vector<16xf32>
      %add3A_1438 = arith.addf %masked_cumsum3A_1436, %add3A_1437 : vector<16xf32>
      %swap3A_1439 = arith.constant 7 : i32
      %swap3A_1440 = arith.index_cast %scan3A_346 : i32 to index
      %swap3A_1441 = arith.index_cast %swap3A_1439 : i32 to index
      %swap3A_1442 = arith.constant 112 : index
      %swap3A_1443 = tpu.vector_load %arg5[%swap3A_1440, %swap3A_1441, %swap3A_1442] {strides = array<i32>} : memref<16x8x128xf32, #tpu.memory_space<vmem>>, vector<16xf32>,
      tpu.vector_store %arg5[%swap3A_1440, %swap3A_1441, %swap3A_1442], %add3A_1438 {strides = array<i32>} : memref<16x8x128xf32, #tpu.memory_space<vmem>>, vector<16xf32>,
      %slice3A_1444 = vector.extract_strided_slice %add3A_1438 {offsets = [15], sizes = [1], strides = [1]} : vector<16xf32> to vector<1xf32>
      %squeeze3A_1445 = vector.extract %slice3A_1444[0] : f32 from vector<1xf32>
      %scan3A_1446 = arith.constant 0 : i32
      scf.yield %scan3A_1446 : i32
    }
    %scan3A_241 = arith.constant 16 : i32
    %dma_start3A_242 = arith.constant 16 : i32
    %dma_start3A_243 = arith.constant 0 : i32
    %dma_start3A_244 = arith.constant 0 : i32
    %dma_start3A_245 = tpu.memref_slice %arg3[%select_n3A_60, %select_n3A_76, %dma_start3A_242, %dma_start3A_243, %dma_start3A_244] : memref<16x4x32x8x128xf32, #tpu.memory_space<hbm>> -> memref<1x1x16x8x128xf32, #tpu.memory_space<hbm>>
    %dma_start3A_246 = tpu.memref_squeeze %dma_start3A_245 : memref<1x1x16x8x128xf32, #tpu.memory_space<hbm>> -> memref<16x8x128xf32, #tpu.memory_space<hbm>>
    %dma_start3A_247 = arith.constant 16 : i32
    %dma_start3A_248 = arith.constant 0 : i32
    %dma_start3A_249 = arith.constant 0 : i32
    %dma_start3A_250 = tpu.memref_slice %arg3[%select_n3A_60, %select_n3A_76, %dma_start3A_247, %dma_start3A_248, %dma_start3A_249] : memref<16x4x32x8x128xf32, #tpu.memory_space<hbm>> -> memref<1x1x16x8x128xf32, #tpu.memory_space<hbm>>
    %dma_start3A_251 = tpu.memref_squeeze %dma_start3A_250 : memref<1x1x16x8x128xf32, #tpu.memory_space<hbm>> -> memref<16x8x128xf32, #tpu.memory_space<hbm>>
    tpu.enqueue_dma source(%arg5 : memref<16x8x128xf32, #tpu.memory_space<vmem>>) target(%dma_start3A_251 : memref<16x8x128xf32, #tpu.memory_space<hbm>>) target_semaphore(%arg13 : memref<!tpu.dma_semaphore, #tpu.memory_space<semaphore_mem>>)
    %dma_wait3A_252 = arith.constant 0 : i32
    %dma_wait3A_253 = arith.constant 0 : i32
    %dma_wait3A_254 = arith.constant 0 : i32
    %dma_wait3A_255 = tpu.memref_slice %arg2[%select_n3A_102, %select_n3A_118, %dma_wait3A_252, %dma_wait3A_253, %dma_wait3A_254] : memref<16x4x32x8x128xf32, #tpu.memory_space<hbm>> -> memref<1x1x16x8x128xf32, #tpu.memory_space<hbm>>
    %dma_wait3A_256 = tpu.memref_squeeze %dma_wait3A_255 : memref<1x1x16x8x128xf32, #tpu.memory_space<hbm>> -> memref<16x8x128xf32, #tpu.memory_space<hbm>>
    %dma_wait3A_257 = arith.constant 0 : i32
    %dma_wait3A_258 = arith.constant 0 : i32
    %dma_wait3A_259 = arith.constant 0 : i32
    %dma_wait3A_260 = tpu.memref_slice %arg2[%select_n3A_102, %select_n3A_118, %dma_wait3A_257, %dma_wait3A_258, %dma_wait3A_259] : memref<16x4x32x8x128xf32, #tpu.memory_space<hbm>> -> memref<1x1x16x8x128xf32, #tpu.memory_space<hbm>>
    %dma_wait3A_261 = tpu.memref_squeeze %dma_wait3A_260 : memref<1x1x16x8x128xf32, #tpu.memory_space<hbm>> -> memref<16x8x128xf32, #tpu.memory_space<hbm>>
    tpu.wait_dma2 semaphore(%arg10 : memref<!tpu.dma_semaphore, #tpu.memory_space<semaphore_mem>>) src(%dma_wait3A_261 : memref<16x8x128xf32, #tpu.memory_space<hbm>>) dst(%arg6 : memref<16x8x128xf32, #tpu.memory_space<vmem>>)
    %scan3A_262 = arith.constant 0 : i32
    %scan3A_263 = arith.constant 0 : i32
    %scan3A_264 = arith.constant 16 : i32
    %scan3A_265 = arith.addi %scan3A_263, %scan3A_264 : i32
    %scan3A_266 = arith.constant 1 : i32
    %scan3A_267 = scf.for %scan3A_346 = %scan3A_263 to %scan3A_265 step %scan3A_266 iter_args(%scan3A_347 = %scan3A_262) -> (i32)  : i32 {
      %get3A = arith.constant 0 : i32
      %get3A_348 = arith.index_cast %scan3A_346 : i32 to index
      %get3A_349 = arith.index_cast %get3A : i32 to index
      %get3A_350 = arith.constant 0 : index
      %get3A_351 = tpu.vector_load %arg6[%get3A_348, %get3A_349, %get3A_350] {strides = array<i32>} : memref<16x8x128xf32, #tpu.memory_space<vmem>>, vector<16xf32>,
      %broadcast_in_dim3A = arith.constant true
      %broadcast_in_dim3A_352 = vector.broadcast %broadcast_in_dim3A : i1 to vector<16xi1>
      %masked_cumsum3A = tpu.scan <sum>, %get3A_351 masked %broadcast_in_dim3A_352 : vector<16xf32>, vector<16xi1> -> vector<16xf32>
      %add3A_353 = arith.constant 0.000000e+00 : f32
      %add3A_354 = vector.broadcast %add3A_353 : f32 to vector<16xf32>
      %add3A_355 = arith.addf %masked_cumsum3A, %add3A_354 : vector<16xf32>
      %swap3A = arith.constant 0 : i32
      %swap3A_356 = arith.index_cast %scan3A_346 : i32 to index
      %swap3A_357 = arith.index_cast %swap3A : i32 to index
      %swap3A_358 = arith.constant 0 : index
      %swap3A_359 = tpu.vector_load %arg6[%swap3A_356, %swap3A_357, %swap3A_358] {strides = array<i32>} : memref<16x8x128xf32, #tpu.memory_space<vmem>>, vector<16xf32>,
      tpu.vector_store %arg6[%swap3A_356, %swap3A_357, %swap3A_358], %add3A_355 {strides = array<i32>} : memref<16x8x128xf32, #tpu.memory_space<vmem>>, vector<16xf32>,
      %slice3A = vector.extract_strided_slice %add3A_355 {offsets = [15], sizes = [1], strides = [1]} : vector<16xf32> to vector<1xf32>
      %squeeze3A = vector.extract %slice3A[0] : f32 from vector<1xf32>
      %get3A_360 = arith.constant 0 : i32
      %get3A_361 = arith.index_cast %scan3A_346 : i32 to index
      %get3A_362 = arith.index_cast %get3A_360 : i32 to index
      %get3A_363 = arith.constant 16 : index
      %get3A_364 = tpu.vector_load %arg6[%get3A_361, %get3A_362, %get3A_363] {strides = array<i32>} : memref<16x8x128xf32, #tpu.memory_space<vmem>>, vector<16xf32>,
      %broadcast_in_dim3A_365 = arith.constant true
      %broadcast_in_dim3A_366 = vector.broadcast %broadcast_in_dim3A_365 : i1 to vector<16xi1>
      %masked_cumsum3A_367 = tpu.scan <sum>, %get3A_364 masked %broadcast_in_dim3A_366 : vector<16xf32>, vector<16xi1> -> vector<16xf32>
      %add3A_368 = vector.broadcast %squeeze3A : f32 to vector<16xf32>
      %add3A_369 = arith.addf %masked_cumsum3A_367, %add3A_368 : vector<16xf32>
      %swap3A_370 = arith.constant 0 : i32
      %swap3A_371 = arith.index_cast %scan3A_346 : i32 to index
      %swap3A_372 = arith.index_cast %swap3A_370 : i32 to index
      %swap3A_373 = arith.constant 16 : index
      %swap3A_374 = tpu.vector_load %arg6[%swap3A_371, %swap3A_372, %swap3A_373] {strides = array<i32>} : memref<16x8x128xf32, #tpu.memory_space<vmem>>, vector<16xf32>,
      tpu.vector_store %arg6[%swap3A_371, %swap3A_372, %swap3A_373], %add3A_369 {strides = array<i32>} : memref<16x8x128xf32, #tpu.memory_space<vmem>>, vector<16xf32>,
      %slice3A_375 = vector.extract_strided_slice %add3A_369 {offsets = [15], sizes = [1], strides = [1]} : vector<16xf32> to vector<1xf32>
      %squeeze3A_376 = vector.extract %slice3A_375[0] : f32 from vector<1xf32>
      %get3A_377 = arith.constant 0 : i32
      %get3A_378 = arith.index_cast %scan3A_346 : i32 to index
      %get3A_379 = arith.index_cast %get3A_377 : i32 to index
      %get3A_380 = arith.constant 32 : index
      %get3A_381 = tpu.vector_load %arg6[%get3A_378, %get3A_379, %get3A_380] {strides = array<i32>} : memref<16x8x128xf32, #tpu.memory_space<vmem>>, vector<16xf32>,
      %broadcast_in_dim3A_382 = arith.constant true
      %broadcast_in_dim3A_383 = vector.broadcast %broadcast_in_dim3A_382 : i1 to vector<16xi1>
      %masked_cumsum3A_384 = tpu.scan <sum>, %get3A_381 masked %broadcast_in_dim3A_383 : vector<16xf32>, vector<16xi1> -> vector<16xf32>
      %add3A_385 = vector.broadcast %squeeze3A_376 : f32 to vector<16xf32>
      %add3A_386 = arith.addf %masked_cumsum3A_384, %add3A_385 : vector<16xf32>
      %swap3A_387 = arith.constant 0 : i32
      %swap3A_388 = arith.index_cast %scan3A_346 : i32 to index
      %swap3A_389 = arith.index_cast %swap3A_387 : i32 to index
      %swap3A_390 = arith.constant 32 : index
      %swap3A_391 = tpu.vector_load %arg6[%swap3A_388, %swap3A_389, %swap3A_390] {strides = array<i32>} : memref<16x8x128xf32, #tpu.memory_space<vmem>>, vector<16xf32>,
      tpu.vector_store %arg6[%swap3A_388, %swap3A_389, %swap3A_390], %add3A_386 {strides = array<i32>} : memref<16x8x128xf32, #tpu.memory_space<vmem>>, vector<16xf32>,
      %slice3A_392 = vector.extract_strided_slice %add3A_386 {offsets = [15], sizes = [1], strides = [1]} : vector<16xf32> to vector<1xf32>
      %squeeze3A_393 = vector.extract %slice3A_392[0] : f32 from vector<1xf32>
      %get3A_394 = arith.constant 0 : i32
      %get3A_395 = arith.index_cast %scan3A_346 : i32 to index
      %get3A_396 = arith.index_cast %get3A_394 : i32 to index
      %get3A_397 = arith.constant 48 : index
      %get3A_398 = tpu.vector_load %arg6[%get3A_395, %get3A_396, %get3A_397] {strides = array<i32>} : memref<16x8x128xf32, #tpu.memory_space<vmem>>, vector<16xf32>,
      %broadcast_in_dim3A_399 = arith.constant true
      %broadcast_in_dim3A_400 = vector.broadcast %broadcast_in_dim3A_399 : i1 to vector<16xi1>
      %masked_cumsum3A_401 = tpu.scan <sum>, %get3A_398 masked %broadcast_in_dim3A_400 : vector<16xf32>, vector<16xi1> -> vector<16xf32>
      %add3A_402 = vector.broadcast %squeeze3A_393 : f32 to vector<16xf32>
      %add3A_403 = arith.addf %masked_cumsum3A_401, %add3A_402 : vector<16xf32>
      %swap3A_404 = arith.constant 0 : i32
      %swap3A_405 = arith.index_cast %scan3A_346 : i32 to index
      %swap3A_406 = arith.index_cast %swap3A_404 : i32 to index
      %swap3A_407 = arith.constant 48 : index
      %swap3A_408 = tpu.vector_load %arg6[%swap3A_405, %swap3A_406, %swap3A_407] {strides = array<i32>} : memref<16x8x128xf32, #tpu.memory_space<vmem>>, vector<16xf32>,
      tpu.vector_store %arg6[%swap3A_405, %swap3A_406, %swap3A_407], %add3A_403 {strides = array<i32>} : memref<16x8x128xf32, #tpu.memory_space<vmem>>, vector<16xf32>,
      %slice3A_409 = vector.extract_strided_slice %add3A_403 {offsets = [15], sizes = [1], strides = [1]} : vector<16xf32> to vector<1xf32>
      %squeeze3A_410 = vector.extract %slice3A_409[0] : f32 from vector<1xf32>
      %get3A_411 = arith.constant 0 : i32
      %get3A_412 = arith.index_cast %scan3A_346 : i32 to index
      %get3A_413 = arith.index_cast %get3A_411 : i32 to index
      %get3A_414 = arith.constant 64 : index
      %get3A_415 = tpu.vector_load %arg6[%get3A_412, %get3A_413, %get3A_414] {strides = array<i32>} : memref<16x8x128xf32, #tpu.memory_space<vmem>>, vector<16xf32>,
      %broadcast_in_dim3A_416 = arith.constant true
      %broadcast_in_dim3A_417 = vector.broadcast %broadcast_in_dim3A_416 : i1 to vector<16xi1>
      %masked_cumsum3A_418 = tpu.scan <sum>, %get3A_415 masked %broadcast_in_dim3A_417 : vector<16xf32>, vector<16xi1> -> vector<16xf32>
      %add3A_419 = arith.constant 0.000000e+00 : f32
      %add3A_420 = vector.broadcast %add3A_419 : f32 to vector<16xf32>
      %add3A_421 = arith.addf %masked_cumsum3A_418, %add3A_420 : vector<16xf32>
      %swap3A_422 = arith.constant 0 : i32
      %swap3A_423 = arith.index_cast %scan3A_346 : i32 to index
      %swap3A_424 = arith.index_cast %swap3A_422 : i32 to index
      %swap3A_425 = arith.constant 64 : index
      %swap3A_426 = tpu.vector_load %arg6[%swap3A_423, %swap3A_424, %swap3A_425] {strides = array<i32>} : memref<16x8x128xf32, #tpu.memory_space<vmem>>, vector<16xf32>,
      tpu.vector_store %arg6[%swap3A_423, %swap3A_424, %swap3A_425], %add3A_421 {strides = array<i32>} : memref<16x8x128xf32, #tpu.memory_space<vmem>>, vector<16xf32>,
      %slice3A_427 = vector.extract_strided_slice %add3A_421 {offsets = [15], sizes = [1], strides = [1]} : vector<16xf32> to vector<1xf32>
      %squeeze3A_428 = vector.extract %slice3A_427[0] : f32 from vector<1xf32>
      %get3A_429 = arith.constant 0 : i32
      %get3A_430 = arith.index_cast %scan3A_346 : i32 to index
      %get3A_431 = arith.index_cast %get3A_429 : i32 to index
      %get3A_432 = arith.constant 80 : index
      %get3A_433 = tpu.vector_load %arg6[%get3A_430, %get3A_431, %get3A_432] {strides = array<i32>} : memref<16x8x128xf32, #tpu.memory_space<vmem>>, vector<16xf32>,
      %broadcast_in_dim3A_434 = arith.constant true
      %broadcast_in_dim3A_435 = vector.broadcast %broadcast_in_dim3A_434 : i1 to vector<16xi1>
      %masked_cumsum3A_436 = tpu.scan <sum>, %get3A_433 masked %broadcast_in_dim3A_435 : vector<16xf32>, vector<16xi1> -> vector<16xf32>
      %add3A_437 = vector.broadcast %squeeze3A_428 : f32 to vector<16xf32>
      %add3A_438 = arith.addf %masked_cumsum3A_436, %add3A_437 : vector<16xf32>
      %swap3A_439 = arith.constant 0 : i32
      %swap3A_440 = arith.index_cast %scan3A_346 : i32 to index
      %swap3A_441 = arith.index_cast %swap3A_439 : i32 to index
      %swap3A_442 = arith.constant 80 : index
      %swap3A_443 = tpu.vector_load %arg6[%swap3A_440, %swap3A_441, %swap3A_442] {strides = array<i32>} : memref<16x8x128xf32, #tpu.memory_space<vmem>>, vector<16xf32>,
      tpu.vector_store %arg6[%swap3A_440, %swap3A_441, %swap3A_442], %add3A_438 {strides = array<i32>} : memref<16x8x128xf32, #tpu.memory_space<vmem>>, vector<16xf32>,
      %slice3A_444 = vector.extract_strided_slice %add3A_438 {offsets = [15], sizes = [1], strides = [1]} : vector<16xf32> to vector<1xf32>
      %squeeze3A_445 = vector.extract %slice3A_444[0] : f32 from vector<1xf32>
      %get3A_446 = arith.constant 0 : i32
      %get3A_447 = arith.index_cast %scan3A_346 : i32 to index
      %get3A_448 = arith.index_cast %get3A_446 : i32 to index
      %get3A_449 = arith.constant 96 : index
      %get3A_450 = tpu.vector_load %arg6[%get3A_447, %get3A_448, %get3A_449] {strides = array<i32>} : memref<16x8x128xf32, #tpu.memory_space<vmem>>, vector<16xf32>,
      %broadcast_in_dim3A_451 = arith.constant true
      %broadcast_in_dim3A_452 = vector.broadcast %broadcast_in_dim3A_451 : i1 to vector<16xi1>
      %masked_cumsum3A_453 = tpu.scan <sum>, %get3A_450 masked %broadcast_in_dim3A_452 : vector<16xf32>, vector<16xi1> -> vector<16xf32>
      %add3A_454 = vector.broadcast %squeeze3A_445 : f32 to vector<16xf32>
      %add3A_455 = arith.addf %masked_cumsum3A_453, %add3A_454 : vector<16xf32>
      %swap3A_456 = arith.constant 0 : i32
      %swap3A_457 = arith.index_cast %scan3A_346 : i32 to index
      %swap3A_458 = arith.index_cast %swap3A_456 : i32 to index
      %swap3A_459 = arith.constant 96 : index
      %swap3A_460 = tpu.vector_load %arg6[%swap3A_457, %swap3A_458, %swap3A_459] {strides = array<i32>} : memref<16x8x128xf32, #tpu.memory_space<vmem>>, vector<16xf32>,
      tpu.vector_store %arg6[%swap3A_457, %swap3A_458, %swap3A_459], %add3A_455 {strides = array<i32>} : memref<16x8x128xf32, #tpu.memory_space<vmem>>, vector<16xf32>,
      %slice3A_461 = vector.extract_strided_slice %add3A_455 {offsets = [15], sizes = [1], strides = [1]} : vector<16xf32> to vector<1xf32>
      %squeeze3A_462 = vector.extract %slice3A_461[0] : f32 from vector<1xf32>
      %get3A_463 = arith.constant 0 : i32
      %get3A_464 = arith.index_cast %scan3A_346 : i32 to index
      %get3A_465 = arith.index_cast %get3A_463 : i32 to index
      %get3A_466 = arith.constant 112 : index
      %get3A_467 = tpu.vector_load %arg6[%get3A_464, %get3A_465, %get3A_466] {strides = array<i32>} : memref<16x8x128xf32, #tpu.memory_space<vmem>>, vector<16xf32>,
      %broadcast_in_dim3A_468 = arith.constant true
      %broadcast_in_dim3A_469 = vector.broadcast %broadcast_in_dim3A_468 : i1 to vector<16xi1>
      %masked_cumsum3A_470 = tpu.scan <sum>, %get3A_467 masked %broadcast_in_dim3A_469 : vector<16xf32>, vector<16xi1> -> vector<16xf32>
      %add3A_471 = vector.broadcast %squeeze3A_462 : f32 to vector<16xf32>
      %add3A_472 = arith.addf %masked_cumsum3A_470, %add3A_471 : vector<16xf32>
      %swap3A_473 = arith.constant 0 : i32
      %swap3A_474 = arith.index_cast %scan3A_346 : i32 to index
      %swap3A_475 = arith.index_cast %swap3A_473 : i32 to index
      %swap3A_476 = arith.constant 112 : index
      %swap3A_477 = tpu.vector_load %arg6[%swap3A_474, %swap3A_475, %swap3A_476] {strides = array<i32>} : memref<16x8x128xf32, #tpu.memory_space<vmem>>, vector<16xf32>,
      tpu.vector_store %arg6[%swap3A_474, %swap3A_475, %swap3A_476], %add3A_472 {strides = array<i32>} : memref<16x8x128xf32, #tpu.memory_space<vmem>>, vector<16xf32>,
      %slice3A_478 = vector.extract_strided_slice %add3A_472 {offsets = [15], sizes = [1], strides = [1]} : vector<16xf32> to vector<1xf32>
      %squeeze3A_479 = vector.extract %slice3A_478[0] : f32 from vector<1xf32>
      %get3A_480 = arith.constant 1 : i32
      %get3A_481 = arith.index_cast %scan3A_346 : i32 to index
      %get3A_482 = arith.index_cast %get3A_480 : i32 to index
      %get3A_483 = arith.constant 0 : index
      %get3A_484 = tpu.vector_load %arg6[%get3A_481, %get3A_482, %get3A_483] {strides = array<i32>} : memref<16x8x128xf32, #tpu.memory_space<vmem>>, vector<16xf32>,
      %broadcast_in_dim3A_485 = arith.constant true
      %broadcast_in_dim3A_486 = vector.broadcast %broadcast_in_dim3A_485 : i1 to vector<16xi1>
      %masked_cumsum3A_487 = tpu.scan <sum>, %get3A_484 masked %broadcast_in_dim3A_486 : vector<16xf32>, vector<16xi1> -> vector<16xf32>
      %add3A_488 = arith.constant 0.000000e+00 : f32
      %add3A_489 = vector.broadcast %add3A_488 : f32 to vector<16xf32>
      %add3A_490 = arith.addf %masked_cumsum3A_487, %add3A_489 : vector<16xf32>
      %swap3A_491 = arith.constant 1 : i32
      %swap3A_492 = arith.index_cast %scan3A_346 : i32 to index
      %swap3A_493 = arith.index_cast %swap3A_491 : i32 to index
      %swap3A_494 = arith.constant 0 : index
      %swap3A_495 = tpu.vector_load %arg6[%swap3A_492, %swap3A_493, %swap3A_494] {strides = array<i32>} : memref<16x8x128xf32, #tpu.memory_space<vmem>>, vector<16xf32>,
      tpu.vector_store %arg6[%swap3A_492, %swap3A_493, %swap3A_494], %add3A_490 {strides = array<i32>} : memref<16x8x128xf32, #tpu.memory_space<vmem>>, vector<16xf32>,
      %slice3A_496 = vector.extract_strided_slice %add3A_490 {offsets = [15], sizes = [1], strides = [1]} : vector<16xf32> to vector<1xf32>
      %squeeze3A_497 = vector.extract %slice3A_496[0] : f32 from vector<1xf32>
      %get3A_498 = arith.constant 1 : i32
      %get3A_499 = arith.index_cast %scan3A_346 : i32 to index
      %get3A_500 = arith.index_cast %get3A_498 : i32 to index
      %get3A_501 = arith.constant 16 : index
      %get3A_502 = tpu.vector_load %arg6[%get3A_499, %get3A_500, %get3A_501] {strides = array<i32>} : memref<16x8x128xf32, #tpu.memory_space<vmem>>, vector<16xf32>,
      %broadcast_in_dim3A_503 = arith.constant true
      %broadcast_in_dim3A_504 = vector.broadcast %broadcast_in_dim3A_503 : i1 to vector<16xi1>
      %masked_cumsum3A_505 = tpu.scan <sum>, %get3A_502 masked %broadcast_in_dim3A_504 : vector<16xf32>, vector<16xi1> -> vector<16xf32>
      %add3A_506 = vector.broadcast %squeeze3A_497 : f32 to vector<16xf32>
      %add3A_507 = arith.addf %masked_cumsum3A_505, %add3A_506 : vector<16xf32>
      %swap3A_508 = arith.constant 1 : i32
      %swap3A_509 = arith.index_cast %scan3A_346 : i32 to index
      %swap3A_510 = arith.index_cast %swap3A_508 : i32 to index
      %swap3A_511 = arith.constant 16 : index
      %swap3A_512 = tpu.vector_load %arg6[%swap3A_509, %swap3A_510, %swap3A_511] {strides = array<i32>} : memref<16x8x128xf32, #tpu.memory_space<vmem>>, vector<16xf32>,
      tpu.vector_store %arg6[%swap3A_509, %swap3A_510, %swap3A_511], %add3A_507 {strides = array<i32>} : memref<16x8x128xf32, #tpu.memory_space<vmem>>, vector<16xf32>,
      %slice3A_513 = vector.extract_strided_slice %add3A_507 {offsets = [15], sizes = [1], strides = [1]} : vector<16xf32> to vector<1xf32>
      %squeeze3A_514 = vector.extract %slice3A_513[0] : f32 from vector<1xf32>
      %get3A_515 = arith.constant 1 : i32
      %get3A_516 = arith.index_cast %scan3A_346 : i32 to index
      %get3A_517 = arith.index_cast %get3A_515 : i32 to index
      %get3A_518 = arith.constant 32 : index
      %get3A_519 = tpu.vector_load %arg6[%get3A_516, %get3A_517, %get3A_518] {strides = array<i32>} : memref<16x8x128xf32, #tpu.memory_space<vmem>>, vector<16xf32>,
      %broadcast_in_dim3A_520 = arith.constant true
      %broadcast_in_dim3A_521 = vector.broadcast %broadcast_in_dim3A_520 : i1 to vector<16xi1>
      %masked_cumsum3A_522 = tpu.scan <sum>, %get3A_519 masked %broadcast_in_dim3A_521 : vector<16xf32>, vector<16xi1> -> vector<16xf32>
      %add3A_523 = vector.broadcast %squeeze3A_514 : f32 to vector<16xf32>
      %add3A_524 = arith.addf %masked_cumsum3A_522, %add3A_523 : vector<16xf32>
      %swap3A_525 = arith.constant 1 : i32
      %swap3A_526 = arith.index_cast %scan3A_346 : i32 to index
      %swap3A_527 = arith.index_cast %swap3A_525 : i32 to index
      %swap3A_528 = arith.constant 32 : index
      %swap3A_529 = tpu.vector_load %arg6[%swap3A_526, %swap3A_527, %swap3A_528] {strides = array<i32>} : memref<16x8x128xf32, #tpu.memory_space<vmem>>, vector<16xf32>,
      tpu.vector_store %arg6[%swap3A_526, %swap3A_527, %swap3A_528], %add3A_524 {strides = array<i32>} : memref<16x8x128xf32, #tpu.memory_space<vmem>>, vector<16xf32>,
      %slice3A_530 = vector.extract_strided_slice %add3A_524 {offsets = [15], sizes = [1], strides = [1]} : vector<16xf32> to vector<1xf32>
      %squeeze3A_531 = vector.extract %slice3A_530[0] : f32 from vector<1xf32>
      %get3A_532 = arith.constant 1 : i32
      %get3A_533 = arith.index_cast %scan3A_346 : i32 to index
      %get3A_534 = arith.index_cast %get3A_532 : i32 to index
      %get3A_535 = arith.constant 48 : index
      %get3A_536 = tpu.vector_load %arg6[%get3A_533, %get3A_534, %get3A_535] {strides = array<i32>} : memref<16x8x128xf32, #tpu.memory_space<vmem>>, vector<16xf32>,
      %broadcast_in_dim3A_537 = arith.constant true
      %broadcast_in_dim3A_538 = vector.broadcast %broadcast_in_dim3A_537 : i1 to vector<16xi1>
      %masked_cumsum3A_539 = tpu.scan <sum>, %get3A_536 masked %broadcast_in_dim3A_538 : vector<16xf32>, vector<16xi1> -> vector<16xf32>
      %add3A_540 = vector.broadcast %squeeze3A_531 : f32 to vector<16xf32>
      %add3A_541 = arith.addf %masked_cumsum3A_539, %add3A_540 : vector<16xf32>
      %swap3A_542 = arith.constant 1 : i32
      %swap3A_543 = arith.index_cast %scan3A_346 : i32 to index
      %swap3A_544 = arith.index_cast %swap3A_542 : i32 to index
      %swap3A_545 = arith.constant 48 : index
      %swap3A_546 = tpu.vector_load %arg6[%swap3A_543, %swap3A_544, %swap3A_545] {strides = array<i32>} : memref<16x8x128xf32, #tpu.memory_space<vmem>>, vector<16xf32>,
      tpu.vector_store %arg6[%swap3A_543, %swap3A_544, %swap3A_545], %add3A_541 {strides = array<i32>} : memref<16x8x128xf32, #tpu.memory_space<vmem>>, vector<16xf32>,
      %slice3A_547 = vector.extract_strided_slice %add3A_541 {offsets = [15], sizes = [1], strides = [1]} : vector<16xf32> to vector<1xf32>
      %squeeze3A_548 = vector.extract %slice3A_547[0] : f32 from vector<1xf32>
      %get3A_549 = arith.constant 1 : i32
      %get3A_550 = arith.index_cast %scan3A_346 : i32 to index
      %get3A_551 = arith.index_cast %get3A_549 : i32 to index
      %get3A_552 = arith.constant 64 : index
      %get3A_553 = tpu.vector_load %arg6[%get3A_550, %get3A_551, %get3A_552] {strides = array<i32>} : memref<16x8x128xf32, #tpu.memory_space<vmem>>, vector<16xf32>,
      %broadcast_in_dim3A_554 = arith.constant true
      %broadcast_in_dim3A_555 = vector.broadcast %broadcast_in_dim3A_554 : i1 to vector<16xi1>
      %masked_cumsum3A_556 = tpu.scan <sum>, %get3A_553 masked %broadcast_in_dim3A_555 : vector<16xf32>, vector<16xi1> -> vector<16xf32>
      %add3A_557 = arith.constant 0.000000e+00 : f32
      %add3A_558 = vector.broadcast %add3A_557 : f32 to vector<16xf32>
      %add3A_559 = arith.addf %masked_cumsum3A_556, %add3A_558 : vector<16xf32>
      %swap3A_560 = arith.constant 1 : i32
      %swap3A_561 = arith.index_cast %scan3A_346 : i32 to index
      %swap3A_562 = arith.index_cast %swap3A_560 : i32 to index
      %swap3A_563 = arith.constant 64 : index
      %swap3A_564 = tpu.vector_load %arg6[%swap3A_561, %swap3A_562, %swap3A_563] {strides = array<i32>} : memref<16x8x128xf32, #tpu.memory_space<vmem>>, vector<16xf32>,
      tpu.vector_store %arg6[%swap3A_561, %swap3A_562, %swap3A_563], %add3A_559 {strides = array<i32>} : memref<16x8x128xf32, #tpu.memory_space<vmem>>, vector<16xf32>,
      %slice3A_565 = vector.extract_strided_slice %add3A_559 {offsets = [15], sizes = [1], strides = [1]} : vector<16xf32> to vector<1xf32>
      %squeeze3A_566 = vector.extract %slice3A_565[0] : f32 from vector<1xf32>
      %get3A_567 = arith.constant 1 : i32
      %get3A_568 = arith.index_cast %scan3A_346 : i32 to index
      %get3A_569 = arith.index_cast %get3A_567 : i32 to index
      %get3A_570 = arith.constant 80 : index
      %get3A_571 = tpu.vector_load %arg6[%get3A_568, %get3A_569, %get3A_570] {strides = array<i32>} : memref<16x8x128xf32, #tpu.memory_space<vmem>>, vector<16xf32>,
      %broadcast_in_dim3A_572 = arith.constant true
      %broadcast_in_dim3A_573 = vector.broadcast %broadcast_in_dim3A_572 : i1 to vector<16xi1>
      %masked_cumsum3A_574 = tpu.scan <sum>, %get3A_571 masked %broadcast_in_dim3A_573 : vector<16xf32>, vector<16xi1> -> vector<16xf32>
      %add3A_575 = vector.broadcast %squeeze3A_566 : f32 to vector<16xf32>
      %add3A_576 = arith.addf %masked_cumsum3A_574, %add3A_575 : vector<16xf32>
      %swap3A_577 = arith.constant 1 : i32
      %swap3A_578 = arith.index_cast %scan3A_346 : i32 to index
      %swap3A_579 = arith.index_cast %swap3A_577 : i32 to index
      %swap3A_580 = arith.constant 80 : index
      %swap3A_581 = tpu.vector_load %arg6[%swap3A_578, %swap3A_579, %swap3A_580] {strides = array<i32>} : memref<16x8x128xf32, #tpu.memory_space<vmem>>, vector<16xf32>,
      tpu.vector_store %arg6[%swap3A_578, %swap3A_579, %swap3A_580], %add3A_576 {strides = array<i32>} : memref<16x8x128xf32, #tpu.memory_space<vmem>>, vector<16xf32>,
      %slice3A_582 = vector.extract_strided_slice %add3A_576 {offsets = [15], sizes = [1], strides = [1]} : vector<16xf32> to vector<1xf32>
      %squeeze3A_583 = vector.extract %slice3A_582[0] : f32 from vector<1xf32>
      %get3A_584 = arith.constant 1 : i32
      %get3A_585 = arith.index_cast %scan3A_346 : i32 to index
      %get3A_586 = arith.index_cast %get3A_584 : i32 to index
      %get3A_587 = arith.constant 96 : index
      %get3A_588 = tpu.vector_load %arg6[%get3A_585, %get3A_586, %get3A_587] {strides = array<i32>} : memref<16x8x128xf32, #tpu.memory_space<vmem>>, vector<16xf32>,
      %broadcast_in_dim3A_589 = arith.constant true
      %broadcast_in_dim3A_590 = vector.broadcast %broadcast_in_dim3A_589 : i1 to vector<16xi1>
      %masked_cumsum3A_591 = tpu.scan <sum>, %get3A_588 masked %broadcast_in_dim3A_590 : vector<16xf32>, vector<16xi1> -> vector<16xf32>
      %add3A_592 = vector.broadcast %squeeze3A_583 : f32 to vector<16xf32>
      %add3A_593 = arith.addf %masked_cumsum3A_591, %add3A_592 : vector<16xf32>
      %swap3A_594 = arith.constant 1 : i32
      %swap3A_595 = arith.index_cast %scan3A_346 : i32 to index
      %swap3A_596 = arith.index_cast %swap3A_594 : i32 to index
      %swap3A_597 = arith.constant 96 : index
      %swap3A_598 = tpu.vector_load %arg6[%swap3A_595, %swap3A_596, %swap3A_597] {strides = array<i32>} : memref<16x8x128xf32, #tpu.memory_space<vmem>>, vector<16xf32>,
      tpu.vector_store %arg6[%swap3A_595, %swap3A_596, %swap3A_597], %add3A_593 {strides = array<i32>} : memref<16x8x128xf32, #tpu.memory_space<vmem>>, vector<16xf32>,
      %slice3A_599 = vector.extract_strided_slice %add3A_593 {offsets = [15], sizes = [1], strides = [1]} : vector<16xf32> to vector<1xf32>
      %squeeze3A_600 = vector.extract %slice3A_599[0] : f32 from vector<1xf32>
      %get3A_601 = arith.constant 1 : i32
      %get3A_602 = arith.index_cast %scan3A_346 : i32 to index
      %get3A_603 = arith.index_cast %get3A_601 : i32 to index
      %get3A_604 = arith.constant 112 : index
      %get3A_605 = tpu.vector_load %arg6[%get3A_602, %get3A_603, %get3A_604] {strides = array<i32>} : memref<16x8x128xf32, #tpu.memory_space<vmem>>, vector<16xf32>,
      %broadcast_in_dim3A_606 = arith.constant true
      %broadcast_in_dim3A_607 = vector.broadcast %broadcast_in_dim3A_606 : i1 to vector<16xi1>
      %masked_cumsum3A_608 = tpu.scan <sum>, %get3A_605 masked %broadcast_in_dim3A_607 : vector<16xf32>, vector<16xi1> -> vector<16xf32>
      %add3A_609 = vector.broadcast %squeeze3A_600 : f32 to vector<16xf32>
      %add3A_610 = arith.addf %masked_cumsum3A_608, %add3A_609 : vector<16xf32>
      %swap3A_611 = arith.constant 1 : i32
      %swap3A_612 = arith.index_cast %scan3A_346 : i32 to index
      %swap3A_613 = arith.index_cast %swap3A_611 : i32 to index
      %swap3A_614 = arith.constant 112 : index
      %swap3A_615 = tpu.vector_load %arg6[%swap3A_612, %swap3A_613, %swap3A_614] {strides = array<i32>} : memref<16x8x128xf32, #tpu.memory_space<vmem>>, vector<16xf32>,
      tpu.vector_store %arg6[%swap3A_612, %swap3A_613, %swap3A_614], %add3A_610 {strides = array<i32>} : memref<16x8x128xf32, #tpu.memory_space<vmem>>, vector<16xf32>,
      %slice3A_616 = vector.extract_strided_slice %add3A_610 {offsets = [15], sizes = [1], strides = [1]} : vector<16xf32> to vector<1xf32>
      %squeeze3A_617 = vector.extract %slice3A_616[0] : f32 from vector<1xf32>
      %get3A_618 = arith.constant 2 : i32
      %get3A_619 = arith.index_cast %scan3A_346 : i32 to index
      %get3A_620 = arith.index_cast %get3A_618 : i32 to index
      %get3A_621 = arith.constant 0 : index
      %get3A_622 = tpu.vector_load %arg6[%get3A_619, %get3A_620, %get3A_621] {strides = array<i32>} : memref<16x8x128xf32, #tpu.memory_space<vmem>>, vector<16xf32>,
      %broadcast_in_dim3A_623 = arith.constant true
      %broadcast_in_dim3A_624 = vector.broadcast %broadcast_in_dim3A_623 : i1 to vector<16xi1>
      %masked_cumsum3A_625 = tpu.scan <sum>, %get3A_622 masked %broadcast_in_dim3A_624 : vector<16xf32>, vector<16xi1> -> vector<16xf32>
      %add3A_626 = arith.constant 0.000000e+00 : f32
      %add3A_627 = vector.broadcast %add3A_626 : f32 to vector<16xf32>
      %add3A_628 = arith.addf %masked_cumsum3A_625, %add3A_627 : vector<16xf32>
      %swap3A_629 = arith.constant 2 : i32
      %swap3A_630 = arith.index_cast %scan3A_346 : i32 to index
      %swap3A_631 = arith.index_cast %swap3A_629 : i32 to index
      %swap3A_632 = arith.constant 0 : index
      %swap3A_633 = tpu.vector_load %arg6[%swap3A_630, %swap3A_631, %swap3A_632] {strides = array<i32>} : memref<16x8x128xf32, #tpu.memory_space<vmem>>, vector<16xf32>,
      tpu.vector_store %arg6[%swap3A_630, %swap3A_631, %swap3A_632], %add3A_628 {strides = array<i32>} : memref<16x8x128xf32, #tpu.memory_space<vmem>>, vector<16xf32>,
      %slice3A_634 = vector.extract_strided_slice %add3A_628 {offsets = [15], sizes = [1], strides = [1]} : vector<16xf32> to vector<1xf32>
      %squeeze3A_635 = vector.extract %slice3A_634[0] : f32 from vector<1xf32>
      %get3A_636 = arith.constant 2 : i32
      %get3A_637 = arith.index_cast %scan3A_346 : i32 to index
      %get3A_638 = arith.index_cast %get3A_636 : i32 to index
      %get3A_639 = arith.constant 16 : index
      %get3A_640 = tpu.vector_load %arg6[%get3A_637, %get3A_638, %get3A_639] {strides = array<i32>} : memref<16x8x128xf32, #tpu.memory_space<vmem>>, vector<16xf32>,
      %broadcast_in_dim3A_641 = arith.constant true
      %broadcast_in_dim3A_642 = vector.broadcast %broadcast_in_dim3A_641 : i1 to vector<16xi1>
      %masked_cumsum3A_643 = tpu.scan <sum>, %get3A_640 masked %broadcast_in_dim3A_642 : vector<16xf32>, vector<16xi1> -> vector<16xf32>
      %add3A_644 = vector.broadcast %squeeze3A_635 : f32 to vector<16xf32>
      %add3A_645 = arith.addf %masked_cumsum3A_643, %add3A_644 : vector<16xf32>
      %swap3A_646 = arith.constant 2 : i32
      %swap3A_647 = arith.index_cast %scan3A_346 : i32 to index
      %swap3A_648 = arith.index_cast %swap3A_646 : i32 to index
      %swap3A_649 = arith.constant 16 : index
      %swap3A_650 = tpu.vector_load %arg6[%swap3A_647, %swap3A_648, %swap3A_649] {strides = array<i32>} : memref<16x8x128xf32, #tpu.memory_space<vmem>>, vector<16xf32>,
      tpu.vector_store %arg6[%swap3A_647, %swap3A_648, %swap3A_649], %add3A_645 {strides = array<i32>} : memref<16x8x128xf32, #tpu.memory_space<vmem>>, vector<16xf32>,
      %slice3A_651 = vector.extract_strided_slice %add3A_645 {offsets = [15], sizes = [1], strides = [1]} : vector<16xf32> to vector<1xf32>
      %squeeze3A_652 = vector.extract %slice3A_651[0] : f32 from vector<1xf32>
      %get3A_653 = arith.constant 2 : i32
      %get3A_654 = arith.index_cast %scan3A_346 : i32 to index
      %get3A_655 = arith.index_cast %get3A_653 : i32 to index
      %get3A_656 = arith.constant 32 : index
      %get3A_657 = tpu.vector_load %arg6[%get3A_654, %get3A_655, %get3A_656] {strides = array<i32>} : memref<16x8x128xf32, #tpu.memory_space<vmem>>, vector<16xf32>,
      %broadcast_in_dim3A_658 = arith.constant true
      %broadcast_in_dim3A_659 = vector.broadcast %broadcast_in_dim3A_658 : i1 to vector<16xi1>
      %masked_cumsum3A_660 = tpu.scan <sum>, %get3A_657 masked %broadcast_in_dim3A_659 : vector<16xf32>, vector<16xi1> -> vector<16xf32>
      %add3A_661 = vector.broadcast %squeeze3A_652 : f32 to vector<16xf32>
      %add3A_662 = arith.addf %masked_cumsum3A_660, %add3A_661 : vector<16xf32>
      %swap3A_663 = arith.constant 2 : i32
      %swap3A_664 = arith.index_cast %scan3A_346 : i32 to index
      %swap3A_665 = arith.index_cast %swap3A_663 : i32 to index
      %swap3A_666 = arith.constant 32 : index
      %swap3A_667 = tpu.vector_load %arg6[%swap3A_664, %swap3A_665, %swap3A_666] {strides = array<i32>} : memref<16x8x128xf32, #tpu.memory_space<vmem>>, vector<16xf32>,
      tpu.vector_store %arg6[%swap3A_664, %swap3A_665, %swap3A_666], %add3A_662 {strides = array<i32>} : memref<16x8x128xf32, #tpu.memory_space<vmem>>, vector<16xf32>,
      %slice3A_668 = vector.extract_strided_slice %add3A_662 {offsets = [15], sizes = [1], strides = [1]} : vector<16xf32> to vector<1xf32>
      %squeeze3A_669 = vector.extract %slice3A_668[0] : f32 from vector<1xf32>
      %get3A_670 = arith.constant 2 : i32
      %get3A_671 = arith.index_cast %scan3A_346 : i32 to index
      %get3A_672 = arith.index_cast %get3A_670 : i32 to index
      %get3A_673 = arith.constant 48 : index
      %get3A_674 = tpu.vector_load %arg6[%get3A_671, %get3A_672, %get3A_673] {strides = array<i32>} : memref<16x8x128xf32, #tpu.memory_space<vmem>>, vector<16xf32>,
      %broadcast_in_dim3A_675 = arith.constant true
      %broadcast_in_dim3A_676 = vector.broadcast %broadcast_in_dim3A_675 : i1 to vector<16xi1>
      %masked_cumsum3A_677 = tpu.scan <sum>, %get3A_674 masked %broadcast_in_dim3A_676 : vector<16xf32>, vector<16xi1> -> vector<16xf32>
      %add3A_678 = vector.broadcast %squeeze3A_669 : f32 to vector<16xf32>
      %add3A_679 = arith.addf %masked_cumsum3A_677, %add3A_678 : vector<16xf32>
      %swap3A_680 = arith.constant 2 : i32
      %swap3A_681 = arith.index_cast %scan3A_346 : i32 to index
      %swap3A_682 = arith.index_cast %swap3A_680 : i32 to index
      %swap3A_683 = arith.constant 48 : index
      %swap3A_684 = tpu.vector_load %arg6[%swap3A_681, %swap3A_682, %swap3A_683] {strides = array<i32>} : memref<16x8x128xf32, #tpu.memory_space<vmem>>, vector<16xf32>,
      tpu.vector_store %arg6[%swap3A_681, %swap3A_682, %swap3A_683], %add3A_679 {strides = array<i32>} : memref<16x8x128xf32, #tpu.memory_space<vmem>>, vector<16xf32>,
      %slice3A_685 = vector.extract_strided_slice %add3A_679 {offsets = [15], sizes = [1], strides = [1]} : vector<16xf32> to vector<1xf32>
      %squeeze3A_686 = vector.extract %slice3A_685[0] : f32 from vector<1xf32>
      %get3A_687 = arith.constant 2 : i32
      %get3A_688 = arith.index_cast %scan3A_346 : i32 to index
      %get3A_689 = arith.index_cast %get3A_687 : i32 to index
      %get3A_690 = arith.constant 64 : index
      %get3A_691 = tpu.vector_load %arg6[%get3A_688, %get3A_689, %get3A_690] {strides = array<i32>} : memref<16x8x128xf32, #tpu.memory_space<vmem>>, vector<16xf32>,
      %broadcast_in_dim3A_692 = arith.constant true
      %broadcast_in_dim3A_693 = vector.broadcast %broadcast_in_dim3A_692 : i1 to vector<16xi1>
      %masked_cumsum3A_694 = tpu.scan <sum>, %get3A_691 masked %broadcast_in_dim3A_693 : vector<16xf32>, vector<16xi1> -> vector<16xf32>
      %add3A_695 = arith.constant 0.000000e+00 : f32
      %add3A_696 = vector.broadcast %add3A_695 : f32 to vector<16xf32>
      %add3A_697 = arith.addf %masked_cumsum3A_694, %add3A_696 : vector<16xf32>
      %swap3A_698 = arith.constant 2 : i32
      %swap3A_699 = arith.index_cast %scan3A_346 : i32 to index
      %swap3A_700 = arith.index_cast %swap3A_698 : i32 to index
      %swap3A_701 = arith.constant 64 : index
      %swap3A_702 = tpu.vector_load %arg6[%swap3A_699, %swap3A_700, %swap3A_701] {strides = array<i32>} : memref<16x8x128xf32, #tpu.memory_space<vmem>>, vector<16xf32>,
      tpu.vector_store %arg6[%swap3A_699, %swap3A_700, %swap3A_701], %add3A_697 {strides = array<i32>} : memref<16x8x128xf32, #tpu.memory_space<vmem>>, vector<16xf32>,
      %slice3A_703 = vector.extract_strided_slice %add3A_697 {offsets = [15], sizes = [1], strides = [1]} : vector<16xf32> to vector<1xf32>
      %squeeze3A_704 = vector.extract %slice3A_703[0] : f32 from vector<1xf32>
      %get3A_705 = arith.constant 2 : i32
      %get3A_706 = arith.index_cast %scan3A_346 : i32 to index
      %get3A_707 = arith.index_cast %get3A_705 : i32 to index
      %get3A_708 = arith.constant 80 : index
      %get3A_709 = tpu.vector_load %arg6[%get3A_706, %get3A_707, %get3A_708] {strides = array<i32>} : memref<16x8x128xf32, #tpu.memory_space<vmem>>, vector<16xf32>,
      %broadcast_in_dim3A_710 = arith.constant true
      %broadcast_in_dim3A_711 = vector.broadcast %broadcast_in_dim3A_710 : i1 to vector<16xi1>
      %masked_cumsum3A_712 = tpu.scan <sum>, %get3A_709 masked %broadcast_in_dim3A_711 : vector<16xf32>, vector<16xi1> -> vector<16xf32>
      %add3A_713 = vector.broadcast %squeeze3A_704 : f32 to vector<16xf32>
      %add3A_714 = arith.addf %masked_cumsum3A_712, %add3A_713 : vector<16xf32>
      %swap3A_715 = arith.constant 2 : i32
      %swap3A_716 = arith.index_cast %scan3A_346 : i32 to index
      %swap3A_717 = arith.index_cast %swap3A_715 : i32 to index
      %swap3A_718 = arith.constant 80 : index
      %swap3A_719 = tpu.vector_load %arg6[%swap3A_716, %swap3A_717, %swap3A_718] {strides = array<i32>} : memref<16x8x128xf32, #tpu.memory_space<vmem>>, vector<16xf32>,
      tpu.vector_store %arg6[%swap3A_716, %swap3A_717, %swap3A_718], %add3A_714 {strides = array<i32>} : memref<16x8x128xf32, #tpu.memory_space<vmem>>, vector<16xf32>,
      %slice3A_720 = vector.extract_strided_slice %add3A_714 {offsets = [15], sizes = [1], strides = [1]} : vector<16xf32> to vector<1xf32>
      %squeeze3A_721 = vector.extract %slice3A_720[0] : f32 from vector<1xf32>
      %get3A_722 = arith.constant 2 : i32
      %get3A_723 = arith.index_cast %scan3A_346 : i32 to index
      %get3A_724 = arith.index_cast %get3A_722 : i32 to index
      %get3A_725 = arith.constant 96 : index
      %get3A_726 = tpu.vector_load %arg6[%get3A_723, %get3A_724, %get3A_725] {strides = array<i32>} : memref<16x8x128xf32, #tpu.memory_space<vmem>>, vector<16xf32>,
      %broadcast_in_dim3A_727 = arith.constant true
      %broadcast_in_dim3A_728 = vector.broadcast %broadcast_in_dim3A_727 : i1 to vector<16xi1>
      %masked_cumsum3A_729 = tpu.scan <sum>, %get3A_726 masked %broadcast_in_dim3A_728 : vector<16xf32>, vector<16xi1> -> vector<16xf32>
      %add3A_730 = vector.broadcast %squeeze3A_721 : f32 to vector<16xf32>
      %add3A_731 = arith.addf %masked_cumsum3A_729, %add3A_730 : vector<16xf32>
      %swap3A_732 = arith.constant 2 : i32
      %swap3A_733 = arith.index_cast %scan3A_346 : i32 to index
      %swap3A_734 = arith.index_cast %swap3A_732 : i32 to index
      %swap3A_735 = arith.constant 96 : index
      %swap3A_736 = tpu.vector_load %arg6[%swap3A_733, %swap3A_734, %swap3A_735] {strides = array<i32>} : memref<16x8x128xf32, #tpu.memory_space<vmem>>, vector<16xf32>,
      tpu.vector_store %arg6[%swap3A_733, %swap3A_734, %swap3A_735], %add3A_731 {strides = array<i32>} : memref<16x8x128xf32, #tpu.memory_space<vmem>>, vector<16xf32>,
      %slice3A_737 = vector.extract_strided_slice %add3A_731 {offsets = [15], sizes = [1], strides = [1]} : vector<16xf32> to vector<1xf32>
      %squeeze3A_738 = vector.extract %slice3A_737[0] : f32 from vector<1xf32>
      %get3A_739 = arith.constant 2 : i32
      %get3A_740 = arith.index_cast %scan3A_346 : i32 to index
      %get3A_741 = arith.index_cast %get3A_739 : i32 to index
      %get3A_742 = arith.constant 112 : index
      %get3A_743 = tpu.vector_load %arg6[%get3A_740, %get3A_741, %get3A_742] {strides = array<i32>} : memref<16x8x128xf32, #tpu.memory_space<vmem>>, vector<16xf32>,
      %broadcast_in_dim3A_744 = arith.constant true
      %broadcast_in_dim3A_745 = vector.broadcast %broadcast_in_dim3A_744 : i1 to vector<16xi1>
      %masked_cumsum3A_746 = tpu.scan <sum>, %get3A_743 masked %broadcast_in_dim3A_745 : vector<16xf32>, vector<16xi1> -> vector<16xf32>
      %add3A_747 = vector.broadcast %squeeze3A_738 : f32 to vector<16xf32>
      %add3A_748 = arith.addf %masked_cumsum3A_746, %add3A_747 : vector<16xf32>
      %swap3A_749 = arith.constant 2 : i32
      %swap3A_750 = arith.index_cast %scan3A_346 : i32 to index
      %swap3A_751 = arith.index_cast %swap3A_749 : i32 to index
      %swap3A_752 = arith.constant 112 : index
      %swap3A_753 = tpu.vector_load %arg6[%swap3A_750, %swap3A_751, %swap3A_752] {strides = array<i32>} : memref<16x8x128xf32, #tpu.memory_space<vmem>>, vector<16xf32>,
      tpu.vector_store %arg6[%swap3A_750, %swap3A_751, %swap3A_752], %add3A_748 {strides = array<i32>} : memref<16x8x128xf32, #tpu.memory_space<vmem>>, vector<16xf32>,
      %slice3A_754 = vector.extract_strided_slice %add3A_748 {offsets = [15], sizes = [1], strides = [1]} : vector<16xf32> to vector<1xf32>
      %squeeze3A_755 = vector.extract %slice3A_754[0] : f32 from vector<1xf32>
      %get3A_756 = arith.constant 3 : i32
      %get3A_757 = arith.index_cast %scan3A_346 : i32 to index
      %get3A_758 = arith.index_cast %get3A_756 : i32 to index
      %get3A_759 = arith.constant 0 : index
      %get3A_760 = tpu.vector_load %arg6[%get3A_757, %get3A_758, %get3A_759] {strides = array<i32>} : memref<16x8x128xf32, #tpu.memory_space<vmem>>, vector<16xf32>,
      %broadcast_in_dim3A_761 = arith.constant true
      %broadcast_in_dim3A_762 = vector.broadcast %broadcast_in_dim3A_761 : i1 to vector<16xi1>
      %masked_cumsum3A_763 = tpu.scan <sum>, %get3A_760 masked %broadcast_in_dim3A_762 : vector<16xf32>, vector<16xi1> -> vector<16xf32>
      %add3A_764 = arith.constant 0.000000e+00 : f32
      %add3A_765 = vector.broadcast %add3A_764 : f32 to vector<16xf32>
      %add3A_766 = arith.addf %masked_cumsum3A_763, %add3A_765 : vector<16xf32>
      %swap3A_767 = arith.constant 3 : i32
      %swap3A_768 = arith.index_cast %scan3A_346 : i32 to index
      %swap3A_769 = arith.index_cast %swap3A_767 : i32 to index
      %swap3A_770 = arith.constant 0 : index
      %swap3A_771 = tpu.vector_load %arg6[%swap3A_768, %swap3A_769, %swap3A_770] {strides = array<i32>} : memref<16x8x128xf32, #tpu.memory_space<vmem>>, vector<16xf32>,
      tpu.vector_store %arg6[%swap3A_768, %swap3A_769, %swap3A_770], %add3A_766 {strides = array<i32>} : memref<16x8x128xf32, #tpu.memory_space<vmem>>, vector<16xf32>,
      %slice3A_772 = vector.extract_strided_slice %add3A_766 {offsets = [15], sizes = [1], strides = [1]} : vector<16xf32> to vector<1xf32>
      %squeeze3A_773 = vector.extract %slice3A_772[0] : f32 from vector<1xf32>
      %get3A_774 = arith.constant 3 : i32
      %get3A_775 = arith.index_cast %scan3A_346 : i32 to index
      %get3A_776 = arith.index_cast %get3A_774 : i32 to index
      %get3A_777 = arith.constant 16 : index
      %get3A_778 = tpu.vector_load %arg6[%get3A_775, %get3A_776, %get3A_777] {strides = array<i32>} : memref<16x8x128xf32, #tpu.memory_space<vmem>>, vector<16xf32>,
      %broadcast_in_dim3A_779 = arith.constant true
      %broadcast_in_dim3A_780 = vector.broadcast %broadcast_in_dim3A_779 : i1 to vector<16xi1>
      %masked_cumsum3A_781 = tpu.scan <sum>, %get3A_778 masked %broadcast_in_dim3A_780 : vector<16xf32>, vector<16xi1> -> vector<16xf32>
      %add3A_782 = vector.broadcast %squeeze3A_773 : f32 to vector<16xf32>
      %add3A_783 = arith.addf %masked_cumsum3A_781, %add3A_782 : vector<16xf32>
      %swap3A_784 = arith.constant 3 : i32
      %swap3A_785 = arith.index_cast %scan3A_346 : i32 to index
      %swap3A_786 = arith.index_cast %swap3A_784 : i32 to index
      %swap3A_787 = arith.constant 16 : index
      %swap3A_788 = tpu.vector_load %arg6[%swap3A_785, %swap3A_786, %swap3A_787] {strides = array<i32>} : memref<16x8x128xf32, #tpu.memory_space<vmem>>, vector<16xf32>,
      tpu.vector_store %arg6[%swap3A_785, %swap3A_786, %swap3A_787], %add3A_783 {strides = array<i32>} : memref<16x8x128xf32, #tpu.memory_space<vmem>>, vector<16xf32>,
      %slice3A_789 = vector.extract_strided_slice %add3A_783 {offsets = [15], sizes = [1], strides = [1]} : vector<16xf32> to vector<1xf32>
      %squeeze3A_790 = vector.extract %slice3A_789[0] : f32 from vector<1xf32>
      %get3A_791 = arith.constant 3 : i32
      %get3A_792 = arith.index_cast %scan3A_346 : i32 to index
      %get3A_793 = arith.index_cast %get3A_791 : i32 to index
      %get3A_794 = arith.constant 32 : index
      %get3A_795 = tpu.vector_load %arg6[%get3A_792, %get3A_793, %get3A_794] {strides = array<i32>} : memref<16x8x128xf32, #tpu.memory_space<vmem>>, vector<16xf32>,
      %broadcast_in_dim3A_796 = arith.constant true
      %broadcast_in_dim3A_797 = vector.broadcast %broadcast_in_dim3A_796 : i1 to vector<16xi1>
      %masked_cumsum3A_798 = tpu.scan <sum>, %get3A_795 masked %broadcast_in_dim3A_797 : vector<16xf32>, vector<16xi1> -> vector<16xf32>
      %add3A_799 = vector.broadcast %squeeze3A_790 : f32 to vector<16xf32>
      %add3A_800 = arith.addf %masked_cumsum3A_798, %add3A_799 : vector<16xf32>
      %swap3A_801 = arith.constant 3 : i32
      %swap3A_802 = arith.index_cast %scan3A_346 : i32 to index
      %swap3A_803 = arith.index_cast %swap3A_801 : i32 to index
      %swap3A_804 = arith.constant 32 : index
      %swap3A_805 = tpu.vector_load %arg6[%swap3A_802, %swap3A_803, %swap3A_804] {strides = array<i32>} : memref<16x8x128xf32, #tpu.memory_space<vmem>>, vector<16xf32>,
      tpu.vector_store %arg6[%swap3A_802, %swap3A_803, %swap3A_804], %add3A_800 {strides = array<i32>} : memref<16x8x128xf32, #tpu.memory_space<vmem>>, vector<16xf32>,
      %slice3A_806 = vector.extract_strided_slice %add3A_800 {offsets = [15], sizes = [1], strides = [1]} : vector<16xf32> to vector<1xf32>
      %squeeze3A_807 = vector.extract %slice3A_806[0] : f32 from vector<1xf32>
      %get3A_808 = arith.constant 3 : i32
      %get3A_809 = arith.index_cast %scan3A_346 : i32 to index
      %get3A_810 = arith.index_cast %get3A_808 : i32 to index
      %get3A_811 = arith.constant 48 : index
      %get3A_812 = tpu.vector_load %arg6[%get3A_809, %get3A_810, %get3A_811] {strides = array<i32>} : memref<16x8x128xf32, #tpu.memory_space<vmem>>, vector<16xf32>,
      %broadcast_in_dim3A_813 = arith.constant true
      %broadcast_in_dim3A_814 = vector.broadcast %broadcast_in_dim3A_813 : i1 to vector<16xi1>
      %masked_cumsum3A_815 = tpu.scan <sum>, %get3A_812 masked %broadcast_in_dim3A_814 : vector<16xf32>, vector<16xi1> -> vector<16xf32>
      %add3A_816 = vector.broadcast %squeeze3A_807 : f32 to vector<16xf32>
      %add3A_817 = arith.addf %masked_cumsum3A_815, %add3A_816 : vector<16xf32>
      %swap3A_818 = arith.constant 3 : i32
      %swap3A_819 = arith.index_cast %scan3A_346 : i32 to index
      %swap3A_820 = arith.index_cast %swap3A_818 : i32 to index
      %swap3A_821 = arith.constant 48 : index
      %swap3A_822 = tpu.vector_load %arg6[%swap3A_819, %swap3A_820, %swap3A_821] {strides = array<i32>} : memref<16x8x128xf32, #tpu.memory_space<vmem>>, vector<16xf32>,
      tpu.vector_store %arg6[%swap3A_819, %swap3A_820, %swap3A_821], %add3A_817 {strides = array<i32>} : memref<16x8x128xf32, #tpu.memory_space<vmem>>, vector<16xf32>,
      %slice3A_823 = vector.extract_strided_slice %add3A_817 {offsets = [15], sizes = [1], strides = [1]} : vector<16xf32> to vector<1xf32>
      %squeeze3A_824 = vector.extract %slice3A_823[0] : f32 from vector<1xf32>
      %get3A_825 = arith.constant 3 : i32
      %get3A_826 = arith.index_cast %scan3A_346 : i32 to index
      %get3A_827 = arith.index_cast %get3A_825 : i32 to index
      %get3A_828 = arith.constant 64 : index
      %get3A_829 = tpu.vector_load %arg6[%get3A_826, %get3A_827, %get3A_828] {strides = array<i32>} : memref<16x8x128xf32, #tpu.memory_space<vmem>>, vector<16xf32>,
      %broadcast_in_dim3A_830 = arith.constant true
      %broadcast_in_dim3A_831 = vector.broadcast %broadcast_in_dim3A_830 : i1 to vector<16xi1>
      %masked_cumsum3A_832 = tpu.scan <sum>, %get3A_829 masked %broadcast_in_dim3A_831 : vector<16xf32>, vector<16xi1> -> vector<16xf32>
      %add3A_833 = arith.constant 0.000000e+00 : f32
      %add3A_834 = vector.broadcast %add3A_833 : f32 to vector<16xf32>
      %add3A_835 = arith.addf %masked_cumsum3A_832, %add3A_834 : vector<16xf32>
      %swap3A_836 = arith.constant 3 : i32
      %swap3A_837 = arith.index_cast %scan3A_346 : i32 to index
      %swap3A_838 = arith.index_cast %swap3A_836 : i32 to index
      %swap3A_839 = arith.constant 64 : index
      %swap3A_840 = tpu.vector_load %arg6[%swap3A_837, %swap3A_838, %swap3A_839] {strides = array<i32>} : memref<16x8x128xf32, #tpu.memory_space<vmem>>, vector<16xf32>,
      tpu.vector_store %arg6[%swap3A_837, %swap3A_838, %swap3A_839], %add3A_835 {strides = array<i32>} : memref<16x8x128xf32, #tpu.memory_space<vmem>>, vector<16xf32>,
      %slice3A_841 = vector.extract_strided_slice %add3A_835 {offsets = [15], sizes = [1], strides = [1]} : vector<16xf32> to vector<1xf32>
      %squeeze3A_842 = vector.extract %slice3A_841[0] : f32 from vector<1xf32>
      %get3A_843 = arith.constant 3 : i32
      %get3A_844 = arith.index_cast %scan3A_346 : i32 to index
      %get3A_845 = arith.index_cast %get3A_843 : i32 to index
      %get3A_846 = arith.constant 80 : index
      %get3A_847 = tpu.vector_load %arg6[%get3A_844, %get3A_845, %get3A_846] {strides = array<i32>} : memref<16x8x128xf32, #tpu.memory_space<vmem>>, vector<16xf32>,
      %broadcast_in_dim3A_848 = arith.constant true
      %broadcast_in_dim3A_849 = vector.broadcast %broadcast_in_dim3A_848 : i1 to vector<16xi1>
      %masked_cumsum3A_850 = tpu.scan <sum>, %get3A_847 masked %broadcast_in_dim3A_849 : vector<16xf32>, vector<16xi1> -> vector<16xf32>
      %add3A_851 = vector.broadcast %squeeze3A_842 : f32 to vector<16xf32>
      %add3A_852 = arith.addf %masked_cumsum3A_850, %add3A_851 : vector<16xf32>
      %swap3A_853 = arith.constant 3 : i32
      %swap3A_854 = arith.index_cast %scan3A_346 : i32 to index
      %swap3A_855 = arith.index_cast %swap3A_853 : i32 to index
      %swap3A_856 = arith.constant 80 : index
      %swap3A_857 = tpu.vector_load %arg6[%swap3A_854, %swap3A_855, %swap3A_856] {strides = array<i32>} : memref<16x8x128xf32, #tpu.memory_space<vmem>>, vector<16xf32>,
      tpu.vector_store %arg6[%swap3A_854, %swap3A_855, %swap3A_856], %add3A_852 {strides = array<i32>} : memref<16x8x128xf32, #tpu.memory_space<vmem>>, vector<16xf32>,
      %slice3A_858 = vector.extract_strided_slice %add3A_852 {offsets = [15], sizes = [1], strides = [1]} : vector<16xf32> to vector<1xf32>
      %squeeze3A_859 = vector.extract %slice3A_858[0] : f32 from vector<1xf32>
      %get3A_860 = arith.constant 3 : i32
      %get3A_861 = arith.index_cast %scan3A_346 : i32 to index
      %get3A_862 = arith.index_cast %get3A_860 : i32 to index
      %get3A_863 = arith.constant 96 : index
      %get3A_864 = tpu.vector_load %arg6[%get3A_861, %get3A_862, %get3A_863] {strides = array<i32>} : memref<16x8x128xf32, #tpu.memory_space<vmem>>, vector<16xf32>,
      %broadcast_in_dim3A_865 = arith.constant true
      %broadcast_in_dim3A_866 = vector.broadcast %broadcast_in_dim3A_865 : i1 to vector<16xi1>
      %masked_cumsum3A_867 = tpu.scan <sum>, %get3A_864 masked %broadcast_in_dim3A_866 : vector<16xf32>, vector<16xi1> -> vector<16xf32>
      %add3A_868 = vector.broadcast %squeeze3A_859 : f32 to vector<16xf32>
      %add3A_869 = arith.addf %masked_cumsum3A_867, %add3A_868 : vector<16xf32>
      %swap3A_870 = arith.constant 3 : i32
      %swap3A_871 = arith.index_cast %scan3A_346 : i32 to index
      %swap3A_872 = arith.index_cast %swap3A_870 : i32 to index
      %swap3A_873 = arith.constant 96 : index
      %swap3A_874 = tpu.vector_load %arg6[%swap3A_871, %swap3A_872, %swap3A_873] {strides = array<i32>} : memref<16x8x128xf32, #tpu.memory_space<vmem>>, vector<16xf32>,
      tpu.vector_store %arg6[%swap3A_871, %swap3A_872, %swap3A_873], %add3A_869 {strides = array<i32>} : memref<16x8x128xf32, #tpu.memory_space<vmem>>, vector<16xf32>,
      %slice3A_875 = vector.extract_strided_slice %add3A_869 {offsets = [15], sizes = [1], strides = [1]} : vector<16xf32> to vector<1xf32>
      %squeeze3A_876 = vector.extract %slice3A_875[0] : f32 from vector<1xf32>
      %get3A_877 = arith.constant 3 : i32
      %get3A_878 = arith.index_cast %scan3A_346 : i32 to index
      %get3A_879 = arith.index_cast %get3A_877 : i32 to index
      %get3A_880 = arith.constant 112 : index
      %get3A_881 = tpu.vector_load %arg6[%get3A_878, %get3A_879, %get3A_880] {strides = array<i32>} : memref<16x8x128xf32, #tpu.memory_space<vmem>>, vector<16xf32>,
      %broadcast_in_dim3A_882 = arith.constant true
      %broadcast_in_dim3A_883 = vector.broadcast %broadcast_in_dim3A_882 : i1 to vector<16xi1>
      %masked_cumsum3A_884 = tpu.scan <sum>, %get3A_881 masked %broadcast_in_dim3A_883 : vector<16xf32>, vector<16xi1> -> vector<16xf32>
      %add3A_885 = vector.broadcast %squeeze3A_876 : f32 to vector<16xf32>
      %add3A_886 = arith.addf %masked_cumsum3A_884, %add3A_885 : vector<16xf32>
      %swap3A_887 = arith.constant 3 : i32
      %swap3A_888 = arith.index_cast %scan3A_346 : i32 to index
      %swap3A_889 = arith.index_cast %swap3A_887 : i32 to index
      %swap3A_890 = arith.constant 112 : index
      %swap3A_891 = tpu.vector_load %arg6[%swap3A_888, %swap3A_889, %swap3A_890] {strides = array<i32>} : memref<16x8x128xf32, #tpu.memory_space<vmem>>, vector<16xf32>,
      tpu.vector_store %arg6[%swap3A_888, %swap3A_889, %swap3A_890], %add3A_886 {strides = array<i32>} : memref<16x8x128xf32, #tpu.memory_space<vmem>>, vector<16xf32>,
      %slice3A_892 = vector.extract_strided_slice %add3A_886 {offsets = [15], sizes = [1], strides = [1]} : vector<16xf32> to vector<1xf32>
      %squeeze3A_893 = vector.extract %slice3A_892[0] : f32 from vector<1xf32>
      %get3A_894 = arith.constant 4 : i32
      %get3A_895 = arith.index_cast %scan3A_346 : i32 to index
      %get3A_896 = arith.index_cast %get3A_894 : i32 to index
      %get3A_897 = arith.constant 0 : index
      %get3A_898 = tpu.vector_load %arg6[%get3A_895, %get3A_896, %get3A_897] {strides = array<i32>} : memref<16x8x128xf32, #tpu.memory_space<vmem>>, vector<16xf32>,
      %broadcast_in_dim3A_899 = arith.constant true
      %broadcast_in_dim3A_900 = vector.broadcast %broadcast_in_dim3A_899 : i1 to vector<16xi1>
      %masked_cumsum3A_901 = tpu.scan <sum>, %get3A_898 masked %broadcast_in_dim3A_900 : vector<16xf32>, vector<16xi1> -> vector<16xf32>
      %add3A_902 = arith.constant 0.000000e+00 : f32
      %add3A_903 = vector.broadcast %add3A_902 : f32 to vector<16xf32>
      %add3A_904 = arith.addf %masked_cumsum3A_901, %add3A_903 : vector<16xf32>
      %swap3A_905 = arith.constant 4 : i32
      %swap3A_906 = arith.index_cast %scan3A_346 : i32 to index
      %swap3A_907 = arith.index_cast %swap3A_905 : i32 to index
      %swap3A_908 = arith.constant 0 : index
      %swap3A_909 = tpu.vector_load %arg6[%swap3A_906, %swap3A_907, %swap3A_908] {strides = array<i32>} : memref<16x8x128xf32, #tpu.memory_space<vmem>>, vector<16xf32>,
      tpu.vector_store %arg6[%swap3A_906, %swap3A_907, %swap3A_908], %add3A_904 {strides = array<i32>} : memref<16x8x128xf32, #tpu.memory_space<vmem>>, vector<16xf32>,
      %slice3A_910 = vector.extract_strided_slice %add3A_904 {offsets = [15], sizes = [1], strides = [1]} : vector<16xf32> to vector<1xf32>
      %squeeze3A_911 = vector.extract %slice3A_910[0] : f32 from vector<1xf32>
      %get3A_912 = arith.constant 4 : i32
      %get3A_913 = arith.index_cast %scan3A_346 : i32 to index
      %get3A_914 = arith.index_cast %get3A_912 : i32 to index
      %get3A_915 = arith.constant 16 : index
      %get3A_916 = tpu.vector_load %arg6[%get3A_913, %get3A_914, %get3A_915] {strides = array<i32>} : memref<16x8x128xf32, #tpu.memory_space<vmem>>, vector<16xf32>,
      %broadcast_in_dim3A_917 = arith.constant true
      %broadcast_in_dim3A_918 = vector.broadcast %broadcast_in_dim3A_917 : i1 to vector<16xi1>
      %masked_cumsum3A_919 = tpu.scan <sum>, %get3A_916 masked %broadcast_in_dim3A_918 : vector<16xf32>, vector<16xi1> -> vector<16xf32>
      %add3A_920 = vector.broadcast %squeeze3A_911 : f32 to vector<16xf32>
      %add3A_921 = arith.addf %masked_cumsum3A_919, %add3A_920 : vector<16xf32>
      %swap3A_922 = arith.constant 4 : i32
      %swap3A_923 = arith.index_cast %scan3A_346 : i32 to index
      %swap3A_924 = arith.index_cast %swap3A_922 : i32 to index
      %swap3A_925 = arith.constant 16 : index
      %swap3A_926 = tpu.vector_load %arg6[%swap3A_923, %swap3A_924, %swap3A_925] {strides = array<i32>} : memref<16x8x128xf32, #tpu.memory_space<vmem>>, vector<16xf32>,
      tpu.vector_store %arg6[%swap3A_923, %swap3A_924, %swap3A_925], %add3A_921 {strides = array<i32>} : memref<16x8x128xf32, #tpu.memory_space<vmem>>, vector<16xf32>,
      %slice3A_927 = vector.extract_strided_slice %add3A_921 {offsets = [15], sizes = [1], strides = [1]} : vector<16xf32> to vector<1xf32>
      %squeeze3A_928 = vector.extract %slice3A_927[0] : f32 from vector<1xf32>
      %get3A_929 = arith.constant 4 : i32
      %get3A_930 = arith.index_cast %scan3A_346 : i32 to index
      %get3A_931 = arith.index_cast %get3A_929 : i32 to index
      %get3A_932 = arith.constant 32 : index
      %get3A_933 = tpu.vector_load %arg6[%get3A_930, %get3A_931, %get3A_932] {strides = array<i32>} : memref<16x8x128xf32, #tpu.memory_space<vmem>>, vector<16xf32>,
      %broadcast_in_dim3A_934 = arith.constant true
      %broadcast_in_dim3A_935 = vector.broadcast %broadcast_in_dim3A_934 : i1 to vector<16xi1>
      %masked_cumsum3A_936 = tpu.scan <sum>, %get3A_933 masked %broadcast_in_dim3A_935 : vector<16xf32>, vector<16xi1> -> vector<16xf32>
      %add3A_937 = vector.broadcast %squeeze3A_928 : f32 to vector<16xf32>
      %add3A_938 = arith.addf %masked_cumsum3A_936, %add3A_937 : vector<16xf32>
      %swap3A_939 = arith.constant 4 : i32
      %swap3A_940 = arith.index_cast %scan3A_346 : i32 to index
      %swap3A_941 = arith.index_cast %swap3A_939 : i32 to index
      %swap3A_942 = arith.constant 32 : index
      %swap3A_943 = tpu.vector_load %arg6[%swap3A_940, %swap3A_941, %swap3A_942] {strides = array<i32>} : memref<16x8x128xf32, #tpu.memory_space<vmem>>, vector<16xf32>,
      tpu.vector_store %arg6[%swap3A_940, %swap3A_941, %swap3A_942], %add3A_938 {strides = array<i32>} : memref<16x8x128xf32, #tpu.memory_space<vmem>>, vector<16xf32>,
      %slice3A_944 = vector.extract_strided_slice %add3A_938 {offsets = [15], sizes = [1], strides = [1]} : vector<16xf32> to vector<1xf32>
      %squeeze3A_945 = vector.extract %slice3A_944[0] : f32 from vector<1xf32>
      %get3A_946 = arith.constant 4 : i32
      %get3A_947 = arith.index_cast %scan3A_346 : i32 to index
      %get3A_948 = arith.index_cast %get3A_946 : i32 to index
      %get3A_949 = arith.constant 48 : index
      %get3A_950 = tpu.vector_load %arg6[%get3A_947, %get3A_948, %get3A_949] {strides = array<i32>} : memref<16x8x128xf32, #tpu.memory_space<vmem>>, vector<16xf32>,
      %broadcast_in_dim3A_951 = arith.constant true
      %broadcast_in_dim3A_952 = vector.broadcast %broadcast_in_dim3A_951 : i1 to vector<16xi1>
      %masked_cumsum3A_953 = tpu.scan <sum>, %get3A_950 masked %broadcast_in_dim3A_952 : vector<16xf32>, vector<16xi1> -> vector<16xf32>
      %add3A_954 = vector.broadcast %squeeze3A_945 : f32 to vector<16xf32>
      %add3A_955 = arith.addf %masked_cumsum3A_953, %add3A_954 : vector<16xf32>
      %swap3A_956 = arith.constant 4 : i32
      %swap3A_957 = arith.index_cast %scan3A_346 : i32 to index
      %swap3A_958 = arith.index_cast %swap3A_956 : i32 to index
      %swap3A_959 = arith.constant 48 : index
      %swap3A_960 = tpu.vector_load %arg6[%swap3A_957, %swap3A_958, %swap3A_959] {strides = array<i32>} : memref<16x8x128xf32, #tpu.memory_space<vmem>>, vector<16xf32>,
      tpu.vector_store %arg6[%swap3A_957, %swap3A_958, %swap3A_959], %add3A_955 {strides = array<i32>} : memref<16x8x128xf32, #tpu.memory_space<vmem>>, vector<16xf32>,
      %slice3A_961 = vector.extract_strided_slice %add3A_955 {offsets = [15], sizes = [1], strides = [1]} : vector<16xf32> to vector<1xf32>
      %squeeze3A_962 = vector.extract %slice3A_961[0] : f32 from vector<1xf32>
      %get3A_963 = arith.constant 4 : i32
      %get3A_964 = arith.index_cast %scan3A_346 : i32 to index
      %get3A_965 = arith.index_cast %get3A_963 : i32 to index
      %get3A_966 = arith.constant 64 : index
      %get3A_967 = tpu.vector_load %arg6[%get3A_964, %get3A_965, %get3A_966] {strides = array<i32>} : memref<16x8x128xf32, #tpu.memory_space<vmem>>, vector<16xf32>,
      %broadcast_in_dim3A_968 = arith.constant true
      %broadcast_in_dim3A_969 = vector.broadcast %broadcast_in_dim3A_968 : i1 to vector<16xi1>
      %masked_cumsum3A_970 = tpu.scan <sum>, %get3A_967 masked %broadcast_in_dim3A_969 : vector<16xf32>, vector<16xi1> -> vector<16xf32>
      %add3A_971 = arith.constant 0.000000e+00 : f32
      %add3A_972 = vector.broadcast %add3A_971 : f32 to vector<16xf32>
      %add3A_973 = arith.addf %masked_cumsum3A_970, %add3A_972 : vector<16xf32>
      %swap3A_974 = arith.constant 4 : i32
      %swap3A_975 = arith.index_cast %scan3A_346 : i32 to index
      %swap3A_976 = arith.index_cast %swap3A_974 : i32 to index
      %swap3A_977 = arith.constant 64 : index
      %swap3A_978 = tpu.vector_load %arg6[%swap3A_975, %swap3A_976, %swap3A_977] {strides = array<i32>} : memref<16x8x128xf32, #tpu.memory_space<vmem>>, vector<16xf32>,
      tpu.vector_store %arg6[%swap3A_975, %swap3A_976, %swap3A_977], %add3A_973 {strides = array<i32>} : memref<16x8x128xf32, #tpu.memory_space<vmem>>, vector<16xf32>,
      %slice3A_979 = vector.extract_strided_slice %add3A_973 {offsets = [15], sizes = [1], strides = [1]} : vector<16xf32> to vector<1xf32>
      %squeeze3A_980 = vector.extract %slice3A_979[0] : f32 from vector<1xf32>
      %get3A_981 = arith.constant 4 : i32
      %get3A_982 = arith.index_cast %scan3A_346 : i32 to index
      %get3A_983 = arith.index_cast %get3A_981 : i32 to index
      %get3A_984 = arith.constant 80 : index
      %get3A_985 = tpu.vector_load %arg6[%get3A_982, %get3A_983, %get3A_984] {strides = array<i32>} : memref<16x8x128xf32, #tpu.memory_space<vmem>>, vector<16xf32>,
      %broadcast_in_dim3A_986 = arith.constant true
      %broadcast_in_dim3A_987 = vector.broadcast %broadcast_in_dim3A_986 : i1 to vector<16xi1>
      %masked_cumsum3A_988 = tpu.scan <sum>, %get3A_985 masked %broadcast_in_dim3A_987 : vector<16xf32>, vector<16xi1> -> vector<16xf32>
      %add3A_989 = vector.broadcast %squeeze3A_980 : f32 to vector<16xf32>
      %add3A_990 = arith.addf %masked_cumsum3A_988, %add3A_989 : vector<16xf32>
      %swap3A_991 = arith.constant 4 : i32
      %swap3A_992 = arith.index_cast %scan3A_346 : i32 to index
      %swap3A_993 = arith.index_cast %swap3A_991 : i32 to index
      %swap3A_994 = arith.constant 80 : index
      %swap3A_995 = tpu.vector_load %arg6[%swap3A_992, %swap3A_993, %swap3A_994] {strides = array<i32>} : memref<16x8x128xf32, #tpu.memory_space<vmem>>, vector<16xf32>,
      tpu.vector_store %arg6[%swap3A_992, %swap3A_993, %swap3A_994], %add3A_990 {strides = array<i32>} : memref<16x8x128xf32, #tpu.memory_space<vmem>>, vector<16xf32>,
      %slice3A_996 = vector.extract_strided_slice %add3A_990 {offsets = [15], sizes = [1], strides = [1]} : vector<16xf32> to vector<1xf32>
      %squeeze3A_997 = vector.extract %slice3A_996[0] : f32 from vector<1xf32>
      %get3A_998 = arith.constant 4 : i32
      %get3A_999 = arith.index_cast %scan3A_346 : i32 to index
      %get3A_1000 = arith.index_cast %get3A_998 : i32 to index
      %get3A_1001 = arith.constant 96 : index
      %get3A_1002 = tpu.vector_load %arg6[%get3A_999, %get3A_1000, %get3A_1001] {strides = array<i32>} : memref<16x8x128xf32, #tpu.memory_space<vmem>>, vector<16xf32>,
      %broadcast_in_dim3A_1003 = arith.constant true
      %broadcast_in_dim3A_1004 = vector.broadcast %broadcast_in_dim3A_1003 : i1 to vector<16xi1>
      %masked_cumsum3A_1005 = tpu.scan <sum>, %get3A_1002 masked %broadcast_in_dim3A_1004 : vector<16xf32>, vector<16xi1> -> vector<16xf32>
      %add3A_1006 = vector.broadcast %squeeze3A_997 : f32 to vector<16xf32>
      %add3A_1007 = arith.addf %masked_cumsum3A_1005, %add3A_1006 : vector<16xf32>
      %swap3A_1008 = arith.constant 4 : i32
      %swap3A_1009 = arith.index_cast %scan3A_346 : i32 to index
      %swap3A_1010 = arith.index_cast %swap3A_1008 : i32 to index
      %swap3A_1011 = arith.constant 96 : index
      %swap3A_1012 = tpu.vector_load %arg6[%swap3A_1009, %swap3A_1010, %swap3A_1011] {strides = array<i32>} : memref<16x8x128xf32, #tpu.memory_space<vmem>>, vector<16xf32>,
      tpu.vector_store %arg6[%swap3A_1009, %swap3A_1010, %swap3A_1011], %add3A_1007 {strides = array<i32>} : memref<16x8x128xf32, #tpu.memory_space<vmem>>, vector<16xf32>,
      %slice3A_1013 = vector.extract_strided_slice %add3A_1007 {offsets = [15], sizes = [1], strides = [1]} : vector<16xf32> to vector<1xf32>
      %squeeze3A_1014 = vector.extract %slice3A_1013[0] : f32 from vector<1xf32>
      %get3A_1015 = arith.constant 4 : i32
      %get3A_1016 = arith.index_cast %scan3A_346 : i32 to index
      %get3A_1017 = arith.index_cast %get3A_1015 : i32 to index
      %get3A_1018 = arith.constant 112 : index
      %get3A_1019 = tpu.vector_load %arg6[%get3A_1016, %get3A_1017, %get3A_1018] {strides = array<i32>} : memref<16x8x128xf32, #tpu.memory_space<vmem>>, vector<16xf32>,
      %broadcast_in_dim3A_1020 = arith.constant true
      %broadcast_in_dim3A_1021 = vector.broadcast %broadcast_in_dim3A_1020 : i1 to vector<16xi1>
      %masked_cumsum3A_1022 = tpu.scan <sum>, %get3A_1019 masked %broadcast_in_dim3A_1021 : vector<16xf32>, vector<16xi1> -> vector<16xf32>
      %add3A_1023 = vector.broadcast %squeeze3A_1014 : f32 to vector<16xf32>
      %add3A_1024 = arith.addf %masked_cumsum3A_1022, %add3A_1023 : vector<16xf32>
      %swap3A_1025 = arith.constant 4 : i32
      %swap3A_1026 = arith.index_cast %scan3A_346 : i32 to index
      %swap3A_1027 = arith.index_cast %swap3A_1025 : i32 to index
      %swap3A_1028 = arith.constant 112 : index
      %swap3A_1029 = tpu.vector_load %arg6[%swap3A_1026, %swap3A_1027, %swap3A_1028] {strides = array<i32>} : memref<16x8x128xf32, #tpu.memory_space<vmem>>, vector<16xf32>,
      tpu.vector_store %arg6[%swap3A_1026, %swap3A_1027, %swap3A_1028], %add3A_1024 {strides = array<i32>} : memref<16x8x128xf32, #tpu.memory_space<vmem>>, vector<16xf32>,
      %slice3A_1030 = vector.extract_strided_slice %add3A_1024 {offsets = [15], sizes = [1], strides = [1]} : vector<16xf32> to vector<1xf32>
      %squeeze3A_1031 = vector.extract %slice3A_1030[0] : f32 from vector<1xf32>
      %get3A_1032 = arith.constant 5 : i32
      %get3A_1033 = arith.index_cast %scan3A_346 : i32 to index
      %get3A_1034 = arith.index_cast %get3A_1032 : i32 to index
      %get3A_1035 = arith.constant 0 : index
      %get3A_1036 = tpu.vector_load %arg6[%get3A_1033, %get3A_1034, %get3A_1035] {strides = array<i32>} : memref<16x8x128xf32, #tpu.memory_space<vmem>>, vector<16xf32>,
      %broadcast_in_dim3A_1037 = arith.constant true
      %broadcast_in_dim3A_1038 = vector.broadcast %broadcast_in_dim3A_1037 : i1 to vector<16xi1>
      %masked_cumsum3A_1039 = tpu.scan <sum>, %get3A_1036 masked %broadcast_in_dim3A_1038 : vector<16xf32>, vector<16xi1> -> vector<16xf32>
      %add3A_1040 = arith.constant 0.000000e+00 : f32
      %add3A_1041 = vector.broadcast %add3A_1040 : f32 to vector<16xf32>
      %add3A_1042 = arith.addf %masked_cumsum3A_1039, %add3A_1041 : vector<16xf32>
      %swap3A_1043 = arith.constant 5 : i32
      %swap3A_1044 = arith.index_cast %scan3A_346 : i32 to index
      %swap3A_1045 = arith.index_cast %swap3A_1043 : i32 to index
      %swap3A_1046 = arith.constant 0 : index
      %swap3A_1047 = tpu.vector_load %arg6[%swap3A_1044, %swap3A_1045, %swap3A_1046] {strides = array<i32>} : memref<16x8x128xf32, #tpu.memory_space<vmem>>, vector<16xf32>,
      tpu.vector_store %arg6[%swap3A_1044, %swap3A_1045, %swap3A_1046], %add3A_1042 {strides = array<i32>} : memref<16x8x128xf32, #tpu.memory_space<vmem>>, vector<16xf32>,
      %slice3A_1048 = vector.extract_strided_slice %add3A_1042 {offsets = [15], sizes = [1], strides = [1]} : vector<16xf32> to vector<1xf32>
      %squeeze3A_1049 = vector.extract %slice3A_1048[0] : f32 from vector<1xf32>
      %get3A_1050 = arith.constant 5 : i32
      %get3A_1051 = arith.index_cast %scan3A_346 : i32 to index
      %get3A_1052 = arith.index_cast %get3A_1050 : i32 to index
      %get3A_1053 = arith.constant 16 : index
      %get3A_1054 = tpu.vector_load %arg6[%get3A_1051, %get3A_1052, %get3A_1053] {strides = array<i32>} : memref<16x8x128xf32, #tpu.memory_space<vmem>>, vector<16xf32>,
      %broadcast_in_dim3A_1055 = arith.constant true
      %broadcast_in_dim3A_1056 = vector.broadcast %broadcast_in_dim3A_1055 : i1 to vector<16xi1>
      %masked_cumsum3A_1057 = tpu.scan <sum>, %get3A_1054 masked %broadcast_in_dim3A_1056 : vector<16xf32>, vector<16xi1> -> vector<16xf32>
      %add3A_1058 = vector.broadcast %squeeze3A_1049 : f32 to vector<16xf32>
      %add3A_1059 = arith.addf %masked_cumsum3A_1057, %add3A_1058 : vector<16xf32>
      %swap3A_1060 = arith.constant 5 : i32
      %swap3A_1061 = arith.index_cast %scan3A_346 : i32 to index
      %swap3A_1062 = arith.index_cast %swap3A_1060 : i32 to index
      %swap3A_1063 = arith.constant 16 : index
      %swap3A_1064 = tpu.vector_load %arg6[%swap3A_1061, %swap3A_1062, %swap3A_1063] {strides = array<i32>} : memref<16x8x128xf32, #tpu.memory_space<vmem>>, vector<16xf32>,
      tpu.vector_store %arg6[%swap3A_1061, %swap3A_1062, %swap3A_1063], %add3A_1059 {strides = array<i32>} : memref<16x8x128xf32, #tpu.memory_space<vmem>>, vector<16xf32>,
      %slice3A_1065 = vector.extract_strided_slice %add3A_1059 {offsets = [15], sizes = [1], strides = [1]} : vector<16xf32> to vector<1xf32>
      %squeeze3A_1066 = vector.extract %slice3A_1065[0] : f32 from vector<1xf32>
      %get3A_1067 = arith.constant 5 : i32
      %get3A_1068 = arith.index_cast %scan3A_346 : i32 to index
      %get3A_1069 = arith.index_cast %get3A_1067 : i32 to index
      %get3A_1070 = arith.constant 32 : index
      %get3A_1071 = tpu.vector_load %arg6[%get3A_1068, %get3A_1069, %get3A_1070] {strides = array<i32>} : memref<16x8x128xf32, #tpu.memory_space<vmem>>, vector<16xf32>,
      %broadcast_in_dim3A_1072 = arith.constant true
      %broadcast_in_dim3A_1073 = vector.broadcast %broadcast_in_dim3A_1072 : i1 to vector<16xi1>
      %masked_cumsum3A_1074 = tpu.scan <sum>, %get3A_1071 masked %broadcast_in_dim3A_1073 : vector<16xf32>, vector<16xi1> -> vector<16xf32>
      %add3A_1075 = vector.broadcast %squeeze3A_1066 : f32 to vector<16xf32>
      %add3A_1076 = arith.addf %masked_cumsum3A_1074, %add3A_1075 : vector<16xf32>
      %swap3A_1077 = arith.constant 5 : i32
      %swap3A_1078 = arith.index_cast %scan3A_346 : i32 to index
      %swap3A_1079 = arith.index_cast %swap3A_1077 : i32 to index
      %swap3A_1080 = arith.constant 32 : index
      %swap3A_1081 = tpu.vector_load %arg6[%swap3A_1078, %swap3A_1079, %swap3A_1080] {strides = array<i32>} : memref<16x8x128xf32, #tpu.memory_space<vmem>>, vector<16xf32>,
      tpu.vector_store %arg6[%swap3A_1078, %swap3A_1079, %swap3A_1080], %add3A_1076 {strides = array<i32>} : memref<16x8x128xf32, #tpu.memory_space<vmem>>, vector<16xf32>,
      %slice3A_1082 = vector.extract_strided_slice %add3A_1076 {offsets = [15], sizes = [1], strides = [1]} : vector<16xf32> to vector<1xf32>
      %squeeze3A_1083 = vector.extract %slice3A_1082[0] : f32 from vector<1xf32>
      %get3A_1084 = arith.constant 5 : i32
      %get3A_1085 = arith.index_cast %scan3A_346 : i32 to index
      %get3A_1086 = arith.index_cast %get3A_1084 : i32 to index
      %get3A_1087 = arith.constant 48 : index
      %get3A_1088 = tpu.vector_load %arg6[%get3A_1085, %get3A_1086, %get3A_1087] {strides = array<i32>} : memref<16x8x128xf32, #tpu.memory_space<vmem>>, vector<16xf32>,
      %broadcast_in_dim3A_1089 = arith.constant true
      %broadcast_in_dim3A_1090 = vector.broadcast %broadcast_in_dim3A_1089 : i1 to vector<16xi1>
      %masked_cumsum3A_1091 = tpu.scan <sum>, %get3A_1088 masked %broadcast_in_dim3A_1090 : vector<16xf32>, vector<16xi1> -> vector<16xf32>
      %add3A_1092 = vector.broadcast %squeeze3A_1083 : f32 to vector<16xf32>
      %add3A_1093 = arith.addf %masked_cumsum3A_1091, %add3A_1092 : vector<16xf32>
      %swap3A_1094 = arith.constant 5 : i32
      %swap3A_1095 = arith.index_cast %scan3A_346 : i32 to index
      %swap3A_1096 = arith.index_cast %swap3A_1094 : i32 to index
      %swap3A_1097 = arith.constant 48 : index
      %swap3A_1098 = tpu.vector_load %arg6[%swap3A_1095, %swap3A_1096, %swap3A_1097] {strides = array<i32>} : memref<16x8x128xf32, #tpu.memory_space<vmem>>, vector<16xf32>,
      tpu.vector_store %arg6[%swap3A_1095, %swap3A_1096, %swap3A_1097], %add3A_1093 {strides = array<i32>} : memref<16x8x128xf32, #tpu.memory_space<vmem>>, vector<16xf32>,
      %slice3A_1099 = vector.extract_strided_slice %add3A_1093 {offsets = [15], sizes = [1], strides = [1]} : vector<16xf32> to vector<1xf32>
      %squeeze3A_1100 = vector.extract %slice3A_1099[0] : f32 from vector<1xf32>
      %get3A_1101 = arith.constant 5 : i32
      %get3A_1102 = arith.index_cast %scan3A_346 : i32 to index
      %get3A_1103 = arith.index_cast %get3A_1101 : i32 to index
      %get3A_1104 = arith.constant 64 : index
      %get3A_1105 = tpu.vector_load %arg6[%get3A_1102, %get3A_1103, %get3A_1104] {strides = array<i32>} : memref<16x8x128xf32, #tpu.memory_space<vmem>>, vector<16xf32>,
      %broadcast_in_dim3A_1106 = arith.constant true
      %broadcast_in_dim3A_1107 = vector.broadcast %broadcast_in_dim3A_1106 : i1 to vector<16xi1>
      %masked_cumsum3A_1108 = tpu.scan <sum>, %get3A_1105 masked %broadcast_in_dim3A_1107 : vector<16xf32>, vector<16xi1> -> vector<16xf32>
      %add3A_1109 = arith.constant 0.000000e+00 : f32
      %add3A_1110 = vector.broadcast %add3A_1109 : f32 to vector<16xf32>
      %add3A_1111 = arith.addf %masked_cumsum3A_1108, %add3A_1110 : vector<16xf32>
      %swap3A_1112 = arith.constant 5 : i32
      %swap3A_1113 = arith.index_cast %scan3A_346 : i32 to index
      %swap3A_1114 = arith.index_cast %swap3A_1112 : i32 to index
      %swap3A_1115 = arith.constant 64 : index
      %swap3A_1116 = tpu.vector_load %arg6[%swap3A_1113, %swap3A_1114, %swap3A_1115] {strides = array<i32>} : memref<16x8x128xf32, #tpu.memory_space<vmem>>, vector<16xf32>,
      tpu.vector_store %arg6[%swap3A_1113, %swap3A_1114, %swap3A_1115], %add3A_1111 {strides = array<i32>} : memref<16x8x128xf32, #tpu.memory_space<vmem>>, vector<16xf32>,
      %slice3A_1117 = vector.extract_strided_slice %add3A_1111 {offsets = [15], sizes = [1], strides = [1]} : vector<16xf32> to vector<1xf32>
      %squeeze3A_1118 = vector.extract %slice3A_1117[0] : f32 from vector<1xf32>
      %get3A_1119 = arith.constant 5 : i32
      %get3A_1120 = arith.index_cast %scan3A_346 : i32 to index
      %get3A_1121 = arith.index_cast %get3A_1119 : i32 to index
      %get3A_1122 = arith.constant 80 : index
      %get3A_1123 = tpu.vector_load %arg6[%get3A_1120, %get3A_1121, %get3A_1122] {strides = array<i32>} : memref<16x8x128xf32, #tpu.memory_space<vmem>>, vector<16xf32>,
      %broadcast_in_dim3A_1124 = arith.constant true
      %broadcast_in_dim3A_1125 = vector.broadcast %broadcast_in_dim3A_1124 : i1 to vector<16xi1>
      %masked_cumsum3A_1126 = tpu.scan <sum>, %get3A_1123 masked %broadcast_in_dim3A_1125 : vector<16xf32>, vector<16xi1> -> vector<16xf32>
      %add3A_1127 = vector.broadcast %squeeze3A_1118 : f32 to vector<16xf32>
      %add3A_1128 = arith.addf %masked_cumsum3A_1126, %add3A_1127 : vector<16xf32>
      %swap3A_1129 = arith.constant 5 : i32
      %swap3A_1130 = arith.index_cast %scan3A_346 : i32 to index
      %swap3A_1131 = arith.index_cast %swap3A_1129 : i32 to index
      %swap3A_1132 = arith.constant 80 : index
      %swap3A_1133 = tpu.vector_load %arg6[%swap3A_1130, %swap3A_1131, %swap3A_1132] {strides = array<i32>} : memref<16x8x128xf32, #tpu.memory_space<vmem>>, vector<16xf32>,
      tpu.vector_store %arg6[%swap3A_1130, %swap3A_1131, %swap3A_1132], %add3A_1128 {strides = array<i32>} : memref<16x8x128xf32, #tpu.memory_space<vmem>>, vector<16xf32>,
      %slice3A_1134 = vector.extract_strided_slice %add3A_1128 {offsets = [15], sizes = [1], strides = [1]} : vector<16xf32> to vector<1xf32>
      %squeeze3A_1135 = vector.extract %slice3A_1134[0] : f32 from vector<1xf32>
      %get3A_1136 = arith.constant 5 : i32
      %get3A_1137 = arith.index_cast %scan3A_346 : i32 to index
      %get3A_1138 = arith.index_cast %get3A_1136 : i32 to index
      %get3A_1139 = arith.constant 96 : index
      %get3A_1140 = tpu.vector_load %arg6[%get3A_1137, %get3A_1138, %get3A_1139] {strides = array<i32>} : memref<16x8x128xf32, #tpu.memory_space<vmem>>, vector<16xf32>,
      %broadcast_in_dim3A_1141 = arith.constant true
      %broadcast_in_dim3A_1142 = vector.broadcast %broadcast_in_dim3A_1141 : i1 to vector<16xi1>
      %masked_cumsum3A_1143 = tpu.scan <sum>, %get3A_1140 masked %broadcast_in_dim3A_1142 : vector<16xf32>, vector<16xi1> -> vector<16xf32>
      %add3A_1144 = vector.broadcast %squeeze3A_1135 : f32 to vector<16xf32>
      %add3A_1145 = arith.addf %masked_cumsum3A_1143, %add3A_1144 : vector<16xf32>
      %swap3A_1146 = arith.constant 5 : i32
      %swap3A_1147 = arith.index_cast %scan3A_346 : i32 to index
      %swap3A_1148 = arith.index_cast %swap3A_1146 : i32 to index
      %swap3A_1149 = arith.constant 96 : index
      %swap3A_1150 = tpu.vector_load %arg6[%swap3A_1147, %swap3A_1148, %swap3A_1149] {strides = array<i32>} : memref<16x8x128xf32, #tpu.memory_space<vmem>>, vector<16xf32>,
      tpu.vector_store %arg6[%swap3A_1147, %swap3A_1148, %swap3A_1149], %add3A_1145 {strides = array<i32>} : memref<16x8x128xf32, #tpu.memory_space<vmem>>, vector<16xf32>,
      %slice3A_1151 = vector.extract_strided_slice %add3A_1145 {offsets = [15], sizes = [1], strides = [1]} : vector<16xf32> to vector<1xf32>
      %squeeze3A_1152 = vector.extract %slice3A_1151[0] : f32 from vector<1xf32>
      %get3A_1153 = arith.constant 5 : i32
      %get3A_1154 = arith.index_cast %scan3A_346 : i32 to index
      %get3A_1155 = arith.index_cast %get3A_1153 : i32 to index
      %get3A_1156 = arith.constant 112 : index
      %get3A_1157 = tpu.vector_load %arg6[%get3A_1154, %get3A_1155, %get3A_1156] {strides = array<i32>} : memref<16x8x128xf32, #tpu.memory_space<vmem>>, vector<16xf32>,
      %broadcast_in_dim3A_1158 = arith.constant true
      %broadcast_in_dim3A_1159 = vector.broadcast %broadcast_in_dim3A_1158 : i1 to vector<16xi1>
      %masked_cumsum3A_1160 = tpu.scan <sum>, %get3A_1157 masked %broadcast_in_dim3A_1159 : vector<16xf32>, vector<16xi1> -> vector<16xf32>
      %add3A_1161 = vector.broadcast %squeeze3A_1152 : f32 to vector<16xf32>
      %add3A_1162 = arith.addf %masked_cumsum3A_1160, %add3A_1161 : vector<16xf32>
      %swap3A_1163 = arith.constant 5 : i32
      %swap3A_1164 = arith.index_cast %scan3A_346 : i32 to index
      %swap3A_1165 = arith.index_cast %swap3A_1163 : i32 to index
      %swap3A_1166 = arith.constant 112 : index
      %swap3A_1167 = tpu.vector_load %arg6[%swap3A_1164, %swap3A_1165, %swap3A_1166] {strides = array<i32>} : memref<16x8x128xf32, #tpu.memory_space<vmem>>, vector<16xf32>,
      tpu.vector_store %arg6[%swap3A_1164, %swap3A_1165, %swap3A_1166], %add3A_1162 {strides = array<i32>} : memref<16x8x128xf32, #tpu.memory_space<vmem>>, vector<16xf32>,
      %slice3A_1168 = vector.extract_strided_slice %add3A_1162 {offsets = [15], sizes = [1], strides = [1]} : vector<16xf32> to vector<1xf32>
      %squeeze3A_1169 = vector.extract %slice3A_1168[0] : f32 from vector<1xf32>
      %get3A_1170 = arith.constant 6 : i32
      %get3A_1171 = arith.index_cast %scan3A_346 : i32 to index
      %get3A_1172 = arith.index_cast %get3A_1170 : i32 to index
      %get3A_1173 = arith.constant 0 : index
      %get3A_1174 = tpu.vector_load %arg6[%get3A_1171, %get3A_1172, %get3A_1173] {strides = array<i32>} : memref<16x8x128xf32, #tpu.memory_space<vmem>>, vector<16xf32>,
      %broadcast_in_dim3A_1175 = arith.constant true
      %broadcast_in_dim3A_1176 = vector.broadcast %broadcast_in_dim3A_1175 : i1 to vector<16xi1>
      %masked_cumsum3A_1177 = tpu.scan <sum>, %get3A_1174 masked %broadcast_in_dim3A_1176 : vector<16xf32>, vector<16xi1> -> vector<16xf32>
      %add3A_1178 = arith.constant 0.000000e+00 : f32
      %add3A_1179 = vector.broadcast %add3A_1178 : f32 to vector<16xf32>
      %add3A_1180 = arith.addf %masked_cumsum3A_1177, %add3A_1179 : vector<16xf32>
      %swap3A_1181 = arith.constant 6 : i32
      %swap3A_1182 = arith.index_cast %scan3A_346 : i32 to index
      %swap3A_1183 = arith.index_cast %swap3A_1181 : i32 to index
      %swap3A_1184 = arith.constant 0 : index
      %swap3A_1185 = tpu.vector_load %arg6[%swap3A_1182, %swap3A_1183, %swap3A_1184] {strides = array<i32>} : memref<16x8x128xf32, #tpu.memory_space<vmem>>, vector<16xf32>,
      tpu.vector_store %arg6[%swap3A_1182, %swap3A_1183, %swap3A_1184], %add3A_1180 {strides = array<i32>} : memref<16x8x128xf32, #tpu.memory_space<vmem>>, vector<16xf32>,
      %slice3A_1186 = vector.extract_strided_slice %add3A_1180 {offsets = [15], sizes = [1], strides = [1]} : vector<16xf32> to vector<1xf32>
      %squeeze3A_1187 = vector.extract %slice3A_1186[0] : f32 from vector<1xf32>
      %get3A_1188 = arith.constant 6 : i32
      %get3A_1189 = arith.index_cast %scan3A_346 : i32 to index
      %get3A_1190 = arith.index_cast %get3A_1188 : i32 to index
      %get3A_1191 = arith.constant 16 : index
      %get3A_1192 = tpu.vector_load %arg6[%get3A_1189, %get3A_1190, %get3A_1191] {strides = array<i32>} : memref<16x8x128xf32, #tpu.memory_space<vmem>>, vector<16xf32>,
      %broadcast_in_dim3A_1193 = arith.constant true
      %broadcast_in_dim3A_1194 = vector.broadcast %broadcast_in_dim3A_1193 : i1 to vector<16xi1>
      %masked_cumsum3A_1195 = tpu.scan <sum>, %get3A_1192 masked %broadcast_in_dim3A_1194 : vector<16xf32>, vector<16xi1> -> vector<16xf32>
      %add3A_1196 = vector.broadcast %squeeze3A_1187 : f32 to vector<16xf32>
      %add3A_1197 = arith.addf %masked_cumsum3A_1195, %add3A_1196 : vector<16xf32>
      %swap3A_1198 = arith.constant 6 : i32
      %swap3A_1199 = arith.index_cast %scan3A_346 : i32 to index
      %swap3A_1200 = arith.index_cast %swap3A_1198 : i32 to index
      %swap3A_1201 = arith.constant 16 : index
      %swap3A_1202 = tpu.vector_load %arg6[%swap3A_1199, %swap3A_1200, %swap3A_1201] {strides = array<i32>} : memref<16x8x128xf32, #tpu.memory_space<vmem>>, vector<16xf32>,
      tpu.vector_store %arg6[%swap3A_1199, %swap3A_1200, %swap3A_1201], %add3A_1197 {strides = array<i32>} : memref<16x8x128xf32, #tpu.memory_space<vmem>>, vector<16xf32>,
      %slice3A_1203 = vector.extract_strided_slice %add3A_1197 {offsets = [15], sizes = [1], strides = [1]} : vector<16xf32> to vector<1xf32>
      %squeeze3A_1204 = vector.extract %slice3A_1203[0] : f32 from vector<1xf32>
      %get3A_1205 = arith.constant 6 : i32
      %get3A_1206 = arith.index_cast %scan3A_346 : i32 to index
      %get3A_1207 = arith.index_cast %get3A_1205 : i32 to index
      %get3A_1208 = arith.constant 32 : index
      %get3A_1209 = tpu.vector_load %arg6[%get3A_1206, %get3A_1207, %get3A_1208] {strides = array<i32>} : memref<16x8x128xf32, #tpu.memory_space<vmem>>, vector<16xf32>,
      %broadcast_in_dim3A_1210 = arith.constant true
      %broadcast_in_dim3A_1211 = vector.broadcast %broadcast_in_dim3A_1210 : i1 to vector<16xi1>
      %masked_cumsum3A_1212 = tpu.scan <sum>, %get3A_1209 masked %broadcast_in_dim3A_1211 : vector<16xf32>, vector<16xi1> -> vector<16xf32>
      %add3A_1213 = vector.broadcast %squeeze3A_1204 : f32 to vector<16xf32>
      %add3A_1214 = arith.addf %masked_cumsum3A_1212, %add3A_1213 : vector<16xf32>
      %swap3A_1215 = arith.constant 6 : i32
      %swap3A_1216 = arith.index_cast %scan3A_346 : i32 to index
      %swap3A_1217 = arith.index_cast %swap3A_1215 : i32 to index
      %swap3A_1218 = arith.constant 32 : index
      %swap3A_1219 = tpu.vector_load %arg6[%swap3A_1216, %swap3A_1217, %swap3A_1218] {strides = array<i32>} : memref<16x8x128xf32, #tpu.memory_space<vmem>>, vector<16xf32>,
      tpu.vector_store %arg6[%swap3A_1216, %swap3A_1217, %swap3A_1218], %add3A_1214 {strides = array<i32>} : memref<16x8x128xf32, #tpu.memory_space<vmem>>, vector<16xf32>,
      %slice3A_1220 = vector.extract_strided_slice %add3A_1214 {offsets = [15], sizes = [1], strides = [1]} : vector<16xf32> to vector<1xf32>
      %squeeze3A_1221 = vector.extract %slice3A_1220[0] : f32 from vector<1xf32>
      %get3A_1222 = arith.constant 6 : i32
      %get3A_1223 = arith.index_cast %scan3A_346 : i32 to index
      %get3A_1224 = arith.index_cast %get3A_1222 : i32 to index
      %get3A_1225 = arith.constant 48 : index
      %get3A_1226 = tpu.vector_load %arg6[%get3A_1223, %get3A_1224, %get3A_1225] {strides = array<i32>} : memref<16x8x128xf32, #tpu.memory_space<vmem>>, vector<16xf32>,
      %broadcast_in_dim3A_1227 = arith.constant true
      %broadcast_in_dim3A_1228 = vector.broadcast %broadcast_in_dim3A_1227 : i1 to vector<16xi1>
      %masked_cumsum3A_1229 = tpu.scan <sum>, %get3A_1226 masked %broadcast_in_dim3A_1228 : vector<16xf32>, vector<16xi1> -> vector<16xf32>
      %add3A_1230 = vector.broadcast %squeeze3A_1221 : f32 to vector<16xf32>
      %add3A_1231 = arith.addf %masked_cumsum3A_1229, %add3A_1230 : vector<16xf32>
      %swap3A_1232 = arith.constant 6 : i32
      %swap3A_1233 = arith.index_cast %scan3A_346 : i32 to index
      %swap3A_1234 = arith.index_cast %swap3A_1232 : i32 to index
      %swap3A_1235 = arith.constant 48 : index
      %swap3A_1236 = tpu.vector_load %arg6[%swap3A_1233, %swap3A_1234, %swap3A_1235] {strides = array<i32>} : memref<16x8x128xf32, #tpu.memory_space<vmem>>, vector<16xf32>,
      tpu.vector_store %arg6[%swap3A_1233, %swap3A_1234, %swap3A_1235], %add3A_1231 {strides = array<i32>} : memref<16x8x128xf32, #tpu.memory_space<vmem>>, vector<16xf32>,
      %slice3A_1237 = vector.extract_strided_slice %add3A_1231 {offsets = [15], sizes = [1], strides = [1]} : vector<16xf32> to vector<1xf32>
      %squeeze3A_1238 = vector.extract %slice3A_1237[0] : f32 from vector<1xf32>
      %get3A_1239 = arith.constant 6 : i32
      %get3A_1240 = arith.index_cast %scan3A_346 : i32 to index
      %get3A_1241 = arith.index_cast %get3A_1239 : i32 to index
      %get3A_1242 = arith.constant 64 : index
      %get3A_1243 = tpu.vector_load %arg6[%get3A_1240, %get3A_1241, %get3A_1242] {strides = array<i32>} : memref<16x8x128xf32, #tpu.memory_space<vmem>>, vector<16xf32>,
      %broadcast_in_dim3A_1244 = arith.constant true
      %broadcast_in_dim3A_1245 = vector.broadcast %broadcast_in_dim3A_1244 : i1 to vector<16xi1>
      %masked_cumsum3A_1246 = tpu.scan <sum>, %get3A_1243 masked %broadcast_in_dim3A_1245 : vector<16xf32>, vector<16xi1> -> vector<16xf32>
      %add3A_1247 = arith.constant 0.000000e+00 : f32
      %add3A_1248 = vector.broadcast %add3A_1247 : f32 to vector<16xf32>
      %add3A_1249 = arith.addf %masked_cumsum3A_1246, %add3A_1248 : vector<16xf32>
      %swap3A_1250 = arith.constant 6 : i32
      %swap3A_1251 = arith.index_cast %scan3A_346 : i32 to index
      %swap3A_1252 = arith.index_cast %swap3A_1250 : i32 to index
      %swap3A_1253 = arith.constant 64 : index
      %swap3A_1254 = tpu.vector_load %arg6[%swap3A_1251, %swap3A_1252, %swap3A_1253] {strides = array<i32>} : memref<16x8x128xf32, #tpu.memory_space<vmem>>, vector<16xf32>,
      tpu.vector_store %arg6[%swap3A_1251, %swap3A_1252, %swap3A_1253], %add3A_1249 {strides = array<i32>} : memref<16x8x128xf32, #tpu.memory_space<vmem>>, vector<16xf32>,
      %slice3A_1255 = vector.extract_strided_slice %add3A_1249 {offsets = [15], sizes = [1], strides = [1]} : vector<16xf32> to vector<1xf32>
      %squeeze3A_1256 = vector.extract %slice3A_1255[0] : f32 from vector<1xf32>
      %get3A_1257 = arith.constant 6 : i32
      %get3A_1258 = arith.index_cast %scan3A_346 : i32 to index
      %get3A_1259 = arith.index_cast %get3A_1257 : i32 to index
      %get3A_1260 = arith.constant 80 : index
      %get3A_1261 = tpu.vector_load %arg6[%get3A_1258, %get3A_1259, %get3A_1260] {strides = array<i32>} : memref<16x8x128xf32, #tpu.memory_space<vmem>>, vector<16xf32>,
      %broadcast_in_dim3A_1262 = arith.constant true
      %broadcast_in_dim3A_1263 = vector.broadcast %broadcast_in_dim3A_1262 : i1 to vector<16xi1>
      %masked_cumsum3A_1264 = tpu.scan <sum>, %get3A_1261 masked %broadcast_in_dim3A_1263 : vector<16xf32>, vector<16xi1> -> vector<16xf32>
      %add3A_1265 = vector.broadcast %squeeze3A_1256 : f32 to vector<16xf32>
      %add3A_1266 = arith.addf %masked_cumsum3A_1264, %add3A_1265 : vector<16xf32>
      %swap3A_1267 = arith.constant 6 : i32
      %swap3A_1268 = arith.index_cast %scan3A_346 : i32 to index
      %swap3A_1269 = arith.index_cast %swap3A_1267 : i32 to index
      %swap3A_1270 = arith.constant 80 : index
      %swap3A_1271 = tpu.vector_load %arg6[%swap3A_1268, %swap3A_1269, %swap3A_1270] {strides = array<i32>} : memref<16x8x128xf32, #tpu.memory_space<vmem>>, vector<16xf32>,
      tpu.vector_store %arg6[%swap3A_1268, %swap3A_1269, %swap3A_1270], %add3A_1266 {strides = array<i32>} : memref<16x8x128xf32, #tpu.memory_space<vmem>>, vector<16xf32>,
      %slice3A_1272 = vector.extract_strided_slice %add3A_1266 {offsets = [15], sizes = [1], strides = [1]} : vector<16xf32> to vector<1xf32>
      %squeeze3A_1273 = vector.extract %slice3A_1272[0] : f32 from vector<1xf32>
      %get3A_1274 = arith.constant 6 : i32
      %get3A_1275 = arith.index_cast %scan3A_346 : i32 to index
      %get3A_1276 = arith.index_cast %get3A_1274 : i32 to index
      %get3A_1277 = arith.constant 96 : index
      %get3A_1278 = tpu.vector_load %arg6[%get3A_1275, %get3A_1276, %get3A_1277] {strides = array<i32>} : memref<16x8x128xf32, #tpu.memory_space<vmem>>, vector<16xf32>,
      %broadcast_in_dim3A_1279 = arith.constant true
      %broadcast_in_dim3A_1280 = vector.broadcast %broadcast_in_dim3A_1279 : i1 to vector<16xi1>
      %masked_cumsum3A_1281 = tpu.scan <sum>, %get3A_1278 masked %broadcast_in_dim3A_1280 : vector<16xf32>, vector<16xi1> -> vector<16xf32>
      %add3A_1282 = vector.broadcast %squeeze3A_1273 : f32 to vector<16xf32>
      %add3A_1283 = arith.addf %masked_cumsum3A_1281, %add3A_1282 : vector<16xf32>
      %swap3A_1284 = arith.constant 6 : i32
      %swap3A_1285 = arith.index_cast %scan3A_346 : i32 to index
      %swap3A_1286 = arith.index_cast %swap3A_1284 : i32 to index
      %swap3A_1287 = arith.constant 96 : index
      %swap3A_1288 = tpu.vector_load %arg6[%swap3A_1285, %swap3A_1286, %swap3A_1287] {strides = array<i32>} : memref<16x8x128xf32, #tpu.memory_space<vmem>>, vector<16xf32>,
      tpu.vector_store %arg6[%swap3A_1285, %swap3A_1286, %swap3A_1287], %add3A_1283 {strides = array<i32>} : memref<16x8x128xf32, #tpu.memory_space<vmem>>, vector<16xf32>,
      %slice3A_1289 = vector.extract_strided_slice %add3A_1283 {offsets = [15], sizes = [1], strides = [1]} : vector<16xf32> to vector<1xf32>
      %squeeze3A_1290 = vector.extract %slice3A_1289[0] : f32 from vector<1xf32>
      %get3A_1291 = arith.constant 6 : i32
      %get3A_1292 = arith.index_cast %scan3A_346 : i32 to index
      %get3A_1293 = arith.index_cast %get3A_1291 : i32 to index
      %get3A_1294 = arith.constant 112 : index
      %get3A_1295 = tpu.vector_load %arg6[%get3A_1292, %get3A_1293, %get3A_1294] {strides = array<i32>} : memref<16x8x128xf32, #tpu.memory_space<vmem>>, vector<16xf32>,
      %broadcast_in_dim3A_1296 = arith.constant true
      %broadcast_in_dim3A_1297 = vector.broadcast %broadcast_in_dim3A_1296 : i1 to vector<16xi1>
      %masked_cumsum3A_1298 = tpu.scan <sum>, %get3A_1295 masked %broadcast_in_dim3A_1297 : vector<16xf32>, vector<16xi1> -> vector<16xf32>
      %add3A_1299 = vector.broadcast %squeeze3A_1290 : f32 to vector<16xf32>
      %add3A_1300 = arith.addf %masked_cumsum3A_1298, %add3A_1299 : vector<16xf32>
      %swap3A_1301 = arith.constant 6 : i32
      %swap3A_1302 = arith.index_cast %scan3A_346 : i32 to index
      %swap3A_1303 = arith.index_cast %swap3A_1301 : i32 to index
      %swap3A_1304 = arith.constant 112 : index
      %swap3A_1305 = tpu.vector_load %arg6[%swap3A_1302, %swap3A_1303, %swap3A_1304] {strides = array<i32>} : memref<16x8x128xf32, #tpu.memory_space<vmem>>, vector<16xf32>,
      tpu.vector_store %arg6[%swap3A_1302, %swap3A_1303, %swap3A_1304], %add3A_1300 {strides = array<i32>} : memref<16x8x128xf32, #tpu.memory_space<vmem>>, vector<16xf32>,
      %slice3A_1306 = vector.extract_strided_slice %add3A_1300 {offsets = [15], sizes = [1], strides = [1]} : vector<16xf32> to vector<1xf32>
      %squeeze3A_1307 = vector.extract %slice3A_1306[0] : f32 from vector<1xf32>
      %get3A_1308 = arith.constant 7 : i32
      %get3A_1309 = arith.index_cast %scan3A_346 : i32 to index
      %get3A_1310 = arith.index_cast %get3A_1308 : i32 to index
      %get3A_1311 = arith.constant 0 : index
      %get3A_1312 = tpu.vector_load %arg6[%get3A_1309, %get3A_1310, %get3A_1311] {strides = array<i32>} : memref<16x8x128xf32, #tpu.memory_space<vmem>>, vector<16xf32>,
      %broadcast_in_dim3A_1313 = arith.constant true
      %broadcast_in_dim3A_1314 = vector.broadcast %broadcast_in_dim3A_1313 : i1 to vector<16xi1>
      %masked_cumsum3A_1315 = tpu.scan <sum>, %get3A_1312 masked %broadcast_in_dim3A_1314 : vector<16xf32>, vector<16xi1> -> vector<16xf32>
      %add3A_1316 = arith.constant 0.000000e+00 : f32
      %add3A_1317 = vector.broadcast %add3A_1316 : f32 to vector<16xf32>
      %add3A_1318 = arith.addf %masked_cumsum3A_1315, %add3A_1317 : vector<16xf32>
      %swap3A_1319 = arith.constant 7 : i32
      %swap3A_1320 = arith.index_cast %scan3A_346 : i32 to index
      %swap3A_1321 = arith.index_cast %swap3A_1319 : i32 to index
      %swap3A_1322 = arith.constant 0 : index
      %swap3A_1323 = tpu.vector_load %arg6[%swap3A_1320, %swap3A_1321, %swap3A_1322] {strides = array<i32>} : memref<16x8x128xf32, #tpu.memory_space<vmem>>, vector<16xf32>,
      tpu.vector_store %arg6[%swap3A_1320, %swap3A_1321, %swap3A_1322], %add3A_1318 {strides = array<i32>} : memref<16x8x128xf32, #tpu.memory_space<vmem>>, vector<16xf32>,
      %slice3A_1324 = vector.extract_strided_slice %add3A_1318 {offsets = [15], sizes = [1], strides = [1]} : vector<16xf32> to vector<1xf32>
      %squeeze3A_1325 = vector.extract %slice3A_1324[0] : f32 from vector<1xf32>
      %get3A_1326 = arith.constant 7 : i32
      %get3A_1327 = arith.index_cast %scan3A_346 : i32 to index
      %get3A_1328 = arith.index_cast %get3A_1326 : i32 to index
      %get3A_1329 = arith.constant 16 : index
      %get3A_1330 = tpu.vector_load %arg6[%get3A_1327, %get3A_1328, %get3A_1329] {strides = array<i32>} : memref<16x8x128xf32, #tpu.memory_space<vmem>>, vector<16xf32>,
      %broadcast_in_dim3A_1331 = arith.constant true
      %broadcast_in_dim3A_1332 = vector.broadcast %broadcast_in_dim3A_1331 : i1 to vector<16xi1>
      %masked_cumsum3A_1333 = tpu.scan <sum>, %get3A_1330 masked %broadcast_in_dim3A_1332 : vector<16xf32>, vector<16xi1> -> vector<16xf32>
      %add3A_1334 = vector.broadcast %squeeze3A_1325 : f32 to vector<16xf32>
      %add3A_1335 = arith.addf %masked_cumsum3A_1333, %add3A_1334 : vector<16xf32>
      %swap3A_1336 = arith.constant 7 : i32
      %swap3A_1337 = arith.index_cast %scan3A_346 : i32 to index
      %swap3A_1338 = arith.index_cast %swap3A_1336 : i32 to index
      %swap3A_1339 = arith.constant 16 : index
      %swap3A_1340 = tpu.vector_load %arg6[%swap3A_1337, %swap3A_1338, %swap3A_1339] {strides = array<i32>} : memref<16x8x128xf32, #tpu.memory_space<vmem>>, vector<16xf32>,
      tpu.vector_store %arg6[%swap3A_1337, %swap3A_1338, %swap3A_1339], %add3A_1335 {strides = array<i32>} : memref<16x8x128xf32, #tpu.memory_space<vmem>>, vector<16xf32>,
      %slice3A_1341 = vector.extract_strided_slice %add3A_1335 {offsets = [15], sizes = [1], strides = [1]} : vector<16xf32> to vector<1xf32>
      %squeeze3A_1342 = vector.extract %slice3A_1341[0] : f32 from vector<1xf32>
      %get3A_1343 = arith.constant 7 : i32
      %get3A_1344 = arith.index_cast %scan3A_346 : i32 to index
      %get3A_1345 = arith.index_cast %get3A_1343 : i32 to index
      %get3A_1346 = arith.constant 32 : index
      %get3A_1347 = tpu.vector_load %arg6[%get3A_1344, %get3A_1345, %get3A_1346] {strides = array<i32>} : memref<16x8x128xf32, #tpu.memory_space<vmem>>, vector<16xf32>,
      %broadcast_in_dim3A_1348 = arith.constant true
      %broadcast_in_dim3A_1349 = vector.broadcast %broadcast_in_dim3A_1348 : i1 to vector<16xi1>
      %masked_cumsum3A_1350 = tpu.scan <sum>, %get3A_1347 masked %broadcast_in_dim3A_1349 : vector<16xf32>, vector<16xi1> -> vector<16xf32>
      %add3A_1351 = vector.broadcast %squeeze3A_1342 : f32 to vector<16xf32>
      %add3A_1352 = arith.addf %masked_cumsum3A_1350, %add3A_1351 : vector<16xf32>
      %swap3A_1353 = arith.constant 7 : i32
      %swap3A_1354 = arith.index_cast %scan3A_346 : i32 to index
      %swap3A_1355 = arith.index_cast %swap3A_1353 : i32 to index
      %swap3A_1356 = arith.constant 32 : index
      %swap3A_1357 = tpu.vector_load %arg6[%swap3A_1354, %swap3A_1355, %swap3A_1356] {strides = array<i32>} : memref<16x8x128xf32, #tpu.memory_space<vmem>>, vector<16xf32>,
      tpu.vector_store %arg6[%swap3A_1354, %swap3A_1355, %swap3A_1356], %add3A_1352 {strides = array<i32>} : memref<16x8x128xf32, #tpu.memory_space<vmem>>, vector<16xf32>,
      %slice3A_1358 = vector.extract_strided_slice %add3A_1352 {offsets = [15], sizes = [1], strides = [1]} : vector<16xf32> to vector<1xf32>
      %squeeze3A_1359 = vector.extract %slice3A_1358[0] : f32 from vector<1xf32>
      %get3A_1360 = arith.constant 7 : i32
      %get3A_1361 = arith.index_cast %scan3A_346 : i32 to index
      %get3A_1362 = arith.index_cast %get3A_1360 : i32 to index
      %get3A_1363 = arith.constant 48 : index
      %get3A_1364 = tpu.vector_load %arg6[%get3A_1361, %get3A_1362, %get3A_1363] {strides = array<i32>} : memref<16x8x128xf32, #tpu.memory_space<vmem>>, vector<16xf32>,
      %broadcast_in_dim3A_1365 = arith.constant true
      %broadcast_in_dim3A_1366 = vector.broadcast %broadcast_in_dim3A_1365 : i1 to vector<16xi1>
      %masked_cumsum3A_1367 = tpu.scan <sum>, %get3A_1364 masked %broadcast_in_dim3A_1366 : vector<16xf32>, vector<16xi1> -> vector<16xf32>
      %add3A_1368 = vector.broadcast %squeeze3A_1359 : f32 to vector<16xf32>
      %add3A_1369 = arith.addf %masked_cumsum3A_1367, %add3A_1368 : vector<16xf32>
      %swap3A_1370 = arith.constant 7 : i32
      %swap3A_1371 = arith.index_cast %scan3A_346 : i32 to index
      %swap3A_1372 = arith.index_cast %swap3A_1370 : i32 to index
      %swap3A_1373 = arith.constant 48 : index
      %swap3A_1374 = tpu.vector_load %arg6[%swap3A_1371, %swap3A_1372, %swap3A_1373] {strides = array<i32>} : memref<16x8x128xf32, #tpu.memory_space<vmem>>, vector<16xf32>,
      tpu.vector_store %arg6[%swap3A_1371, %swap3A_1372, %swap3A_1373], %add3A_1369 {strides = array<i32>} : memref<16x8x128xf32, #tpu.memory_space<vmem>>, vector<16xf32>,
      %slice3A_1375 = vector.extract_strided_slice %add3A_1369 {offsets = [15], sizes = [1], strides = [1]} : vector<16xf32> to vector<1xf32>
      %squeeze3A_1376 = vector.extract %slice3A_1375[0] : f32 from vector<1xf32>
      %get3A_1377 = arith.constant 7 : i32
      %get3A_1378 = arith.index_cast %scan3A_346 : i32 to index
      %get3A_1379 = arith.index_cast %get3A_1377 : i32 to index
      %get3A_1380 = arith.constant 64 : index
      %get3A_1381 = tpu.vector_load %arg6[%get3A_1378, %get3A_1379, %get3A_1380] {strides = array<i32>} : memref<16x8x128xf32, #tpu.memory_space<vmem>>, vector<16xf32>,
      %broadcast_in_dim3A_1382 = arith.constant true
      %broadcast_in_dim3A_1383 = vector.broadcast %broadcast_in_dim3A_1382 : i1 to vector<16xi1>
      %masked_cumsum3A_1384 = tpu.scan <sum>, %get3A_1381 masked %broadcast_in_dim3A_1383 : vector<16xf32>, vector<16xi1> -> vector<16xf32>
      %add3A_1385 = arith.constant 0.000000e+00 : f32
      %add3A_1386 = vector.broadcast %add3A_1385 : f32 to vector<16xf32>
      %add3A_1387 = arith.addf %masked_cumsum3A_1384, %add3A_1386 : vector<16xf32>
      %swap3A_1388 = arith.constant 7 : i32
      %swap3A_1389 = arith.index_cast %scan3A_346 : i32 to index
      %swap3A_1390 = arith.index_cast %swap3A_1388 : i32 to index
      %swap3A_1391 = arith.constant 64 : index
      %swap3A_1392 = tpu.vector_load %arg6[%swap3A_1389, %swap3A_1390, %swap3A_1391] {strides = array<i32>} : memref<16x8x128xf32, #tpu.memory_space<vmem>>, vector<16xf32>,
      tpu.vector_store %arg6[%swap3A_1389, %swap3A_1390, %swap3A_1391], %add3A_1387 {strides = array<i32>} : memref<16x8x128xf32, #tpu.memory_space<vmem>>, vector<16xf32>,
      %slice3A_1393 = vector.extract_strided_slice %add3A_1387 {offsets = [15], sizes = [1], strides = [1]} : vector<16xf32> to vector<1xf32>
      %squeeze3A_1394 = vector.extract %slice3A_1393[0] : f32 from vector<1xf32>
      %get3A_1395 = arith.constant 7 : i32
      %get3A_1396 = arith.index_cast %scan3A_346 : i32 to index
      %get3A_1397 = arith.index_cast %get3A_1395 : i32 to index
      %get3A_1398 = arith.constant 80 : index
      %get3A_1399 = tpu.vector_load %arg6[%get3A_1396, %get3A_1397, %get3A_1398] {strides = array<i32>} : memref<16x8x128xf32, #tpu.memory_space<vmem>>, vector<16xf32>,
      %broadcast_in_dim3A_1400 = arith.constant true
      %broadcast_in_dim3A_1401 = vector.broadcast %broadcast_in_dim3A_1400 : i1 to vector<16xi1>
      %masked_cumsum3A_1402 = tpu.scan <sum>, %get3A_1399 masked %broadcast_in_dim3A_1401 : vector<16xf32>, vector<16xi1> -> vector<16xf32>
      %add3A_1403 = vector.broadcast %squeeze3A_1394 : f32 to vector<16xf32>
      %add3A_1404 = arith.addf %masked_cumsum3A_1402, %add3A_1403 : vector<16xf32>
      %swap3A_1405 = arith.constant 7 : i32
      %swap3A_1406 = arith.index_cast %scan3A_346 : i32 to index
      %swap3A_1407 = arith.index_cast %swap3A_1405 : i32 to index
      %swap3A_1408 = arith.constant 80 : index
      %swap3A_1409 = tpu.vector_load %arg6[%swap3A_1406, %swap3A_1407, %swap3A_1408] {strides = array<i32>} : memref<16x8x128xf32, #tpu.memory_space<vmem>>, vector<16xf32>,
      tpu.vector_store %arg6[%swap3A_1406, %swap3A_1407, %swap3A_1408], %add3A_1404 {strides = array<i32>} : memref<16x8x128xf32, #tpu.memory_space<vmem>>, vector<16xf32>,
      %slice3A_1410 = vector.extract_strided_slice %add3A_1404 {offsets = [15], sizes = [1], strides = [1]} : vector<16xf32> to vector<1xf32>
      %squeeze3A_1411 = vector.extract %slice3A_1410[0] : f32 from vector<1xf32>
      %get3A_1412 = arith.constant 7 : i32
      %get3A_1413 = arith.index_cast %scan3A_346 : i32 to index
      %get3A_1414 = arith.index_cast %get3A_1412 : i32 to index
      %get3A_1415 = arith.constant 96 : index
      %get3A_1416 = tpu.vector_load %arg6[%get3A_1413, %get3A_1414, %get3A_1415] {strides = array<i32>} : memref<16x8x128xf32, #tpu.memory_space<vmem>>, vector<16xf32>,
      %broadcast_in_dim3A_1417 = arith.constant true
      %broadcast_in_dim3A_1418 = vector.broadcast %broadcast_in_dim3A_1417 : i1 to vector<16xi1>
      %masked_cumsum3A_1419 = tpu.scan <sum>, %get3A_1416 masked %broadcast_in_dim3A_1418 : vector<16xf32>, vector<16xi1> -> vector<16xf32>
      %add3A_1420 = vector.broadcast %squeeze3A_1411 : f32 to vector<16xf32>
      %add3A_1421 = arith.addf %masked_cumsum3A_1419, %add3A_1420 : vector<16xf32>
      %swap3A_1422 = arith.constant 7 : i32
      %swap3A_1423 = arith.index_cast %scan3A_346 : i32 to index
      %swap3A_1424 = arith.index_cast %swap3A_1422 : i32 to index
      %swap3A_1425 = arith.constant 96 : index
      %swap3A_1426 = tpu.vector_load %arg6[%swap3A_1423, %swap3A_1424, %swap3A_1425] {strides = array<i32>} : memref<16x8x128xf32, #tpu.memory_space<vmem>>, vector<16xf32>,
      tpu.vector_store %arg6[%swap3A_1423, %swap3A_1424, %swap3A_1425], %add3A_1421 {strides = array<i32>} : memref<16x8x128xf32, #tpu.memory_space<vmem>>, vector<16xf32>,
      %slice3A_1427 = vector.extract_strided_slice %add3A_1421 {offsets = [15], sizes = [1], strides = [1]} : vector<16xf32> to vector<1xf32>
      %squeeze3A_1428 = vector.extract %slice3A_1427[0] : f32 from vector<1xf32>
      %get3A_1429 = arith.constant 7 : i32
      %get3A_1430 = arith.index_cast %scan3A_346 : i32 to index
      %get3A_1431 = arith.index_cast %get3A_1429 : i32 to index
      %get3A_1432 = arith.constant 112 : index
      %get3A_1433 = tpu.vector_load %arg6[%get3A_1430, %get3A_1431, %get3A_1432] {strides = array<i32>} : memref<16x8x128xf32, #tpu.memory_space<vmem>>, vector<16xf32>,
      %broadcast_in_dim3A_1434 = arith.constant true
      %broadcast_in_dim3A_1435 = vector.broadcast %broadcast_in_dim3A_1434 : i1 to vector<16xi1>
      %masked_cumsum3A_1436 = tpu.scan <sum>, %get3A_1433 masked %broadcast_in_dim3A_1435 : vector<16xf32>, vector<16xi1> -> vector<16xf32>
      %add3A_1437 = vector.broadcast %squeeze3A_1428 : f32 to vector<16xf32>
      %add3A_1438 = arith.addf %masked_cumsum3A_1436, %add3A_1437 : vector<16xf32>
      %swap3A_1439 = arith.constant 7 : i32
      %swap3A_1440 = arith.index_cast %scan3A_346 : i32 to index
      %swap3A_1441 = arith.index_cast %swap3A_1439 : i32 to index
      %swap3A_1442 = arith.constant 112 : index
      %swap3A_1443 = tpu.vector_load %arg6[%swap3A_1440, %swap3A_1441, %swap3A_1442] {strides = array<i32>} : memref<16x8x128xf32, #tpu.memory_space<vmem>>, vector<16xf32>,
      tpu.vector_store %arg6[%swap3A_1440, %swap3A_1441, %swap3A_1442], %add3A_1438 {strides = array<i32>} : memref<16x8x128xf32, #tpu.memory_space<vmem>>, vector<16xf32>,
      %slice3A_1444 = vector.extract_strided_slice %add3A_1438 {offsets = [15], sizes = [1], strides = [1]} : vector<16xf32> to vector<1xf32>
      %squeeze3A_1445 = vector.extract %slice3A_1444[0] : f32 from vector<1xf32>
      %scan3A_1446 = arith.constant 0 : i32
      scf.yield %scan3A_1446 : i32
    }
    %scan3A_268 = arith.constant 16 : i32
    %dma_start3A_269 = arith.constant 0 : i32
    %dma_start3A_270 = arith.constant 0 : i32
    %dma_start3A_271 = arith.constant 0 : i32
    %dma_start3A_272 = tpu.memref_slice %arg3[%select_n3A_102, %select_n3A_118, %dma_start3A_269, %dma_start3A_270, %dma_start3A_271] : memref<16x4x32x8x128xf32, #tpu.memory_space<hbm>> -> memref<1x1x16x8x128xf32, #tpu.memory_space<hbm>>
    %dma_start3A_273 = tpu.memref_squeeze %dma_start3A_272 : memref<1x1x16x8x128xf32, #tpu.memory_space<hbm>> -> memref<16x8x128xf32, #tpu.memory_space<hbm>>
    %dma_start3A_274 = arith.constant 0 : i32
    %dma_start3A_275 = arith.constant 0 : i32
    %dma_start3A_276 = arith.constant 0 : i32
    %dma_start3A_277 = tpu.memref_slice %arg3[%select_n3A_102, %select_n3A_118, %dma_start3A_274, %dma_start3A_275, %dma_start3A_276] : memref<16x4x32x8x128xf32, #tpu.memory_space<hbm>> -> memref<1x1x16x8x128xf32, #tpu.memory_space<hbm>>
    %dma_start3A_278 = tpu.memref_squeeze %dma_start3A_277 : memref<1x1x16x8x128xf32, #tpu.memory_space<hbm>> -> memref<16x8x128xf32, #tpu.memory_space<hbm>>
    tpu.enqueue_dma source(%arg6 : memref<16x8x128xf32, #tpu.memory_space<vmem>>) target(%dma_start3A_278 : memref<16x8x128xf32, #tpu.memory_space<hbm>>) target_semaphore(%arg14 : memref<!tpu.dma_semaphore, #tpu.memory_space<semaphore_mem>>)
    %dma_wait3A_279 = arith.constant 16 : i32
    %dma_wait3A_280 = arith.constant 0 : i32
    %dma_wait3A_281 = arith.constant 0 : i32
    %dma_wait3A_282 = tpu.memref_slice %arg2[%select_n3A_144, %select_n3A_160, %dma_wait3A_279, %dma_wait3A_280, %dma_wait3A_281] : memref<16x4x32x8x128xf32, #tpu.memory_space<hbm>> -> memref<1x1x16x8x128xf32, #tpu.memory_space<hbm>>
    %dma_wait3A_283 = tpu.memref_squeeze %dma_wait3A_282 : memref<1x1x16x8x128xf32, #tpu.memory_space<hbm>> -> memref<16x8x128xf32, #tpu.memory_space<hbm>>
    %dma_wait3A_284 = arith.constant 16 : i32
    %dma_wait3A_285 = arith.constant 0 : i32
    %dma_wait3A_286 = arith.constant 0 : i32
    %dma_wait3A_287 = tpu.memref_slice %arg2[%select_n3A_144, %select_n3A_160, %dma_wait3A_284, %dma_wait3A_285, %dma_wait3A_286] : memref<16x4x32x8x128xf32, #tpu.memory_space<hbm>> -> memref<1x1x16x8x128xf32, #tpu.memory_space<hbm>>
    %dma_wait3A_288 = tpu.memref_squeeze %dma_wait3A_287 : memref<1x1x16x8x128xf32, #tpu.memory_space<hbm>> -> memref<16x8x128xf32, #tpu.memory_space<hbm>>
    tpu.wait_dma2 semaphore(%arg11 : memref<!tpu.dma_semaphore, #tpu.memory_space<semaphore_mem>>) src(%dma_wait3A_288 : memref<16x8x128xf32, #tpu.memory_space<hbm>>) dst(%arg7 : memref<16x8x128xf32, #tpu.memory_space<vmem>>)
    %scan3A_289 = arith.constant 0 : i32
    %scan3A_290 = arith.constant 0 : i32
    %scan3A_291 = arith.constant 16 : i32
    %scan3A_292 = arith.addi %scan3A_290, %scan3A_291 : i32
    %scan3A_293 = arith.constant 1 : i32
    %scan3A_294 = scf.for %scan3A_346 = %scan3A_290 to %scan3A_292 step %scan3A_293 iter_args(%scan3A_347 = %scan3A_289) -> (i32)  : i32 {
      %get3A = arith.constant 0 : i32
      %get3A_348 = arith.index_cast %scan3A_346 : i32 to index
      %get3A_349 = arith.index_cast %get3A : i32 to index
      %get3A_350 = arith.constant 0 : index
      %get3A_351 = tpu.vector_load %arg7[%get3A_348, %get3A_349, %get3A_350] {strides = array<i32>} : memref<16x8x128xf32, #tpu.memory_space<vmem>>, vector<16xf32>,
      %broadcast_in_dim3A = arith.constant true
      %broadcast_in_dim3A_352 = vector.broadcast %broadcast_in_dim3A : i1 to vector<16xi1>
      %masked_cumsum3A = tpu.scan <sum>, %get3A_351 masked %broadcast_in_dim3A_352 : vector<16xf32>, vector<16xi1> -> vector<16xf32>
      %add3A_353 = arith.constant 0.000000e+00 : f32
      %add3A_354 = vector.broadcast %add3A_353 : f32 to vector<16xf32>
      %add3A_355 = arith.addf %masked_cumsum3A, %add3A_354 : vector<16xf32>
      %swap3A = arith.constant 0 : i32
      %swap3A_356 = arith.index_cast %scan3A_346 : i32 to index
      %swap3A_357 = arith.index_cast %swap3A : i32 to index
      %swap3A_358 = arith.constant 0 : index
      %swap3A_359 = tpu.vector_load %arg7[%swap3A_356, %swap3A_357, %swap3A_358] {strides = array<i32>} : memref<16x8x128xf32, #tpu.memory_space<vmem>>, vector<16xf32>,
      tpu.vector_store %arg7[%swap3A_356, %swap3A_357, %swap3A_358], %add3A_355 {strides = array<i32>} : memref<16x8x128xf32, #tpu.memory_space<vmem>>, vector<16xf32>,
      %slice3A = vector.extract_strided_slice %add3A_355 {offsets = [15], sizes = [1], strides = [1]} : vector<16xf32> to vector<1xf32>
      %squeeze3A = vector.extract %slice3A[0] : f32 from vector<1xf32>
      %get3A_360 = arith.constant 0 : i32
      %get3A_361 = arith.index_cast %scan3A_346 : i32 to index
      %get3A_362 = arith.index_cast %get3A_360 : i32 to index
      %get3A_363 = arith.constant 16 : index
      %get3A_364 = tpu.vector_load %arg7[%get3A_361, %get3A_362, %get3A_363] {strides = array<i32>} : memref<16x8x128xf32, #tpu.memory_space<vmem>>, vector<16xf32>,
      %broadcast_in_dim3A_365 = arith.constant true
      %broadcast_in_dim3A_366 = vector.broadcast %broadcast_in_dim3A_365 : i1 to vector<16xi1>
      %masked_cumsum3A_367 = tpu.scan <sum>, %get3A_364 masked %broadcast_in_dim3A_366 : vector<16xf32>, vector<16xi1> -> vector<16xf32>
      %add3A_368 = vector.broadcast %squeeze3A : f32 to vector<16xf32>
      %add3A_369 = arith.addf %masked_cumsum3A_367, %add3A_368 : vector<16xf32>
      %swap3A_370 = arith.constant 0 : i32
      %swap3A_371 = arith.index_cast %scan3A_346 : i32 to index
      %swap3A_372 = arith.index_cast %swap3A_370 : i32 to index
      %swap3A_373 = arith.constant 16 : index
      %swap3A_374 = tpu.vector_load %arg7[%swap3A_371, %swap3A_372, %swap3A_373] {strides = array<i32>} : memref<16x8x128xf32, #tpu.memory_space<vmem>>, vector<16xf32>,
      tpu.vector_store %arg7[%swap3A_371, %swap3A_372, %swap3A_373], %add3A_369 {strides = array<i32>} : memref<16x8x128xf32, #tpu.memory_space<vmem>>, vector<16xf32>,
      %slice3A_375 = vector.extract_strided_slice %add3A_369 {offsets = [15], sizes = [1], strides = [1]} : vector<16xf32> to vector<1xf32>
      %squeeze3A_376 = vector.extract %slice3A_375[0] : f32 from vector<1xf32>
      %get3A_377 = arith.constant 0 : i32
      %get3A_378 = arith.index_cast %scan3A_346 : i32 to index
      %get3A_379 = arith.index_cast %get3A_377 : i32 to index
      %get3A_380 = arith.constant 32 : index
      %get3A_381 = tpu.vector_load %arg7[%get3A_378, %get3A_379, %get3A_380] {strides = array<i32>} : memref<16x8x128xf32, #tpu.memory_space<vmem>>, vector<16xf32>,
      %broadcast_in_dim3A_382 = arith.constant true
      %broadcast_in_dim3A_383 = vector.broadcast %broadcast_in_dim3A_382 : i1 to vector<16xi1>
      %masked_cumsum3A_384 = tpu.scan <sum>, %get3A_381 masked %broadcast_in_dim3A_383 : vector<16xf32>, vector<16xi1> -> vector<16xf32>
      %add3A_385 = vector.broadcast %squeeze3A_376 : f32 to vector<16xf32>
      %add3A_386 = arith.addf %masked_cumsum3A_384, %add3A_385 : vector<16xf32>
      %swap3A_387 = arith.constant 0 : i32
      %swap3A_388 = arith.index_cast %scan3A_346 : i32 to index
      %swap3A_389 = arith.index_cast %swap3A_387 : i32 to index
      %swap3A_390 = arith.constant 32 : index
      %swap3A_391 = tpu.vector_load %arg7[%swap3A_388, %swap3A_389, %swap3A_390] {strides = array<i32>} : memref<16x8x128xf32, #tpu.memory_space<vmem>>, vector<16xf32>,
      tpu.vector_store %arg7[%swap3A_388, %swap3A_389, %swap3A_390], %add3A_386 {strides = array<i32>} : memref<16x8x128xf32, #tpu.memory_space<vmem>>, vector<16xf32>,
      %slice3A_392 = vector.extract_strided_slice %add3A_386 {offsets = [15], sizes = [1], strides = [1]} : vector<16xf32> to vector<1xf32>
      %squeeze3A_393 = vector.extract %slice3A_392[0] : f32 from vector<1xf32>
      %get3A_394 = arith.constant 0 : i32
      %get3A_395 = arith.index_cast %scan3A_346 : i32 to index
      %get3A_396 = arith.index_cast %get3A_394 : i32 to index
      %get3A_397 = arith.constant 48 : index
      %get3A_398 = tpu.vector_load %arg7[%get3A_395, %get3A_396, %get3A_397] {strides = array<i32>} : memref<16x8x128xf32, #tpu.memory_space<vmem>>, vector<16xf32>,
      %broadcast_in_dim3A_399 = arith.constant true
      %broadcast_in_dim3A_400 = vector.broadcast %broadcast_in_dim3A_399 : i1 to vector<16xi1>
      %masked_cumsum3A_401 = tpu.scan <sum>, %get3A_398 masked %broadcast_in_dim3A_400 : vector<16xf32>, vector<16xi1> -> vector<16xf32>
      %add3A_402 = vector.broadcast %squeeze3A_393 : f32 to vector<16xf32>
      %add3A_403 = arith.addf %masked_cumsum3A_401, %add3A_402 : vector<16xf32>
      %swap3A_404 = arith.constant 0 : i32
      %swap3A_405 = arith.index_cast %scan3A_346 : i32 to index
      %swap3A_406 = arith.index_cast %swap3A_404 : i32 to index
      %swap3A_407 = arith.constant 48 : index
      %swap3A_408 = tpu.vector_load %arg7[%swap3A_405, %swap3A_406, %swap3A_407] {strides = array<i32>} : memref<16x8x128xf32, #tpu.memory_space<vmem>>, vector<16xf32>,
      tpu.vector_store %arg7[%swap3A_405, %swap3A_406, %swap3A_407], %add3A_403 {strides = array<i32>} : memref<16x8x128xf32, #tpu.memory_space<vmem>>, vector<16xf32>,
      %slice3A_409 = vector.extract_strided_slice %add3A_403 {offsets = [15], sizes = [1], strides = [1]} : vector<16xf32> to vector<1xf32>
      %squeeze3A_410 = vector.extract %slice3A_409[0] : f32 from vector<1xf32>
      %get3A_411 = arith.constant 0 : i32
      %get3A_412 = arith.index_cast %scan3A_346 : i32 to index
      %get3A_413 = arith.index_cast %get3A_411 : i32 to index
      %get3A_414 = arith.constant 64 : index
      %get3A_415 = tpu.vector_load %arg7[%get3A_412, %get3A_413, %get3A_414] {strides = array<i32>} : memref<16x8x128xf32, #tpu.memory_space<vmem>>, vector<16xf32>,
      %broadcast_in_dim3A_416 = arith.constant true
      %broadcast_in_dim3A_417 = vector.broadcast %broadcast_in_dim3A_416 : i1 to vector<16xi1>
      %masked_cumsum3A_418 = tpu.scan <sum>, %get3A_415 masked %broadcast_in_dim3A_417 : vector<16xf32>, vector<16xi1> -> vector<16xf32>
      %add3A_419 = arith.constant 0.000000e+00 : f32
      %add3A_420 = vector.broadcast %add3A_419 : f32 to vector<16xf32>
      %add3A_421 = arith.addf %masked_cumsum3A_418, %add3A_420 : vector<16xf32>
      %swap3A_422 = arith.constant 0 : i32
      %swap3A_423 = arith.index_cast %scan3A_346 : i32 to index
      %swap3A_424 = arith.index_cast %swap3A_422 : i32 to index
      %swap3A_425 = arith.constant 64 : index
      %swap3A_426 = tpu.vector_load %arg7[%swap3A_423, %swap3A_424, %swap3A_425] {strides = array<i32>} : memref<16x8x128xf32, #tpu.memory_space<vmem>>, vector<16xf32>,
      tpu.vector_store %arg7[%swap3A_423, %swap3A_424, %swap3A_425], %add3A_421 {strides = array<i32>} : memref<16x8x128xf32, #tpu.memory_space<vmem>>, vector<16xf32>,
      %slice3A_427 = vector.extract_strided_slice %add3A_421 {offsets = [15], sizes = [1], strides = [1]} : vector<16xf32> to vector<1xf32>
      %squeeze3A_428 = vector.extract %slice3A_427[0] : f32 from vector<1xf32>
      %get3A_429 = arith.constant 0 : i32
      %get3A_430 = arith.index_cast %scan3A_346 : i32 to index
      %get3A_431 = arith.index_cast %get3A_429 : i32 to index
      %get3A_432 = arith.constant 80 : index
      %get3A_433 = tpu.vector_load %arg7[%get3A_430, %get3A_431, %get3A_432] {strides = array<i32>} : memref<16x8x128xf32, #tpu.memory_space<vmem>>, vector<16xf32>,
      %broadcast_in_dim3A_434 = arith.constant true
      %broadcast_in_dim3A_435 = vector.broadcast %broadcast_in_dim3A_434 : i1 to vector<16xi1>
      %masked_cumsum3A_436 = tpu.scan <sum>, %get3A_433 masked %broadcast_in_dim3A_435 : vector<16xf32>, vector<16xi1> -> vector<16xf32>
      %add3A_437 = vector.broadcast %squeeze3A_428 : f32 to vector<16xf32>
      %add3A_438 = arith.addf %masked_cumsum3A_436, %add3A_437 : vector<16xf32>
      %swap3A_439 = arith.constant 0 : i32
      %swap3A_440 = arith.index_cast %scan3A_346 : i32 to index
      %swap3A_441 = arith.index_cast %swap3A_439 : i32 to index
      %swap3A_442 = arith.constant 80 : index
      %swap3A_443 = tpu.vector_load %arg7[%swap3A_440, %swap3A_441, %swap3A_442] {strides = array<i32>} : memref<16x8x128xf32, #tpu.memory_space<vmem>>, vector<16xf32>,
      tpu.vector_store %arg7[%swap3A_440, %swap3A_441, %swap3A_442], %add3A_438 {strides = array<i32>} : memref<16x8x128xf32, #tpu.memory_space<vmem>>, vector<16xf32>,
      %slice3A_444 = vector.extract_strided_slice %add3A_438 {offsets = [15], sizes = [1], strides = [1]} : vector<16xf32> to vector<1xf32>
      %squeeze3A_445 = vector.extract %slice3A_444[0] : f32 from vector<1xf32>
      %get3A_446 = arith.constant 0 : i32
      %get3A_447 = arith.index_cast %scan3A_346 : i32 to index
      %get3A_448 = arith.index_cast %get3A_446 : i32 to index
      %get3A_449 = arith.constant 96 : index
      %get3A_450 = tpu.vector_load %arg7[%get3A_447, %get3A_448, %get3A_449] {strides = array<i32>} : memref<16x8x128xf32, #tpu.memory_space<vmem>>, vector<16xf32>,
      %broadcast_in_dim3A_451 = arith.constant true
      %broadcast_in_dim3A_452 = vector.broadcast %broadcast_in_dim3A_451 : i1 to vector<16xi1>
      %masked_cumsum3A_453 = tpu.scan <sum>, %get3A_450 masked %broadcast_in_dim3A_452 : vector<16xf32>, vector<16xi1> -> vector<16xf32>
      %add3A_454 = vector.broadcast %squeeze3A_445 : f32 to vector<16xf32>
      %add3A_455 = arith.addf %masked_cumsum3A_453, %add3A_454 : vector<16xf32>
      %swap3A_456 = arith.constant 0 : i32
      %swap3A_457 = arith.index_cast %scan3A_346 : i32 to index
      %swap3A_458 = arith.index_cast %swap3A_456 : i32 to index
      %swap3A_459 = arith.constant 96 : index
      %swap3A_460 = tpu.vector_load %arg7[%swap3A_457, %swap3A_458, %swap3A_459] {strides = array<i32>} : memref<16x8x128xf32, #tpu.memory_space<vmem>>, vector<16xf32>,
      tpu.vector_store %arg7[%swap3A_457, %swap3A_458, %swap3A_459], %add3A_455 {strides = array<i32>} : memref<16x8x128xf32, #tpu.memory_space<vmem>>, vector<16xf32>,
      %slice3A_461 = vector.extract_strided_slice %add3A_455 {offsets = [15], sizes = [1], strides = [1]} : vector<16xf32> to vector<1xf32>
      %squeeze3A_462 = vector.extract %slice3A_461[0] : f32 from vector<1xf32>
      %get3A_463 = arith.constant 0 : i32
      %get3A_464 = arith.index_cast %scan3A_346 : i32 to index
      %get3A_465 = arith.index_cast %get3A_463 : i32 to index
      %get3A_466 = arith.constant 112 : index
      %get3A_467 = tpu.vector_load %arg7[%get3A_464, %get3A_465, %get3A_466] {strides = array<i32>} : memref<16x8x128xf32, #tpu.memory_space<vmem>>, vector<16xf32>,
      %broadcast_in_dim3A_468 = arith.constant true
      %broadcast_in_dim3A_469 = vector.broadcast %broadcast_in_dim3A_468 : i1 to vector<16xi1>
      %masked_cumsum3A_470 = tpu.scan <sum>, %get3A_467 masked %broadcast_in_dim3A_469 : vector<16xf32>, vector<16xi1> -> vector<16xf32>
      %add3A_471 = vector.broadcast %squeeze3A_462 : f32 to vector<16xf32>
      %add3A_472 = arith.addf %masked_cumsum3A_470, %add3A_471 : vector<16xf32>
      %swap3A_473 = arith.constant 0 : i32
      %swap3A_474 = arith.index_cast %scan3A_346 : i32 to index
      %swap3A_475 = arith.index_cast %swap3A_473 : i32 to index
      %swap3A_476 = arith.constant 112 : index
      %swap3A_477 = tpu.vector_load %arg7[%swap3A_474, %swap3A_475, %swap3A_476] {strides = array<i32>} : memref<16x8x128xf32, #tpu.memory_space<vmem>>, vector<16xf32>,
      tpu.vector_store %arg7[%swap3A_474, %swap3A_475, %swap3A_476], %add3A_472 {strides = array<i32>} : memref<16x8x128xf32, #tpu.memory_space<vmem>>, vector<16xf32>,
      %slice3A_478 = vector.extract_strided_slice %add3A_472 {offsets = [15], sizes = [1], strides = [1]} : vector<16xf32> to vector<1xf32>
      %squeeze3A_479 = vector.extract %slice3A_478[0] : f32 from vector<1xf32>
      %get3A_480 = arith.constant 1 : i32
      %get3A_481 = arith.index_cast %scan3A_346 : i32 to index
      %get3A_482 = arith.index_cast %get3A_480 : i32 to index
      %get3A_483 = arith.constant 0 : index
      %get3A_484 = tpu.vector_load %arg7[%get3A_481, %get3A_482, %get3A_483] {strides = array<i32>} : memref<16x8x128xf32, #tpu.memory_space<vmem>>, vector<16xf32>,
      %broadcast_in_dim3A_485 = arith.constant true
      %broadcast_in_dim3A_486 = vector.broadcast %broadcast_in_dim3A_485 : i1 to vector<16xi1>
      %masked_cumsum3A_487 = tpu.scan <sum>, %get3A_484 masked %broadcast_in_dim3A_486 : vector<16xf32>, vector<16xi1> -> vector<16xf32>
      %add3A_488 = arith.constant 0.000000e+00 : f32
      %add3A_489 = vector.broadcast %add3A_488 : f32 to vector<16xf32>
      %add3A_490 = arith.addf %masked_cumsum3A_487, %add3A_489 : vector<16xf32>
      %swap3A_491 = arith.constant 1 : i32
      %swap3A_492 = arith.index_cast %scan3A_346 : i32 to index
      %swap3A_493 = arith.index_cast %swap3A_491 : i32 to index
      %swap3A_494 = arith.constant 0 : index
      %swap3A_495 = tpu.vector_load %arg7[%swap3A_492, %swap3A_493, %swap3A_494] {strides = array<i32>} : memref<16x8x128xf32, #tpu.memory_space<vmem>>, vector<16xf32>,
      tpu.vector_store %arg7[%swap3A_492, %swap3A_493, %swap3A_494], %add3A_490 {strides = array<i32>} : memref<16x8x128xf32, #tpu.memory_space<vmem>>, vector<16xf32>,
      %slice3A_496 = vector.extract_strided_slice %add3A_490 {offsets = [15], sizes = [1], strides = [1]} : vector<16xf32> to vector<1xf32>
      %squeeze3A_497 = vector.extract %slice3A_496[0] : f32 from vector<1xf32>
      %get3A_498 = arith.constant 1 : i32
      %get3A_499 = arith.index_cast %scan3A_346 : i32 to index
      %get3A_500 = arith.index_cast %get3A_498 : i32 to index
      %get3A_501 = arith.constant 16 : index
      %get3A_502 = tpu.vector_load %arg7[%get3A_499, %get3A_500, %get3A_501] {strides = array<i32>} : memref<16x8x128xf32, #tpu.memory_space<vmem>>, vector<16xf32>,
      %broadcast_in_dim3A_503 = arith.constant true
      %broadcast_in_dim3A_504 = vector.broadcast %broadcast_in_dim3A_503 : i1 to vector<16xi1>
      %masked_cumsum3A_505 = tpu.scan <sum>, %get3A_502 masked %broadcast_in_dim3A_504 : vector<16xf32>, vector<16xi1> -> vector<16xf32>
      %add3A_506 = vector.broadcast %squeeze3A_497 : f32 to vector<16xf32>
      %add3A_507 = arith.addf %masked_cumsum3A_505, %add3A_506 : vector<16xf32>
      %swap3A_508 = arith.constant 1 : i32
      %swap3A_509 = arith.index_cast %scan3A_346 : i32 to index
      %swap3A_510 = arith.index_cast %swap3A_508 : i32 to index
      %swap3A_511 = arith.constant 16 : index
      %swap3A_512 = tpu.vector_load %arg7[%swap3A_509, %swap3A_510, %swap3A_511] {strides = array<i32>} : memref<16x8x128xf32, #tpu.memory_space<vmem>>, vector<16xf32>,
      tpu.vector_store %arg7[%swap3A_509, %swap3A_510, %swap3A_511], %add3A_507 {strides = array<i32>} : memref<16x8x128xf32, #tpu.memory_space<vmem>>, vector<16xf32>,
      %slice3A_513 = vector.extract_strided_slice %add3A_507 {offsets = [15], sizes = [1], strides = [1]} : vector<16xf32> to vector<1xf32>
      %squeeze3A_514 = vector.extract %slice3A_513[0] : f32 from vector<1xf32>
      %get3A_515 = arith.constant 1 : i32
      %get3A_516 = arith.index_cast %scan3A_346 : i32 to index
      %get3A_517 = arith.index_cast %get3A_515 : i32 to index
      %get3A_518 = arith.constant 32 : index
      %get3A_519 = tpu.vector_load %arg7[%get3A_516, %get3A_517, %get3A_518] {strides = array<i32>} : memref<16x8x128xf32, #tpu.memory_space<vmem>>, vector<16xf32>,
      %broadcast_in_dim3A_520 = arith.constant true
      %broadcast_in_dim3A_521 = vector.broadcast %broadcast_in_dim3A_520 : i1 to vector<16xi1>
      %masked_cumsum3A_522 = tpu.scan <sum>, %get3A_519 masked %broadcast_in_dim3A_521 : vector<16xf32>, vector<16xi1> -> vector<16xf32>
      %add3A_523 = vector.broadcast %squeeze3A_514 : f32 to vector<16xf32>
      %add3A_524 = arith.addf %masked_cumsum3A_522, %add3A_523 : vector<16xf32>
      %swap3A_525 = arith.constant 1 : i32
      %swap3A_526 = arith.index_cast %scan3A_346 : i32 to index
      %swap3A_527 = arith.index_cast %swap3A_525 : i32 to index
      %swap3A_528 = arith.constant 32 : index
      %swap3A_529 = tpu.vector_load %arg7[%swap3A_526, %swap3A_527, %swap3A_528] {strides = array<i32>} : memref<16x8x128xf32, #tpu.memory_space<vmem>>, vector<16xf32>,
      tpu.vector_store %arg7[%swap3A_526, %swap3A_527, %swap3A_528], %add3A_524 {strides = array<i32>} : memref<16x8x128xf32, #tpu.memory_space<vmem>>, vector<16xf32>,
      %slice3A_530 = vector.extract_strided_slice %add3A_524 {offsets = [15], sizes = [1], strides = [1]} : vector<16xf32> to vector<1xf32>
      %squeeze3A_531 = vector.extract %slice3A_530[0] : f32 from vector<1xf32>
      %get3A_532 = arith.constant 1 : i32
      %get3A_533 = arith.index_cast %scan3A_346 : i32 to index
      %get3A_534 = arith.index_cast %get3A_532 : i32 to index
      %get3A_535 = arith.constant 48 : index
      %get3A_536 = tpu.vector_load %arg7[%get3A_533, %get3A_534, %get3A_535] {strides = array<i32>} : memref<16x8x128xf32, #tpu.memory_space<vmem>>, vector<16xf32>,
      %broadcast_in_dim3A_537 = arith.constant true
      %broadcast_in_dim3A_538 = vector.broadcast %broadcast_in_dim3A_537 : i1 to vector<16xi1>
      %masked_cumsum3A_539 = tpu.scan <sum>, %get3A_536 masked %broadcast_in_dim3A_538 : vector<16xf32>, vector<16xi1> -> vector<16xf32>
      %add3A_540 = vector.broadcast %squeeze3A_531 : f32 to vector<16xf32>
      %add3A_541 = arith.addf %masked_cumsum3A_539, %add3A_540 : vector<16xf32>
      %swap3A_542 = arith.constant 1 : i32
      %swap3A_543 = arith.index_cast %scan3A_346 : i32 to index
      %swap3A_544 = arith.index_cast %swap3A_542 : i32 to index
      %swap3A_545 = arith.constant 48 : index
      %swap3A_546 = tpu.vector_load %arg7[%swap3A_543, %swap3A_544, %swap3A_545] {strides = array<i32>} : memref<16x8x128xf32, #tpu.memory_space<vmem>>, vector<16xf32>,
      tpu.vector_store %arg7[%swap3A_543, %swap3A_544, %swap3A_545], %add3A_541 {strides = array<i32>} : memref<16x8x128xf32, #tpu.memory_space<vmem>>, vector<16xf32>,
      %slice3A_547 = vector.extract_strided_slice %add3A_541 {offsets = [15], sizes = [1], strides = [1]} : vector<16xf32> to vector<1xf32>
      %squeeze3A_548 = vector.extract %slice3A_547[0] : f32 from vector<1xf32>
      %get3A_549 = arith.constant 1 : i32
      %get3A_550 = arith.index_cast %scan3A_346 : i32 to index
      %get3A_551 = arith.index_cast %get3A_549 : i32 to index
      %get3A_552 = arith.constant 64 : index
      %get3A_553 = tpu.vector_load %arg7[%get3A_550, %get3A_551, %get3A_552] {strides = array<i32>} : memref<16x8x128xf32, #tpu.memory_space<vmem>>, vector<16xf32>,
      %broadcast_in_dim3A_554 = arith.constant true
      %broadcast_in_dim3A_555 = vector.broadcast %broadcast_in_dim3A_554 : i1 to vector<16xi1>
      %masked_cumsum3A_556 = tpu.scan <sum>, %get3A_553 masked %broadcast_in_dim3A_555 : vector<16xf32>, vector<16xi1> -> vector<16xf32>
      %add3A_557 = arith.constant 0.000000e+00 : f32
      %add3A_558 = vector.broadcast %add3A_557 : f32 to vector<16xf32>
      %add3A_559 = arith.addf %masked_cumsum3A_556, %add3A_558 : vector<16xf32>
      %swap3A_560 = arith.constant 1 : i32
      %swap3A_561 = arith.index_cast %scan3A_346 : i32 to index
      %swap3A_562 = arith.index_cast %swap3A_560 : i32 to index
      %swap3A_563 = arith.constant 64 : index
      %swap3A_564 = tpu.vector_load %arg7[%swap3A_561, %swap3A_562, %swap3A_563] {strides = array<i32>} : memref<16x8x128xf32, #tpu.memory_space<vmem>>, vector<16xf32>,
      tpu.vector_store %arg7[%swap3A_561, %swap3A_562, %swap3A_563], %add3A_559 {strides = array<i32>} : memref<16x8x128xf32, #tpu.memory_space<vmem>>, vector<16xf32>,
      %slice3A_565 = vector.extract_strided_slice %add3A_559 {offsets = [15], sizes = [1], strides = [1]} : vector<16xf32> to vector<1xf32>
      %squeeze3A_566 = vector.extract %slice3A_565[0] : f32 from vector<1xf32>
      %get3A_567 = arith.constant 1 : i32
      %get3A_568 = arith.index_cast %scan3A_346 : i32 to index
      %get3A_569 = arith.index_cast %get3A_567 : i32 to index
      %get3A_570 = arith.constant 80 : index
      %get3A_571 = tpu.vector_load %arg7[%get3A_568, %get3A_569, %get3A_570] {strides = array<i32>} : memref<16x8x128xf32, #tpu.memory_space<vmem>>, vector<16xf32>,
      %broadcast_in_dim3A_572 = arith.constant true
      %broadcast_in_dim3A_573 = vector.broadcast %broadcast_in_dim3A_572 : i1 to vector<16xi1>
      %masked_cumsum3A_574 = tpu.scan <sum>, %get3A_571 masked %broadcast_in_dim3A_573 : vector<16xf32>, vector<16xi1> -> vector<16xf32>
      %add3A_575 = vector.broadcast %squeeze3A_566 : f32 to vector<16xf32>
      %add3A_576 = arith.addf %masked_cumsum3A_574, %add3A_575 : vector<16xf32>
      %swap3A_577 = arith.constant 1 : i32
      %swap3A_578 = arith.index_cast %scan3A_346 : i32 to index
      %swap3A_579 = arith.index_cast %swap3A_577 : i32 to index
      %swap3A_580 = arith.constant 80 : index
      %swap3A_581 = tpu.vector_load %arg7[%swap3A_578, %swap3A_579, %swap3A_580] {strides = array<i32>} : memref<16x8x128xf32, #tpu.memory_space<vmem>>, vector<16xf32>,
      tpu.vector_store %arg7[%swap3A_578, %swap3A_579, %swap3A_580], %add3A_576 {strides = array<i32>} : memref<16x8x128xf32, #tpu.memory_space<vmem>>, vector<16xf32>,
      %slice3A_582 = vector.extract_strided_slice %add3A_576 {offsets = [15], sizes = [1], strides = [1]} : vector<16xf32> to vector<1xf32>
      %squeeze3A_583 = vector.extract %slice3A_582[0] : f32 from vector<1xf32>
      %get3A_584 = arith.constant 1 : i32
      %get3A_585 = arith.index_cast %scan3A_346 : i32 to index
      %get3A_586 = arith.index_cast %get3A_584 : i32 to index
      %get3A_587 = arith.constant 96 : index
      %get3A_588 = tpu.vector_load %arg7[%get3A_585, %get3A_586, %get3A_587] {strides = array<i32>} : memref<16x8x128xf32, #tpu.memory_space<vmem>>, vector<16xf32>,
      %broadcast_in_dim3A_589 = arith.constant true
      %broadcast_in_dim3A_590 = vector.broadcast %broadcast_in_dim3A_589 : i1 to vector<16xi1>
      %masked_cumsum3A_591 = tpu.scan <sum>, %get3A_588 masked %broadcast_in_dim3A_590 : vector<16xf32>, vector<16xi1> -> vector<16xf32>
      %add3A_592 = vector.broadcast %squeeze3A_583 : f32 to vector<16xf32>
      %add3A_593 = arith.addf %masked_cumsum3A_591, %add3A_592 : vector<16xf32>
      %swap3A_594 = arith.constant 1 : i32
      %swap3A_595 = arith.index_cast %scan3A_346 : i32 to index
      %swap3A_596 = arith.index_cast %swap3A_594 : i32 to index
      %swap3A_597 = arith.constant 96 : index
      %swap3A_598 = tpu.vector_load %arg7[%swap3A_595, %swap3A_596, %swap3A_597] {strides = array<i32>} : memref<16x8x128xf32, #tpu.memory_space<vmem>>, vector<16xf32>,
      tpu.vector_store %arg7[%swap3A_595, %swap3A_596, %swap3A_597], %add3A_593 {strides = array<i32>} : memref<16x8x128xf32, #tpu.memory_space<vmem>>, vector<16xf32>,
      %slice3A_599 = vector.extract_strided_slice %add3A_593 {offsets = [15], sizes = [1], strides = [1]} : vector<16xf32> to vector<1xf32>
      %squeeze3A_600 = vector.extract %slice3A_599[0] : f32 from vector<1xf32>
      %get3A_601 = arith.constant 1 : i32
      %get3A_602 = arith.index_cast %scan3A_346 : i32 to index
      %get3A_603 = arith.index_cast %get3A_601 : i32 to index
      %get3A_604 = arith.constant 112 : index
      %get3A_605 = tpu.vector_load %arg7[%get3A_602, %get3A_603, %get3A_604] {strides = array<i32>} : memref<16x8x128xf32, #tpu.memory_space<vmem>>, vector<16xf32>,
      %broadcast_in_dim3A_606 = arith.constant true
      %broadcast_in_dim3A_607 = vector.broadcast %broadcast_in_dim3A_606 : i1 to vector<16xi1>
      %masked_cumsum3A_608 = tpu.scan <sum>, %get3A_605 masked %broadcast_in_dim3A_607 : vector<16xf32>, vector<16xi1> -> vector<16xf32>
      %add3A_609 = vector.broadcast %squeeze3A_600 : f32 to vector<16xf32>
      %add3A_610 = arith.addf %masked_cumsum3A_608, %add3A_609 : vector<16xf32>
      %swap3A_611 = arith.constant 1 : i32
      %swap3A_612 = arith.index_cast %scan3A_346 : i32 to index
      %swap3A_613 = arith.index_cast %swap3A_611 : i32 to index
      %swap3A_614 = arith.constant 112 : index
      %swap3A_615 = tpu.vector_load %arg7[%swap3A_612, %swap3A_613, %swap3A_614] {strides = array<i32>} : memref<16x8x128xf32, #tpu.memory_space<vmem>>, vector<16xf32>,
      tpu.vector_store %arg7[%swap3A_612, %swap3A_613, %swap3A_614], %add3A_610 {strides = array<i32>} : memref<16x8x128xf32, #tpu.memory_space<vmem>>, vector<16xf32>,
      %slice3A_616 = vector.extract_strided_slice %add3A_610 {offsets = [15], sizes = [1], strides = [1]} : vector<16xf32> to vector<1xf32>
      %squeeze3A_617 = vector.extract %slice3A_616[0] : f32 from vector<1xf32>
      %get3A_618 = arith.constant 2 : i32
      %get3A_619 = arith.index_cast %scan3A_346 : i32 to index
      %get3A_620 = arith.index_cast %get3A_618 : i32 to index
      %get3A_621 = arith.constant 0 : index
      %get3A_622 = tpu.vector_load %arg7[%get3A_619, %get3A_620, %get3A_621] {strides = array<i32>} : memref<16x8x128xf32, #tpu.memory_space<vmem>>, vector<16xf32>,
      %broadcast_in_dim3A_623 = arith.constant true
      %broadcast_in_dim3A_624 = vector.broadcast %broadcast_in_dim3A_623 : i1 to vector<16xi1>
      %masked_cumsum3A_625 = tpu.scan <sum>, %get3A_622 masked %broadcast_in_dim3A_624 : vector<16xf32>, vector<16xi1> -> vector<16xf32>
      %add3A_626 = arith.constant 0.000000e+00 : f32
      %add3A_627 = vector.broadcast %add3A_626 : f32 to vector<16xf32>
      %add3A_628 = arith.addf %masked_cumsum3A_625, %add3A_627 : vector<16xf32>
      %swap3A_629 = arith.constant 2 : i32
      %swap3A_630 = arith.index_cast %scan3A_346 : i32 to index
      %swap3A_631 = arith.index_cast %swap3A_629 : i32 to index
      %swap3A_632 = arith.constant 0 : index
      %swap3A_633 = tpu.vector_load %arg7[%swap3A_630, %swap3A_631, %swap3A_632] {strides = array<i32>} : memref<16x8x128xf32, #tpu.memory_space<vmem>>, vector<16xf32>,
      tpu.vector_store %arg7[%swap3A_630, %swap3A_631, %swap3A_632], %add3A_628 {strides = array<i32>} : memref<16x8x128xf32, #tpu.memory_space<vmem>>, vector<16xf32>,
      %slice3A_634 = vector.extract_strided_slice %add3A_628 {offsets = [15], sizes = [1], strides = [1]} : vector<16xf32> to vector<1xf32>
      %squeeze3A_635 = vector.extract %slice3A_634[0] : f32 from vector<1xf32>
      %get3A_636 = arith.constant 2 : i32
      %get3A_637 = arith.index_cast %scan3A_346 : i32 to index
      %get3A_638 = arith.index_cast %get3A_636 : i32 to index
      %get3A_639 = arith.constant 16 : index
      %get3A_640 = tpu.vector_load %arg7[%get3A_637, %get3A_638, %get3A_639] {strides = array<i32>} : memref<16x8x128xf32, #tpu.memory_space<vmem>>, vector<16xf32>,
      %broadcast_in_dim3A_641 = arith.constant true
      %broadcast_in_dim3A_642 = vector.broadcast %broadcast_in_dim3A_641 : i1 to vector<16xi1>
      %masked_cumsum3A_643 = tpu.scan <sum>, %get3A_640 masked %broadcast_in_dim3A_642 : vector<16xf32>, vector<16xi1> -> vector<16xf32>
      %add3A_644 = vector.broadcast %squeeze3A_635 : f32 to vector<16xf32>
      %add3A_645 = arith.addf %masked_cumsum3A_643, %add3A_644 : vector<16xf32>
      %swap3A_646 = arith.constant 2 : i32
      %swap3A_647 = arith.index_cast %scan3A_346 : i32 to index
      %swap3A_648 = arith.index_cast %swap3A_646 : i32 to index
      %swap3A_649 = arith.constant 16 : index
      %swap3A_650 = tpu.vector_load %arg7[%swap3A_647, %swap3A_648, %swap3A_649] {strides = array<i32>} : memref<16x8x128xf32, #tpu.memory_space<vmem>>, vector<16xf32>,
      tpu.vector_store %arg7[%swap3A_647, %swap3A_648, %swap3A_649], %add3A_645 {strides = array<i32>} : memref<16x8x128xf32, #tpu.memory_space<vmem>>, vector<16xf32>,
      %slice3A_651 = vector.extract_strided_slice %add3A_645 {offsets = [15], sizes = [1], strides = [1]} : vector<16xf32> to vector<1xf32>
      %squeeze3A_652 = vector.extract %slice3A_651[0] : f32 from vector<1xf32>
      %get3A_653 = arith.constant 2 : i32
      %get3A_654 = arith.index_cast %scan3A_346 : i32 to index
      %get3A_655 = arith.index_cast %get3A_653 : i32 to index
      %get3A_656 = arith.constant 32 : index
      %get3A_657 = tpu.vector_load %arg7[%get3A_654, %get3A_655, %get3A_656] {strides = array<i32>} : memref<16x8x128xf32, #tpu.memory_space<vmem>>, vector<16xf32>,
      %broadcast_in_dim3A_658 = arith.constant true
      %broadcast_in_dim3A_659 = vector.broadcast %broadcast_in_dim3A_658 : i1 to vector<16xi1>
      %masked_cumsum3A_660 = tpu.scan <sum>, %get3A_657 masked %broadcast_in_dim3A_659 : vector<16xf32>, vector<16xi1> -> vector<16xf32>
      %add3A_661 = vector.broadcast %squeeze3A_652 : f32 to vector<16xf32>
      %add3A_662 = arith.addf %masked_cumsum3A_660, %add3A_661 : vector<16xf32>
      %swap3A_663 = arith.constant 2 : i32
      %swap3A_664 = arith.index_cast %scan3A_346 : i32 to index
      %swap3A_665 = arith.index_cast %swap3A_663 : i32 to index
      %swap3A_666 = arith.constant 32 : index
      %swap3A_667 = tpu.vector_load %arg7[%swap3A_664, %swap3A_665, %swap3A_666] {strides = array<i32>} : memref<16x8x128xf32, #tpu.memory_space<vmem>>, vector<16xf32>,
      tpu.vector_store %arg7[%swap3A_664, %swap3A_665, %swap3A_666], %add3A_662 {strides = array<i32>} : memref<16x8x128xf32, #tpu.memory_space<vmem>>, vector<16xf32>,
      %slice3A_668 = vector.extract_strided_slice %add3A_662 {offsets = [15], sizes = [1], strides = [1]} : vector<16xf32> to vector<1xf32>
      %squeeze3A_669 = vector.extract %slice3A_668[0] : f32 from vector<1xf32>
      %get3A_670 = arith.constant 2 : i32
      %get3A_671 = arith.index_cast %scan3A_346 : i32 to index
      %get3A_672 = arith.index_cast %get3A_670 : i32 to index
      %get3A_673 = arith.constant 48 : index
      %get3A_674 = tpu.vector_load %arg7[%get3A_671, %get3A_672, %get3A_673] {strides = array<i32>} : memref<16x8x128xf32, #tpu.memory_space<vmem>>, vector<16xf32>,
      %broadcast_in_dim3A_675 = arith.constant true
      %broadcast_in_dim3A_676 = vector.broadcast %broadcast_in_dim3A_675 : i1 to vector<16xi1>
      %masked_cumsum3A_677 = tpu.scan <sum>, %get3A_674 masked %broadcast_in_dim3A_676 : vector<16xf32>, vector<16xi1> -> vector<16xf32>
      %add3A_678 = vector.broadcast %squeeze3A_669 : f32 to vector<16xf32>
      %add3A_679 = arith.addf %masked_cumsum3A_677, %add3A_678 : vector<16xf32>
      %swap3A_680 = arith.constant 2 : i32
      %swap3A_681 = arith.index_cast %scan3A_346 : i32 to index
      %swap3A_682 = arith.index_cast %swap3A_680 : i32 to index
      %swap3A_683 = arith.constant 48 : index
      %swap3A_684 = tpu.vector_load %arg7[%swap3A_681, %swap3A_682, %swap3A_683] {strides = array<i32>} : memref<16x8x128xf32, #tpu.memory_space<vmem>>, vector<16xf32>,
      tpu.vector_store %arg7[%swap3A_681, %swap3A_682, %swap3A_683], %add3A_679 {strides = array<i32>} : memref<16x8x128xf32, #tpu.memory_space<vmem>>, vector<16xf32>,
      %slice3A_685 = vector.extract_strided_slice %add3A_679 {offsets = [15], sizes = [1], strides = [1]} : vector<16xf32> to vector<1xf32>
      %squeeze3A_686 = vector.extract %slice3A_685[0] : f32 from vector<1xf32>
      %get3A_687 = arith.constant 2 : i32
      %get3A_688 = arith.index_cast %scan3A_346 : i32 to index
      %get3A_689 = arith.index_cast %get3A_687 : i32 to index
      %get3A_690 = arith.constant 64 : index
      %get3A_691 = tpu.vector_load %arg7[%get3A_688, %get3A_689, %get3A_690] {strides = array<i32>} : memref<16x8x128xf32, #tpu.memory_space<vmem>>, vector<16xf32>,
      %broadcast_in_dim3A_692 = arith.constant true
      %broadcast_in_dim3A_693 = vector.broadcast %broadcast_in_dim3A_692 : i1 to vector<16xi1>
      %masked_cumsum3A_694 = tpu.scan <sum>, %get3A_691 masked %broadcast_in_dim3A_693 : vector<16xf32>, vector<16xi1> -> vector<16xf32>
      %add3A_695 = arith.constant 0.000000e+00 : f32
      %add3A_696 = vector.broadcast %add3A_695 : f32 to vector<16xf32>
      %add3A_697 = arith.addf %masked_cumsum3A_694, %add3A_696 : vector<16xf32>
      %swap3A_698 = arith.constant 2 : i32
      %swap3A_699 = arith.index_cast %scan3A_346 : i32 to index
      %swap3A_700 = arith.index_cast %swap3A_698 : i32 to index
      %swap3A_701 = arith.constant 64 : index
      %swap3A_702 = tpu.vector_load %arg7[%swap3A_699, %swap3A_700, %swap3A_701] {strides = array<i32>} : memref<16x8x128xf32, #tpu.memory_space<vmem>>, vector<16xf32>,
      tpu.vector_store %arg7[%swap3A_699, %swap3A_700, %swap3A_701], %add3A_697 {strides = array<i32>} : memref<16x8x128xf32, #tpu.memory_space<vmem>>, vector<16xf32>,
      %slice3A_703 = vector.extract_strided_slice %add3A_697 {offsets = [15], sizes = [1], strides = [1]} : vector<16xf32> to vector<1xf32>
      %squeeze3A_704 = vector.extract %slice3A_703[0] : f32 from vector<1xf32>
      %get3A_705 = arith.constant 2 : i32
      %get3A_706 = arith.index_cast %scan3A_346 : i32 to index
      %get3A_707 = arith.index_cast %get3A_705 : i32 to index
      %get3A_708 = arith.constant 80 : index
      %get3A_709 = tpu.vector_load %arg7[%get3A_706, %get3A_707, %get3A_708] {strides = array<i32>} : memref<16x8x128xf32, #tpu.memory_space<vmem>>, vector<16xf32>,
      %broadcast_in_dim3A_710 = arith.constant true
      %broadcast_in_dim3A_711 = vector.broadcast %broadcast_in_dim3A_710 : i1 to vector<16xi1>
      %masked_cumsum3A_712 = tpu.scan <sum>, %get3A_709 masked %broadcast_in_dim3A_711 : vector<16xf32>, vector<16xi1> -> vector<16xf32>
      %add3A_713 = vector.broadcast %squeeze3A_704 : f32 to vector<16xf32>
      %add3A_714 = arith.addf %masked_cumsum3A_712, %add3A_713 : vector<16xf32>
      %swap3A_715 = arith.constant 2 : i32
      %swap3A_716 = arith.index_cast %scan3A_346 : i32 to index
      %swap3A_717 = arith.index_cast %swap3A_715 : i32 to index
      %swap3A_718 = arith.constant 80 : index
      %swap3A_719 = tpu.vector_load %arg7[%swap3A_716, %swap3A_717, %swap3A_718] {strides = array<i32>} : memref<16x8x128xf32, #tpu.memory_space<vmem>>, vector<16xf32>,
      tpu.vector_store %arg7[%swap3A_716, %swap3A_717, %swap3A_718], %add3A_714 {strides = array<i32>} : memref<16x8x128xf32, #tpu.memory_space<vmem>>, vector<16xf32>,
      %slice3A_720 = vector.extract_strided_slice %add3A_714 {offsets = [15], sizes = [1], strides = [1]} : vector<16xf32> to vector<1xf32>
      %squeeze3A_721 = vector.extract %slice3A_720[0] : f32 from vector<1xf32>
      %get3A_722 = arith.constant 2 : i32
      %get3A_723 = arith.index_cast %scan3A_346 : i32 to index
      %get3A_724 = arith.index_cast %get3A_722 : i32 to index
      %get3A_725 = arith.constant 96 : index
      %get3A_726 = tpu.vector_load %arg7[%get3A_723, %get3A_724, %get3A_725] {strides = array<i32>} : memref<16x8x128xf32, #tpu.memory_space<vmem>>, vector<16xf32>,
      %broadcast_in_dim3A_727 = arith.constant true
      %broadcast_in_dim3A_728 = vector.broadcast %broadcast_in_dim3A_727 : i1 to vector<16xi1>
      %masked_cumsum3A_729 = tpu.scan <sum>, %get3A_726 masked %broadcast_in_dim3A_728 : vector<16xf32>, vector<16xi1> -> vector<16xf32>
      %add3A_730 = vector.broadcast %squeeze3A_721 : f32 to vector<16xf32>
      %add3A_731 = arith.addf %masked_cumsum3A_729, %add3A_730 : vector<16xf32>
      %swap3A_732 = arith.constant 2 : i32
      %swap3A_733 = arith.index_cast %scan3A_346 : i32 to index
      %swap3A_734 = arith.index_cast %swap3A_732 : i32 to index
      %swap3A_735 = arith.constant 96 : index
      %swap3A_736 = tpu.vector_load %arg7[%swap3A_733, %swap3A_734, %swap3A_735] {strides = array<i32>} : memref<16x8x128xf32, #tpu.memory_space<vmem>>, vector<16xf32>,
      tpu.vector_store %arg7[%swap3A_733, %swap3A_734, %swap3A_735], %add3A_731 {strides = array<i32>} : memref<16x8x128xf32, #tpu.memory_space<vmem>>, vector<16xf32>,
      %slice3A_737 = vector.extract_strided_slice %add3A_731 {offsets = [15], sizes = [1], strides = [1]} : vector<16xf32> to vector<1xf32>
      %squeeze3A_738 = vector.extract %slice3A_737[0] : f32 from vector<1xf32>
      %get3A_739 = arith.constant 2 : i32
      %get3A_740 = arith.index_cast %scan3A_346 : i32 to index
      %get3A_741 = arith.index_cast %get3A_739 : i32 to index
      %get3A_742 = arith.constant 112 : index
      %get3A_743 = tpu.vector_load %arg7[%get3A_740, %get3A_741, %get3A_742] {strides = array<i32>} : memref<16x8x128xf32, #tpu.memory_space<vmem>>, vector<16xf32>,
      %broadcast_in_dim3A_744 = arith.constant true
      %broadcast_in_dim3A_745 = vector.broadcast %broadcast_in_dim3A_744 : i1 to vector<16xi1>
      %masked_cumsum3A_746 = tpu.scan <sum>, %get3A_743 masked %broadcast_in_dim3A_745 : vector<16xf32>, vector<16xi1> -> vector<16xf32>
      %add3A_747 = vector.broadcast %squeeze3A_738 : f32 to vector<16xf32>
      %add3A_748 = arith.addf %masked_cumsum3A_746, %add3A_747 : vector<16xf32>
      %swap3A_749 = arith.constant 2 : i32
      %swap3A_750 = arith.index_cast %scan3A_346 : i32 to index
      %swap3A_751 = arith.index_cast %swap3A_749 : i32 to index
      %swap3A_752 = arith.constant 112 : index
      %swap3A_753 = tpu.vector_load %arg7[%swap3A_750, %swap3A_751, %swap3A_752] {strides = array<i32>} : memref<16x8x128xf32, #tpu.memory_space<vmem>>, vector<16xf32>,
      tpu.vector_store %arg7[%swap3A_750, %swap3A_751, %swap3A_752], %add3A_748 {strides = array<i32>} : memref<16x8x128xf32, #tpu.memory_space<vmem>>, vector<16xf32>,
      %slice3A_754 = vector.extract_strided_slice %add3A_748 {offsets = [15], sizes = [1], strides = [1]} : vector<16xf32> to vector<1xf32>
      %squeeze3A_755 = vector.extract %slice3A_754[0] : f32 from vector<1xf32>
      %get3A_756 = arith.constant 3 : i32
      %get3A_757 = arith.index_cast %scan3A_346 : i32 to index
      %get3A_758 = arith.index_cast %get3A_756 : i32 to index
      %get3A_759 = arith.constant 0 : index
      %get3A_760 = tpu.vector_load %arg7[%get3A_757, %get3A_758, %get3A_759] {strides = array<i32>} : memref<16x8x128xf32, #tpu.memory_space<vmem>>, vector<16xf32>,
      %broadcast_in_dim3A_761 = arith.constant true
      %broadcast_in_dim3A_762 = vector.broadcast %broadcast_in_dim3A_761 : i1 to vector<16xi1>
      %masked_cumsum3A_763 = tpu.scan <sum>, %get3A_760 masked %broadcast_in_dim3A_762 : vector<16xf32>, vector<16xi1> -> vector<16xf32>
      %add3A_764 = arith.constant 0.000000e+00 : f32
      %add3A_765 = vector.broadcast %add3A_764 : f32 to vector<16xf32>
      %add3A_766 = arith.addf %masked_cumsum3A_763, %add3A_765 : vector<16xf32>
      %swap3A_767 = arith.constant 3 : i32
      %swap3A_768 = arith.index_cast %scan3A_346 : i32 to index
      %swap3A_769 = arith.index_cast %swap3A_767 : i32 to index
      %swap3A_770 = arith.constant 0 : index
      %swap3A_771 = tpu.vector_load %arg7[%swap3A_768, %swap3A_769, %swap3A_770] {strides = array<i32>} : memref<16x8x128xf32, #tpu.memory_space<vmem>>, vector<16xf32>,
      tpu.vector_store %arg7[%swap3A_768, %swap3A_769, %swap3A_770], %add3A_766 {strides = array<i32>} : memref<16x8x128xf32, #tpu.memory_space<vmem>>, vector<16xf32>,
      %slice3A_772 = vector.extract_strided_slice %add3A_766 {offsets = [15], sizes = [1], strides = [1]} : vector<16xf32> to vector<1xf32>
      %squeeze3A_773 = vector.extract %slice3A_772[0] : f32 from vector<1xf32>
      %get3A_774 = arith.constant 3 : i32
      %get3A_775 = arith.index_cast %scan3A_346 : i32 to index
      %get3A_776 = arith.index_cast %get3A_774 : i32 to index
      %get3A_777 = arith.constant 16 : index
      %get3A_778 = tpu.vector_load %arg7[%get3A_775, %get3A_776, %get3A_777] {strides = array<i32>} : memref<16x8x128xf32, #tpu.memory_space<vmem>>, vector<16xf32>,
      %broadcast_in_dim3A_779 = arith.constant true
      %broadcast_in_dim3A_780 = vector.broadcast %broadcast_in_dim3A_779 : i1 to vector<16xi1>
      %masked_cumsum3A_781 = tpu.scan <sum>, %get3A_778 masked %broadcast_in_dim3A_780 : vector<16xf32>, vector<16xi1> -> vector<16xf32>
      %add3A_782 = vector.broadcast %squeeze3A_773 : f32 to vector<16xf32>
      %add3A_783 = arith.addf %masked_cumsum3A_781, %add3A_782 : vector<16xf32>
      %swap3A_784 = arith.constant 3 : i32
      %swap3A_785 = arith.index_cast %scan3A_346 : i32 to index
      %swap3A_786 = arith.index_cast %swap3A_784 : i32 to index
      %swap3A_787 = arith.constant 16 : index
      %swap3A_788 = tpu.vector_load %arg7[%swap3A_785, %swap3A_786, %swap3A_787] {strides = array<i32>} : memref<16x8x128xf32, #tpu.memory_space<vmem>>, vector<16xf32>,
      tpu.vector_store %arg7[%swap3A_785, %swap3A_786, %swap3A_787], %add3A_783 {strides = array<i32>} : memref<16x8x128xf32, #tpu.memory_space<vmem>>, vector<16xf32>,
      %slice3A_789 = vector.extract_strided_slice %add3A_783 {offsets = [15], sizes = [1], strides = [1]} : vector<16xf32> to vector<1xf32>
      %squeeze3A_790 = vector.extract %slice3A_789[0] : f32 from vector<1xf32>
      %get3A_791 = arith.constant 3 : i32
      %get3A_792 = arith.index_cast %scan3A_346 : i32 to index
      %get3A_793 = arith.index_cast %get3A_791 : i32 to index
      %get3A_794 = arith.constant 32 : index
      %get3A_795 = tpu.vector_load %arg7[%get3A_792, %get3A_793, %get3A_794] {strides = array<i32>} : memref<16x8x128xf32, #tpu.memory_space<vmem>>, vector<16xf32>,
      %broadcast_in_dim3A_796 = arith.constant true
      %broadcast_in_dim3A_797 = vector.broadcast %broadcast_in_dim3A_796 : i1 to vector<16xi1>
      %masked_cumsum3A_798 = tpu.scan <sum>, %get3A_795 masked %broadcast_in_dim3A_797 : vector<16xf32>, vector<16xi1> -> vector<16xf32>
      %add3A_799 = vector.broadcast %squeeze3A_790 : f32 to vector<16xf32>
      %add3A_800 = arith.addf %masked_cumsum3A_798, %add3A_799 : vector<16xf32>
      %swap3A_801 = arith.constant 3 : i32
      %swap3A_802 = arith.index_cast %scan3A_346 : i32 to index
      %swap3A_803 = arith.index_cast %swap3A_801 : i32 to index
      %swap3A_804 = arith.constant 32 : index
      %swap3A_805 = tpu.vector_load %arg7[%swap3A_802, %swap3A_803, %swap3A_804] {strides = array<i32>} : memref<16x8x128xf32, #tpu.memory_space<vmem>>, vector<16xf32>,
      tpu.vector_store %arg7[%swap3A_802, %swap3A_803, %swap3A_804], %add3A_800 {strides = array<i32>} : memref<16x8x128xf32, #tpu.memory_space<vmem>>, vector<16xf32>,
      %slice3A_806 = vector.extract_strided_slice %add3A_800 {offsets = [15], sizes = [1], strides = [1]} : vector<16xf32> to vector<1xf32>
      %squeeze3A_807 = vector.extract %slice3A_806[0] : f32 from vector<1xf32>
      %get3A_808 = arith.constant 3 : i32
      %get3A_809 = arith.index_cast %scan3A_346 : i32 to index
      %get3A_810 = arith.index_cast %get3A_808 : i32 to index
      %get3A_811 = arith.constant 48 : index
      %get3A_812 = tpu.vector_load %arg7[%get3A_809, %get3A_810, %get3A_811] {strides = array<i32>} : memref<16x8x128xf32, #tpu.memory_space<vmem>>, vector<16xf32>,
      %broadcast_in_dim3A_813 = arith.constant true
      %broadcast_in_dim3A_814 = vector.broadcast %broadcast_in_dim3A_813 : i1 to vector<16xi1>
      %masked_cumsum3A_815 = tpu.scan <sum>, %get3A_812 masked %broadcast_in_dim3A_814 : vector<16xf32>, vector<16xi1> -> vector<16xf32>
      %add3A_816 = vector.broadcast %squeeze3A_807 : f32 to vector<16xf32>
      %add3A_817 = arith.addf %masked_cumsum3A_815, %add3A_816 : vector<16xf32>
      %swap3A_818 = arith.constant 3 : i32
      %swap3A_819 = arith.index_cast %scan3A_346 : i32 to index
      %swap3A_820 = arith.index_cast %swap3A_818 : i32 to index
      %swap3A_821 = arith.constant 48 : index
      %swap3A_822 = tpu.vector_load %arg7[%swap3A_819, %swap3A_820, %swap3A_821] {strides = array<i32>} : memref<16x8x128xf32, #tpu.memory_space<vmem>>, vector<16xf32>,
      tpu.vector_store %arg7[%swap3A_819, %swap3A_820, %swap3A_821], %add3A_817 {strides = array<i32>} : memref<16x8x128xf32, #tpu.memory_space<vmem>>, vector<16xf32>,
      %slice3A_823 = vector.extract_strided_slice %add3A_817 {offsets = [15], sizes = [1], strides = [1]} : vector<16xf32> to vector<1xf32>
      %squeeze3A_824 = vector.extract %slice3A_823[0] : f32 from vector<1xf32>
      %get3A_825 = arith.constant 3 : i32
      %get3A_826 = arith.index_cast %scan3A_346 : i32 to index
      %get3A_827 = arith.index_cast %get3A_825 : i32 to index
      %get3A_828 = arith.constant 64 : index
      %get3A_829 = tpu.vector_load %arg7[%get3A_826, %get3A_827, %get3A_828] {strides = array<i32>} : memref<16x8x128xf32, #tpu.memory_space<vmem>>, vector<16xf32>,
      %broadcast_in_dim3A_830 = arith.constant true
      %broadcast_in_dim3A_831 = vector.broadcast %broadcast_in_dim3A_830 : i1 to vector<16xi1>
      %masked_cumsum3A_832 = tpu.scan <sum>, %get3A_829 masked %broadcast_in_dim3A_831 : vector<16xf32>, vector<16xi1> -> vector<16xf32>
      %add3A_833 = arith.constant 0.000000e+00 : f32
      %add3A_834 = vector.broadcast %add3A_833 : f32 to vector<16xf32>
      %add3A_835 = arith.addf %masked_cumsum3A_832, %add3A_834 : vector<16xf32>
      %swap3A_836 = arith.constant 3 : i32
      %swap3A_837 = arith.index_cast %scan3A_346 : i32 to index
      %swap3A_838 = arith.index_cast %swap3A_836 : i32 to index
      %swap3A_839 = arith.constant 64 : index
      %swap3A_840 = tpu.vector_load %arg7[%swap3A_837, %swap3A_838, %swap3A_839] {strides = array<i32>} : memref<16x8x128xf32, #tpu.memory_space<vmem>>, vector<16xf32>,
      tpu.vector_store %arg7[%swap3A_837, %swap3A_838, %swap3A_839], %add3A_835 {strides = array<i32>} : memref<16x8x128xf32, #tpu.memory_space<vmem>>, vector<16xf32>,
      %slice3A_841 = vector.extract_strided_slice %add3A_835 {offsets = [15], sizes = [1], strides = [1]} : vector<16xf32> to vector<1xf32>
      %squeeze3A_842 = vector.extract %slice3A_841[0] : f32 from vector<1xf32>
      %get3A_843 = arith.constant 3 : i32
      %get3A_844 = arith.index_cast %scan3A_346 : i32 to index
      %get3A_845 = arith.index_cast %get3A_843 : i32 to index
      %get3A_846 = arith.constant 80 : index
      %get3A_847 = tpu.vector_load %arg7[%get3A_844, %get3A_845, %get3A_846] {strides = array<i32>} : memref<16x8x128xf32, #tpu.memory_space<vmem>>, vector<16xf32>,
      %broadcast_in_dim3A_848 = arith.constant true
      %broadcast_in_dim3A_849 = vector.broadcast %broadcast_in_dim3A_848 : i1 to vector<16xi1>
      %masked_cumsum3A_850 = tpu.scan <sum>, %get3A_847 masked %broadcast_in_dim3A_849 : vector<16xf32>, vector<16xi1> -> vector<16xf32>
      %add3A_851 = vector.broadcast %squeeze3A_842 : f32 to vector<16xf32>
      %add3A_852 = arith.addf %masked_cumsum3A_850, %add3A_851 : vector<16xf32>
      %swap3A_853 = arith.constant 3 : i32
      %swap3A_854 = arith.index_cast %scan3A_346 : i32 to index
      %swap3A_855 = arith.index_cast %swap3A_853 : i32 to index
      %swap3A_856 = arith.constant 80 : index
      %swap3A_857 = tpu.vector_load %arg7[%swap3A_854, %swap3A_855, %swap3A_856] {strides = array<i32>} : memref<16x8x128xf32, #tpu.memory_space<vmem>>, vector<16xf32>,
      tpu.vector_store %arg7[%swap3A_854, %swap3A_855, %swap3A_856], %add3A_852 {strides = array<i32>} : memref<16x8x128xf32, #tpu.memory_space<vmem>>, vector<16xf32>,
      %slice3A_858 = vector.extract_strided_slice %add3A_852 {offsets = [15], sizes = [1], strides = [1]} : vector<16xf32> to vector<1xf32>
      %squeeze3A_859 = vector.extract %slice3A_858[0] : f32 from vector<1xf32>
      %get3A_860 = arith.constant 3 : i32
      %get3A_861 = arith.index_cast %scan3A_346 : i32 to index
      %get3A_862 = arith.index_cast %get3A_860 : i32 to index
      %get3A_863 = arith.constant 96 : index
      %get3A_864 = tpu.vector_load %arg7[%get3A_861, %get3A_862, %get3A_863] {strides = array<i32>} : memref<16x8x128xf32, #tpu.memory_space<vmem>>, vector<16xf32>,
      %broadcast_in_dim3A_865 = arith.constant true
      %broadcast_in_dim3A_866 = vector.broadcast %broadcast_in_dim3A_865 : i1 to vector<16xi1>
      %masked_cumsum3A_867 = tpu.scan <sum>, %get3A_864 masked %broadcast_in_dim3A_866 : vector<16xf32>, vector<16xi1> -> vector<16xf32>
      %add3A_868 = vector.broadcast %squeeze3A_859 : f32 to vector<16xf32>
      %add3A_869 = arith.addf %masked_cumsum3A_867, %add3A_868 : vector<16xf32>
      %swap3A_870 = arith.constant 3 : i32
      %swap3A_871 = arith.index_cast %scan3A_346 : i32 to index
      %swap3A_872 = arith.index_cast %swap3A_870 : i32 to index
      %swap3A_873 = arith.constant 96 : index
      %swap3A_874 = tpu.vector_load %arg7[%swap3A_871, %swap3A_872, %swap3A_873] {strides = array<i32>} : memref<16x8x128xf32, #tpu.memory_space<vmem>>, vector<16xf32>,
      tpu.vector_store %arg7[%swap3A_871, %swap3A_872, %swap3A_873], %add3A_869 {strides = array<i32>} : memref<16x8x128xf32, #tpu.memory_space<vmem>>, vector<16xf32>,
      %slice3A_875 = vector.extract_strided_slice %add3A_869 {offsets = [15], sizes = [1], strides = [1]} : vector<16xf32> to vector<1xf32>
      %squeeze3A_876 = vector.extract %slice3A_875[0] : f32 from vector<1xf32>
      %get3A_877 = arith.constant 3 : i32
      %get3A_878 = arith.index_cast %scan3A_346 : i32 to index
      %get3A_879 = arith.index_cast %get3A_877 : i32 to index
      %get3A_880 = arith.constant 112 : index
      %get3A_881 = tpu.vector_load %arg7[%get3A_878, %get3A_879, %get3A_880] {strides = array<i32>} : memref<16x8x128xf32, #tpu.memory_space<vmem>>, vector<16xf32>,
      %broadcast_in_dim3A_882 = arith.constant true
      %broadcast_in_dim3A_883 = vector.broadcast %broadcast_in_dim3A_882 : i1 to vector<16xi1>
      %masked_cumsum3A_884 = tpu.scan <sum>, %get3A_881 masked %broadcast_in_dim3A_883 : vector<16xf32>, vector<16xi1> -> vector<16xf32>
      %add3A_885 = vector.broadcast %squeeze3A_876 : f32 to vector<16xf32>
      %add3A_886 = arith.addf %masked_cumsum3A_884, %add3A_885 : vector<16xf32>
      %swap3A_887 = arith.constant 3 : i32
      %swap3A_888 = arith.index_cast %scan3A_346 : i32 to index
      %swap3A_889 = arith.index_cast %swap3A_887 : i32 to index
      %swap3A_890 = arith.constant 112 : index
      %swap3A_891 = tpu.vector_load %arg7[%swap3A_888, %swap3A_889, %swap3A_890] {strides = array<i32>} : memref<16x8x128xf32, #tpu.memory_space<vmem>>, vector<16xf32>,
      tpu.vector_store %arg7[%swap3A_888, %swap3A_889, %swap3A_890], %add3A_886 {strides = array<i32>} : memref<16x8x128xf32, #tpu.memory_space<vmem>>, vector<16xf32>,
      %slice3A_892 = vector.extract_strided_slice %add3A_886 {offsets = [15], sizes = [1], strides = [1]} : vector<16xf32> to vector<1xf32>
      %squeeze3A_893 = vector.extract %slice3A_892[0] : f32 from vector<1xf32>
      %get3A_894 = arith.constant 4 : i32
      %get3A_895 = arith.index_cast %scan3A_346 : i32 to index
      %get3A_896 = arith.index_cast %get3A_894 : i32 to index
      %get3A_897 = arith.constant 0 : index
      %get3A_898 = tpu.vector_load %arg7[%get3A_895, %get3A_896, %get3A_897] {strides = array<i32>} : memref<16x8x128xf32, #tpu.memory_space<vmem>>, vector<16xf32>,
      %broadcast_in_dim3A_899 = arith.constant true
      %broadcast_in_dim3A_900 = vector.broadcast %broadcast_in_dim3A_899 : i1 to vector<16xi1>
      %masked_cumsum3A_901 = tpu.scan <sum>, %get3A_898 masked %broadcast_in_dim3A_900 : vector<16xf32>, vector<16xi1> -> vector<16xf32>
      %add3A_902 = arith.constant 0.000000e+00 : f32
      %add3A_903 = vector.broadcast %add3A_902 : f32 to vector<16xf32>
      %add3A_904 = arith.addf %masked_cumsum3A_901, %add3A_903 : vector<16xf32>
      %swap3A_905 = arith.constant 4 : i32
      %swap3A_906 = arith.index_cast %scan3A_346 : i32 to index
      %swap3A_907 = arith.index_cast %swap3A_905 : i32 to index
      %swap3A_908 = arith.constant 0 : index
      %swap3A_909 = tpu.vector_load %arg7[%swap3A_906, %swap3A_907, %swap3A_908] {strides = array<i32>} : memref<16x8x128xf32, #tpu.memory_space<vmem>>, vector<16xf32>,
      tpu.vector_store %arg7[%swap3A_906, %swap3A_907, %swap3A_908], %add3A_904 {strides = array<i32>} : memref<16x8x128xf32, #tpu.memory_space<vmem>>, vector<16xf32>,
      %slice3A_910 = vector.extract_strided_slice %add3A_904 {offsets = [15], sizes = [1], strides = [1]} : vector<16xf32> to vector<1xf32>
      %squeeze3A_911 = vector.extract %slice3A_910[0] : f32 from vector<1xf32>
      %get3A_912 = arith.constant 4 : i32
      %get3A_913 = arith.index_cast %scan3A_346 : i32 to index
      %get3A_914 = arith.index_cast %get3A_912 : i32 to index
      %get3A_915 = arith.constant 16 : index
      %get3A_916 = tpu.vector_load %arg7[%get3A_913, %get3A_914, %get3A_915] {strides = array<i32>} : memref<16x8x128xf32, #tpu.memory_space<vmem>>, vector<16xf32>,
      %broadcast_in_dim3A_917 = arith.constant true
      %broadcast_in_dim3A_918 = vector.broadcast %broadcast_in_dim3A_917 : i1 to vector<16xi1>
      %masked_cumsum3A_919 = tpu.scan <sum>, %get3A_916 masked %broadcast_in_dim3A_918 : vector<16xf32>, vector<16xi1> -> vector<16xf32>
      %add3A_920 = vector.broadcast %squeeze3A_911 : f32 to vector<16xf32>
      %add3A_921 = arith.addf %masked_cumsum3A_919, %add3A_920 : vector<16xf32>
      %swap3A_922 = arith.constant 4 : i32
      %swap3A_923 = arith.index_cast %scan3A_346 : i32 to index
      %swap3A_924 = arith.index_cast %swap3A_922 : i32 to index
      %swap3A_925 = arith.constant 16 : index
      %swap3A_926 = tpu.vector_load %arg7[%swap3A_923, %swap3A_924, %swap3A_925] {strides = array<i32>} : memref<16x8x128xf32, #tpu.memory_space<vmem>>, vector<16xf32>,
      tpu.vector_store %arg7[%swap3A_923, %swap3A_924, %swap3A_925], %add3A_921 {strides = array<i32>} : memref<16x8x128xf32, #tpu.memory_space<vmem>>, vector<16xf32>,
      %slice3A_927 = vector.extract_strided_slice %add3A_921 {offsets = [15], sizes = [1], strides = [1]} : vector<16xf32> to vector<1xf32>
      %squeeze3A_928 = vector.extract %slice3A_927[0] : f32 from vector<1xf32>
      %get3A_929 = arith.constant 4 : i32
      %get3A_930 = arith.index_cast %scan3A_346 : i32 to index
      %get3A_931 = arith.index_cast %get3A_929 : i32 to index
      %get3A_932 = arith.constant 32 : index
      %get3A_933 = tpu.vector_load %arg7[%get3A_930, %get3A_931, %get3A_932] {strides = array<i32>} : memref<16x8x128xf32, #tpu.memory_space<vmem>>, vector<16xf32>,
      %broadcast_in_dim3A_934 = arith.constant true
      %broadcast_in_dim3A_935 = vector.broadcast %broadcast_in_dim3A_934 : i1 to vector<16xi1>
      %masked_cumsum3A_936 = tpu.scan <sum>, %get3A_933 masked %broadcast_in_dim3A_935 : vector<16xf32>, vector<16xi1> -> vector<16xf32>
      %add3A_937 = vector.broadcast %squeeze3A_928 : f32 to vector<16xf32>
      %add3A_938 = arith.addf %masked_cumsum3A_936, %add3A_937 : vector<16xf32>
      %swap3A_939 = arith.constant 4 : i32
      %swap3A_940 = arith.index_cast %scan3A_346 : i32 to index
      %swap3A_941 = arith.index_cast %swap3A_939 : i32 to index
      %swap3A_942 = arith.constant 32 : index
      %swap3A_943 = tpu.vector_load %arg7[%swap3A_940, %swap3A_941, %swap3A_942] {strides = array<i32>} : memref<16x8x128xf32, #tpu.memory_space<vmem>>, vector<16xf32>,
      tpu.vector_store %arg7[%swap3A_940, %swap3A_941, %swap3A_942], %add3A_938 {strides = array<i32>} : memref<16x8x128xf32, #tpu.memory_space<vmem>>, vector<16xf32>,
      %slice3A_944 = vector.extract_strided_slice %add3A_938 {offsets = [15], sizes = [1], strides = [1]} : vector<16xf32> to vector<1xf32>
      %squeeze3A_945 = vector.extract %slice3A_944[0] : f32 from vector<1xf32>
      %get3A_946 = arith.constant 4 : i32
      %get3A_947 = arith.index_cast %scan3A_346 : i32 to index
      %get3A_948 = arith.index_cast %get3A_946 : i32 to index
      %get3A_949 = arith.constant 48 : index
      %get3A_950 = tpu.vector_load %arg7[%get3A_947, %get3A_948, %get3A_949] {strides = array<i32>} : memref<16x8x128xf32, #tpu.memory_space<vmem>>, vector<16xf32>,
      %broadcast_in_dim3A_951 = arith.constant true
      %broadcast_in_dim3A_952 = vector.broadcast %broadcast_in_dim3A_951 : i1 to vector<16xi1>
      %masked_cumsum3A_953 = tpu.scan <sum>, %get3A_950 masked %broadcast_in_dim3A_952 : vector<16xf32>, vector<16xi1> -> vector<16xf32>
      %add3A_954 = vector.broadcast %squeeze3A_945 : f32 to vector<16xf32>
      %add3A_955 = arith.addf %masked_cumsum3A_953, %add3A_954 : vector<16xf32>
      %swap3A_956 = arith.constant 4 : i32
      %swap3A_957 = arith.index_cast %scan3A_346 : i32 to index
      %swap3A_958 = arith.index_cast %swap3A_956 : i32 to index
      %swap3A_959 = arith.constant 48 : index
      %swap3A_960 = tpu.vector_load %arg7[%swap3A_957, %swap3A_958, %swap3A_959] {strides = array<i32>} : memref<16x8x128xf32, #tpu.memory_space<vmem>>, vector<16xf32>,
      tpu.vector_store %arg7[%swap3A_957, %swap3A_958, %swap3A_959], %add3A_955 {strides = array<i32>} : memref<16x8x128xf32, #tpu.memory_space<vmem>>, vector<16xf32>,
      %slice3A_961 = vector.extract_strided_slice %add3A_955 {offsets = [15], sizes = [1], strides = [1]} : vector<16xf32> to vector<1xf32>
      %squeeze3A_962 = vector.extract %slice3A_961[0] : f32 from vector<1xf32>
      %get3A_963 = arith.constant 4 : i32
      %get3A_964 = arith.index_cast %scan3A_346 : i32 to index
      %get3A_965 = arith.index_cast %get3A_963 : i32 to index
      %get3A_966 = arith.constant 64 : index
      %get3A_967 = tpu.vector_load %arg7[%get3A_964, %get3A_965, %get3A_966] {strides = array<i32>} : memref<16x8x128xf32, #tpu.memory_space<vmem>>, vector<16xf32>,
      %broadcast_in_dim3A_968 = arith.constant true
      %broadcast_in_dim3A_969 = vector.broadcast %broadcast_in_dim3A_968 : i1 to vector<16xi1>
      %masked_cumsum3A_970 = tpu.scan <sum>, %get3A_967 masked %broadcast_in_dim3A_969 : vector<16xf32>, vector<16xi1> -> vector<16xf32>
      %add3A_971 = arith.constant 0.000000e+00 : f32
      %add3A_972 = vector.broadcast %add3A_971 : f32 to vector<16xf32>
      %add3A_973 = arith.addf %masked_cumsum3A_970, %add3A_972 : vector<16xf32>
      %swap3A_974 = arith.constant 4 : i32
      %swap3A_975 = arith.index_cast %scan3A_346 : i32 to index
      %swap3A_976 = arith.index_cast %swap3A_974 : i32 to index
      %swap3A_977 = arith.constant 64 : index
      %swap3A_978 = tpu.vector_load %arg7[%swap3A_975, %swap3A_976, %swap3A_977] {strides = array<i32>} : memref<16x8x128xf32, #tpu.memory_space<vmem>>, vector<16xf32>,
      tpu.vector_store %arg7[%swap3A_975, %swap3A_976, %swap3A_977], %add3A_973 {strides = array<i32>} : memref<16x8x128xf32, #tpu.memory_space<vmem>>, vector<16xf32>,
      %slice3A_979 = vector.extract_strided_slice %add3A_973 {offsets = [15], sizes = [1], strides = [1]} : vector<16xf32> to vector<1xf32>
      %squeeze3A_980 = vector.extract %slice3A_979[0] : f32 from vector<1xf32>
      %get3A_981 = arith.constant 4 : i32
      %get3A_982 = arith.index_cast %scan3A_346 : i32 to index
      %get3A_983 = arith.index_cast %get3A_981 : i32 to index
      %get3A_984 = arith.constant 80 : index
      %get3A_985 = tpu.vector_load %arg7[%get3A_982, %get3A_983, %get3A_984] {strides = array<i32>} : memref<16x8x128xf32, #tpu.memory_space<vmem>>, vector<16xf32>,
      %broadcast_in_dim3A_986 = arith.constant true
      %broadcast_in_dim3A_987 = vector.broadcast %broadcast_in_dim3A_986 : i1 to vector<16xi1>
      %masked_cumsum3A_988 = tpu.scan <sum>, %get3A_985 masked %broadcast_in_dim3A_987 : vector<16xf32>, vector<16xi1> -> vector<16xf32>
      %add3A_989 = vector.broadcast %squeeze3A_980 : f32 to vector<16xf32>
      %add3A_990 = arith.addf %masked_cumsum3A_988, %add3A_989 : vector<16xf32>
      %swap3A_991 = arith.constant 4 : i32
      %swap3A_992 = arith.index_cast %scan3A_346 : i32 to index
      %swap3A_993 = arith.index_cast %swap3A_991 : i32 to index
      %swap3A_994 = arith.constant 80 : index
      %swap3A_995 = tpu.vector_load %arg7[%swap3A_992, %swap3A_993, %swap3A_994] {strides = array<i32>} : memref<16x8x128xf32, #tpu.memory_space<vmem>>, vector<16xf32>,
      tpu.vector_store %arg7[%swap3A_992, %swap3A_993, %swap3A_994], %add3A_990 {strides = array<i32>} : memref<16x8x128xf32, #tpu.memory_space<vmem>>, vector<16xf32>,
      %slice3A_996 = vector.extract_strided_slice %add3A_990 {offsets = [15], sizes = [1], strides = [1]} : vector<16xf32> to vector<1xf32>
      %squeeze3A_997 = vector.extract %slice3A_996[0] : f32 from vector<1xf32>
      %get3A_998 = arith.constant 4 : i32
      %get3A_999 = arith.index_cast %scan3A_346 : i32 to index
      %get3A_1000 = arith.index_cast %get3A_998 : i32 to index
      %get3A_1001 = arith.constant 96 : index
      %get3A_1002 = tpu.vector_load %arg7[%get3A_999, %get3A_1000, %get3A_1001] {strides = array<i32>} : memref<16x8x128xf32, #tpu.memory_space<vmem>>, vector<16xf32>,
      %broadcast_in_dim3A_1003 = arith.constant true
      %broadcast_in_dim3A_1004 = vector.broadcast %broadcast_in_dim3A_1003 : i1 to vector<16xi1>
      %masked_cumsum3A_1005 = tpu.scan <sum>, %get3A_1002 masked %broadcast_in_dim3A_1004 : vector<16xf32>, vector<16xi1> -> vector<16xf32>
      %add3A_1006 = vector.broadcast %squeeze3A_997 : f32 to vector<16xf32>
      %add3A_1007 = arith.addf %masked_cumsum3A_1005, %add3A_1006 : vector<16xf32>
      %swap3A_1008 = arith.constant 4 : i32
      %swap3A_1009 = arith.index_cast %scan3A_346 : i32 to index
      %swap3A_1010 = arith.index_cast %swap3A_1008 : i32 to index
      %swap3A_1011 = arith.constant 96 : index
      %swap3A_1012 = tpu.vector_load %arg7[%swap3A_1009, %swap3A_1010, %swap3A_1011] {strides = array<i32>} : memref<16x8x128xf32, #tpu.memory_space<vmem>>, vector<16xf32>,
      tpu.vector_store %arg7[%swap3A_1009, %swap3A_1010, %swap3A_1011], %add3A_1007 {strides = array<i32>} : memref<16x8x128xf32, #tpu.memory_space<vmem>>, vector<16xf32>,
      %slice3A_1013 = vector.extract_strided_slice %add3A_1007 {offsets = [15], sizes = [1], strides = [1]} : vector<16xf32> to vector<1xf32>
      %squeeze3A_1014 = vector.extract %slice3A_1013[0] : f32 from vector<1xf32>
      %get3A_1015 = arith.constant 4 : i32
      %get3A_1016 = arith.index_cast %scan3A_346 : i32 to index
      %get3A_1017 = arith.index_cast %get3A_1015 : i32 to index
      %get3A_1018 = arith.constant 112 : index
      %get3A_1019 = tpu.vector_load %arg7[%get3A_1016, %get3A_1017, %get3A_1018] {strides = array<i32>} : memref<16x8x128xf32, #tpu.memory_space<vmem>>, vector<16xf32>,
      %broadcast_in_dim3A_1020 = arith.constant true
      %broadcast_in_dim3A_1021 = vector.broadcast %broadcast_in_dim3A_1020 : i1 to vector<16xi1>
      %masked_cumsum3A_1022 = tpu.scan <sum>, %get3A_1019 masked %broadcast_in_dim3A_1021 : vector<16xf32>, vector<16xi1> -> vector<16xf32>
      %add3A_1023 = vector.broadcast %squeeze3A_1014 : f32 to vector<16xf32>
      %add3A_1024 = arith.addf %masked_cumsum3A_1022, %add3A_1023 : vector<16xf32>
      %swap3A_1025 = arith.constant 4 : i32
      %swap3A_1026 = arith.index_cast %scan3A_346 : i32 to index
      %swap3A_1027 = arith.index_cast %swap3A_1025 : i32 to index
      %swap3A_1028 = arith.constant 112 : index
      %swap3A_1029 = tpu.vector_load %arg7[%swap3A_1026, %swap3A_1027, %swap3A_1028] {strides = array<i32>} : memref<16x8x128xf32, #tpu.memory_space<vmem>>, vector<16xf32>,
      tpu.vector_store %arg7[%swap3A_1026, %swap3A_1027, %swap3A_1028], %add3A_1024 {strides = array<i32>} : memref<16x8x128xf32, #tpu.memory_space<vmem>>, vector<16xf32>,
      %slice3A_1030 = vector.extract_strided_slice %add3A_1024 {offsets = [15], sizes = [1], strides = [1]} : vector<16xf32> to vector<1xf32>
      %squeeze3A_1031 = vector.extract %slice3A_1030[0] : f32 from vector<1xf32>
      %get3A_1032 = arith.constant 5 : i32
      %get3A_1033 = arith.index_cast %scan3A_346 : i32 to index
      %get3A_1034 = arith.index_cast %get3A_1032 : i32 to index
      %get3A_1035 = arith.constant 0 : index
      %get3A_1036 = tpu.vector_load %arg7[%get3A_1033, %get3A_1034, %get3A_1035] {strides = array<i32>} : memref<16x8x128xf32, #tpu.memory_space<vmem>>, vector<16xf32>,
      %broadcast_in_dim3A_1037 = arith.constant true
      %broadcast_in_dim3A_1038 = vector.broadcast %broadcast_in_dim3A_1037 : i1 to vector<16xi1>
      %masked_cumsum3A_1039 = tpu.scan <sum>, %get3A_1036 masked %broadcast_in_dim3A_1038 : vector<16xf32>, vector<16xi1> -> vector<16xf32>
      %add3A_1040 = arith.constant 0.000000e+00 : f32
      %add3A_1041 = vector.broadcast %add3A_1040 : f32 to vector<16xf32>
      %add3A_1042 = arith.addf %masked_cumsum3A_1039, %add3A_1041 : vector<16xf32>
      %swap3A_1043 = arith.constant 5 : i32
      %swap3A_1044 = arith.index_cast %scan3A_346 : i32 to index
      %swap3A_1045 = arith.index_cast %swap3A_1043 : i32 to index
      %swap3A_1046 = arith.constant 0 : index
      %swap3A_1047 = tpu.vector_load %arg7[%swap3A_1044, %swap3A_1045, %swap3A_1046] {strides = array<i32>} : memref<16x8x128xf32, #tpu.memory_space<vmem>>, vector<16xf32>,
      tpu.vector_store %arg7[%swap3A_1044, %swap3A_1045, %swap3A_1046], %add3A_1042 {strides = array<i32>} : memref<16x8x128xf32, #tpu.memory_space<vmem>>, vector<16xf32>,
      %slice3A_1048 = vector.extract_strided_slice %add3A_1042 {offsets = [15], sizes = [1], strides = [1]} : vector<16xf32> to vector<1xf32>
      %squeeze3A_1049 = vector.extract %slice3A_1048[0] : f32 from vector<1xf32>
      %get3A_1050 = arith.constant 5 : i32
      %get3A_1051 = arith.index_cast %scan3A_346 : i32 to index
      %get3A_1052 = arith.index_cast %get3A_1050 : i32 to index
      %get3A_1053 = arith.constant 16 : index
      %get3A_1054 = tpu.vector_load %arg7[%get3A_1051, %get3A_1052, %get3A_1053] {strides = array<i32>} : memref<16x8x128xf32, #tpu.memory_space<vmem>>, vector<16xf32>,
      %broadcast_in_dim3A_1055 = arith.constant true
      %broadcast_in_dim3A_1056 = vector.broadcast %broadcast_in_dim3A_1055 : i1 to vector<16xi1>
      %masked_cumsum3A_1057 = tpu.scan <sum>, %get3A_1054 masked %broadcast_in_dim3A_1056 : vector<16xf32>, vector<16xi1> -> vector<16xf32>
      %add3A_1058 = vector.broadcast %squeeze3A_1049 : f32 to vector<16xf32>
      %add3A_1059 = arith.addf %masked_cumsum3A_1057, %add3A_1058 : vector<16xf32>
      %swap3A_1060 = arith.constant 5 : i32
      %swap3A_1061 = arith.index_cast %scan3A_346 : i32 to index
      %swap3A_1062 = arith.index_cast %swap3A_1060 : i32 to index
      %swap3A_1063 = arith.constant 16 : index
      %swap3A_1064 = tpu.vector_load %arg7[%swap3A_1061, %swap3A_1062, %swap3A_1063] {strides = array<i32>} : memref<16x8x128xf32, #tpu.memory_space<vmem>>, vector<16xf32>,
      tpu.vector_store %arg7[%swap3A_1061, %swap3A_1062, %swap3A_1063], %add3A_1059 {strides = array<i32>} : memref<16x8x128xf32, #tpu.memory_space<vmem>>, vector<16xf32>,
      %slice3A_1065 = vector.extract_strided_slice %add3A_1059 {offsets = [15], sizes = [1], strides = [1]} : vector<16xf32> to vector<1xf32>
      %squeeze3A_1066 = vector.extract %slice3A_1065[0] : f32 from vector<1xf32>
      %get3A_1067 = arith.constant 5 : i32
      %get3A_1068 = arith.index_cast %scan3A_346 : i32 to index
      %get3A_1069 = arith.index_cast %get3A_1067 : i32 to index
      %get3A_1070 = arith.constant 32 : index
      %get3A_1071 = tpu.vector_load %arg7[%get3A_1068, %get3A_1069, %get3A_1070] {strides = array<i32>} : memref<16x8x128xf32, #tpu.memory_space<vmem>>, vector<16xf32>,
      %broadcast_in_dim3A_1072 = arith.constant true
      %broadcast_in_dim3A_1073 = vector.broadcast %broadcast_in_dim3A_1072 : i1 to vector<16xi1>
      %masked_cumsum3A_1074 = tpu.scan <sum>, %get3A_1071 masked %broadcast_in_dim3A_1073 : vector<16xf32>, vector<16xi1> -> vector<16xf32>
      %add3A_1075 = vector.broadcast %squeeze3A_1066 : f32 to vector<16xf32>
      %add3A_1076 = arith.addf %masked_cumsum3A_1074, %add3A_1075 : vector<16xf32>
      %swap3A_1077 = arith.constant 5 : i32
      %swap3A_1078 = arith.index_cast %scan3A_346 : i32 to index
      %swap3A_1079 = arith.index_cast %swap3A_1077 : i32 to index
      %swap3A_1080 = arith.constant 32 : index
      %swap3A_1081 = tpu.vector_load %arg7[%swap3A_1078, %swap3A_1079, %swap3A_1080] {strides = array<i32>} : memref<16x8x128xf32, #tpu.memory_space<vmem>>, vector<16xf32>,
      tpu.vector_store %arg7[%swap3A_1078, %swap3A_1079, %swap3A_1080], %add3A_1076 {strides = array<i32>} : memref<16x8x128xf32, #tpu.memory_space<vmem>>, vector<16xf32>,
      %slice3A_1082 = vector.extract_strided_slice %add3A_1076 {offsets = [15], sizes = [1], strides = [1]} : vector<16xf32> to vector<1xf32>
      %squeeze3A_1083 = vector.extract %slice3A_1082[0] : f32 from vector<1xf32>
      %get3A_1084 = arith.constant 5 : i32
      %get3A_1085 = arith.index_cast %scan3A_346 : i32 to index
      %get3A_1086 = arith.index_cast %get3A_1084 : i32 to index
      %get3A_1087 = arith.constant 48 : index
      %get3A_1088 = tpu.vector_load %arg7[%get3A_1085, %get3A_1086, %get3A_1087] {strides = array<i32>} : memref<16x8x128xf32, #tpu.memory_space<vmem>>, vector<16xf32>,
      %broadcast_in_dim3A_1089 = arith.constant true
      %broadcast_in_dim3A_1090 = vector.broadcast %broadcast_in_dim3A_1089 : i1 to vector<16xi1>
      %masked_cumsum3A_1091 = tpu.scan <sum>, %get3A_1088 masked %broadcast_in_dim3A_1090 : vector<16xf32>, vector<16xi1> -> vector<16xf32>
      %add3A_1092 = vector.broadcast %squeeze3A_1083 : f32 to vector<16xf32>
      %add3A_1093 = arith.addf %masked_cumsum3A_1091, %add3A_1092 : vector<16xf32>
      %swap3A_1094 = arith.constant 5 : i32
      %swap3A_1095 = arith.index_cast %scan3A_346 : i32 to index
      %swap3A_1096 = arith.index_cast %swap3A_1094 : i32 to index
      %swap3A_1097 = arith.constant 48 : index
      %swap3A_1098 = tpu.vector_load %arg7[%swap3A_1095, %swap3A_1096, %swap3A_1097] {strides = array<i32>} : memref<16x8x128xf32, #tpu.memory_space<vmem>>, vector<16xf32>,
      tpu.vector_store %arg7[%swap3A_1095, %swap3A_1096, %swap3A_1097], %add3A_1093 {strides = array<i32>} : memref<16x8x128xf32, #tpu.memory_space<vmem>>, vector<16xf32>,
      %slice3A_1099 = vector.extract_strided_slice %add3A_1093 {offsets = [15], sizes = [1], strides = [1]} : vector<16xf32> to vector<1xf32>
      %squeeze3A_1100 = vector.extract %slice3A_1099[0] : f32 from vector<1xf32>
      %get3A_1101 = arith.constant 5 : i32
      %get3A_1102 = arith.index_cast %scan3A_346 : i32 to index
      %get3A_1103 = arith.index_cast %get3A_1101 : i32 to index
      %get3A_1104 = arith.constant 64 : index
      %get3A_1105 = tpu.vector_load %arg7[%get3A_1102, %get3A_1103, %get3A_1104] {strides = array<i32>} : memref<16x8x128xf32, #tpu.memory_space<vmem>>, vector<16xf32>,
      %broadcast_in_dim3A_1106 = arith.constant true
      %broadcast_in_dim3A_1107 = vector.broadcast %broadcast_in_dim3A_1106 : i1 to vector<16xi1>
      %masked_cumsum3A_1108 = tpu.scan <sum>, %get3A_1105 masked %broadcast_in_dim3A_1107 : vector<16xf32>, vector<16xi1> -> vector<16xf32>
      %add3A_1109 = arith.constant 0.000000e+00 : f32
      %add3A_1110 = vector.broadcast %add3A_1109 : f32 to vector<16xf32>
      %add3A_1111 = arith.addf %masked_cumsum3A_1108, %add3A_1110 : vector<16xf32>
      %swap3A_1112 = arith.constant 5 : i32
      %swap3A_1113 = arith.index_cast %scan3A_346 : i32 to index
      %swap3A_1114 = arith.index_cast %swap3A_1112 : i32 to index
      %swap3A_1115 = arith.constant 64 : index
      %swap3A_1116 = tpu.vector_load %arg7[%swap3A_1113, %swap3A_1114, %swap3A_1115] {strides = array<i32>} : memref<16x8x128xf32, #tpu.memory_space<vmem>>, vector<16xf32>,
      tpu.vector_store %arg7[%swap3A_1113, %swap3A_1114, %swap3A_1115], %add3A_1111 {strides = array<i32>} : memref<16x8x128xf32, #tpu.memory_space<vmem>>, vector<16xf32>,
      %slice3A_1117 = vector.extract_strided_slice %add3A_1111 {offsets = [15], sizes = [1], strides = [1]} : vector<16xf32> to vector<1xf32>
      %squeeze3A_1118 = vector.extract %slice3A_1117[0] : f32 from vector<1xf32>
      %get3A_1119 = arith.constant 5 : i32
      %get3A_1120 = arith.index_cast %scan3A_346 : i32 to index
      %get3A_1121 = arith.index_cast %get3A_1119 : i32 to index
      %get3A_1122 = arith.constant 80 : index
      %get3A_1123 = tpu.vector_load %arg7[%get3A_1120, %get3A_1121, %get3A_1122] {strides = array<i32>} : memref<16x8x128xf32, #tpu.memory_space<vmem>>, vector<16xf32>,
      %broadcast_in_dim3A_1124 = arith.constant true
      %broadcast_in_dim3A_1125 = vector.broadcast %broadcast_in_dim3A_1124 : i1 to vector<16xi1>
      %masked_cumsum3A_1126 = tpu.scan <sum>, %get3A_1123 masked %broadcast_in_dim3A_1125 : vector<16xf32>, vector<16xi1> -> vector<16xf32>
      %add3A_1127 = vector.broadcast %squeeze3A_1118 : f32 to vector<16xf32>
      %add3A_1128 = arith.addf %masked_cumsum3A_1126, %add3A_1127 : vector<16xf32>
      %swap3A_1129 = arith.constant 5 : i32
      %swap3A_1130 = arith.index_cast %scan3A_346 : i32 to index
      %swap3A_1131 = arith.index_cast %swap3A_1129 : i32 to index
      %swap3A_1132 = arith.constant 80 : index
      %swap3A_1133 = tpu.vector_load %arg7[%swap3A_1130, %swap3A_1131, %swap3A_1132] {strides = array<i32>} : memref<16x8x128xf32, #tpu.memory_space<vmem>>, vector<16xf32>,
      tpu.vector_store %arg7[%swap3A_1130, %swap3A_1131, %swap3A_1132], %add3A_1128 {strides = array<i32>} : memref<16x8x128xf32, #tpu.memory_space<vmem>>, vector<16xf32>,
      %slice3A_1134 = vector.extract_strided_slice %add3A_1128 {offsets = [15], sizes = [1], strides = [1]} : vector<16xf32> to vector<1xf32>
      %squeeze3A_1135 = vector.extract %slice3A_1134[0] : f32 from vector<1xf32>
      %get3A_1136 = arith.constant 5 : i32
      %get3A_1137 = arith.index_cast %scan3A_346 : i32 to index
      %get3A_1138 = arith.index_cast %get3A_1136 : i32 to index
      %get3A_1139 = arith.constant 96 : index
      %get3A_1140 = tpu.vector_load %arg7[%get3A_1137, %get3A_1138, %get3A_1139] {strides = array<i32>} : memref<16x8x128xf32, #tpu.memory_space<vmem>>, vector<16xf32>,
      %broadcast_in_dim3A_1141 = arith.constant true
      %broadcast_in_dim3A_1142 = vector.broadcast %broadcast_in_dim3A_1141 : i1 to vector<16xi1>
      %masked_cumsum3A_1143 = tpu.scan <sum>, %get3A_1140 masked %broadcast_in_dim3A_1142 : vector<16xf32>, vector<16xi1> -> vector<16xf32>
      %add3A_1144 = vector.broadcast %squeeze3A_1135 : f32 to vector<16xf32>
      %add3A_1145 = arith.addf %masked_cumsum3A_1143, %add3A_1144 : vector<16xf32>
      %swap3A_1146 = arith.constant 5 : i32
      %swap3A_1147 = arith.index_cast %scan3A_346 : i32 to index
      %swap3A_1148 = arith.index_cast %swap3A_1146 : i32 to index
      %swap3A_1149 = arith.constant 96 : index
      %swap3A_1150 = tpu.vector_load %arg7[%swap3A_1147, %swap3A_1148, %swap3A_1149] {strides = array<i32>} : memref<16x8x128xf32, #tpu.memory_space<vmem>>, vector<16xf32>,
      tpu.vector_store %arg7[%swap3A_1147, %swap3A_1148, %swap3A_1149], %add3A_1145 {strides = array<i32>} : memref<16x8x128xf32, #tpu.memory_space<vmem>>, vector<16xf32>,
      %slice3A_1151 = vector.extract_strided_slice %add3A_1145 {offsets = [15], sizes = [1], strides = [1]} : vector<16xf32> to vector<1xf32>
      %squeeze3A_1152 = vector.extract %slice3A_1151[0] : f32 from vector<1xf32>
      %get3A_1153 = arith.constant 5 : i32
      %get3A_1154 = arith.index_cast %scan3A_346 : i32 to index
      %get3A_1155 = arith.index_cast %get3A_1153 : i32 to index
      %get3A_1156 = arith.constant 112 : index
      %get3A_1157 = tpu.vector_load %arg7[%get3A_1154, %get3A_1155, %get3A_1156] {strides = array<i32>} : memref<16x8x128xf32, #tpu.memory_space<vmem>>, vector<16xf32>,
      %broadcast_in_dim3A_1158 = arith.constant true
      %broadcast_in_dim3A_1159 = vector.broadcast %broadcast_in_dim3A_1158 : i1 to vector<16xi1>
      %masked_cumsum3A_1160 = tpu.scan <sum>, %get3A_1157 masked %broadcast_in_dim3A_1159 : vector<16xf32>, vector<16xi1> -> vector<16xf32>
      %add3A_1161 = vector.broadcast %squeeze3A_1152 : f32 to vector<16xf32>
      %add3A_1162 = arith.addf %masked_cumsum3A_1160, %add3A_1161 : vector<16xf32>
      %swap3A_1163 = arith.constant 5 : i32
      %swap3A_1164 = arith.index_cast %scan3A_346 : i32 to index
      %swap3A_1165 = arith.index_cast %swap3A_1163 : i32 to index
      %swap3A_1166 = arith.constant 112 : index
      %swap3A_1167 = tpu.vector_load %arg7[%swap3A_1164, %swap3A_1165, %swap3A_1166] {strides = array<i32>} : memref<16x8x128xf32, #tpu.memory_space<vmem>>, vector<16xf32>,
      tpu.vector_store %arg7[%swap3A_1164, %swap3A_1165, %swap3A_1166], %add3A_1162 {strides = array<i32>} : memref<16x8x128xf32, #tpu.memory_space<vmem>>, vector<16xf32>,
      %slice3A_1168 = vector.extract_strided_slice %add3A_1162 {offsets = [15], sizes = [1], strides = [1]} : vector<16xf32> to vector<1xf32>
      %squeeze3A_1169 = vector.extract %slice3A_1168[0] : f32 from vector<1xf32>
      %get3A_1170 = arith.constant 6 : i32
      %get3A_1171 = arith.index_cast %scan3A_346 : i32 to index
      %get3A_1172 = arith.index_cast %get3A_1170 : i32 to index
      %get3A_1173 = arith.constant 0 : index
      %get3A_1174 = tpu.vector_load %arg7[%get3A_1171, %get3A_1172, %get3A_1173] {strides = array<i32>} : memref<16x8x128xf32, #tpu.memory_space<vmem>>, vector<16xf32>,
      %broadcast_in_dim3A_1175 = arith.constant true
      %broadcast_in_dim3A_1176 = vector.broadcast %broadcast_in_dim3A_1175 : i1 to vector<16xi1>
      %masked_cumsum3A_1177 = tpu.scan <sum>, %get3A_1174 masked %broadcast_in_dim3A_1176 : vector<16xf32>, vector<16xi1> -> vector<16xf32>
      %add3A_1178 = arith.constant 0.000000e+00 : f32
      %add3A_1179 = vector.broadcast %add3A_1178 : f32 to vector<16xf32>
      %add3A_1180 = arith.addf %masked_cumsum3A_1177, %add3A_1179 : vector<16xf32>
      %swap3A_1181 = arith.constant 6 : i32
      %swap3A_1182 = arith.index_cast %scan3A_346 : i32 to index
      %swap3A_1183 = arith.index_cast %swap3A_1181 : i32 to index
      %swap3A_1184 = arith.constant 0 : index
      %swap3A_1185 = tpu.vector_load %arg7[%swap3A_1182, %swap3A_1183, %swap3A_1184] {strides = array<i32>} : memref<16x8x128xf32, #tpu.memory_space<vmem>>, vector<16xf32>,
      tpu.vector_store %arg7[%swap3A_1182, %swap3A_1183, %swap3A_1184], %add3A_1180 {strides = array<i32>} : memref<16x8x128xf32, #tpu.memory_space<vmem>>, vector<16xf32>,
      %slice3A_1186 = vector.extract_strided_slice %add3A_1180 {offsets = [15], sizes = [1], strides = [1]} : vector<16xf32> to vector<1xf32>
      %squeeze3A_1187 = vector.extract %slice3A_1186[0] : f32 from vector<1xf32>
      %get3A_1188 = arith.constant 6 : i32
      %get3A_1189 = arith.index_cast %scan3A_346 : i32 to index
      %get3A_1190 = arith.index_cast %get3A_1188 : i32 to index
      %get3A_1191 = arith.constant 16 : index
      %get3A_1192 = tpu.vector_load %arg7[%get3A_1189, %get3A_1190, %get3A_1191] {strides = array<i32>} : memref<16x8x128xf32, #tpu.memory_space<vmem>>, vector<16xf32>,
      %broadcast_in_dim3A_1193 = arith.constant true
      %broadcast_in_dim3A_1194 = vector.broadcast %broadcast_in_dim3A_1193 : i1 to vector<16xi1>
      %masked_cumsum3A_1195 = tpu.scan <sum>, %get3A_1192 masked %broadcast_in_dim3A_1194 : vector<16xf32>, vector<16xi1> -> vector<16xf32>
      %add3A_1196 = vector.broadcast %squeeze3A_1187 : f32 to vector<16xf32>
      %add3A_1197 = arith.addf %masked_cumsum3A_1195, %add3A_1196 : vector<16xf32>
      %swap3A_1198 = arith.constant 6 : i32
      %swap3A_1199 = arith.index_cast %scan3A_346 : i32 to index
      %swap3A_1200 = arith.index_cast %swap3A_1198 : i32 to index
      %swap3A_1201 = arith.constant 16 : index
      %swap3A_1202 = tpu.vector_load %arg7[%swap3A_1199, %swap3A_1200, %swap3A_1201] {strides = array<i32>} : memref<16x8x128xf32, #tpu.memory_space<vmem>>, vector<16xf32>,
      tpu.vector_store %arg7[%swap3A_1199, %swap3A_1200, %swap3A_1201], %add3A_1197 {strides = array<i32>} : memref<16x8x128xf32, #tpu.memory_space<vmem>>, vector<16xf32>,
      %slice3A_1203 = vector.extract_strided_slice %add3A_1197 {offsets = [15], sizes = [1], strides = [1]} : vector<16xf32> to vector<1xf32>
      %squeeze3A_1204 = vector.extract %slice3A_1203[0] : f32 from vector<1xf32>
      %get3A_1205 = arith.constant 6 : i32
      %get3A_1206 = arith.index_cast %scan3A_346 : i32 to index
      %get3A_1207 = arith.index_cast %get3A_1205 : i32 to index
      %get3A_1208 = arith.constant 32 : index
      %get3A_1209 = tpu.vector_load %arg7[%get3A_1206, %get3A_1207, %get3A_1208] {strides = array<i32>} : memref<16x8x128xf32, #tpu.memory_space<vmem>>, vector<16xf32>,
      %broadcast_in_dim3A_1210 = arith.constant true
      %broadcast_in_dim3A_1211 = vector.broadcast %broadcast_in_dim3A_1210 : i1 to vector<16xi1>
      %masked_cumsum3A_1212 = tpu.scan <sum>, %get3A_1209 masked %broadcast_in_dim3A_1211 : vector<16xf32>, vector<16xi1> -> vector<16xf32>
      %add3A_1213 = vector.broadcast %squeeze3A_1204 : f32 to vector<16xf32>
      %add3A_1214 = arith.addf %masked_cumsum3A_1212, %add3A_1213 : vector<16xf32>
      %swap3A_1215 = arith.constant 6 : i32
      %swap3A_1216 = arith.index_cast %scan3A_346 : i32 to index
      %swap3A_1217 = arith.index_cast %swap3A_1215 : i32 to index
      %swap3A_1218 = arith.constant 32 : index
      %swap3A_1219 = tpu.vector_load %arg7[%swap3A_1216, %swap3A_1217, %swap3A_1218] {strides = array<i32>} : memref<16x8x128xf32, #tpu.memory_space<vmem>>, vector<16xf32>,
      tpu.vector_store %arg7[%swap3A_1216, %swap3A_1217, %swap3A_1218], %add3A_1214 {strides = array<i32>} : memref<16x8x128xf32, #tpu.memory_space<vmem>>, vector<16xf32>,
      %slice3A_1220 = vector.extract_strided_slice %add3A_1214 {offsets = [15], sizes = [1], strides = [1]} : vector<16xf32> to vector<1xf32>
      %squeeze3A_1221 = vector.extract %slice3A_1220[0] : f32 from vector<1xf32>
      %get3A_1222 = arith.constant 6 : i32
      %get3A_1223 = arith.index_cast %scan3A_346 : i32 to index
      %get3A_1224 = arith.index_cast %get3A_1222 : i32 to index
      %get3A_1225 = arith.constant 48 : index
      %get3A_1226 = tpu.vector_load %arg7[%get3A_1223, %get3A_1224, %get3A_1225] {strides = array<i32>} : memref<16x8x128xf32, #tpu.memory_space<vmem>>, vector<16xf32>,
      %broadcast_in_dim3A_1227 = arith.constant true
      %broadcast_in_dim3A_1228 = vector.broadcast %broadcast_in_dim3A_1227 : i1 to vector<16xi1>
      %masked_cumsum3A_1229 = tpu.scan <sum>, %get3A_1226 masked %broadcast_in_dim3A_1228 : vector<16xf32>, vector<16xi1> -> vector<16xf32>
      %add3A_1230 = vector.broadcast %squeeze3A_1221 : f32 to vector<16xf32>
      %add3A_1231 = arith.addf %masked_cumsum3A_1229, %add3A_1230 : vector<16xf32>
      %swap3A_1232 = arith.constant 6 : i32
      %swap3A_1233 = arith.index_cast %scan3A_346 : i32 to index
      %swap3A_1234 = arith.index_cast %swap3A_1232 : i32 to index
      %swap3A_1235 = arith.constant 48 : index
      %swap3A_1236 = tpu.vector_load %arg7[%swap3A_1233, %swap3A_1234, %swap3A_1235] {strides = array<i32>} : memref<16x8x128xf32, #tpu.memory_space<vmem>>, vector<16xf32>,
      tpu.vector_store %arg7[%swap3A_1233, %swap3A_1234, %swap3A_1235], %add3A_1231 {strides = array<i32>} : memref<16x8x128xf32, #tpu.memory_space<vmem>>, vector<16xf32>,
      %slice3A_1237 = vector.extract_strided_slice %add3A_1231 {offsets = [15], sizes = [1], strides = [1]} : vector<16xf32> to vector<1xf32>
      %squeeze3A_1238 = vector.extract %slice3A_1237[0] : f32 from vector<1xf32>
      %get3A_1239 = arith.constant 6 : i32
      %get3A_1240 = arith.index_cast %scan3A_346 : i32 to index
      %get3A_1241 = arith.index_cast %get3A_1239 : i32 to index
      %get3A_1242 = arith.constant 64 : index
      %get3A_1243 = tpu.vector_load %arg7[%get3A_1240, %get3A_1241, %get3A_1242] {strides = array<i32>} : memref<16x8x128xf32, #tpu.memory_space<vmem>>, vector<16xf32>,
      %broadcast_in_dim3A_1244 = arith.constant true
      %broadcast_in_dim3A_1245 = vector.broadcast %broadcast_in_dim3A_1244 : i1 to vector<16xi1>
      %masked_cumsum3A_1246 = tpu.scan <sum>, %get3A_1243 masked %broadcast_in_dim3A_1245 : vector<16xf32>, vector<16xi1> -> vector<16xf32>
      %add3A_1247 = arith.constant 0.000000e+00 : f32
      %add3A_1248 = vector.broadcast %add3A_1247 : f32 to vector<16xf32>
      %add3A_1249 = arith.addf %masked_cumsum3A_1246, %add3A_1248 : vector<16xf32>
      %swap3A_1250 = arith.constant 6 : i32
      %swap3A_1251 = arith.index_cast %scan3A_346 : i32 to index
      %swap3A_1252 = arith.index_cast %swap3A_1250 : i32 to index
      %swap3A_1253 = arith.constant 64 : index
      %swap3A_1254 = tpu.vector_load %arg7[%swap3A_1251, %swap3A_1252, %swap3A_1253] {strides = array<i32>} : memref<16x8x128xf32, #tpu.memory_space<vmem>>, vector<16xf32>,
      tpu.vector_store %arg7[%swap3A_1251, %swap3A_1252, %swap3A_1253], %add3A_1249 {strides = array<i32>} : memref<16x8x128xf32, #tpu.memory_space<vmem>>, vector<16xf32>,
      %slice3A_1255 = vector.extract_strided_slice %add3A_1249 {offsets = [15], sizes = [1], strides = [1]} : vector<16xf32> to vector<1xf32>
      %squeeze3A_1256 = vector.extract %slice3A_1255[0] : f32 from vector<1xf32>
      %get3A_1257 = arith.constant 6 : i32
      %get3A_1258 = arith.index_cast %scan3A_346 : i32 to index
      %get3A_1259 = arith.index_cast %get3A_1257 : i32 to index
      %get3A_1260 = arith.constant 80 : index
      %get3A_1261 = tpu.vector_load %arg7[%get3A_1258, %get3A_1259, %get3A_1260] {strides = array<i32>} : memref<16x8x128xf32, #tpu.memory_space<vmem>>, vector<16xf32>,
      %broadcast_in_dim3A_1262 = arith.constant true
      %broadcast_in_dim3A_1263 = vector.broadcast %broadcast_in_dim3A_1262 : i1 to vector<16xi1>
      %masked_cumsum3A_1264 = tpu.scan <sum>, %get3A_1261 masked %broadcast_in_dim3A_1263 : vector<16xf32>, vector<16xi1> -> vector<16xf32>
      %add3A_1265 = vector.broadcast %squeeze3A_1256 : f32 to vector<16xf32>
      %add3A_1266 = arith.addf %masked_cumsum3A_1264, %add3A_1265 : vector<16xf32>
      %swap3A_1267 = arith.constant 6 : i32
      %swap3A_1268 = arith.index_cast %scan3A_346 : i32 to index
      %swap3A_1269 = arith.index_cast %swap3A_1267 : i32 to index
      %swap3A_1270 = arith.constant 80 : index
      %swap3A_1271 = tpu.vector_load %arg7[%swap3A_1268, %swap3A_1269, %swap3A_1270] {strides = array<i32>} : memref<16x8x128xf32, #tpu.memory_space<vmem>>, vector<16xf32>,
      tpu.vector_store %arg7[%swap3A_1268, %swap3A_1269, %swap3A_1270], %add3A_1266 {strides = array<i32>} : memref<16x8x128xf32, #tpu.memory_space<vmem>>, vector<16xf32>,
      %slice3A_1272 = vector.extract_strided_slice %add3A_1266 {offsets = [15], sizes = [1], strides = [1]} : vector<16xf32> to vector<1xf32>
      %squeeze3A_1273 = vector.extract %slice3A_1272[0] : f32 from vector<1xf32>
      %get3A_1274 = arith.constant 6 : i32
      %get3A_1275 = arith.index_cast %scan3A_346 : i32 to index
      %get3A_1276 = arith.index_cast %get3A_1274 : i32 to index
      %get3A_1277 = arith.constant 96 : index
      %get3A_1278 = tpu.vector_load %arg7[%get3A_1275, %get3A_1276, %get3A_1277] {strides = array<i32>} : memref<16x8x128xf32, #tpu.memory_space<vmem>>, vector<16xf32>,
      %broadcast_in_dim3A_1279 = arith.constant true
      %broadcast_in_dim3A_1280 = vector.broadcast %broadcast_in_dim3A_1279 : i1 to vector<16xi1>
      %masked_cumsum3A_1281 = tpu.scan <sum>, %get3A_1278 masked %broadcast_in_dim3A_1280 : vector<16xf32>, vector<16xi1> -> vector<16xf32>
      %add3A_1282 = vector.broadcast %squeeze3A_1273 : f32 to vector<16xf32>
      %add3A_1283 = arith.addf %masked_cumsum3A_1281, %add3A_1282 : vector<16xf32>
      %swap3A_1284 = arith.constant 6 : i32
      %swap3A_1285 = arith.index_cast %scan3A_346 : i32 to index
      %swap3A_1286 = arith.index_cast %swap3A_1284 : i32 to index
      %swap3A_1287 = arith.constant 96 : index
      %swap3A_1288 = tpu.vector_load %arg7[%swap3A_1285, %swap3A_1286, %swap3A_1287] {strides = array<i32>} : memref<16x8x128xf32, #tpu.memory_space<vmem>>, vector<16xf32>,
      tpu.vector_store %arg7[%swap3A_1285, %swap3A_1286, %swap3A_1287], %add3A_1283 {strides = array<i32>} : memref<16x8x128xf32, #tpu.memory_space<vmem>>, vector<16xf32>,
      %slice3A_1289 = vector.extract_strided_slice %add3A_1283 {offsets = [15], sizes = [1], strides = [1]} : vector<16xf32> to vector<1xf32>
      %squeeze3A_1290 = vector.extract %slice3A_1289[0] : f32 from vector<1xf32>
      %get3A_1291 = arith.constant 6 : i32
      %get3A_1292 = arith.index_cast %scan3A_346 : i32 to index
      %get3A_1293 = arith.index_cast %get3A_1291 : i32 to index
      %get3A_1294 = arith.constant 112 : index
      %get3A_1295 = tpu.vector_load %arg7[%get3A_1292, %get3A_1293, %get3A_1294] {strides = array<i32>} : memref<16x8x128xf32, #tpu.memory_space<vmem>>, vector<16xf32>,
      %broadcast_in_dim3A_1296 = arith.constant true
      %broadcast_in_dim3A_1297 = vector.broadcast %broadcast_in_dim3A_1296 : i1 to vector<16xi1>
      %masked_cumsum3A_1298 = tpu.scan <sum>, %get3A_1295 masked %broadcast_in_dim3A_1297 : vector<16xf32>, vector<16xi1> -> vector<16xf32>
      %add3A_1299 = vector.broadcast %squeeze3A_1290 : f32 to vector<16xf32>
      %add3A_1300 = arith.addf %masked_cumsum3A_1298, %add3A_1299 : vector<16xf32>
      %swap3A_1301 = arith.constant 6 : i32
      %swap3A_1302 = arith.index_cast %scan3A_346 : i32 to index
      %swap3A_1303 = arith.index_cast %swap3A_1301 : i32 to index
      %swap3A_1304 = arith.constant 112 : index
      %swap3A_1305 = tpu.vector_load %arg7[%swap3A_1302, %swap3A_1303, %swap3A_1304] {strides = array<i32>} : memref<16x8x128xf32, #tpu.memory_space<vmem>>, vector<16xf32>,
      tpu.vector_store %arg7[%swap3A_1302, %swap3A_1303, %swap3A_1304], %add3A_1300 {strides = array<i32>} : memref<16x8x128xf32, #tpu.memory_space<vmem>>, vector<16xf32>,
      %slice3A_1306 = vector.extract_strided_slice %add3A_1300 {offsets = [15], sizes = [1], strides = [1]} : vector<16xf32> to vector<1xf32>
      %squeeze3A_1307 = vector.extract %slice3A_1306[0] : f32 from vector<1xf32>
      %get3A_1308 = arith.constant 7 : i32
      %get3A_1309 = arith.index_cast %scan3A_346 : i32 to index
      %get3A_1310 = arith.index_cast %get3A_1308 : i32 to index
      %get3A_1311 = arith.constant 0 : index
      %get3A_1312 = tpu.vector_load %arg7[%get3A_1309, %get3A_1310, %get3A_1311] {strides = array<i32>} : memref<16x8x128xf32, #tpu.memory_space<vmem>>, vector<16xf32>,
      %broadcast_in_dim3A_1313 = arith.constant true
      %broadcast_in_dim3A_1314 = vector.broadcast %broadcast_in_dim3A_1313 : i1 to vector<16xi1>
      %masked_cumsum3A_1315 = tpu.scan <sum>, %get3A_1312 masked %broadcast_in_dim3A_1314 : vector<16xf32>, vector<16xi1> -> vector<16xf32>
      %add3A_1316 = arith.constant 0.000000e+00 : f32
      %add3A_1317 = vector.broadcast %add3A_1316 : f32 to vector<16xf32>
      %add3A_1318 = arith.addf %masked_cumsum3A_1315, %add3A_1317 : vector<16xf32>
      %swap3A_1319 = arith.constant 7 : i32
      %swap3A_1320 = arith.index_cast %scan3A_346 : i32 to index
      %swap3A_1321 = arith.index_cast %swap3A_1319 : i32 to index
      %swap3A_1322 = arith.constant 0 : index
      %swap3A_1323 = tpu.vector_load %arg7[%swap3A_1320, %swap3A_1321, %swap3A_1322] {strides = array<i32>} : memref<16x8x128xf32, #tpu.memory_space<vmem>>, vector<16xf32>,
      tpu.vector_store %arg7[%swap3A_1320, %swap3A_1321, %swap3A_1322], %add3A_1318 {strides = array<i32>} : memref<16x8x128xf32, #tpu.memory_space<vmem>>, vector<16xf32>,
      %slice3A_1324 = vector.extract_strided_slice %add3A_1318 {offsets = [15], sizes = [1], strides = [1]} : vector<16xf32> to vector<1xf32>
      %squeeze3A_1325 = vector.extract %slice3A_1324[0] : f32 from vector<1xf32>
      %get3A_1326 = arith.constant 7 : i32
      %get3A_1327 = arith.index_cast %scan3A_346 : i32 to index
      %get3A_1328 = arith.index_cast %get3A_1326 : i32 to index
      %get3A_1329 = arith.constant 16 : index
      %get3A_1330 = tpu.vector_load %arg7[%get3A_1327, %get3A_1328, %get3A_1329] {strides = array<i32>} : memref<16x8x128xf32, #tpu.memory_space<vmem>>, vector<16xf32>,
      %broadcast_in_dim3A_1331 = arith.constant true
      %broadcast_in_dim3A_1332 = vector.broadcast %broadcast_in_dim3A_1331 : i1 to vector<16xi1>
      %masked_cumsum3A_1333 = tpu.scan <sum>, %get3A_1330 masked %broadcast_in_dim3A_1332 : vector<16xf32>, vector<16xi1> -> vector<16xf32>
      %add3A_1334 = vector.broadcast %squeeze3A_1325 : f32 to vector<16xf32>
      %add3A_1335 = arith.addf %masked_cumsum3A_1333, %add3A_1334 : vector<16xf32>
      %swap3A_1336 = arith.constant 7 : i32
      %swap3A_1337 = arith.index_cast %scan3A_346 : i32 to index
      %swap3A_1338 = arith.index_cast %swap3A_1336 : i32 to index
      %swap3A_1339 = arith.constant 16 : index
      %swap3A_1340 = tpu.vector_load %arg7[%swap3A_1337, %swap3A_1338, %swap3A_1339] {strides = array<i32>} : memref<16x8x128xf32, #tpu.memory_space<vmem>>, vector<16xf32>,
      tpu.vector_store %arg7[%swap3A_1337, %swap3A_1338, %swap3A_1339], %add3A_1335 {strides = array<i32>} : memref<16x8x128xf32, #tpu.memory_space<vmem>>, vector<16xf32>,
      %slice3A_1341 = vector.extract_strided_slice %add3A_1335 {offsets = [15], sizes = [1], strides = [1]} : vector<16xf32> to vector<1xf32>
      %squeeze3A_1342 = vector.extract %slice3A_1341[0] : f32 from vector<1xf32>
      %get3A_1343 = arith.constant 7 : i32
      %get3A_1344 = arith.index_cast %scan3A_346 : i32 to index
      %get3A_1345 = arith.index_cast %get3A_1343 : i32 to index
      %get3A_1346 = arith.constant 32 : index
      %get3A_1347 = tpu.vector_load %arg7[%get3A_1344, %get3A_1345, %get3A_1346] {strides = array<i32>} : memref<16x8x128xf32, #tpu.memory_space<vmem>>, vector<16xf32>,
      %broadcast_in_dim3A_1348 = arith.constant true
      %broadcast_in_dim3A_1349 = vector.broadcast %broadcast_in_dim3A_1348 : i1 to vector<16xi1>
      %masked_cumsum3A_1350 = tpu.scan <sum>, %get3A_1347 masked %broadcast_in_dim3A_1349 : vector<16xf32>, vector<16xi1> -> vector<16xf32>
      %add3A_1351 = vector.broadcast %squeeze3A_1342 : f32 to vector<16xf32>
      %add3A_1352 = arith.addf %masked_cumsum3A_1350, %add3A_1351 : vector<16xf32>
      %swap3A_1353 = arith.constant 7 : i32
      %swap3A_1354 = arith.index_cast %scan3A_346 : i32 to index
      %swap3A_1355 = arith.index_cast %swap3A_1353 : i32 to index
      %swap3A_1356 = arith.constant 32 : index
      %swap3A_1357 = tpu.vector_load %arg7[%swap3A_1354, %swap3A_1355, %swap3A_1356] {strides = array<i32>} : memref<16x8x128xf32, #tpu.memory_space<vmem>>, vector<16xf32>,
      tpu.vector_store %arg7[%swap3A_1354, %swap3A_1355, %swap3A_1356], %add3A_1352 {strides = array<i32>} : memref<16x8x128xf32, #tpu.memory_space<vmem>>, vector<16xf32>,
      %slice3A_1358 = vector.extract_strided_slice %add3A_1352 {offsets = [15], sizes = [1], strides = [1]} : vector<16xf32> to vector<1xf32>
      %squeeze3A_1359 = vector.extract %slice3A_1358[0] : f32 from vector<1xf32>
      %get3A_1360 = arith.constant 7 : i32
      %get3A_1361 = arith.index_cast %scan3A_346 : i32 to index
      %get3A_1362 = arith.index_cast %get3A_1360 : i32 to index
      %get3A_1363 = arith.constant 48 : index
      %get3A_1364 = tpu.vector_load %arg7[%get3A_1361, %get3A_1362, %get3A_1363] {strides = array<i32>} : memref<16x8x128xf32, #tpu.memory_space<vmem>>, vector<16xf32>,
      %broadcast_in_dim3A_1365 = arith.constant true
      %broadcast_in_dim3A_1366 = vector.broadcast %broadcast_in_dim3A_1365 : i1 to vector<16xi1>
      %masked_cumsum3A_1367 = tpu.scan <sum>, %get3A_1364 masked %broadcast_in_dim3A_1366 : vector<16xf32>, vector<16xi1> -> vector<16xf32>
      %add3A_1368 = vector.broadcast %squeeze3A_1359 : f32 to vector<16xf32>
      %add3A_1369 = arith.addf %masked_cumsum3A_1367, %add3A_1368 : vector<16xf32>
      %swap3A_1370 = arith.constant 7 : i32
      %swap3A_1371 = arith.index_cast %scan3A_346 : i32 to index
      %swap3A_1372 = arith.index_cast %swap3A_1370 : i32 to index
      %swap3A_1373 = arith.constant 48 : index
      %swap3A_1374 = tpu.vector_load %arg7[%swap3A_1371, %swap3A_1372, %swap3A_1373] {strides = array<i32>} : memref<16x8x128xf32, #tpu.memory_space<vmem>>, vector<16xf32>,
      tpu.vector_store %arg7[%swap3A_1371, %swap3A_1372, %swap3A_1373], %add3A_1369 {strides = array<i32>} : memref<16x8x128xf32, #tpu.memory_space<vmem>>, vector<16xf32>,
      %slice3A_1375 = vector.extract_strided_slice %add3A_1369 {offsets = [15], sizes = [1], strides = [1]} : vector<16xf32> to vector<1xf32>
      %squeeze3A_1376 = vector.extract %slice3A_1375[0] : f32 from vector<1xf32>
      %get3A_1377 = arith.constant 7 : i32
      %get3A_1378 = arith.index_cast %scan3A_346 : i32 to index
      %get3A_1379 = arith.index_cast %get3A_1377 : i32 to index
      %get3A_1380 = arith.constant 64 : index
      %get3A_1381 = tpu.vector_load %arg7[%get3A_1378, %get3A_1379, %get3A_1380] {strides = array<i32>} : memref<16x8x128xf32, #tpu.memory_space<vmem>>, vector<16xf32>,
      %broadcast_in_dim3A_1382 = arith.constant true
      %broadcast_in_dim3A_1383 = vector.broadcast %broadcast_in_dim3A_1382 : i1 to vector<16xi1>
      %masked_cumsum3A_1384 = tpu.scan <sum>, %get3A_1381 masked %broadcast_in_dim3A_1383 : vector<16xf32>, vector<16xi1> -> vector<16xf32>
      %add3A_1385 = arith.constant 0.000000e+00 : f32
      %add3A_1386 = vector.broadcast %add3A_1385 : f32 to vector<16xf32>
      %add3A_1387 = arith.addf %masked_cumsum3A_1384, %add3A_1386 : vector<16xf32>
      %swap3A_1388 = arith.constant 7 : i32
      %swap3A_1389 = arith.index_cast %scan3A_346 : i32 to index
      %swap3A_1390 = arith.index_cast %swap3A_1388 : i32 to index
      %swap3A_1391 = arith.constant 64 : index
      %swap3A_1392 = tpu.vector_load %arg7[%swap3A_1389, %swap3A_1390, %swap3A_1391] {strides = array<i32>} : memref<16x8x128xf32, #tpu.memory_space<vmem>>, vector<16xf32>,
      tpu.vector_store %arg7[%swap3A_1389, %swap3A_1390, %swap3A_1391], %add3A_1387 {strides = array<i32>} : memref<16x8x128xf32, #tpu.memory_space<vmem>>, vector<16xf32>,
      %slice3A_1393 = vector.extract_strided_slice %add3A_1387 {offsets = [15], sizes = [1], strides = [1]} : vector<16xf32> to vector<1xf32>
      %squeeze3A_1394 = vector.extract %slice3A_1393[0] : f32 from vector<1xf32>
      %get3A_1395 = arith.constant 7 : i32
      %get3A_1396 = arith.index_cast %scan3A_346 : i32 to index
      %get3A_1397 = arith.index_cast %get3A_1395 : i32 to index
      %get3A_1398 = arith.constant 80 : index
      %get3A_1399 = tpu.vector_load %arg7[%get3A_1396, %get3A_1397, %get3A_1398] {strides = array<i32>} : memref<16x8x128xf32, #tpu.memory_space<vmem>>, vector<16xf32>,
      %broadcast_in_dim3A_1400 = arith.constant true
      %broadcast_in_dim3A_1401 = vector.broadcast %broadcast_in_dim3A_1400 : i1 to vector<16xi1>
      %masked_cumsum3A_1402 = tpu.scan <sum>, %get3A_1399 masked %broadcast_in_dim3A_1401 : vector<16xf32>, vector<16xi1> -> vector<16xf32>
      %add3A_1403 = vector.broadcast %squeeze3A_1394 : f32 to vector<16xf32>
      %add3A_1404 = arith.addf %masked_cumsum3A_1402, %add3A_1403 : vector<16xf32>
      %swap3A_1405 = arith.constant 7 : i32
      %swap3A_1406 = arith.index_cast %scan3A_346 : i32 to index
      %swap3A_1407 = arith.index_cast %swap3A_1405 : i32 to index
      %swap3A_1408 = arith.constant 80 : index
      %swap3A_1409 = tpu.vector_load %arg7[%swap3A_1406, %swap3A_1407, %swap3A_1408] {strides = array<i32>} : memref<16x8x128xf32, #tpu.memory_space<vmem>>, vector<16xf32>,
      tpu.vector_store %arg7[%swap3A_1406, %swap3A_1407, %swap3A_1408], %add3A_1404 {strides = array<i32>} : memref<16x8x128xf32, #tpu.memory_space<vmem>>, vector<16xf32>,
      %slice3A_1410 = vector.extract_strided_slice %add3A_1404 {offsets = [15], sizes = [1], strides = [1]} : vector<16xf32> to vector<1xf32>
      %squeeze3A_1411 = vector.extract %slice3A_1410[0] : f32 from vector<1xf32>
      %get3A_1412 = arith.constant 7 : i32
      %get3A_1413 = arith.index_cast %scan3A_346 : i32 to index
      %get3A_1414 = arith.index_cast %get3A_1412 : i32 to index
      %get3A_1415 = arith.constant 96 : index
      %get3A_1416 = tpu.vector_load %arg7[%get3A_1413, %get3A_1414, %get3A_1415] {strides = array<i32>} : memref<16x8x128xf32, #tpu.memory_space<vmem>>, vector<16xf32>,
      %broadcast_in_dim3A_1417 = arith.constant true
      %broadcast_in_dim3A_1418 = vector.broadcast %broadcast_in_dim3A_1417 : i1 to vector<16xi1>
      %masked_cumsum3A_1419 = tpu.scan <sum>, %get3A_1416 masked %broadcast_in_dim3A_1418 : vector<16xf32>, vector<16xi1> -> vector<16xf32>
      %add3A_1420 = vector.broadcast %squeeze3A_1411 : f32 to vector<16xf32>
      %add3A_1421 = arith.addf %masked_cumsum3A_1419, %add3A_1420 : vector<16xf32>
      %swap3A_1422 = arith.constant 7 : i32
      %swap3A_1423 = arith.index_cast %scan3A_346 : i32 to index
      %swap3A_1424 = arith.index_cast %swap3A_1422 : i32 to index
      %swap3A_1425 = arith.constant 96 : index
      %swap3A_1426 = tpu.vector_load %arg7[%swap3A_1423, %swap3A_1424, %swap3A_1425] {strides = array<i32>} : memref<16x8x128xf32, #tpu.memory_space<vmem>>, vector<16xf32>,
      tpu.vector_store %arg7[%swap3A_1423, %swap3A_1424, %swap3A_1425], %add3A_1421 {strides = array<i32>} : memref<16x8x128xf32, #tpu.memory_space<vmem>>, vector<16xf32>,
      %slice3A_1427 = vector.extract_strided_slice %add3A_1421 {offsets = [15], sizes = [1], strides = [1]} : vector<16xf32> to vector<1xf32>
      %squeeze3A_1428 = vector.extract %slice3A_1427[0] : f32 from vector<1xf32>
      %get3A_1429 = arith.constant 7 : i32
      %get3A_1430 = arith.index_cast %scan3A_346 : i32 to index
      %get3A_1431 = arith.index_cast %get3A_1429 : i32 to index
      %get3A_1432 = arith.constant 112 : index
      %get3A_1433 = tpu.vector_load %arg7[%get3A_1430, %get3A_1431, %get3A_1432] {strides = array<i32>} : memref<16x8x128xf32, #tpu.memory_space<vmem>>, vector<16xf32>,
      %broadcast_in_dim3A_1434 = arith.constant true
      %broadcast_in_dim3A_1435 = vector.broadcast %broadcast_in_dim3A_1434 : i1 to vector<16xi1>
      %masked_cumsum3A_1436 = tpu.scan <sum>, %get3A_1433 masked %broadcast_in_dim3A_1435 : vector<16xf32>, vector<16xi1> -> vector<16xf32>
      %add3A_1437 = vector.broadcast %squeeze3A_1428 : f32 to vector<16xf32>
      %add3A_1438 = arith.addf %masked_cumsum3A_1436, %add3A_1437 : vector<16xf32>
      %swap3A_1439 = arith.constant 7 : i32
      %swap3A_1440 = arith.index_cast %scan3A_346 : i32 to index
      %swap3A_1441 = arith.index_cast %swap3A_1439 : i32 to index
      %swap3A_1442 = arith.constant 112 : index
      %swap3A_1443 = tpu.vector_load %arg7[%swap3A_1440, %swap3A_1441, %swap3A_1442] {strides = array<i32>} : memref<16x8x128xf32, #tpu.memory_space<vmem>>, vector<16xf32>,
      tpu.vector_store %arg7[%swap3A_1440, %swap3A_1441, %swap3A_1442], %add3A_1438 {strides = array<i32>} : memref<16x8x128xf32, #tpu.memory_space<vmem>>, vector<16xf32>,
      %slice3A_1444 = vector.extract_strided_slice %add3A_1438 {offsets = [15], sizes = [1], strides = [1]} : vector<16xf32> to vector<1xf32>
      %squeeze3A_1445 = vector.extract %slice3A_1444[0] : f32 from vector<1xf32>
      %scan3A_1446 = arith.constant 0 : i32
      scf.yield %scan3A_1446 : i32
    }
    %scan3A_295 = arith.constant 16 : i32
    %dma_start3A_296 = arith.constant 16 : i32
    %dma_start3A_297 = arith.constant 0 : i32
    %dma_start3A_298 = arith.constant 0 : i32
    %dma_start3A_299 = tpu.memref_slice %arg3[%select_n3A_144, %select_n3A_160, %dma_start3A_296, %dma_start3A_297, %dma_start3A_298] : memref<16x4x32x8x128xf32, #tpu.memory_space<hbm>> -> memref<1x1x16x8x128xf32, #tpu.memory_space<hbm>>
    %dma_start3A_300 = tpu.memref_squeeze %dma_start3A_299 : memref<1x1x16x8x128xf32, #tpu.memory_space<hbm>> -> memref<16x8x128xf32, #tpu.memory_space<hbm>>
    %dma_start3A_301 = arith.constant 16 : i32
    %dma_start3A_302 = arith.constant 0 : i32
    %dma_start3A_303 = arith.constant 0 : i32
    %dma_start3A_304 = tpu.memref_slice %arg3[%select_n3A_144, %select_n3A_160, %dma_start3A_301, %dma_start3A_302, %dma_start3A_303] : memref<16x4x32x8x128xf32, #tpu.memory_space<hbm>> -> memref<1x1x16x8x128xf32, #tpu.memory_space<hbm>>
    %dma_start3A_305 = tpu.memref_squeeze %dma_start3A_304 : memref<1x1x16x8x128xf32, #tpu.memory_space<hbm>> -> memref<16x8x128xf32, #tpu.memory_space<hbm>>
    tpu.enqueue_dma source(%arg7 : memref<16x8x128xf32, #tpu.memory_space<vmem>>) target(%dma_start3A_305 : memref<16x8x128xf32, #tpu.memory_space<hbm>>) target_semaphore(%arg15 : memref<!tpu.dma_semaphore, #tpu.memory_space<semaphore_mem>>)
    %dma_wait3A_306 = arith.constant 0 : i32
    %dma_wait3A_307 = arith.constant 0 : i32
    %dma_wait3A_308 = arith.constant 0 : i32
    %dma_wait3A_309 = tpu.memref_slice %arg3[%select_n3A, %select_n3A_34, %dma_wait3A_306, %dma_wait3A_307, %dma_wait3A_308] : memref<16x4x32x8x128xf32, #tpu.memory_space<hbm>> -> memref<1x1x16x8x128xf32, #tpu.memory_space<hbm>>
    %dma_wait3A_310 = tpu.memref_squeeze %dma_wait3A_309 : memref<1x1x16x8x128xf32, #tpu.memory_space<hbm>> -> memref<16x8x128xf32, #tpu.memory_space<hbm>>
    %dma_wait3A_311 = arith.constant 0 : i32
    %dma_wait3A_312 = arith.constant 0 : i32
    %dma_wait3A_313 = arith.constant 0 : i32
    %dma_wait3A_314 = tpu.memref_slice %arg3[%select_n3A, %select_n3A_34, %dma_wait3A_311, %dma_wait3A_312, %dma_wait3A_313] : memref<16x4x32x8x128xf32, #tpu.memory_space<hbm>> -> memref<1x1x16x8x128xf32, #tpu.memory_space<hbm>>
    %dma_wait3A_315 = tpu.memref_squeeze %dma_wait3A_314 : memref<1x1x16x8x128xf32, #tpu.memory_space<hbm>> -> memref<16x8x128xf32, #tpu.memory_space<hbm>>
    tpu.wait_dma2 semaphore(%arg12 : memref<!tpu.dma_semaphore, #tpu.memory_space<semaphore_mem>>) src(%arg4 : memref<16x8x128xf32, #tpu.memory_space<vmem>>) dst(%dma_wait3A_315 : memref<16x8x128xf32, #tpu.memory_space<hbm>>)
    %dma_wait3A_316 = arith.constant 16 : i32
    %dma_wait3A_317 = arith.constant 0 : i32
    %dma_wait3A_318 = arith.constant 0 : i32
    %dma_wait3A_319 = tpu.memref_slice %arg3[%select_n3A_60, %select_n3A_76, %dma_wait3A_316, %dma_wait3A_317, %dma_wait3A_318] : memref<16x4x32x8x128xf32, #tpu.memory_space<hbm>> -> memref<1x1x16x8x128xf32, #tpu.memory_space<hbm>>
    %dma_wait3A_320 = tpu.memref_squeeze %dma_wait3A_319 : memref<1x1x16x8x128xf32, #tpu.memory_space<hbm>> -> memref<16x8x128xf32, #tpu.memory_space<hbm>>
    %dma_wait3A_321 = arith.constant 16 : i32
    %dma_wait3A_322 = arith.constant 0 : i32
    %dma_wait3A_323 = arith.constant 0 : i32
    %dma_wait3A_324 = tpu.memref_slice %arg3[%select_n3A_60, %select_n3A_76, %dma_wait3A_321, %dma_wait3A_322, %dma_wait3A_323] : memref<16x4x32x8x128xf32, #tpu.memory_space<hbm>> -> memref<1x1x16x8x128xf32, #tpu.memory_space<hbm>>
    %dma_wait3A_325 = tpu.memref_squeeze %dma_wait3A_324 : memref<1x1x16x8x128xf32, #tpu.memory_space<hbm>> -> memref<16x8x128xf32, #tpu.memory_space<hbm>>
    tpu.wait_dma2 semaphore(%arg13 : memref<!tpu.dma_semaphore, #tpu.memory_space<semaphore_mem>>) src(%arg5 : memref<16x8x128xf32, #tpu.memory_space<vmem>>) dst(%dma_wait3A_325 : memref<16x8x128xf32, #tpu.memory_space<hbm>>)
    %dma_wait3A_326 = arith.constant 0 : i32
    %dma_wait3A_327 = arith.constant 0 : i32
    %dma_wait3A_328 = arith.constant 0 : i32
    %dma_wait3A_329 = tpu.memref_slice %arg3[%select_n3A_102, %select_n3A_118, %dma_wait3A_326, %dma_wait3A_327, %dma_wait3A_328] : memref<16x4x32x8x128xf32, #tpu.memory_space<hbm>> -> memref<1x1x16x8x128xf32, #tpu.memory_space<hbm>>
    %dma_wait3A_330 = tpu.memref_squeeze %dma_wait3A_329 : memref<1x1x16x8x128xf32, #tpu.memory_space<hbm>> -> memref<16x8x128xf32, #tpu.memory_space<hbm>>
    %dma_wait3A_331 = arith.constant 0 : i32
    %dma_wait3A_332 = arith.constant 0 : i32
    %dma_wait3A_333 = arith.constant 0 : i32
    %dma_wait3A_334 = tpu.memref_slice %arg3[%select_n3A_102, %select_n3A_118, %dma_wait3A_331, %dma_wait3A_332, %dma_wait3A_333] : memref<16x4x32x8x128xf32, #tpu.memory_space<hbm>> -> memref<1x1x16x8x128xf32, #tpu.memory_space<hbm>>
    %dma_wait3A_335 = tpu.memref_squeeze %dma_wait3A_334 : memref<1x1x16x8x128xf32, #tpu.memory_space<hbm>> -> memref<16x8x128xf32, #tpu.memory_space<hbm>>
    tpu.wait_dma2 semaphore(%arg14 : memref<!tpu.dma_semaphore, #tpu.memory_space<semaphore_mem>>) src(%arg6 : memref<16x8x128xf32, #tpu.memory_space<vmem>>) dst(%dma_wait3A_335 : memref<16x8x128xf32, #tpu.memory_space<hbm>>)
    %dma_wait3A_336 = arith.constant 16 : i32
    %dma_wait3A_337 = arith.constant 0 : i32
    %dma_wait3A_338 = arith.constant 0 : i32
    %dma_wait3A_339 = tpu.memref_slice %arg3[%select_n3A_144, %select_n3A_160, %dma_wait3A_336, %dma_wait3A_337, %dma_wait3A_338] : memref<16x4x32x8x128xf32, #tpu.memory_space<hbm>> -> memref<1x1x16x8x128xf32, #tpu.memory_space<hbm>>
    %dma_wait3A_340 = tpu.memref_squeeze %dma_wait3A_339 : memref<1x1x16x8x128xf32, #tpu.memory_space<hbm>> -> memref<16x8x128xf32, #tpu.memory_space<hbm>>
    %dma_wait3A_341 = arith.constant 16 : i32
    %dma_wait3A_342 = arith.constant 0 : i32
    %dma_wait3A_343 = arith.constant 0 : i32
    %dma_wait3A_344 = tpu.memref_slice %arg3[%select_n3A_144, %select_n3A_160, %dma_wait3A_341, %dma_wait3A_342, %dma_wait3A_343] : memref<16x4x32x8x128xf32, #tpu.memory_space<hbm>> -> memref<1x1x16x8x128xf32, #tpu.memory_space<hbm>>
    %dma_wait3A_345 = tpu.memref_squeeze %dma_wait3A_344 : memref<1x1x16x8x128xf32, #tpu.memory_space<hbm>> -> memref<16x8x128xf32, #tpu.memory_space<hbm>>
    tpu.wait_dma2 semaphore(%arg15 : memref<!tpu.dma_semaphore, #tpu.memory_space<semaphore_mem>>) src(%arg7 : memref<16x8x128xf32, #tpu.memory_space<vmem>>) dst(%dma_wait3A_345 : memref<16x8x128xf32, #tpu.memory_space<hbm>>)
    return
  }
}

</mosaic_0001>

<sc_bundles>
// kernel: kernel.3.cloned.1.call-start
scs
__scs_entry_jumppad:
0x0: {  	(pc) =	sbr.rel $0x88, $3  }
0x1: {  	(tag) =	ssettag $0x0;
	lr =	simm.s32 $0x1  }
0x2: {  	[smem:$0x3FA0] =	sst lr;
	_ =	strace $0xD0000000  }
0x3: {  	_ = 	snop  }
0x4: {  	_ = 	snop  }
0x5: {  	_ = 	snop  }
0x6: {  	_ = 	snop  }
0x7: {  	_ = 	snop  }
__scs_overlays_trampoline_lowered:
0x8: {  	[smem:$0x3FAF] =	sst s0  }
0x9: {  	[smem:$0x3FB0] =	sst s1  }
0xa: {  	[smem:$0x3FB1] =	sst s2  }
0xb: {  	[smem:$0x3FB2] =	sst s3  }
0xc: {  	[smem:$0x3FB3] =	sst s4  }
0xd: {  	[smem:$0x3FB4] =	sst s5  }
0xe: {  	[smem:$0x3FB5] =	sst s6  }
0xf: {  	[smem:$0x3FB6] =	sst s7  }
0x10: {  	[smem:$0x3FB7] =	sst s8  }
0x11: {  	[smem:$0x3FB8] =	sst s9;
	s0 =	simm.s32 @!p0 $0x0  }
0x12: {  	s1 =	sld [smem:$0x3F9E];
	s0 =	simm.s32 @p0 $0x1  }
0x13: {  	[smem:$0x3FB9] =	sst s0;
	s0 =	simm.s32 @!p1 $0x0  }
0x14: {  	s2 =	sld [smem:$0x3F9D];
	s0 =	simm.s32 @p1 $0x1  }
0x15: {  	[smem:$0x3FBA] =	sst s0;
	s0 =	simm.s32 @!p2 $0x0  }
0x16: {  	s3 =	sld [smem:$0x3FDB];
	s0 =	simm.s32 @p2 $0x1  }
0x17: {  	s4 =	simm.s32 $0x1BF5;
	[smem:$0x3FBC] =	sst s0  }
0x18: {  	s0 =	sld [smem:$0x3F9F];
	_ =	swait.ge [sflag:s4], $0x0  }
0x19: {  	s7 =	sld [smem:$0x3FA0]  }
0x1a: {  	s8 =	sadd.s32 $0xFFFFE003, lr  }
0x1b: {  	s9 =	sadd.s32 $0xFFFFFEF7, lr;
	s5 =	simm.s32 $0xFFFFFFFF;
	p2 =	slt.u32 s8, $0xFFFFF086  }
0x1c: {  	p1 =	slt.u32 s9, $0xF7A;
	s5 =	simm.s32 @!p2 $0x0  }
0x1d: {  	s5 =	simm.s32 @p1 $0x1;
	p0 =	seq.s32 s7, s2  }
0x1e: {  	s7 =	smul.u32 @!p0 $0xF7A, s2;
	p2 =	seq.s32 @!p0 s5, $0x0  }
0x1f: {  	s9 =	smul.u32 $0xF7A, s1;
	s8 =	simm.s32 @!p0 $0x1BF5;
	p2 =	por !p2, p0  }
0x20: {  	[sflag:s8] =	ssyncset.s32 @!p0 $0xFFFFF086;
	s6 =	sadd.s32 @!p0 s3, s7;
	s7 =	simm.s32 @!p0 $0x108  }
0x21: {  	s3 =	sadd.s32 s3, s9;
	s6 =	sadd.s32 @!p0 $0x88, s6;
	s7 =	simm.s32 @p2 $0x1082  }
0x22: {  	[simem:s7], [sflag:s8] =	dma.local @!p0 [hbm:s6], $0xF7A  }
0x23: {  	s9 =	sor.u32 $0xD0000000, s2;
	s6 =	simm.s32 $0x108;
	_ =	swait.ge @!p0 [sflag:s8], $0x0  }
0x24: {  	s3 =	sadd.s32 $0x88, s3;
	s6 =	simm.s32 @!p1 $0x1082;
	[sflag:s4] =	ssyncset.s32 $0xFFFFF086  }
0x25: {  	[simem:s6], [sflag:s4] =	dma.local [hbm:s3], $0xF7A  }
0x26: {  	[smem:$0x3FA0] =	sst s1;
	(tag) =	ssettag s2;
	_ =	strace s9  }
0x27: {  	s1 =	sld [smem:$0x3FB0]  }
0x28: {  	s2 =	sld [smem:$0x3FB1]  }
0x29: {  	s4 =	sld [smem:$0x3FB3]  }
0x2a: {  	p0 =	seq.s32 s5, $0x0;
	s5 =	sld [smem:$0x3FB4]  }
0x2b: {  	s6 =	sld [smem:$0x3FB5]  }
0x2c: {  	s7 =	sld [smem:$0x3FB6]  }
0x2d: {  	s3 =	simm.s32 $0x108;
	s8 =	sld [smem:$0x3FB7]  }
0x2e: {  	s3 =	simm.s32 @!p0 $0x1082;
	s9 =	sld [smem:$0x3FB8]  }
0x2f: {  	lr =	sadd.s32 s0, s3;
	s0 =	sld [smem:$0x3FAF]  }
0x30: {  	s3 =	sld [smem:$0x3FB2]  }
0x31: {  	[smem:$0x3FBB] =	sst s10  }
0x32: {  	s10 =	sld [smem:$0x3FB9];
	_ =	sdelay $0x3  }
0x33: {  	p0 =	seq.s32 s10, $0x1;
	s10 =	sld [smem:$0x3FBB];
	_ =	sdelay $0x3  }
0x34: {  	[smem:$0x3FBB] =	sst s10  }
0x35: {  	s10 =	sld [smem:$0x3FBA];
	_ =	sdelay $0x3  }
0x36: {  	p1 =	seq.s32 s10, $0x1;
	s10 =	sld [smem:$0x3FBB];
	_ =	sdelay $0x3  }
0x37: {  	[smem:$0x3FBB] =	sst s10  }
0x38: {  	s10 =	sld [smem:$0x3FBC]  }
0x39: {  	_ = 	snop;
	(pc) =	sbr.ind lr, $3  }
0x3a: {  	_ = 	snop  }
0x3b: {  	_ = 	snop  }
0x3c: {  	p2 =	seq.s32 s10, $0x1;
	s10 =	sld [smem:$0x3FBB]  }
0x3d: {  	_ =	shalt  }
0x3e: {  	_ =	shalt  }
0x3f: {  	_ =	shalt  }
0x40: {  	_ =	shalt  }
0x41: {  	_ =	shalt  }
0x42: {  	_ =	shalt  }
0x43: {  	_ =	shalt  }
0x44: {  	_ =	shalt  }
0x45: {  	_ =	shalt  }
0x46: {  	_ =	shalt  }
0x47: {  	_ =	shalt  }
0x48: {  	_ =	shalt  }
0x49: {  	_ =	shalt  }
0x4a: {  	_ =	shalt  }
0x4b: {  	_ =	shalt  }
0x4c: {  	_ =	shalt  }
0x4d: {  	_ =	shalt  }
0x4e: {  	_ =	shalt  }
0x4f: {  	_ =	shalt  }
0x50: {  	_ =	shalt  }
0x51: {  	_ =	shalt  }
0x52: {  	_ =	shalt  }
0x53: {  	_ =	shalt  }
0x54: {  	_ =	shalt  }
0x55: {  	_ =	shalt  }
0x56: {  	_ =	shalt  }
0x57: {  	_ =	shalt  }
0x58: {  	_ =	shalt  }
0x59: {  	_ =	shalt  }
0x5a: {  	_ =	shalt  }
0x5b: {  	_ =	shalt  }
0x5c: {  	_ =	shalt  }
0x5d: {  	_ =	shalt  }
0x5e: {  	_ =	shalt  }
0x5f: {  	_ =	shalt  }
0x60: {  	_ =	shalt  }
0x61: {  	_ =	shalt  }
0x62: {  	_ =	shalt  }
0x63: {  	_ =	shalt  }
0x64: {  	_ =	shalt  }
0x65: {  	_ =	shalt  }
0x66: {  	_ =	shalt  }
0x67: {  	_ =	shalt  }
0x68: {  	_ =	shalt  }
0x69: {  	_ =	shalt  }
0x6a: {  	_ =	shalt  }
0x6b: {  	_ =	shalt  }
0x6c: {  	_ =	shalt  }
0x6d: {  	_ =	shalt  }
0x6e: {  	_ =	shalt  }
0x6f: {  	_ =	shalt  }
0x70: {  	_ =	shalt  }
0x71: {  	_ =	shalt  }
0x72: {  	_ =	shalt  }
0x73: {  	_ =	shalt  }
0x74: {  	_ =	shalt  }
0x75: {  	_ =	shalt  }
0x76: {  	_ =	shalt  }
0x77: {  	_ =	shalt  }
0x78: {  	_ =	shalt  }
0x79: {  	_ =	shalt  }
0x7a: {  	_ =	shalt  }
0x7b: {  	_ =	shalt  }
0x7c: {  	_ =	shalt  }
0x7d: {  	_ =	shalt  }
0x7e: {  	_ =	shalt  }
0x7f: {  	_ =	shalt  }
0x80: {  	_ =	shalt  }
0x81: {  	_ =	shalt  }
0x82: {  	_ =	shalt  }
0x83: {  	_ =	shalt  }
0x84: {  	_ =	shalt  }
0x85: {  	_ =	shalt  }
0x86: {  	_ =	shalt  }
0x87: {  	_ =	shalt  }
.Lfunc_end0:
.L_simem_size_0:
called_computation_lowered:
.L_overlay_start_0:
0x88: {  	s2 =	sld [smem:$0x3FD9]  }
0x89: {  	s3 =	sld [smem:$0x3FFE];
	_ =	sdelay $0x1  }
0x8a: {  	s1 =	srdreg.scid  }
0x8b: {  	s0 =	sand.u32 $0x1, s1  }
0x8c: {  	s18 =	sshll.u32 s0, $0xA;
	s2 =	sadd.s32 s3, s2  }
0x8d: {  	s2 =	sadd.s32 s2, s18  }
0x8e: {  	[smem:$0x3FC7] =	sst s2  }
0x8f: {  	_ = 	snop  }
0x90: {  	s2 =	sld [smem:$0x3FC9]  }
0x91: {  	s19 =	sld [smem:$0x3FD0];
	(tm) =	ssettm $0x1  }
0x92: {  	s4 =	sld [smem:$0x3FFB];
	_ =	sdelay $0x3  }
0x93: {  	_ =	strace s4  }
0x94: {  	s4 =	sld [smem:$0x3FFC];
	_ =	sdelay $0x3  }
0x95: {  	_ =	strace s4  }
0x96: {  	s4 =	sld [smem:$0x3FFD];
	_ =	sdelay $0x3  }
0x97: {  	_ =	strace s4  }
0x98: {  	_ =	strace $0x8FFFFFFF  }
0x99: {  	s20 =	sld [smem:$0x3FDB];
	_ =	sdelay $0x1  }
0x9a: {  	s5 =	simm.s32 $_scs_section_size  }
0x9b: {  	s6 =	simm.s32 $_size__tile_overlayer_lowered;
	s7 =	simm.s32 $_tile_overlayer_lowered  }
0x9c: {  	s23 =	simm.s32 $0x1BFF;
	s22 =	sshll.u32 s7, $0x1;
	s4 =	sadd.s32 s5, s20  }
0x9d: {  	s8 =	simm.s32 $0x0;
	s21 =	sshll.u32 s6, $0x1;
	s6 =	sadd.s32 s22, s4  }
0x9e: {  	[timem:s8], [sflag:s23] =	dma.local [hbm:s6], s21  }
0x9f: {  	_ =	swait.ge [sflag:s23], s21  }
0xa0: {  	s5 =	ssub.s32 $0x0, s21;
	[sflag:s23] =	ssyncset.done $0x0  }
0xa1: {  	[sflag:s23] =	ssyncadd.s32 s5;
	_ =	sdelay $0x1  }
0xa2: {  	s24 =	simm.s32 $0x1B8B  }
0xa3: {  	_ =	swait.ge [sflag:s24], $0x1  }
0xa4: {  	[sflag:s24] =	ssyncset.done $0x0  }
0xa5: {  	s25 =	simm.s32 $0x1B8E;
	[sflag:s24] =	ssyncadd.s32 $0xFFFFFFFF  }
0xa6: {  	s26 =	simm.s32 $execute0_lowered;
	[smem:$0x3FD2] =	sst s25  }
0xa7: {  	s5 =	sshll.u32 s26, $0x1;
	_ =	strace $0x80000046;
	[dreg:$0x1] =	wrdreg $0xFFFFFFFF  }
0xa8: {  	s28 =	simm.s32 $_size_execute0_lowered;
	s4 =	sadd.s32 s4, s5;
	[dreg:$0x0] =	wrdreg $0x0  }
0xa9: {  	s5 =	sshll.u32 s28, $0x1;
	[dreg:$0x2] =	wrdreg s4  }
0xaa: {  	[dreg:$0x3] =	wrdreg s5  }
0xab: {  	[dreg:$0x4] =	wrdreg $0xC0  }
0xac: {  	_ =	task [dreg:s8], $0x5FFFF  }
0xad: {  	[dreg:$0x1] =	wrdreg $0xFFFFFFFF  }
0xae: {  	[dreg:$0x0] =	wrdreg $0x60  }
0xaf: {  	[dreg:$0x2] =	wrdreg s2  }
0xb0: {  	[dreg:$0x3] =	wrdreg s19  }
0xb1: {  	[dreg:$0x4] =	wrdreg $0x9  }
0xb2: {  	_ =	task.clear_ibuf [dreg:s8], $0x5FFFF;
	_ =	strace $0x90000046  }
0xb3: {  	s29 =	simm.s32 $0x9;
	_ =	strace $0x80000048  }
0xb4: {  	_ =	swait.ge [sflag:s29], $0x1  }
0xb5: {  	[sflag:s29] =	ssyncadd.s32 $0xFFFFFFFF  }
0xb6: {  	_ =	strace $0x90000048  }
0xb7: {  	_ =	sfence  }
0xb8: {  	s30 =	sld [smem:$0x0];
	_ =	sdelay $0x2  }
0xb9: {  	s31 =	sshll.u32 s1, $0xD;
	s1 =	sshrl.u32 s1, $0x2  }
0xba: {  	s3 =	sand.u32 $0x4000, s31;
	s1 =	sadd.s32 s1, s30  }
0xbb: {  	s0 =	sor.u32 s3, s0;
	s1 =	sshll.u32 s1, $0x11  }
0xbc: {  	s0 =	sor.u32 s1, s0  }
0xbd: {  	s0 =	sadd.s32 $0x8F2B, s0  }
0xbe: {  	[sflag:s0] =	ssyncadd.remote.s32 $0x1  }
0xbf: {  	_ =	sfence.sel $0xFFFF  }
0xc0: {  	[dreg:$0x0] =	wrdreg $0xFFFFFFFF;
	(pc) =	sbr.abs _section_cstart, $3  }
0xc1: {  	[dreg:$0x1] =	wrdreg $0xFFFFFFFF  }
0xc2: {  	_ =	task.clear_ibuf [dreg:s8], $0x2FFFF;
	_ =	strace $0x9FFFFFFF  }
0xc3: {  	(tm) =	ssettm $0x7FFFFFFF  }
tec
execute0_lowered:
.L_overlay_start_1:
0x0: {  	(tag) =	ssettag $0x1  }
0x1: {  	s1 =	srdreg.scid  }
0x2: {  	s0 =	stileid.u32;
	s7 =	rddreg [dreg:$0x0]  }
0x3: {  	s11 =	rddreg [dreg:$0x1];
	s2 =	simm.s32 $0x0;
	s3 =	simm.s32 $0x1  }
0x4: {  	s14 =	simm.s32 $0x8000;
	s15 =	simm.s32 $0xC000;
	s16 =	simm.s32 $0x2  }
0x5: {  	s17 =	simm.s32 $0x3;
	s18 =	simm.s32 $0x4;
	s19 =	simm.s32 $0x5  }
0x6: {  	s20 =	simm.s32 $0x6;
	s21 =	simm.s32 $0x7;
	s4 =	sand.u32 $0x1, s1  }
0x7: {  	s22 =	simm.s32 $0x8;
	s23 =	simm.s32 $0x0;
	s1 =	sor.u32 s4, s0  }
0x8: {  	[smem:$0x7FF] =	sst s2;
	p1 =	seq.s32 s4, $0x1;
	p0 =	seq.s32 s1, $0x0  }
0x9: {  	s29 =	sshll.u32 s0, $0xE;
	s5 =	ssub.s32 $0x2, s4;
	p0 =	por !p0, !p1  }
0xa: {  	s9 =	sshll.u32 s4, $0x10;
	s30 =	sshll.u32 s4, $0xD;
	p0 =	por !p0, !p0  }
0xb: {  	s1 =	rddreg [dreg:$0x2];
	s6 =	sshrl.u32 s5, $0x1;
	s3 =	simm.s32 @!p0 $0x0  }
0xc: {  	s12 =	ssub.s32 s5, s6;
	s6 =	sor.u32 s29, s30;
	s3 =	ssub.s32 s0, s3  }
0xd: {  	_ =	strace $0x80000047;
	s10 =	sor.u32 $0x1000, s6;
	s8 =	sshll.u32 s3, $0x11  }
0xe: {  	s13 =	sor.u32 $0x1800, s6;
	s12 =	smax.u32 s12, $0x1;
	s28 =	sor.u32 s9, s8  }
0xf: {  	s6 =	sadd.s32 s7, s10;
	s10 =	sadd.s32 s11, s10;
	s8 =	sshrl.u32 s28, $0x3  }
0x10: {  	s3 =	simm.s32 $0x1;
	s4 =	sadd.s32 s7, s8;
	s31 =	sor.u32 $0x800, s8  }
0x11: {  	s8 =	sadd.s32 s11, s8;
	s5 =	sadd.s32 s7, s31;
	s7 =	sadd.s32 s7, s13  }
0x12: {  	s9 =	sadd.s32 s11, s31;
	s11 =	sadd.s32 s11, s13;
	s13 =	simm.s32 $0x4000  }
.LBB2_1:
0x13: {  	[tilespmem:s2], [sflag:$0x1] =	stream.linear.gather [hbm4b:s4+s2], $0x4000, $0x38;
	[tilespmem:$0x10000] =	vst v63  }
0x14: {  	_ = 	snop  }
0x15: {  	[tilespmem:s13], [sflag:$0x2] =	stream.linear.gather [hbm4b:s5+s2], $0x4000, $0x38;
	[tilespmem:$0x10000] =	vst v63  }
0x16: {  	_ = 	snop  }
0x17: {  	[tilespmem:s14], [sflag:$0x3] =	stream.linear.gather [hbm4b:s6+s2], $0x4000, $0x38;
	[tilespmem:$0x10000] =	vst v63  }
0x18: {  	_ = 	snop  }
0x19: {  	[tilespmem:s15], [sflag:$0x4] =	stream.linear.gather [hbm4b:s7+s2], $0x4000, $0x38;
	[tilespmem:$0x10000] =	vst v63  }
0x1a: {  	_ =	swait.ge [sflag:s3], $0x4000  }
0x1b: {  	[sflag:s3] =	ssyncset.done $0x0  }
0x1c: {  	s24 =	simm.s32 $0x0;
	[sflag:s3] =	ssyncadd.s32 $0xFFFFC000  }
.LBB2_2:
0x1d: {  	s25 =	sshra.s32 s24, $0x2  }
0x1e: {  	v0 =	vld [tilespmem:s25+$0x0]  }
0x1f: {  	v1 =	vld [tilespmem:s25+$0x10]  }
0x20: {  	v2 =	vld [tilespmem:s25+$0x20]  }
0x21: {  	v3 =	vld [tilespmem:s25+$0x30]  }
0x22: {  	v4 =	vld [tilespmem:s25+$0x40]  }
0x23: {  	v43 =	vld [tilespmem:s25+$0x50];
	(xrf2) =	vadd.scan.msk.f32 $0xffff, v0  }
0x24: {  	v44 =	vld [tilespmem:s25+$0x60];
	(xrf2) =	vadd.scan.msk.f32 $0xffff, v1  }
0x25: {  	v45 =	vld [tilespmem:s25+$0x70];
	(xrf2) =	vadd.scan.msk.f32 $0xffff, v2  }
0x26: {  	v46 =	vld [tilespmem:s25+$0x80];
	(xrf2) =	vadd.scan.msk.f32 $0xffff, v3  }
0x27: {  	v47 =	vld [tilespmem:s25+$0x90];
	(xrf2) =	vadd.scan.msk.f32 $0xffff, v4  }
0x28: {  	v48 =	vld [tilespmem:s25+$0xA0];
	(xrf2) =	vadd.scan.msk.f32 $0xffff, v43  }
0x29: {  	v49 =	vld [tilespmem:s25+$0xB0];
	(xrf2) =	vadd.scan.msk.f32 $0xffff, v44  }
0x2a: {  	v50 =	vld [tilespmem:s25+$0xC0];
	(xrf2) =	vadd.scan.msk.f32 $0xffff, v45  }
0x2b: {  	v51 =	vld [tilespmem:s25+$0xD0];
	(xrf2) =	vadd.scan.msk.f32 $0xffff, v46  }
0x2c: {  	v52 =	vld [tilespmem:s25+$0xE0];
	(xrf2) =	vadd.scan.msk.f32 $0xffff, v47  }
0x2d: {  	v53 =	vld [tilespmem:s25+$0xF0];
	v5, _, _ =	vpop (xrf2);
	(xrf2) =	vadd.scan.msk.f32 $0xffff, v48  }
0x2e: {  	v54 =	vld [tilespmem:s25+$0x100];
	v6, _, _ =	vpop (xrf2);
	(xrf2) =	vadd.scan.msk.f32 $0xffff, v49  }
0x2f: {  	v55 =	vld [tilespmem:s25+$0x110];
	v7, _, _ =	vpop (xrf2);
	(xrf2) =	vadd.scan.msk.f32 $0xffff, v50  }
0x30: {  	v56 =	vld [tilespmem:s25+$0x120];
	v5 =	vadd.f32 $0.0e+00, v5;
	v9, _, _ =	vpop (xrf2);
	(xrf2) =	vadd.scan.msk.f32 $0xffff, v51  }
0x31: {  	v57 =	vld [tilespmem:s25+$0x130];
	v10, _, _ =	vpop (xrf2);
	(xrf2) =	vadd.scan.msk.f32 $0xffff, v52  }
0x32: {  	v60 =	vld [tilespmem:s25+$0x140];
	v8 =	vbroadcast v5, $0xF;
	v59, _, _ =	vpop (xrf2);
	(xrf2) =	vadd.scan.msk.f32 $0xffff, v53  }
0x33: {  	v61 =	vld [tilespmem:s25+$0x150];
	v11, _, _ =	vpop (xrf2);
	(xrf2) =	vadd.scan.msk.f32 $0xffff, v54  }
0x34: {  	v62 =	vld [tilespmem:s25+$0x160];
	v6 =	vadd.f32 v8, v6;
	v14, _, _ =	vpop (xrf2);
	(xrf2) =	vadd.scan.msk.f32 $0xffff, v55  }
0x35: {  	v63 =	vld [tilespmem:s25+$0x170];
	v58 =	vadd.f32 $0.0e+00, v10;
	v15, _, _ =	vpop (xrf2);
	(xrf2) =	vadd.scan.msk.f32 $0xffff, v56  }
0x36: {  	v25 =	vld [tilespmem:s25+$0x180];
	v12 =	vbroadcast v6, $0xF;
	v24, _, _ =	vpop (xrf2);
	(xrf2) =	vadd.scan.msk.f32 $0xffff, v57  }
0x37: {  	v28 =	vld [tilespmem:s25+$0x190];
	v13 =	vbroadcast v58, $0xF;
	v27, _, _ =	vpop (xrf2);
	(xrf2) =	vadd.scan.msk.f32 $0xffff, v60  }
0x38: {  	v29 =	vld [tilespmem:s25+$0x1A0];
	v7 =	vadd.f32 v12, v7;
	v18, _, _ =	vpop (xrf2);
	(xrf2) =	vadd.scan.msk.f32 $0xffff, v61  }
0x39: {  	v30 =	vld [tilespmem:s25+$0x1B0];
	[tilespmem:s25+$0x0] =	vst v5;
	v10 =	vadd.f32 v13, v59;
	v26 =	vadd.f32 $0.0e+00, v15;
	v20, _, _ =	vpop (xrf2);
	(xrf2) =	vadd.scan.msk.f32 $0xffff, v62  }
0x3a: {  	v34 =	vld [tilespmem:s25+$0x1C0];
	[tilespmem:s25+$0x10] =	vst v6;
	v16 =	vbroadcast v7, $0xF;
	v33, _, _ =	vpop (xrf2);
	(xrf2) =	vadd.scan.msk.f32 $0xffff, v63  }
0x3b: {  	v38 =	vld [tilespmem:s25+$0x1D0];
	[tilespmem:s25+$0x40] =	vst v58;
	v17 =	vbroadcast v10, $0xF;
	v19 =	vbroadcast v26, $0xF;
	v37, _, _ =	vpop (xrf2);
	(xrf2) =	vadd.scan.msk.f32 $0xffff, v25  }
0x3c: {  	v41 =	vld [tilespmem:s25+$0x1E0];
	[tilespmem:s25+$0x20] =	vst v7;
	v31 =	vadd.f32 v16, v9;
	v36 =	vadd.f32 $0.0e+00, v20;
	v40, _, _ =	vpop (xrf2);
	(xrf2) =	vadd.scan.msk.f32 $0xffff, v28  }
0x3d: {  	v45 =	vld [tilespmem:s25+$0x1F0];
	[tilespmem:s25+$0x50] =	vst v10;
	v32 =	vadd.f32 v17, v11;
	v35 =	vadd.f32 v19, v24;
	v44, _, _ =	vpop (xrf2);
	(xrf2) =	vadd.scan.msk.f32 $0xffff, v29  }
0x3e: {  	v48 =	vld [tilespmem:s25+$0x200];
	[tilespmem:s25+$0x80] =	vst v26;
	v43 =	vbroadcast v36, $0xF;
	v47, _, _ =	vpop (xrf2);
	(xrf2) =	vadd.scan.msk.f32 $0xffff, v30  }
0x3f: {  	v51 =	vld [tilespmem:s25+$0x210];
	v39 =	vbroadcast v32, $0xF;
	[tilespmem:s25+$0x30] =	vst v31;
	v42 =	vbroadcast v35, $0xF;
	v50, _, _ =	vpop (xrf2);
	(xrf2) =	vadd.scan.msk.f32 $0xffff, v34  }
0x40: {  	v54 =	vld [tilespmem:s25+$0x220];
	[tilespmem:s25+$0x60] =	vst v32;
	v46 =	vadd.f32 $0.0e+00, v44;
	v49 =	vadd.f32 v43, v33;
	v53, _, _ =	vpop (xrf2);
	(xrf2) =	vadd.scan.msk.f32 $0xffff, v38  }
0x41: {  	v57 =	vld [tilespmem:s25+$0x230];
	[tilespmem:s25+$0x90] =	vst v35;
	v7 =	vadd.f32 v39, v14;
	v5 =	vadd.f32 v42, v27;
	v56, _, _ =	vpop (xrf2);
	(xrf2) =	vadd.scan.msk.f32 $0xffff, v41  }
0x42: {  	v60 =	vld [tilespmem:s25+$0x240];
	[tilespmem:s25+$0xC0] =	vst v36;
	v52 =	vbroadcast v46, $0xF;
	v19 =	vbroadcast v49, $0xF;
	v59, _, _ =	vpop (xrf2);
	(xrf2) =	vadd.scan.msk.f32 $0xffff, v45  }
0x43: {  	v24 =	vld [tilespmem:s25+$0x250];
	[tilespmem:s25+$0x70] =	vst v7;
	v55 =	vbroadcast v5, $0xF;
	v63, _, _ =	vpop (xrf2);
	(xrf2) =	vadd.scan.msk.f32 $0xffff, v48  }
0x44: {  	v28 =	vld [tilespmem:s25+$0x260];
	[tilespmem:s25+$0xA0] =	vst v5;
	v9 =	vadd.f32 v52, v47;
	v62 =	vadd.f32 v19, v37;
	v27, _, _ =	vpop (xrf2);
	(xrf2) =	vadd.scan.msk.f32 $0xffff, v51  }
0x45: {  	v31 =	vld [tilespmem:s25+$0x270];
	[tilespmem:s25+$0xD0] =	vst v49;
	v58 =	vadd.f32 $0.0e+00, v56;
	v30, _, _ =	vpop (xrf2);
	(xrf2) =	vadd.scan.msk.f32 $0xffff, v54  }
0x46: {  	v34 =	vld [tilespmem:s25+$0x280];
	v61 =	vadd.f32 v55, v18;
	v25 =	vbroadcast v9, $0xF;
	v29 =	vbroadcast v62, $0xF;
	v33, _, _ =	vpop (xrf2);
	(xrf2) =	vadd.scan.msk.f32 $0xffff, v57  }
0x47: {  	[tilespmem:s25+$0x100] =	vst v46;
	v37 =	vld [tilespmem:s25+$0x290];
	v26 =	vbroadcast v58, $0xF;
	v36, _, _ =	vpop (xrf2);
	(xrf2) =	vadd.scan.msk.f32 $0xffff, v60  }
0x48: {  	v41 =	vld [tilespmem:s25+$0x2A0];
	[tilespmem:s25+$0xB0] =	vst v61;
	v5 =	vadd.f32 v25, v50;
	v6 =	vadd.f32 v29, v40;
	v40, _, _ =	vpop (xrf2);
	(xrf2) =	vadd.scan.msk.f32 $0xffff, v24  }
0x49: {  	v44 =	vld [tilespmem:s25+$0x2B0];
	[tilespmem:s25+$0xE0] =	vst v62;
	v35 =	vadd.f32 $0.0e+00, v30;
	v43, _, _ =	vpop (xrf2);
	(xrf2) =	vadd.scan.msk.f32 $0xffff, v28  }
0x4a: {  	v47 =	vld [tilespmem:s25+$0x2C0];
	[tilespmem:s25+$0x110] =	vst v9;
	v32 =	vadd.f32 v26, v59;
	v38 =	vbroadcast v5, $0xF;
	v46, _, _ =	vpop (xrf2);
	(xrf2) =	vadd.scan.msk.f32 $0xffff, v31  }
0x4b: {  	[tilespmem:s25+$0x140] =	vst v58;
	v50 =	vld [tilespmem:s25+$0x2D0];
	v42 =	vbroadcast v35, $0xF;
	v49, _, _ =	vpop (xrf2);
	(xrf2) =	vadd.scan.msk.f32 $0xffff, v34  }
0x4c: {  	v39 =	vbroadcast v32, $0xF;
	[tilespmem:s25+$0xF0] =	vst v6;
	v7 =	vadd.f32 v38, v53;
	v53 =	vld [tilespmem:s25+$0x2E0];
	v52, _, _ =	vpop (xrf2);
	(xrf2) =	vadd.scan.msk.f32 $0xffff, v37  }
0x4d: {  	v57 =	vld [tilespmem:s25+$0x2F0];
	[tilespmem:s25+$0x120] =	vst v5;
	v6 =	vadd.f32 v42, v33;
	v48 =	vadd.f32 $0.0e+00, v43;
	v56, _, _ =	vpop (xrf2);
	(xrf2) =	vadd.scan.msk.f32 $0xffff, v41  }
0x4e: {  	v60 =	vld [tilespmem:s25+$0x300];
	[tilespmem:s25+$0x150] =	vst v32;
	v45 =	vadd.f32 v39, v63;
	v59, _, _ =	vpop (xrf2);
	(xrf2) =	vadd.scan.msk.f32 $0xffff, v44  }
0x4f: {  	[tilespmem:s25+$0x180] =	vst v35;
	v63 =	vld [tilespmem:s25+$0x310];
	v54 =	vbroadcast v6, $0xF;
	v55 =	vbroadcast v48, $0xF;
	v62, _, _ =	vpop (xrf2);
	(xrf2) =	vadd.scan.msk.f32 $0xffff, v47  }
0x50: {  	v26 =	vld [tilespmem:s25+$0x320];
	v51 =	vbroadcast v45, $0xF;
	[tilespmem:s25+$0x130] =	vst v7;
	v58 =	vadd.f32 $0.0e+00, v56;
	v25, _, _ =	vpop (xrf2);
	(xrf2) =	vadd.scan.msk.f32 $0xffff, v50  }
0x51: {  	v29 =	vld [tilespmem:s25+$0x330];
	[tilespmem:s25+$0x160] =	vst v45;
	v7 =	vadd.f32 v54, v36;
	v61 =	vadd.f32 v55, v46;
	v28, _, _ =	vpop (xrf2);
	(xrf2) =	vadd.scan.msk.f32 $0xffff, v53  }
0x52: {  	[tilespmem:s25+$0x190] =	vst v6;
	v5 =	vadd.f32 v51, v27;
	v24 =	vbroadcast v58, $0xF;
	v31, _, _ =	vpop (xrf2);
	(xrf2) =	vadd.scan.msk.f32 $0xffff, v57  }
0x53: {  	v32 =	vld [tilespmem:s25+$0x340];
	[tilespmem:s25+$0x1C0] =	vst v48;
	v27 =	vbroadcast v7, $0xF;
	v17 =	vbroadcast v61, $0xF;
	v34, _, _ =	vpop (xrf2);
	(xrf2) =	vadd.scan.msk.f32 $0xffff, v60  }
0x54: {  	v38 =	vld [tilespmem:s25+$0x350];
	[tilespmem:s25+$0x170] =	vst v5;
	v8 =	vadd.f32 v24, v59;
	v30 =	vadd.f32 $0.0e+00, v28;
	v37, _, _ =	vpop (xrf2);
	(xrf2) =	vadd.scan.msk.f32 $0xffff, v63  }
0x55: {  	v41 =	vld [tilespmem:s25+$0x360];
	[tilespmem:s25+$0x1A0] =	vst v7;
	v5 =	vadd.f32 v27, v40;
	v33 =	vadd.f32 v17, v49;
	v40, _, _ =	vpop (xrf2);
	(xrf2) =	vadd.scan.msk.f32 $0xffff, v26  }
0x56: {  	v43 =	vld [tilespmem:s25+$0x370];
	[tilespmem:s25+$0x1D0] =	vst v61;
	v35 =	vbroadcast v8, $0xF;
	v42, _, _ =	vpop (xrf2);
	(xrf2) =	vadd.scan.msk.f32 $0xffff, v29  }
0x57: {  	v46 =	vld [tilespmem:s25+$0x380];
	[tilespmem:s25+$0x200] =	vst v58;
	v36 =	vbroadcast v30, $0xF;
	v39 =	vbroadcast v33, $0xF;
	v45, _, _ =	vpop (xrf2)  }
0x58: {  	v50 =	vld [tilespmem:s25+$0x390];
	[tilespmem:s25+$0x1B0] =	vst v5;
	v3 =	vadd.f32 v35, v62;
	(xrf2) =	vadd.scan.msk.f32 $0xffff, v32;
	v47, _, _ =	vpop (xrf2)  }
0x59: {  	v53 =	vld [tilespmem:s25+$0x3A0];
	[tilespmem:s25+$0x1E0] =	vst v33;
	v7 =	vadd.f32 v36, v31;
	v5 =	vadd.f32 v39, v52;
	(xrf2) =	vadd.scan.msk.f32 $0xffff, v38;
	v52, _, _ =	vpop (xrf2)  }
0x5a: {  	v55 =	vld [tilespmem:s25+$0x3B0];
	[tilespmem:s25+$0x210] =	vst v8;
	v44 =	vadd.f32 $0.0e+00, v40;
	v54, _, _ =	vpop (xrf2);
	(xrf2) =	vadd.scan.msk.f32 $0xffff, v41  }
0x5b: {  	v58 =	vld [tilespmem:s25+$0x3C0];
	[tilespmem:s25+$0x240] =	vst v30;
	v48 =	vbroadcast v3, $0xF;
	v49 =	vbroadcast v7, $0xF;
	v57, _, _ =	vpop (xrf2);
	(xrf2) =	vadd.scan.msk.f32 $0xffff, v43  }
0x5c: {  	[tilespmem:s25+$0x1F0] =	vst v5;
	v51 =	vbroadcast v44, $0xF;
	v60, _, _ =	vpop (xrf2);
	(xrf2) =	vadd.scan.msk.f32 $0xffff, v46  }
0x5d: {  	[tilespmem:s25+$0x220] =	vst v3;
	v6 =	vadd.f32 v48, v25;
	v12 =	vadd.f32 v49, v34;
	v62, _, _ =	vpop (xrf2);
	(xrf2) =	vadd.scan.msk.f32 $0xffff, v50  }
0x5e: {  	[tilespmem:s25+$0x250] =	vst v7;
	v5 =	vadd.f32 v51, v42;
	v56 =	vadd.f32 $0.0e+00, v52;
	v21, _, _ =	vpop (xrf2);
	(xrf2) =	vadd.scan.msk.f32 $0xffff, v53  }
0x5f: {  	[tilespmem:s25+$0x280] =	vst v44;
	v25 =	vld [tilespmem:s25+$0x3D0];
	v59 =	vbroadcast v12, $0xF;
	v24, _, _ =	vpop (xrf2);
	(xrf2) =	vadd.scan.msk.f32 $0xffff, v55  }
0x60: {  	[tilespmem:s25+$0x230] =	vst v6;
	v61 =	vbroadcast v5, $0xF;
	v63 =	vbroadcast v56, $0xF;
	v27, _, _ =	vpop (xrf2);
	(xrf2) =	vadd.scan.msk.f32 $0xffff, v58  }
0x61: {  	[tilespmem:s25+$0x260] =	vst v12;
	v3 =	vadd.f32 v59, v37;
	v22 =	vadd.f32 $0.0e+00, v62  }
0x62: {  	[tilespmem:s25+$0x290] =	vst v5;
	v2 =	vadd.f32 v61, v45;
	v23 =	vadd.f32 v63, v54;
	v28, _, _ =	vpop (xrf2)  }
0x63: {  	v33 =	vld [tilespmem:s25+$0x3E0];
	[tilespmem:s25+$0x2C0] =	vst v56;
	v26 =	vbroadcast v22, $0xF;
	v31, _, _ =	vpop (xrf2)  }
0x64: {  	[tilespmem:s25+$0x270] =	vst v3;
	v29 =	vbroadcast v2, $0xF;
	v30 =	vbroadcast v23, $0xF;
	v36, _, _ =	vpop (xrf2);
	(xrf2) =	vadd.scan.msk.f32 $0xffff, v25  }
0x65: {  	[tilespmem:s25+$0x2A0] =	vst v2;
	v10 =	vadd.f32 v26, v21;
	v1 =	vadd.f32 $0.0e+00, v28;
	v37, _, _ =	vpop (xrf2)  }
0x66: {  	[tilespmem:s25+$0x2D0] =	vst v23;
	v3 =	vadd.f32 v29, v47;
	v32 =	vadd.f32 v30, v57;
	v39, _, _ =	vpop (xrf2)  }
0x67: {  	v43 =	vld [tilespmem:s25+$0x3F0];
	[tilespmem:s25+$0x300] =	vst v22;
	v34 =	vbroadcast v10, $0xF;
	v41, _, _ =	vpop (xrf2)  }
0x68: {  	v35 =	vbroadcast v1, $0xF;
	[tilespmem:s25+$0x2B0] =	vst v3;
	v38 =	vbroadcast v32, $0xF;
	(xrf2) =	vadd.scan.msk.f32 $0xffff, v33;
	v45, _, _ =	vpop (xrf2)  }
0x69: {  	[tilespmem:s25+$0x2E0] =	vst v32;
	v2 =	vadd.f32 v34, v24;
	v42 =	vadd.f32 $0.0e+00, v39;
	v46, _, _ =	vpop (xrf2)  }
0x6a: {  	[tilespmem:s25+$0x310] =	vst v10;
	v40 =	vadd.f32 v35, v31;
	v3 =	vadd.f32 v38, v60;
	v50, _, _ =	vpop (xrf2)  }
0x6b: {  	[tilespmem:s25+$0x340] =	vst v1;
	v47 =	vbroadcast v42, $0xF;
	v51 =	vadd.f32 $0.0e+00, v50  }
0x6c: {  	v44 =	vbroadcast v2, $0xF;
	v12 =	vbroadcast v40, $0xF;
	[tilespmem:s25+$0x2F0] =	vst v3;
	(xrf2) =	vadd.scan.msk.f32 $0xffff, v43  }
0x6d: {  	[tilespmem:s25+$0x320] =	vst v2;
	v3 =	vadd.f32 v47, v41;
	v54 =	vbroadcast v51, $0xF  }
0x6e: {  	[tilespmem:s25+$0x350] =	vst v40;
	v48 =	vadd.f32 v44, v27;
	v49 =	vadd.f32 v12, v36;
	v55, _, _ =	vpop (xrf2)  }
0x6f: {  	[tilespmem:s25+$0x380] =	vst v42;
	v53 =	vbroadcast v3, $0xF;
	v57 =	vadd.f32 v54, v55  }
0x70: {  	v52 =	vbroadcast v49, $0xF;
	[tilespmem:s25+$0x330] =	vst v48  }
0x71: {  	[tilespmem:s25+$0x360] =	vst v49;
	v56 =	vadd.f32 v53, v45;
	v59 =	vbroadcast v57, $0xF  }
0x72: {  	[tilespmem:s25+$0x390] =	vst v3;
	v0 =	vadd.f32 v52, v37;
	v60, _, _ =	vpop (xrf2)  }
0x73: {  	[tilespmem:s25+$0x3C0] =	vst v51;
	v58 =	vbroadcast v56, $0xF;
	v61 =	vadd.f32 v59, v60  }
0x74: {  	p0 =	sne.s32 s24, $0xF000;
	[tilespmem:s25+$0x370] =	vst v0  }
.Ltmp0:
0x75: {  	[tilespmem:s25+$0x3A0] =	vst v56;
	v0 =	vadd.f32 v58, v46;
	v62 =	vbroadcast v61, $0xF;
	(pc) =	sbr.rel @p0 .LBB2_2-.Ltmp0, $4  }
0x76: {  	[tilespmem:s25+$0x3D0] =	vst v57;
	v63, _, _ =	vpop (xrf2)  }
0x77: {  	[tilespmem:s25+$0x3B0] =	vst v0;
	v0 =	vadd.f32 v62, v63  }
0x78: {  	[tilespmem:s25+$0x3E0] =	vst v61  }
0x79: {  	s24 =	sadd.s32 $0x1000, s24;
	[tilespmem:s25+$0x3F0] =	vst v0  }
0x7a: {  	s24 =	simm.s32 $0x0  }
0x7b: {  	[hbm4b:s8+s24] =	stream.linear.scatter [tilespmem:s24], [sflag:$0x5], $0x4000, $0x38;
	[tilespmem:$0x10000] =	vst v63  }
0x7c: {  	_ =	swait.ge [sflag:s16], $0x4000  }
0x7d: {  	[sflag:s16] =	ssyncset.done $0x0  }
0x7e: {  	[sflag:s16] =	ssyncadd.s32 $0xFFFFC000  }
.LBB2_4:
0x7f: {  	s25 =	sshra.s32 s24, $0x2  }
0x80: {  	v0 =	vld [tilespmem:s25+$0x4000]  }
0x81: {  	v1 =	vld [tilespmem:s25+$0x4010]  }
0x82: {  	v2 =	vld [tilespmem:s25+$0x4020]  }
0x83: {  	v3 =	vld [tilespmem:s25+$0x4030]  }
0x84: {  	v4 =	vld [tilespmem:s25+$0x4040]  }
0x85: {  	v43 =	vld [tilespmem:s25+$0x4050];
	(xrf2) =	vadd.scan.msk.f32 $0xffff, v0  }
0x86: {  	v44 =	vld [tilespmem:s25+$0x4060];
	(xrf2) =	vadd.scan.msk.f32 $0xffff, v1  }
0x87: {  	v45 =	vld [tilespmem:s25+$0x4070];
	(xrf2) =	vadd.scan.msk.f32 $0xffff, v2  }
0x88: {  	v46 =	vld [tilespmem:s25+$0x4080];
	(xrf2) =	vadd.scan.msk.f32 $0xffff, v3  }
0x89: {  	v47 =	vld [tilespmem:s25+$0x4090];
	(xrf2) =	vadd.scan.msk.f32 $0xffff, v4  }
0x8a: {  	v48 =	vld [tilespmem:s25+$0x40A0];
	(xrf2) =	vadd.scan.msk.f32 $0xffff, v43  }
0x8b: {  	v49 =	vld [tilespmem:s25+$0x40B0];
	(xrf2) =	vadd.scan.msk.f32 $0xffff, v44  }
0x8c: {  	v50 =	vld [tilespmem:s25+$0x40C0];
	(xrf2) =	vadd.scan.msk.f32 $0xffff, v45  }
0x8d: {  	v51 =	vld [tilespmem:s25+$0x40D0];
	(xrf2) =	vadd.scan.msk.f32 $0xffff, v46  }
0x8e: {  	v52 =	vld [tilespmem:s25+$0x40E0];
	(xrf2) =	vadd.scan.msk.f32 $0xffff, v47  }
0x8f: {  	v53 =	vld [tilespmem:s25+$0x40F0];
	v5, _, _ =	vpop (xrf2);
	(xrf2) =	vadd.scan.msk.f32 $0xffff, v48  }
0x90: {  	v54 =	vld [tilespmem:s25+$0x4100];
	v6, _, _ =	vpop (xrf2);
	(xrf2) =	vadd.scan.msk.f32 $0xffff, v49  }
0x91: {  	v55 =	vld [tilespmem:s25+$0x4110];
	v7, _, _ =	vpop (xrf2);
	(xrf2) =	vadd.scan.msk.f32 $0xffff, v50  }
0x92: {  	v56 =	vld [tilespmem:s25+$0x4120];
	v5 =	vadd.f32 $0.0e+00, v5;
	v9, _, _ =	vpop (xrf2);
	(xrf2) =	vadd.scan.msk.f32 $0xffff, v51  }
0x93: {  	v57 =	vld [tilespmem:s25+$0x4130];
	v10, _, _ =	vpop (xrf2);
	(xrf2) =	vadd.scan.msk.f32 $0xffff, v52  }
0x94: {  	v60 =	vld [tilespmem:s25+$0x4140];
	v8 =	vbroadcast v5, $0xF;
	v59, _, _ =	vpop (xrf2);
	(xrf2) =	vadd.scan.msk.f32 $0xffff, v53  }
0x95: {  	v61 =	vld [tilespmem:s25+$0x4150];
	v11, _, _ =	vpop (xrf2);
	(xrf2) =	vadd.scan.msk.f32 $0xffff, v54  }
0x96: {  	v62 =	vld [tilespmem:s25+$0x4160];
	v6 =	vadd.f32 v8, v6;
	v14, _, _ =	vpop (xrf2);
	(xrf2) =	vadd.scan.msk.f32 $0xffff, v55  }
0x97: {  	v63 =	vld [tilespmem:s25+$0x4170];
	v58 =	vadd.f32 $0.0e+00, v10;
	v15, _, _ =	vpop (xrf2);
	(xrf2) =	vadd.scan.msk.f32 $0xffff, v56  }
0x98: {  	v25 =	vld [tilespmem:s25+$0x4180];
	v12 =	vbroadcast v6, $0xF;
	v24, _, _ =	vpop (xrf2);
	(xrf2) =	vadd.scan.msk.f32 $0xffff, v57  }
0x99: {  	v28 =	vld [tilespmem:s25+$0x4190];
	v13 =	vbroadcast v58, $0xF;
	v27, _, _ =	vpop (xrf2);
	(xrf2) =	vadd.scan.msk.f32 $0xffff, v60  }
0x9a: {  	v29 =	vld [tilespmem:s25+$0x41A0];
	v7 =	vadd.f32 v12, v7;
	v18, _, _ =	vpop (xrf2);
	(xrf2) =	vadd.scan.msk.f32 $0xffff, v61  }
0x9b: {  	v30 =	vld [tilespmem:s25+$0x41B0];
	[tilespmem:s25+$0x4000] =	vst v5;
	v10 =	vadd.f32 v13, v59;
	v26 =	vadd.f32 $0.0e+00, v15;
	v20, _, _ =	vpop (xrf2);
	(xrf2) =	vadd.scan.msk.f32 $0xffff, v62  }
0x9c: {  	v34 =	vld [tilespmem:s25+$0x41C0];
	[tilespmem:s25+$0x4010] =	vst v6;
	v16 =	vbroadcast v7, $0xF;
	v33, _, _ =	vpop (xrf2);
	(xrf2) =	vadd.scan.msk.f32 $0xffff, v63  }
0x9d: {  	v38 =	vld [tilespmem:s25+$0x41D0];
	[tilespmem:s25+$0x4040] =	vst v58;
	v17 =	vbroadcast v10, $0xF;
	v19 =	vbroadcast v26, $0xF;
	v37, _, _ =	vpop (xrf2);
	(xrf2) =	vadd.scan.msk.f32 $0xffff, v25  }
0x9e: {  	v41 =	vld [tilespmem:s25+$0x41E0];
	[tilespmem:s25+$0x4020] =	vst v7;
	v31 =	vadd.f32 v16, v9;
	v36 =	vadd.f32 $0.0e+00, v20;
	v40, _, _ =	vpop (xrf2);
	(xrf2) =	vadd.scan.msk.f32 $0xffff, v28  }
0x9f: {  	v45 =	vld [tilespmem:s25+$0x41F0];
	[tilespmem:s25+$0x4050] =	vst v10;
	v32 =	vadd.f32 v17, v11;
	v35 =	vadd.f32 v19, v24;
	v44, _, _ =	vpop (xrf2);
	(xrf2) =	vadd.scan.msk.f32 $0xffff, v29  }
0xa0: {  	v48 =	vld [tilespmem:s25+$0x4200];
	[tilespmem:s25+$0x4080] =	vst v26;
	v43 =	vbroadcast v36, $0xF;
	v47, _, _ =	vpop (xrf2);
	(xrf2) =	vadd.scan.msk.f32 $0xffff, v30  }
0xa1: {  	v51 =	vld [tilespmem:s25+$0x4210];
	v39 =	vbroadcast v32, $0xF;
	[tilespmem:s25+$0x4030] =	vst v31;
	v42 =	vbroadcast v35, $0xF;
	v50, _, _ =	vpop (xrf2);
	(xrf2) =	vadd.scan.msk.f32 $0xffff, v34  }
0xa2: {  	v54 =	vld [tilespmem:s25+$0x4220];
	[tilespmem:s25+$0x4060] =	vst v32;
	v46 =	vadd.f32 $0.0e+00, v44;
	v49 =	vadd.f32 v43, v33;
	v53, _, _ =	vpop (xrf2);
	(xrf2) =	vadd.scan.msk.f32 $0xffff, v38  }
0xa3: {  	v57 =	vld [tilespmem:s25+$0x4230];
	[tilespmem:s25+$0x4090] =	vst v35;
	v7 =	vadd.f32 v39, v14;
	v5 =	vadd.f32 v42, v27;
	v56, _, _ =	vpop (xrf2);
	(xrf2) =	vadd.scan.msk.f32 $0xffff, v41  }
0xa4: {  	v60 =	vld [tilespmem:s25+$0x4240];
	[tilespmem:s25+$0x40C0] =	vst v36;
	v52 =	vbroadcast v46, $0xF;
	v19 =	vbroadcast v49, $0xF;
	v59, _, _ =	vpop (xrf2);
	(xrf2) =	vadd.scan.msk.f32 $0xffff, v45  }
0xa5: {  	v24 =	vld [tilespmem:s25+$0x4250];
	[tilespmem:s25+$0x4070] =	vst v7;
	v55 =	vbroadcast v5, $0xF;
	v63, _, _ =	vpop (xrf2);
	(xrf2) =	vadd.scan.msk.f32 $0xffff, v48  }
0xa6: {  	v28 =	vld [tilespmem:s25+$0x4260];
	[tilespmem:s25+$0x40A0] =	vst v5;
	v9 =	vadd.f32 v52, v47;
	v62 =	vadd.f32 v19, v37;
	v27, _, _ =	vpop (xrf2);
	(xrf2) =	vadd.scan.msk.f32 $0xffff, v51  }
0xa7: {  	v31 =	vld [tilespmem:s25+$0x4270];
	[tilespmem:s25+$0x40D0] =	vst v49;
	v58 =	vadd.f32 $0.0e+00, v56;
	v30, _, _ =	vpop (xrf2);
	(xrf2) =	vadd.scan.msk.f32 $0xffff, v54  }
0xa8: {  	v34 =	vld [tilespmem:s25+$0x4280];
	v61 =	vadd.f32 v55, v18;
	v25 =	vbroadcast v9, $0xF;
	v29 =	vbroadcast v62, $0xF;
	v33, _, _ =	vpop (xrf2);
	(xrf2) =	vadd.scan.msk.f32 $0xffff, v57  }
0xa9: {  	[tilespmem:s25+$0x4100] =	vst v46;
	v37 =	vld [tilespmem:s25+$0x4290];
	v26 =	vbroadcast v58, $0xF;
	v36, _, _ =	vpop (xrf2);
	(xrf2) =	vadd.scan.msk.f32 $0xffff, v60  }
0xaa: {  	v41 =	vld [tilespmem:s25+$0x42A0];
	[tilespmem:s25+$0x40B0] =	vst v61;
	v5 =	vadd.f32 v25, v50;
	v6 =	vadd.f32 v29, v40;
	v40, _, _ =	vpop (xrf2);
	(xrf2) =	vadd.scan.msk.f32 $0xffff, v24  }
0xab: {  	v44 =	vld [tilespmem:s25+$0x42B0];
	[tilespmem:s25+$0x40E0] =	vst v62;
	v35 =	vadd.f32 $0.0e+00, v30;
	v43, _, _ =	vpop (xrf2);
	(xrf2) =	vadd.scan.msk.f32 $0xffff, v28  }
0xac: {  	v47 =	vld [tilespmem:s25+$0x42C0];
	[tilespmem:s25+$0x4110] =	vst v9;
	v32 =	vadd.f32 v26, v59;
	v38 =	vbroadcast v5, $0xF;
	v46, _, _ =	vpop (xrf2);
	(xrf2) =	vadd.scan.msk.f32 $0xffff, v31  }
0xad: {  	[tilespmem:s25+$0x4140] =	vst v58;
	v50 =	vld [tilespmem:s25+$0x42D0];
	v42 =	vbroadcast v35, $0xF;
	v49, _, _ =	vpop (xrf2);
	(xrf2) =	vadd.scan.msk.f32 $0xffff, v34  }
0xae: {  	v39 =	vbroadcast v32, $0xF;
	[tilespmem:s25+$0x40F0] =	vst v6;
	v7 =	vadd.f32 v38, v53;
	v53 =	vld [tilespmem:s25+$0x42E0];
	v52, _, _ =	vpop (xrf2);
	(xrf2) =	vadd.scan.msk.f32 $0xffff, v37  }
0xaf: {  	v57 =	vld [tilespmem:s25+$0x42F0];
	[tilespmem:s25+$0x4120] =	vst v5;
	v6 =	vadd.f32 v42, v33;
	v48 =	vadd.f32 $0.0e+00, v43;
	v56, _, _ =	vpop (xrf2);
	(xrf2) =	vadd.scan.msk.f32 $0xffff, v41  }
0xb0: {  	v60 =	vld [tilespmem:s25+$0x4300];
	[tilespmem:s25+$0x4150] =	vst v32;
	v45 =	vadd.f32 v39, v63;
	v59, _, _ =	vpop (xrf2);
	(xrf2) =	vadd.scan.msk.f32 $0xffff, v44  }
0xb1: {  	[tilespmem:s25+$0x4180] =	vst v35;
	v63 =	vld [tilespmem:s25+$0x4310];
	v54 =	vbroadcast v6, $0xF;
	v55 =	vbroadcast v48, $0xF;
	v62, _, _ =	vpop (xrf2);
	(xrf2) =	vadd.scan.msk.f32 $0xffff, v47  }
0xb2: {  	v26 =	vld [tilespmem:s25+$0x4320];
	v51 =	vbroadcast v45, $0xF;
	[tilespmem:s25+$0x4130] =	vst v7;
	v58 =	vadd.f32 $0.0e+00, v56;
	v25, _, _ =	vpop (xrf2);
	(xrf2) =	vadd.scan.msk.f32 $0xffff, v50  }
0xb3: {  	v29 =	vld [tilespmem:s25+$0x4330];
	[tilespmem:s25+$0x4160] =	vst v45;
	v7 =	vadd.f32 v54, v36;
	v61 =	vadd.f32 v55, v46;
	v28, _, _ =	vpop (xrf2);
	(xrf2) =	vadd.scan.msk.f32 $0xffff, v53  }
0xb4: {  	[tilespmem:s25+$0x4190] =	vst v6;
	v5 =	vadd.f32 v51, v27;
	v24 =	vbroadcast v58, $0xF;
	v31, _, _ =	vpop (xrf2);
	(xrf2) =	vadd.scan.msk.f32 $0xffff, v57  }
0xb5: {  	v32 =	vld [tilespmem:s25+$0x4340];
	[tilespmem:s25+$0x41C0] =	vst v48;
	v27 =	vbroadcast v7, $0xF;
	v17 =	vbroadcast v61, $0xF;
	v34, _, _ =	vpop (xrf2);
	(xrf2) =	vadd.scan.msk.f32 $0xffff, v60  }
0xb6: {  	v38 =	vld [tilespmem:s25+$0x4350];
	[tilespmem:s25+$0x4170] =	vst v5;
	v8 =	vadd.f32 v24, v59;
	v30 =	vadd.f32 $0.0e+00, v28;
	v37, _, _ =	vpop (xrf2);
	(xrf2) =	vadd.scan.msk.f32 $0xffff, v63  }
0xb7: {  	v41 =	vld [tilespmem:s25+$0x4360];
	[tilespmem:s25+$0x41A0] =	vst v7;
	v5 =	vadd.f32 v27, v40;
	v33 =	vadd.f32 v17, v49;
	v40, _, _ =	vpop (xrf2);
	(xrf2) =	vadd.scan.msk.f32 $0xffff, v26  }
0xb8: {  	v43 =	vld [tilespmem:s25+$0x4370];
	[tilespmem:s25+$0x41D0] =	vst v61;
	v35 =	vbroadcast v8, $0xF;
	v42, _, _ =	vpop (xrf2);
	(xrf2) =	vadd.scan.msk.f32 $0xffff, v29  }
0xb9: {  	v46 =	vld [tilespmem:s25+$0x4380];
	[tilespmem:s25+$0x4200] =	vst v58;
	v36 =	vbroadcast v30, $0xF;
	v39 =	vbroadcast v33, $0xF;
	v45, _, _ =	vpop (xrf2)  }
0xba: {  	v50 =	vld [tilespmem:s25+$0x4390];
	[tilespmem:s25+$0x41B0] =	vst v5;
	v3 =	vadd.f32 v35, v62;
	(xrf2) =	vadd.scan.msk.f32 $0xffff, v32;
	v47, _, _ =	vpop (xrf2)  }
0xbb: {  	v53 =	vld [tilespmem:s25+$0x43A0];
	[tilespmem:s25+$0x41E0] =	vst v33;
	v7 =	vadd.f32 v36, v31;
	v5 =	vadd.f32 v39, v52;
	(xrf2) =	vadd.scan.msk.f32 $0xffff, v38;
	v52, _, _ =	vpop (xrf2)  }
0xbc: {  	v55 =	vld [tilespmem:s25+$0x43B0];
	[tilespmem:s25+$0x4210] =	vst v8;
	v44 =	vadd.f32 $0.0e+00, v40;
	v54, _, _ =	vpop (xrf2);
	(xrf2) =	vadd.scan.msk.f32 $0xffff, v41  }
0xbd: {  	v58 =	vld [tilespmem:s25+$0x43C0];
	[tilespmem:s25+$0x4240] =	vst v30;
	v48 =	vbroadcast v3, $0xF;
	v49 =	vbroadcast v7, $0xF;
	v57, _, _ =	vpop (xrf2);
	(xrf2) =	vadd.scan.msk.f32 $0xffff, v43  }
0xbe: {  	[tilespmem:s25+$0x41F0] =	vst v5;
	v51 =	vbroadcast v44, $0xF;
	v60, _, _ =	vpop (xrf2);
	(xrf2) =	vadd.scan.msk.f32 $0xffff, v46  }
0xbf: {  	[tilespmem:s25+$0x4220] =	vst v3;
	v6 =	vadd.f32 v48, v25;
	v12 =	vadd.f32 v49, v34;
	v62, _, _ =	vpop (xrf2);
	(xrf2) =	vadd.scan.msk.f32 $0xffff, v50  }
0xc0: {  	[tilespmem:s25+$0x4250] =	vst v7;
	v5 =	vadd.f32 v51, v42;
	v56 =	vadd.f32 $0.0e+00, v52;
	v21, _, _ =	vpop (xrf2);
	(xrf2) =	vadd.scan.msk.f32 $0xffff, v53  }
0xc1: {  	[tilespmem:s25+$0x4280] =	vst v44;
	v25 =	vld [tilespmem:s25+$0x43D0];
	v59 =	vbroadcast v12, $0xF;
	v24, _, _ =	vpop (xrf2);
	(xrf2) =	vadd.scan.msk.f32 $0xffff, v55  }
0xc2: {  	[tilespmem:s25+$0x4230] =	vst v6;
	v61 =	vbroadcast v5, $0xF;
	v63 =	vbroadcast v56, $0xF;
	v27, _, _ =	vpop (xrf2);
	(xrf2) =	vadd.scan.msk.f32 $0xffff, v58  }
0xc3: {  	[tilespmem:s25+$0x4260] =	vst v12;
	v3 =	vadd.f32 v59, v37;
	v22 =	vadd.f32 $0.0e+00, v62  }
0xc4: {  	[tilespmem:s25+$0x4290] =	vst v5;
	v2 =	vadd.f32 v61, v45;
	v23 =	vadd.f32 v63, v54;
	v28, _, _ =	vpop (xrf2)  }
0xc5: {  	v33 =	vld [tilespmem:s25+$0x43E0];
	[tilespmem:s25+$0x42C0] =	vst v56;
	v26 =	vbroadcast v22, $0xF;
	v31, _, _ =	vpop (xrf2)  }
0xc6: {  	[tilespmem:s25+$0x4270] =	vst v3;
	v29 =	vbroadcast v2, $0xF;
	v30 =	vbroadcast v23, $0xF;
	v36, _, _ =	vpop (xrf2);
	(xrf2) =	vadd.scan.msk.f32 $0xffff, v25  }
0xc7: {  	[tilespmem:s25+$0x42A0] =	vst v2;
	v10 =	vadd.f32 v26, v21;
	v1 =	vadd.f32 $0.0e+00, v28;
	v37, _, _ =	vpop (xrf2)  }
0xc8: {  	[tilespmem:s25+$0x42D0] =	vst v23;
	v3 =	vadd.f32 v29, v47;
	v32 =	vadd.f32 v30, v57;
	v39, _, _ =	vpop (xrf2)  }
0xc9: {  	v43 =	vld [tilespmem:s25+$0x43F0];
	[tilespmem:s25+$0x4300] =	vst v22;
	v34 =	vbroadcast v10, $0xF;
	v41, _, _ =	vpop (xrf2)  }
0xca: {  	v35 =	vbroadcast v1, $0xF;
	[tilespmem:s25+$0x42B0] =	vst v3;
	v38 =	vbroadcast v32, $0xF;
	(xrf2) =	vadd.scan.msk.f32 $0xffff, v33;
	v45, _, _ =	vpop (xrf2)  }
0xcb: {  	[tilespmem:s25+$0x42E0] =	vst v32;
	v2 =	vadd.f32 v34, v24;
	v42 =	vadd.f32 $0.0e+00, v39;
	v46, _, _ =	vpop (xrf2)  }
0xcc: {  	[tilespmem:s25+$0x4310] =	vst v10;
	v40 =	vadd.f32 v35, v31;
	v3 =	vadd.f32 v38, v60;
	v50, _, _ =	vpop (xrf2)  }
0xcd: {  	[tilespmem:s25+$0x4340] =	vst v1;
	v47 =	vbroadcast v42, $0xF;
	v51 =	vadd.f32 $0.0e+00, v50  }
0xce: {  	v44 =	vbroadcast v2, $0xF;
	v12 =	vbroadcast v40, $0xF;
	[tilespmem:s25+$0x42F0] =	vst v3;
	(xrf2) =	vadd.scan.msk.f32 $0xffff, v43  }
0xcf: {  	[tilespmem:s25+$0x4320] =	vst v2;
	v3 =	vadd.f32 v47, v41;
	v54 =	vbroadcast v51, $0xF  }
0xd0: {  	[tilespmem:s25+$0x4350] =	vst v40;
	v48 =	vadd.f32 v44, v27;
	v49 =	vadd.f32 v12, v36;
	v55, _, _ =	vpop (xrf2)  }
0xd1: {  	[tilespmem:s25+$0x4380] =	vst v42;
	v53 =	vbroadcast v3, $0xF;
	v57 =	vadd.f32 v54, v55  }
0xd2: {  	v52 =	vbroadcast v49, $0xF;
	[tilespmem:s25+$0x4330] =	vst v48  }
0xd3: {  	[tilespmem:s25+$0x4360] =	vst v49;
	v56 =	vadd.f32 v53, v45;
	v59 =	vbroadcast v57, $0xF  }
0xd4: {  	[tilespmem:s25+$0x4390] =	vst v3;
	v0 =	vadd.f32 v52, v37;
	v60, _, _ =	vpop (xrf2)  }
0xd5: {  	[tilespmem:s25+$0x43C0] =	vst v51;
	v58 =	vbroadcast v56, $0xF;
	v61 =	vadd.f32 v59, v60  }
0xd6: {  	p0 =	sne.s32 s24, $0xF000;
	[tilespmem:s25+$0x4370] =	vst v0  }
.Ltmp1:
0xd7: {  	[tilespmem:s25+$0x43A0] =	vst v56;
	v0 =	vadd.f32 v58, v46;
	v62 =	vbroadcast v61, $0xF;
	(pc) =	sbr.rel @p0 .LBB2_4-.Ltmp1, $4  }
0xd8: {  	[tilespmem:s25+$0x43D0] =	vst v57;
	v63, _, _ =	vpop (xrf2)  }
0xd9: {  	[tilespmem:s25+$0x43B0] =	vst v0;
	v0 =	vadd.f32 v62, v63  }
0xda: {  	[tilespmem:s25+$0x43E0] =	vst v61  }
0xdb: {  	s24 =	sadd.s32 $0x1000, s24;
	[tilespmem:s25+$0x43F0] =	vst v0  }
0xdc: {  	s24 =	simm.s32 $0x0  }
0xdd: {  	[hbm4b:s9+s24] =	stream.linear.scatter [tilespmem:s13], [sflag:$0x6], $0x4000, $0x38;
	[tilespmem:$0x10000] =	vst v63  }
0xde: {  	_ =	swait.ge [sflag:s17], $0x4000  }
0xdf: {  	[sflag:s17] =	ssyncset.done $0x0  }
0xe0: {  	[sflag:s17] =	ssyncadd.s32 $0xFFFFC000  }
.LBB2_6:
0xe1: {  	s25 =	sshra.s32 s24, $0x2  }
0xe2: {  	v0 =	vld [tilespmem:s25+$0x8000]  }
0xe3: {  	v1 =	vld [tilespmem:s25+$0x8010]  }
0xe4: {  	v2 =	vld [tilespmem:s25+$0x8020]  }
0xe5: {  	v3 =	vld [tilespmem:s25+$0x8030]  }
0xe6: {  	v4 =	vld [tilespmem:s25+$0x8040]  }
0xe7: {  	v43 =	vld [tilespmem:s25+$0x8050];
	(xrf2) =	vadd.scan.msk.f32 $0xffff, v0  }
0xe8: {  	v44 =	vld [tilespmem:s25+$0x8060];
	(xrf2) =	vadd.scan.msk.f32 $0xffff, v1  }
0xe9: {  	v45 =	vld [tilespmem:s25+$0x8070];
	(xrf2) =	vadd.scan.msk.f32 $0xffff, v2  }
0xea: {  	v46 =	vld [tilespmem:s25+$0x8080];
	(xrf2) =	vadd.scan.msk.f32 $0xffff, v3  }
0xeb: {  	v47 =	vld [tilespmem:s25+$0x8090];
	(xrf2) =	vadd.scan.msk.f32 $0xffff, v4  }
0xec: {  	v48 =	vld [tilespmem:s25+$0x80A0];
	(xrf2) =	vadd.scan.msk.f32 $0xffff, v43  }
0xed: {  	v49 =	vld [tilespmem:s25+$0x80B0];
	(xrf2) =	vadd.scan.msk.f32 $0xffff, v44  }
0xee: {  	v50 =	vld [tilespmem:s25+$0x80C0];
	(xrf2) =	vadd.scan.msk.f32 $0xffff, v45  }
0xef: {  	v51 =	vld [tilespmem:s25+$0x80D0];
	(xrf2) =	vadd.scan.msk.f32 $0xffff, v46  }
0xf0: {  	v52 =	vld [tilespmem:s25+$0x80E0];
	(xrf2) =	vadd.scan.msk.f32 $0xffff, v47  }
0xf1: {  	v53 =	vld [tilespmem:s25+$0x80F0];
	v5, _, _ =	vpop (xrf2);
	(xrf2) =	vadd.scan.msk.f32 $0xffff, v48  }
0xf2: {  	v54 =	vld [tilespmem:s25+$0x8100];
	v6, _, _ =	vpop (xrf2);
	(xrf2) =	vadd.scan.msk.f32 $0xffff, v49  }
0xf3: {  	v55 =	vld [tilespmem:s25+$0x8110];
	v7, _, _ =	vpop (xrf2);
	(xrf2) =	vadd.scan.msk.f32 $0xffff, v50  }
0xf4: {  	v56 =	vld [tilespmem:s25+$0x8120];
	v5 =	vadd.f32 $0.0e+00, v5;
	v9, _, _ =	vpop (xrf2);
	(xrf2) =	vadd.scan.msk.f32 $0xffff, v51  }
0xf5: {  	v57 =	vld [tilespmem:s25+$0x8130];
	v10, _, _ =	vpop (xrf2);
	(xrf2) =	vadd.scan.msk.f32 $0xffff, v52  }
0xf6: {  	v60 =	vld [tilespmem:s25+$0x8140];
	v8 =	vbroadcast v5, $0xF;
	v59, _, _ =	vpop (xrf2);
	(xrf2) =	vadd.scan.msk.f32 $0xffff, v53  }
0xf7: {  	v61 =	vld [tilespmem:s25+$0x8150];
	v11, _, _ =	vpop (xrf2);
	(xrf2) =	vadd.scan.msk.f32 $0xffff, v54  }
0xf8: {  	v62 =	vld [tilespmem:s25+$0x8160];
	v6 =	vadd.f32 v8, v6;
	v14, _, _ =	vpop (xrf2);
	(xrf2) =	vadd.scan.msk.f32 $0xffff, v55  }
0xf9: {  	v63 =	vld [tilespmem:s25+$0x8170];
	v58 =	vadd.f32 $0.0e+00, v10;
	v15, _, _ =	vpop (xrf2);
	(xrf2) =	vadd.scan.msk.f32 $0xffff, v56  }
0xfa: {  	v25 =	vld [tilespmem:s25+$0x8180];
	v12 =	vbroadcast v6, $0xF;
	v24, _, _ =	vpop (xrf2);
	(xrf2) =	vadd.scan.msk.f32 $0xffff, v57  }
0xfb: {  	v28 =	vld [tilespmem:s25+$0x8190];
	v13 =	vbroadcast v58, $0xF;
	v27, _, _ =	vpop (xrf2);
	(xrf2) =	vadd.scan.msk.f32 $0xffff, v60  }
0xfc: {  	v29 =	vld [tilespmem:s25+$0x81A0];
	v7 =	vadd.f32 v12, v7;
	v18, _, _ =	vpop (xrf2);
	(xrf2) =	vadd.scan.msk.f32 $0xffff, v61  }
0xfd: {  	v30 =	vld [tilespmem:s25+$0x81B0];
	[tilespmem:s25+$0x8000] =	vst v5;
	v10 =	vadd.f32 v13, v59;
	v26 =	vadd.f32 $0.0e+00, v15;
	v20, _, _ =	vpop (xrf2);
	(xrf2) =	vadd.scan.msk.f32 $0xffff, v62  }
0xfe: {  	v34 =	vld [tilespmem:s25+$0x81C0];
	[tilespmem:s25+$0x8010] =	vst v6;
	v16 =	vbroadcast v7, $0xF;
	v33, _, _ =	vpop (xrf2);
	(xrf2) =	vadd.scan.msk.f32 $0xffff, v63  }
0xff: {  	v38 =	vld [tilespmem:s25+$0x81D0];
	[tilespmem:s25+$0x8040] =	vst v58;
	v17 =	vbroadcast v10, $0xF;
	v19 =	vbroadcast v26, $0xF;
	v37, _, _ =	vpop (xrf2);
	(xrf2) =	vadd.scan.msk.f32 $0xffff, v25  }
0x100: {  	v41 =	vld [tilespmem:s25+$0x81E0];
	[tilespmem:s25+$0x8020] =	vst v7;
	v31 =	vadd.f32 v16, v9;
	v36 =	vadd.f32 $0.0e+00, v20;
	v40, _, _ =	vpop (xrf2);
	(xrf2) =	vadd.scan.msk.f32 $0xffff, v28  }
0x101: {  	v45 =	vld [tilespmem:s25+$0x81F0];
	[tilespmem:s25+$0x8050] =	vst v10;
	v32 =	vadd.f32 v17, v11;
	v35 =	vadd.f32 v19, v24;
	v44, _, _ =	vpop (xrf2);
	(xrf2) =	vadd.scan.msk.f32 $0xffff, v29  }
0x102: {  	v48 =	vld [tilespmem:s25+$0x8200];
	[tilespmem:s25+$0x8080] =	vst v26;
	v43 =	vbroadcast v36, $0xF;
	v47, _, _ =	vpop (xrf2);
	(xrf2) =	vadd.scan.msk.f32 $0xffff, v30  }
0x103: {  	v51 =	vld [tilespmem:s25+$0x8210];
	v39 =	vbroadcast v32, $0xF;
	[tilespmem:s25+$0x8030] =	vst v31;
	v42 =	vbroadcast v35, $0xF;
	v50, _, _ =	vpop (xrf2);
	(xrf2) =	vadd.scan.msk.f32 $0xffff, v34  }
0x104: {  	v54 =	vld [tilespmem:s25+$0x8220];
	[tilespmem:s25+$0x8060] =	vst v32;
	v46 =	vadd.f32 $0.0e+00, v44;
	v49 =	vadd.f32 v43, v33;
	v53, _, _ =	vpop (xrf2);
	(xrf2) =	vadd.scan.msk.f32 $0xffff, v38  }
0x105: {  	v57 =	vld [tilespmem:s25+$0x8230];
	[tilespmem:s25+$0x8090] =	vst v35;
	v7 =	vadd.f32 v39, v14;
	v5 =	vadd.f32 v42, v27;
	v56, _, _ =	vpop (xrf2);
	(xrf2) =	vadd.scan.msk.f32 $0xffff, v41  }
0x106: {  	v60 =	vld [tilespmem:s25+$0x8240];
	[tilespmem:s25+$0x80C0] =	vst v36;
	v52 =	vbroadcast v46, $0xF;
	v19 =	vbroadcast v49, $0xF;
	v59, _, _ =	vpop (xrf2);
	(xrf2) =	vadd.scan.msk.f32 $0xffff, v45  }
0x107: {  	v24 =	vld [tilespmem:s25+$0x8250];
	[tilespmem:s25+$0x8070] =	vst v7;
	v55 =	vbroadcast v5, $0xF;
	v63, _, _ =	vpop (xrf2);
	(xrf2) =	vadd.scan.msk.f32 $0xffff, v48  }
0x108: {  	v28 =	vld [tilespmem:s25+$0x8260];
	[tilespmem:s25+$0x80A0] =	vst v5;
	v9 =	vadd.f32 v52, v47;
	v62 =	vadd.f32 v19, v37;
	v27, _, _ =	vpop (xrf2);
	(xrf2) =	vadd.scan.msk.f32 $0xffff, v51  }
0x109: {  	v31 =	vld [tilespmem:s25+$0x8270];
	[tilespmem:s25+$0x80D0] =	vst v49;
	v58 =	vadd.f32 $0.0e+00, v56;
	v30, _, _ =	vpop (xrf2);
	(xrf2) =	vadd.scan.msk.f32 $0xffff, v54  }
0x10a: {  	v34 =	vld [tilespmem:s25+$0x8280];
	v61 =	vadd.f32 v55, v18;
	v25 =	vbroadcast v9, $0xF;
	v29 =	vbroadcast v62, $0xF;
	v33, _, _ =	vpop (xrf2);
	(xrf2) =	vadd.scan.msk.f32 $0xffff, v57  }
0x10b: {  	[tilespmem:s25+$0x8100] =	vst v46;
	v37 =	vld [tilespmem:s25+$0x8290];
	v26 =	vbroadcast v58, $0xF;
	v36, _, _ =	vpop (xrf2);
	(xrf2) =	vadd.scan.msk.f32 $0xffff, v60  }
0x10c: {  	v41 =	vld [tilespmem:s25+$0x82A0];
	[tilespmem:s25+$0x80B0] =	vst v61;
	v5 =	vadd.f32 v25, v50;
	v6 =	vadd.f32 v29, v40;
	v40, _, _ =	vpop (xrf2);
	(xrf2) =	vadd.scan.msk.f32 $0xffff, v24  }
0x10d: {  	v44 =	vld [tilespmem:s25+$0x82B0];
	[tilespmem:s25+$0x80E0] =	vst v62;
	v35 =	vadd.f32 $0.0e+00, v30;
	v43, _, _ =	vpop (xrf2);
	(xrf2) =	vadd.scan.msk.f32 $0xffff, v28  }
0x10e: {  	v47 =	vld [tilespmem:s25+$0x82C0];
	[tilespmem:s25+$0x8110] =	vst v9;
	v32 =	vadd.f32 v26, v59;
	v38 =	vbroadcast v5, $0xF;
	v46, _, _ =	vpop (xrf2);
	(xrf2) =	vadd.scan.msk.f32 $0xffff, v31  }
0x10f: {  	[tilespmem:s25+$0x8140] =	vst v58;
	v50 =	vld [tilespmem:s25+$0x82D0];
	v42 =	vbroadcast v35, $0xF;
	v49, _, _ =	vpop (xrf2);
	(xrf2) =	vadd.scan.msk.f32 $0xffff, v34  }
0x110: {  	v39 =	vbroadcast v32, $0xF;
	[tilespmem:s25+$0x80F0] =	vst v6;
	v7 =	vadd.f32 v38, v53;
	v53 =	vld [tilespmem:s25+$0x82E0];
	v52, _, _ =	vpop (xrf2);
	(xrf2) =	vadd.scan.msk.f32 $0xffff, v37  }
0x111: {  	v57 =	vld [tilespmem:s25+$0x82F0];
	[tilespmem:s25+$0x8120] =	vst v5;
	v6 =	vadd.f32 v42, v33;
	v48 =	vadd.f32 $0.0e+00, v43;
	v56, _, _ =	vpop (xrf2);
	(xrf2) =	vadd.scan.msk.f32 $0xffff, v41  }
0x112: {  	v60 =	vld [tilespmem:s25+$0x8300];
	[tilespmem:s25+$0x8150] =	vst v32;
	v45 =	vadd.f32 v39, v63;
	v59, _, _ =	vpop (xrf2);
	(xrf2) =	vadd.scan.msk.f32 $0xffff, v44  }
0x113: {  	[tilespmem:s25+$0x8180] =	vst v35;
	v63 =	vld [tilespmem:s25+$0x8310];
	v54 =	vbroadcast v6, $0xF;
	v55 =	vbroadcast v48, $0xF;
	v62, _, _ =	vpop (xrf2);
	(xrf2) =	vadd.scan.msk.f32 $0xffff, v47  }
0x114: {  	v26 =	vld [tilespmem:s25+$0x8320];
	v51 =	vbroadcast v45, $0xF;
	[tilespmem:s25+$0x8130] =	vst v7;
	v58 =	vadd.f32 $0.0e+00, v56;
	v25, _, _ =	vpop (xrf2);
	(xrf2) =	vadd.scan.msk.f32 $0xffff, v50  }
0x115: {  	v29 =	vld [tilespmem:s25+$0x8330];
	[tilespmem:s25+$0x8160] =	vst v45;
	v7 =	vadd.f32 v54, v36;
	v61 =	vadd.f32 v55, v46;
	v28, _, _ =	vpop (xrf2);
	(xrf2) =	vadd.scan.msk.f32 $0xffff, v53  }
0x116: {  	[tilespmem:s25+$0x8190] =	vst v6;
	v5 =	vadd.f32 v51, v27;
	v24 =	vbroadcast v58, $0xF;
	v31, _, _ =	vpop (xrf2);
	(xrf2) =	vadd.scan.msk.f32 $0xffff, v57  }
0x117: {  	v32 =	vld [tilespmem:s25+$0x8340];
	[tilespmem:s25+$0x81C0] =	vst v48;
	v27 =	vbroadcast v7, $0xF;
	v17 =	vbroadcast v61, $0xF;
	v34, _, _ =	vpop (xrf2);
	(xrf2) =	vadd.scan.msk.f32 $0xffff, v60  }
0x118: {  	v38 =	vld [tilespmem:s25+$0x8350];
	[tilespmem:s25+$0x8170] =	vst v5;
	v8 =	vadd.f32 v24, v59;
	v30 =	vadd.f32 $0.0e+00, v28;
	v37, _, _ =	vpop (xrf2);
	(xrf2) =	vadd.scan.msk.f32 $0xffff, v63  }
0x119: {  	v41 =	vld [tilespmem:s25+$0x8360];
	[tilespmem:s25+$0x81A0] =	vst v7;
	v5 =	vadd.f32 v27, v40;
	v33 =	vadd.f32 v17, v49;
	v40, _, _ =	vpop (xrf2);
	(xrf2) =	vadd.scan.msk.f32 $0xffff, v26  }
0x11a: {  	v43 =	vld [tilespmem:s25+$0x8370];
	[tilespmem:s25+$0x81D0] =	vst v61;
	v35 =	vbroadcast v8, $0xF;
	v42, _, _ =	vpop (xrf2);
	(xrf2) =	vadd.scan.msk.f32 $0xffff, v29  }
0x11b: {  	v46 =	vld [tilespmem:s25+$0x8380];
	[tilespmem:s25+$0x8200] =	vst v58;
	v36 =	vbroadcast v30, $0xF;
	v39 =	vbroadcast v33, $0xF;
	v45, _, _ =	vpop (xrf2)  }
0x11c: {  	v50 =	vld [tilespmem:s25+$0x8390];
	[tilespmem:s25+$0x81B0] =	vst v5;
	v3 =	vadd.f32 v35, v62;
	(xrf2) =	vadd.scan.msk.f32 $0xffff, v32;
	v47, _, _ =	vpop (xrf2)  }
0x11d: {  	v53 =	vld [tilespmem:s25+$0x83A0];
	[tilespmem:s25+$0x81E0] =	vst v33;
	v7 =	vadd.f32 v36, v31;
	v5 =	vadd.f32 v39, v52;
	(xrf2) =	vadd.scan.msk.f32 $0xffff, v38;
	v52, _, _ =	vpop (xrf2)  }
0x11e: {  	v55 =	vld [tilespmem:s25+$0x83B0];
	[tilespmem:s25+$0x8210] =	vst v8;
	v44 =	vadd.f32 $0.0e+00, v40;
	v54, _, _ =	vpop (xrf2);
	(xrf2) =	vadd.scan.msk.f32 $0xffff, v41  }
0x11f: {  	v58 =	vld [tilespmem:s25+$0x83C0];
	[tilespmem:s25+$0x8240] =	vst v30;
	v48 =	vbroadcast v3, $0xF;
	v49 =	vbroadcast v7, $0xF;
	v57, _, _ =	vpop (xrf2);
	(xrf2) =	vadd.scan.msk.f32 $0xffff, v43  }
0x120: {  	[tilespmem:s25+$0x81F0] =	vst v5;
	v51 =	vbroadcast v44, $0xF;
	v60, _, _ =	vpop (xrf2);
	(xrf2) =	vadd.scan.msk.f32 $0xffff, v46  }
0x121: {  	[tilespmem:s25+$0x8220] =	vst v3;
	v6 =	vadd.f32 v48, v25;
	v12 =	vadd.f32 v49, v34;
	v62, _, _ =	vpop (xrf2);
	(xrf2) =	vadd.scan.msk.f32 $0xffff, v50  }
0x122: {  	[tilespmem:s25+$0x8250] =	vst v7;
	v5 =	vadd.f32 v51, v42;
	v56 =	vadd.f32 $0.0e+00, v52;
	v21, _, _ =	vpop (xrf2);
	(xrf2) =	vadd.scan.msk.f32 $0xffff, v53  }
0x123: {  	[tilespmem:s25+$0x8280] =	vst v44;
	v25 =	vld [tilespmem:s25+$0x83D0];
	v59 =	vbroadcast v12, $0xF;
	v24, _, _ =	vpop (xrf2);
	(xrf2) =	vadd.scan.msk.f32 $0xffff, v55  }
0x124: {  	[tilespmem:s25+$0x8230] =	vst v6;
	v61 =	vbroadcast v5, $0xF;
	v63 =	vbroadcast v56, $0xF;
	v27, _, _ =	vpop (xrf2);
	(xrf2) =	vadd.scan.msk.f32 $0xffff, v58  }
0x125: {  	[tilespmem:s25+$0x8260] =	vst v12;
	v3 =	vadd.f32 v59, v37;
	v22 =	vadd.f32 $0.0e+00, v62  }
0x126: {  	[tilespmem:s25+$0x8290] =	vst v5;
	v2 =	vadd.f32 v61, v45;
	v23 =	vadd.f32 v63, v54;
	v28, _, _ =	vpop (xrf2)  }
0x127: {  	v33 =	vld [tilespmem:s25+$0x83E0];
	[tilespmem:s25+$0x82C0] =	vst v56;
	v26 =	vbroadcast v22, $0xF;
	v31, _, _ =	vpop (xrf2)  }
0x128: {  	[tilespmem:s25+$0x8270] =	vst v3;
	v29 =	vbroadcast v2, $0xF;
	v30 =	vbroadcast v23, $0xF;
	v36, _, _ =	vpop (xrf2);
	(xrf2) =	vadd.scan.msk.f32 $0xffff, v25  }
0x129: {  	[tilespmem:s25+$0x82A0] =	vst v2;
	v10 =	vadd.f32 v26, v21;
	v1 =	vadd.f32 $0.0e+00, v28;
	v37, _, _ =	vpop (xrf2)  }
0x12a: {  	[tilespmem:s25+$0x82D0] =	vst v23;
	v3 =	vadd.f32 v29, v47;
	v32 =	vadd.f32 v30, v57;
	v39, _, _ =	vpop (xrf2)  }
0x12b: {  	v43 =	vld [tilespmem:s25+$0x83F0];
	[tilespmem:s25+$0x8300] =	vst v22;
	v34 =	vbroadcast v10, $0xF;
	v41, _, _ =	vpop (xrf2)  }
0x12c: {  	v35 =	vbroadcast v1, $0xF;
	[tilespmem:s25+$0x82B0] =	vst v3;
	v38 =	vbroadcast v32, $0xF;
	(xrf2) =	vadd.scan.msk.f32 $0xffff, v33;
	v45, _, _ =	vpop (xrf2)  }
0x12d: {  	[tilespmem:s25+$0x82E0] =	vst v32;
	v2 =	vadd.f32 v34, v24;
	v42 =	vadd.f32 $0.0e+00, v39;
	v46, _, _ =	vpop (xrf2)  }
0x12e: {  	[tilespmem:s25+$0x8310] =	vst v10;
	v40 =	vadd.f32 v35, v31;
	v3 =	vadd.f32 v38, v60;
	v50, _, _ =	vpop (xrf2)  }
0x12f: {  	[tilespmem:s25+$0x8340] =	vst v1;
	v47 =	vbroadcast v42, $0xF;
	v51 =	vadd.f32 $0.0e+00, v50  }
0x130: {  	v44 =	vbroadcast v2, $0xF;
	v12 =	vbroadcast v40, $0xF;
	[tilespmem:s25+$0x82F0] =	vst v3;
	(xrf2) =	vadd.scan.msk.f32 $0xffff, v43  }
0x131: {  	[tilespmem:s25+$0x8320] =	vst v2;
	v3 =	vadd.f32 v47, v41;
	v54 =	vbroadcast v51, $0xF  }
0x132: {  	[tilespmem:s25+$0x8350] =	vst v40;
	v48 =	vadd.f32 v44, v27;
	v49 =	vadd.f32 v12, v36;
	v55, _, _ =	vpop (xrf2)  }
0x133: {  	[tilespmem:s25+$0x8380] =	vst v42;
	v53 =	vbroadcast v3, $0xF;
	v57 =	vadd.f32 v54, v55  }
0x134: {  	v52 =	vbroadcast v49, $0xF;
	[tilespmem:s25+$0x8330] =	vst v48  }
0x135: {  	[tilespmem:s25+$0x8360] =	vst v49;
	v56 =	vadd.f32 v53, v45;
	v59 =	vbroadcast v57, $0xF  }
0x136: {  	[tilespmem:s25+$0x8390] =	vst v3;
	v0 =	vadd.f32 v52, v37;
	v60, _, _ =	vpop (xrf2)  }
0x137: {  	[tilespmem:s25+$0x83C0] =	vst v51;
	v58 =	vbroadcast v56, $0xF;
	v61 =	vadd.f32 v59, v60  }
0x138: {  	p0 =	sne.s32 s24, $0xF000;
	[tilespmem:s25+$0x8370] =	vst v0  }
.Ltmp2:
0x139: {  	[tilespmem:s25+$0x83A0] =	vst v56;
	v0 =	vadd.f32 v58, v46;
	v62 =	vbroadcast v61, $0xF;
	(pc) =	sbr.rel @p0 .LBB2_6-.Ltmp2, $4  }
0x13a: {  	[tilespmem:s25+$0x83D0] =	vst v57;
	v63, _, _ =	vpop (xrf2)  }
0x13b: {  	[tilespmem:s25+$0x83B0] =	vst v0;
	v0 =	vadd.f32 v62, v63  }
0x13c: {  	[tilespmem:s25+$0x83E0] =	vst v61  }
0x13d: {  	s24 =	sadd.s32 $0x1000, s24;
	[tilespmem:s25+$0x83F0] =	vst v0  }
0x13e: {  	s24 =	simm.s32 $0x0  }
0x13f: {  	[hbm4b:s10+s24] =	stream.linear.scatter [tilespmem:s14], [sflag:$0x7], $0x4000, $0x38;
	[tilespmem:$0x10000] =	vst v63  }
0x140: {  	_ =	swait.ge [sflag:s18], $0x4000  }
0x141: {  	[sflag:s18] =	ssyncset.done $0x0  }
0x142: {  	[sflag:s18] =	ssyncadd.s32 $0xFFFFC000  }
.LBB2_8:
0x143: {  	s25 =	sshra.s32 s24, $0x2  }
0x144: {  	v0 =	vld [tilespmem:s25+$0xC000]  }
0x145: {  	v1 =	vld [tilespmem:s25+$0xC010]  }
0x146: {  	v2 =	vld [tilespmem:s25+$0xC020]  }
0x147: {  	v3 =	vld [tilespmem:s25+$0xC030]  }
0x148: {  	v4 =	vld [tilespmem:s25+$0xC040]  }
0x149: {  	v43 =	vld [tilespmem:s25+$0xC050];
	(xrf2) =	vadd.scan.msk.f32 $0xffff, v0  }
0x14a: {  	v44 =	vld [tilespmem:s25+$0xC060];
	(xrf2) =	vadd.scan.msk.f32 $0xffff, v1  }
0x14b: {  	v45 =	vld [tilespmem:s25+$0xC070];
	(xrf2) =	vadd.scan.msk.f32 $0xffff, v2  }
0x14c: {  	v46 =	vld [tilespmem:s25+$0xC080];
	(xrf2) =	vadd.scan.msk.f32 $0xffff, v3  }
0x14d: {  	v47 =	vld [tilespmem:s25+$0xC090];
	(xrf2) =	vadd.scan.msk.f32 $0xffff, v4  }
0x14e: {  	v48 =	vld [tilespmem:s25+$0xC0A0];
	(xrf2) =	vadd.scan.msk.f32 $0xffff, v43  }
0x14f: {  	v49 =	vld [tilespmem:s25+$0xC0B0];
	(xrf2) =	vadd.scan.msk.f32 $0xffff, v44  }
0x150: {  	v50 =	vld [tilespmem:s25+$0xC0C0];
	(xrf2) =	vadd.scan.msk.f32 $0xffff, v45  }
0x151: {  	v51 =	vld [tilespmem:s25+$0xC0D0];
	(xrf2) =	vadd.scan.msk.f32 $0xffff, v46  }
0x152: {  	v52 =	vld [tilespmem:s25+$0xC0E0];
	(xrf2) =	vadd.scan.msk.f32 $0xffff, v47  }
0x153: {  	v53 =	vld [tilespmem:s25+$0xC0F0];
	v5, _, _ =	vpop (xrf2);
	(xrf2) =	vadd.scan.msk.f32 $0xffff, v48  }
0x154: {  	v54 =	vld [tilespmem:s25+$0xC100];
	v6, _, _ =	vpop (xrf2);
	(xrf2) =	vadd.scan.msk.f32 $0xffff, v49  }
0x155: {  	v55 =	vld [tilespmem:s25+$0xC110];
	v7, _, _ =	vpop (xrf2);
	(xrf2) =	vadd.scan.msk.f32 $0xffff, v50  }
0x156: {  	v56 =	vld [tilespmem:s25+$0xC120];
	v5 =	vadd.f32 $0.0e+00, v5;
	v9, _, _ =	vpop (xrf2);
	(xrf2) =	vadd.scan.msk.f32 $0xffff, v51  }
0x157: {  	v57 =	vld [tilespmem:s25+$0xC130];
	v10, _, _ =	vpop (xrf2);
	(xrf2) =	vadd.scan.msk.f32 $0xffff, v52  }
0x158: {  	v60 =	vld [tilespmem:s25+$0xC140];
	v8 =	vbroadcast v5, $0xF;
	v59, _, _ =	vpop (xrf2);
	(xrf2) =	vadd.scan.msk.f32 $0xffff, v53  }
0x159: {  	v61 =	vld [tilespmem:s25+$0xC150];
	v11, _, _ =	vpop (xrf2);
	(xrf2) =	vadd.scan.msk.f32 $0xffff, v54  }
0x15a: {  	v62 =	vld [tilespmem:s25+$0xC160];
	v6 =	vadd.f32 v8, v6;
	v14, _, _ =	vpop (xrf2);
	(xrf2) =	vadd.scan.msk.f32 $0xffff, v55  }
0x15b: {  	v63 =	vld [tilespmem:s25+$0xC170];
	v58 =	vadd.f32 $0.0e+00, v10;
	v15, _, _ =	vpop (xrf2);
	(xrf2) =	vadd.scan.msk.f32 $0xffff, v56  }
0x15c: {  	v25 =	vld [tilespmem:s25+$0xC180];
	v12 =	vbroadcast v6, $0xF;
	v24, _, _ =	vpop (xrf2);
	(xrf2) =	vadd.scan.msk.f32 $0xffff, v57  }
0x15d: {  	v28 =	vld [tilespmem:s25+$0xC190];
	v13 =	vbroadcast v58, $0xF;
	v27, _, _ =	vpop (xrf2);
	(xrf2) =	vadd.scan.msk.f32 $0xffff, v60  }
0x15e: {  	v29 =	vld [tilespmem:s25+$0xC1A0];
	v7 =	vadd.f32 v12, v7;
	v18, _, _ =	vpop (xrf2);
	(xrf2) =	vadd.scan.msk.f32 $0xffff, v61  }
0x15f: {  	v30 =	vld [tilespmem:s25+$0xC1B0];
	[tilespmem:s25+$0xC000] =	vst v5;
	v10 =	vadd.f32 v13, v59;
	v26 =	vadd.f32 $0.0e+00, v15;
	v20, _, _ =	vpop (xrf2);
	(xrf2) =	vadd.scan.msk.f32 $0xffff, v62  }
0x160: {  	v34 =	vld [tilespmem:s25+$0xC1C0];
	[tilespmem:s25+$0xC010] =	vst v6;
	v16 =	vbroadcast v7, $0xF;
	v33, _, _ =	vpop (xrf2);
	(xrf2) =	vadd.scan.msk.f32 $0xffff, v63  }
0x161: {  	v38 =	vld [tilespmem:s25+$0xC1D0];
	[tilespmem:s25+$0xC040] =	vst v58;
	v17 =	vbroadcast v10, $0xF;
	v19 =	vbroadcast v26, $0xF;
	v37, _, _ =	vpop (xrf2);
	(xrf2) =	vadd.scan.msk.f32 $0xffff, v25  }
0x162: {  	v41 =	vld [tilespmem:s25+$0xC1E0];
	[tilespmem:s25+$0xC020] =	vst v7;
	v31 =	vadd.f32 v16, v9;
	v36 =	vadd.f32 $0.0e+00, v20;
	v40, _, _ =	vpop (xrf2);
	(xrf2) =	vadd.scan.msk.f32 $0xffff, v28  }
0x163: {  	v45 =	vld [tilespmem:s25+$0xC1F0];
	[tilespmem:s25+$0xC050] =	vst v10;
	v32 =	vadd.f32 v17, v11;
	v35 =	vadd.f32 v19, v24;
	v44, _, _ =	vpop (xrf2);
	(xrf2) =	vadd.scan.msk.f32 $0xffff, v29  }
0x164: {  	v48 =	vld [tilespmem:s25+$0xC200];
	[tilespmem:s25+$0xC080] =	vst v26;
	v43 =	vbroadcast v36, $0xF;
	v47, _, _ =	vpop (xrf2);
	(xrf2) =	vadd.scan.msk.f32 $0xffff, v30  }
0x165: {  	v51 =	vld [tilespmem:s25+$0xC210];
	v39 =	vbroadcast v32, $0xF;
	[tilespmem:s25+$0xC030] =	vst v31;
	v42 =	vbroadcast v35, $0xF;
	v50, _, _ =	vpop (xrf2);
	(xrf2) =	vadd.scan.msk.f32 $0xffff, v34  }
0x166: {  	v54 =	vld [tilespmem:s25+$0xC220];
	[tilespmem:s25+$0xC060] =	vst v32;
	v46 =	vadd.f32 $0.0e+00, v44;
	v49 =	vadd.f32 v43, v33;
	v53, _, _ =	vpop (xrf2);
	(xrf2) =	vadd.scan.msk.f32 $0xffff, v38  }
0x167: {  	v57 =	vld [tilespmem:s25+$0xC230];
	[tilespmem:s25+$0xC090] =	vst v35;
	v7 =	vadd.f32 v39, v14;
	v5 =	vadd.f32 v42, v27;
	v56, _, _ =	vpop (xrf2);
	(xrf2) =	vadd.scan.msk.f32 $0xffff, v41  }
0x168: {  	v60 =	vld [tilespmem:s25+$0xC240];
	[tilespmem:s25+$0xC0C0] =	vst v36;
	v52 =	vbroadcast v46, $0xF;
	v19 =	vbroadcast v49, $0xF;
	v59, _, _ =	vpop (xrf2);
	(xrf2) =	vadd.scan.msk.f32 $0xffff, v45  }
0x169: {  	v24 =	vld [tilespmem:s25+$0xC250];
	[tilespmem:s25+$0xC070] =	vst v7;
	v55 =	vbroadcast v5, $0xF;
	v63, _, _ =	vpop (xrf2);
	(xrf2) =	vadd.scan.msk.f32 $0xffff, v48  }
0x16a: {  	v28 =	vld [tilespmem:s25+$0xC260];
	[tilespmem:s25+$0xC0A0] =	vst v5;
	v9 =	vadd.f32 v52, v47;
	v62 =	vadd.f32 v19, v37;
	v27, _, _ =	vpop (xrf2);
	(xrf2) =	vadd.scan.msk.f32 $0xffff, v51  }
0x16b: {  	v31 =	vld [tilespmem:s25+$0xC270];
	[tilespmem:s25+$0xC0D0] =	vst v49;
	v58 =	vadd.f32 $0.0e+00, v56;
	v30, _, _ =	vpop (xrf2);
	(xrf2) =	vadd.scan.msk.f32 $0xffff, v54  }
0x16c: {  	v34 =	vld [tilespmem:s25+$0xC280];
	v61 =	vadd.f32 v55, v18;
	v25 =	vbroadcast v9, $0xF;
	v29 =	vbroadcast v62, $0xF;
	v33, _, _ =	vpop (xrf2);
	(xrf2) =	vadd.scan.msk.f32 $0xffff, v57  }
0x16d: {  	[tilespmem:s25+$0xC100] =	vst v46;
	v37 =	vld [tilespmem:s25+$0xC290];
	v26 =	vbroadcast v58, $0xF;
	v36, _, _ =	vpop (xrf2);
	(xrf2) =	vadd.scan.msk.f32 $0xffff, v60  }
0x16e: {  	v41 =	vld [tilespmem:s25+$0xC2A0];
	[tilespmem:s25+$0xC0B0] =	vst v61;
	v5 =	vadd.f32 v25, v50;
	v6 =	vadd.f32 v29, v40;
	v40, _, _ =	vpop (xrf2);
	(xrf2) =	vadd.scan.msk.f32 $0xffff, v24  }
0x16f: {  	v44 =	vld [tilespmem:s25+$0xC2B0];
	[tilespmem:s25+$0xC0E0] =	vst v62;
	v35 =	vadd.f32 $0.0e+00, v30;
	v43, _, _ =	vpop (xrf2);
	(xrf2) =	vadd.scan.msk.f32 $0xffff, v28  }
0x170: {  	v47 =	vld [tilespmem:s25+$0xC2C0];
	[tilespmem:s25+$0xC110] =	vst v9;
	v32 =	vadd.f32 v26, v59;
	v38 =	vbroadcast v5, $0xF;
	v46, _, _ =	vpop (xrf2);
	(xrf2) =	vadd.scan.msk.f32 $0xffff, v31  }
0x171: {  	[tilespmem:s25+$0xC140] =	vst v58;
	v50 =	vld [tilespmem:s25+$0xC2D0];
	v42 =	vbroadcast v35, $0xF;
	v49, _, _ =	vpop (xrf2);
	(xrf2) =	vadd.scan.msk.f32 $0xffff, v34  }
0x172: {  	v39 =	vbroadcast v32, $0xF;
	[tilespmem:s25+$0xC0F0] =	vst v6;
	v7 =	vadd.f32 v38, v53;
	v53 =	vld [tilespmem:s25+$0xC2E0];
	v52, _, _ =	vpop (xrf2);
	(xrf2) =	vadd.scan.msk.f32 $0xffff, v37  }
0x173: {  	v57 =	vld [tilespmem:s25+$0xC2F0];
	[tilespmem:s25+$0xC120] =	vst v5;
	v6 =	vadd.f32 v42, v33;
	v48 =	vadd.f32 $0.0e+00, v43;
	v56, _, _ =	vpop (xrf2);
	(xrf2) =	vadd.scan.msk.f32 $0xffff, v41  }
0x174: {  	v60 =	vld [tilespmem:s25+$0xC300];
	[tilespmem:s25+$0xC150] =	vst v32;
	v45 =	vadd.f32 v39, v63;
	v59, _, _ =	vpop (xrf2);
	(xrf2) =	vadd.scan.msk.f32 $0xffff, v44  }
0x175: {  	[tilespmem:s25+$0xC180] =	vst v35;
	v63 =	vld [tilespmem:s25+$0xC310];
	v54 =	vbroadcast v6, $0xF;
	v55 =	vbroadcast v48, $0xF;
	v62, _, _ =	vpop (xrf2);
	(xrf2) =	vadd.scan.msk.f32 $0xffff, v47  }
0x176: {  	v26 =	vld [tilespmem:s25+$0xC320];
	v51 =	vbroadcast v45, $0xF;
	[tilespmem:s25+$0xC130] =	vst v7;
	v58 =	vadd.f32 $0.0e+00, v56;
	v25, _, _ =	vpop (xrf2);
	(xrf2) =	vadd.scan.msk.f32 $0xffff, v50  }
0x177: {  	v29 =	vld [tilespmem:s25+$0xC330];
	[tilespmem:s25+$0xC160] =	vst v45;
	v7 =	vadd.f32 v54, v36;
	v61 =	vadd.f32 v55, v46;
	v28, _, _ =	vpop (xrf2);
	(xrf2) =	vadd.scan.msk.f32 $0xffff, v53  }
0x178: {  	[tilespmem:s25+$0xC190] =	vst v6;
	v5 =	vadd.f32 v51, v27;
	v24 =	vbroadcast v58, $0xF;
	v31, _, _ =	vpop (xrf2);
	(xrf2) =	vadd.scan.msk.f32 $0xffff, v57  }
0x179: {  	v32 =	vld [tilespmem:s25+$0xC340];
	[tilespmem:s25+$0xC1C0] =	vst v48;
	v27 =	vbroadcast v7, $0xF;
	v17 =	vbroadcast v61, $0xF;
	v34, _, _ =	vpop (xrf2);
	(xrf2) =	vadd.scan.msk.f32 $0xffff, v60  }
0x17a: {  	v38 =	vld [tilespmem:s25+$0xC350];
	[tilespmem:s25+$0xC170] =	vst v5;
	v8 =	vadd.f32 v24, v59;
	v30 =	vadd.f32 $0.0e+00, v28;
	v37, _, _ =	vpop (xrf2);
	(xrf2) =	vadd.scan.msk.f32 $0xffff, v63  }
0x17b: {  	v41 =	vld [tilespmem:s25+$0xC360];
	[tilespmem:s25+$0xC1A0] =	vst v7;
	v5 =	vadd.f32 v27, v40;
	v33 =	vadd.f32 v17, v49;
	v40, _, _ =	vpop (xrf2);
	(xrf2) =	vadd.scan.msk.f32 $0xffff, v26  }
0x17c: {  	v43 =	vld [tilespmem:s25+$0xC370];
	[tilespmem:s25+$0xC1D0] =	vst v61;
	v35 =	vbroadcast v8, $0xF;
	v42, _, _ =	vpop (xrf2);
	(xrf2) =	vadd.scan.msk.f32 $0xffff, v29  }
0x17d: {  	v46 =	vld [tilespmem:s25+$0xC380];
	[tilespmem:s25+$0xC200] =	vst v58;
	v36 =	vbroadcast v30, $0xF;
	v39 =	vbroadcast v33, $0xF;
	v45, _, _ =	vpop (xrf2)  }
0x17e: {  	v50 =	vld [tilespmem:s25+$0xC390];
	[tilespmem:s25+$0xC1B0] =	vst v5;
	v3 =	vadd.f32 v35, v62;
	(xrf2) =	vadd.scan.msk.f32 $0xffff, v32;
	v47, _, _ =	vpop (xrf2)  }
0x17f: {  	v53 =	vld [tilespmem:s25+$0xC3A0];
	[tilespmem:s25+$0xC1E0] =	vst v33;
	v7 =	vadd.f32 v36, v31;
	v5 =	vadd.f32 v39, v52;
	(xrf2) =	vadd.scan.msk.f32 $0xffff, v38;
	v52, _, _ =	vpop (xrf2)  }
0x180: {  	v55 =	vld [tilespmem:s25+$0xC3B0];
	[tilespmem:s25+$0xC210] =	vst v8;
	v44 =	vadd.f32 $0.0e+00, v40;
	v54, _, _ =	vpop (xrf2);
	(xrf2) =	vadd.scan.msk.f32 $0xffff, v41  }
0x181: {  	v58 =	vld [tilespmem:s25+$0xC3C0];
	[tilespmem:s25+$0xC240] =	vst v30;
	v48 =	vbroadcast v3, $0xF;
	v49 =	vbroadcast v7, $0xF;
	v57, _, _ =	vpop (xrf2);
	(xrf2) =	vadd.scan.msk.f32 $0xffff, v43  }
0x182: {  	[tilespmem:s25+$0xC1F0] =	vst v5;
	v51 =	vbroadcast v44, $0xF;
	v60, _, _ =	vpop (xrf2);
	(xrf2) =	vadd.scan.msk.f32 $0xffff, v46  }
0x183: {  	[tilespmem:s25+$0xC220] =	vst v3;
	v6 =	vadd.f32 v48, v25;
	v12 =	vadd.f32 v49, v34;
	v62, _, _ =	vpop (xrf2);
	(xrf2) =	vadd.scan.msk.f32 $0xffff, v50  }
0x184: {  	[tilespmem:s25+$0xC250] =	vst v7;
	v5 =	vadd.f32 v51, v42;
	v56 =	vadd.f32 $0.0e+00, v52;
	v21, _, _ =	vpop (xrf2);
	(xrf2) =	vadd.scan.msk.f32 $0xffff, v53  }
0x185: {  	[tilespmem:s25+$0xC280] =	vst v44;
	v25 =	vld [tilespmem:s25+$0xC3D0];
	v59 =	vbroadcast v12, $0xF;
	v24, _, _ =	vpop (xrf2);
	(xrf2) =	vadd.scan.msk.f32 $0xffff, v55  }
0x186: {  	[tilespmem:s25+$0xC230] =	vst v6;
	v61 =	vbroadcast v5, $0xF;
	v63 =	vbroadcast v56, $0xF;
	v27, _, _ =	vpop (xrf2);
	(xrf2) =	vadd.scan.msk.f32 $0xffff, v58  }
0x187: {  	[tilespmem:s25+$0xC260] =	vst v12;
	v3 =	vadd.f32 v59, v37;
	v22 =	vadd.f32 $0.0e+00, v62  }
0x188: {  	[tilespmem:s25+$0xC290] =	vst v5;
	v2 =	vadd.f32 v61, v45;
	v23 =	vadd.f32 v63, v54;
	v28, _, _ =	vpop (xrf2)  }
0x189: {  	v33 =	vld [tilespmem:s25+$0xC3E0];
	[tilespmem:s25+$0xC2C0] =	vst v56;
	v26 =	vbroadcast v22, $0xF;
	v31, _, _ =	vpop (xrf2)  }
0x18a: {  	[tilespmem:s25+$0xC270] =	vst v3;
	v29 =	vbroadcast v2, $0xF;
	v30 =	vbroadcast v23, $0xF;
	v36, _, _ =	vpop (xrf2);
	(xrf2) =	vadd.scan.msk.f32 $0xffff, v25  }
0x18b: {  	[tilespmem:s25+$0xC2A0] =	vst v2;
	v10 =	vadd.f32 v26, v21;
	v1 =	vadd.f32 $0.0e+00, v28;
	v37, _, _ =	vpop (xrf2)  }
0x18c: {  	[tilespmem:s25+$0xC2D0] =	vst v23;
	v3 =	vadd.f32 v29, v47;
	v32 =	vadd.f32 v30, v57;
	v39, _, _ =	vpop (xrf2)  }
0x18d: {  	v43 =	vld [tilespmem:s25+$0xC3F0];
	[tilespmem:s25+$0xC300] =	vst v22;
	v34 =	vbroadcast v10, $0xF;
	v41, _, _ =	vpop (xrf2)  }
0x18e: {  	v35 =	vbroadcast v1, $0xF;
	[tilespmem:s25+$0xC2B0] =	vst v3;
	v38 =	vbroadcast v32, $0xF;
	(xrf2) =	vadd.scan.msk.f32 $0xffff, v33;
	v45, _, _ =	vpop (xrf2)  }
0x18f: {  	[tilespmem:s25+$0xC2E0] =	vst v32;
	v2 =	vadd.f32 v34, v24;
	v42 =	vadd.f32 $0.0e+00, v39;
	v46, _, _ =	vpop (xrf2)  }
0x190: {  	[tilespmem:s25+$0xC310] =	vst v10;
	v40 =	vadd.f32 v35, v31;
	v3 =	vadd.f32 v38, v60;
	v50, _, _ =	vpop (xrf2)  }
0x191: {  	[tilespmem:s25+$0xC340] =	vst v1;
	v47 =	vbroadcast v42, $0xF;
	v51 =	vadd.f32 $0.0e+00, v50  }
0x192: {  	v44 =	vbroadcast v2, $0xF;
	v12 =	vbroadcast v40, $0xF;
	[tilespmem:s25+$0xC2F0] =	vst v3;
	(xrf2) =	vadd.scan.msk.f32 $0xffff, v43  }
0x193: {  	[tilespmem:s25+$0xC320] =	vst v2;
	v3 =	vadd.f32 v47, v41;
	v54 =	vbroadcast v51, $0xF  }
0x194: {  	[tilespmem:s25+$0xC350] =	vst v40;
	v48 =	vadd.f32 v44, v27;
	v49 =	vadd.f32 v12, v36;
	v55, _, _ =	vpop (xrf2)  }
0x195: {  	[tilespmem:s25+$0xC380] =	vst v42;
	v53 =	vbroadcast v3, $0xF;
	v57 =	vadd.f32 v54, v55  }
0x196: {  	v52 =	vbroadcast v49, $0xF;
	[tilespmem:s25+$0xC330] =	vst v48  }
0x197: {  	[tilespmem:s25+$0xC360] =	vst v49;
	v56 =	vadd.f32 v53, v45;
	v59 =	vbroadcast v57, $0xF  }
0x198: {  	[tilespmem:s25+$0xC390] =	vst v3;
	v0 =	vadd.f32 v52, v37;
	v60, _, _ =	vpop (xrf2)  }
0x199: {  	[tilespmem:s25+$0xC3C0] =	vst v51;
	v58 =	vbroadcast v56, $0xF;
	v61 =	vadd.f32 v59, v60  }
0x19a: {  	p0 =	sne.s32 s24, $0xF000;
	[tilespmem:s25+$0xC370] =	vst v0  }
.Ltmp3:
0x19b: {  	[tilespmem:s25+$0xC3A0] =	vst v56;
	v0 =	vadd.f32 v58, v46;
	v62 =	vbroadcast v61, $0xF;
	(pc) =	sbr.rel @p0 .LBB2_8-.Ltmp3, $4  }
0x19c: {  	[tilespmem:s25+$0xC3D0] =	vst v57;
	v63, _, _ =	vpop (xrf2)  }
0x19d: {  	[tilespmem:s25+$0xC3B0] =	vst v0;
	v0 =	vadd.f32 v62, v63  }
0x19e: {  	[tilespmem:s25+$0xC3E0] =	vst v61  }
0x19f: {  	s24 =	sadd.s32 $0x1000, s24;
	[tilespmem:s25+$0xC3F0] =	vst v0  }
0x1a0: {  	[hbm4b:s11+s2] =	stream.linear.scatter [tilespmem:s15], [sflag:$0x8], $0x4000, $0x38;
	[tilespmem:$0x10000] =	vst v63  }
0x1a1: {  	_ =	swait.ge [sflag:s19], $0x4000  }
0x1a2: {  	[sflag:s19] =	ssyncset.done $0x0  }
0x1a3: {  	[sflag:s19] =	ssyncadd.s32 $0xFFFFC000  }
0x1a4: {  	_ =	swait.ge [sflag:s20], $0x4000  }
0x1a5: {  	[sflag:s20] =	ssyncset.done $0x0  }
0x1a6: {  	s23 =	sadd.s32 $0x1, s23;
	[sflag:s20] =	ssyncadd.s32 $0xFFFFC000  }
0x1a7: {  	p0 =	sne.s32 s23, s12;
	_ =	swait.ge [sflag:s21], $0x4000  }
.Ltmp4:
0x1a8: {  	[sflag:s21] =	ssyncset.done $0x0;
	(pc) =	sbr.rel @p0 .LBB2_1-.Ltmp4, $4  }
0x1a9: {  	[sflag:s21] =	ssyncadd.s32 $0xFFFFC000  }
0x1aa: {  	_ =	swait.ge [sflag:s22], $0x4000  }
0x1ab: {  	[sflag:s22] =	ssyncset.done $0x0  }
0x1ac: {  	[sflag:s22] =	ssyncadd.s32 $0xFFFFC000  }
0x1ad: {  	_ =	sfence.sel $0x180000  }
0x1ae: {  	[bflag:$0x0] =	sbarrier.arrive $0xFFFF  }
0x1af: {  	p0 =	sne.s32 s0, $0x0;
	_ =	strace $0x90000047  }
0x1b0: {  	s0 =	sadd.s32 @!p0 $0x100000, s1;
	[bflag:$0x2] =	sbarrier.arrive $0xFFFF  }
0x1b1: {  	[sflag:s0] =	ssyncadd.tile.s32 @!p0 $0x1;
	_ =	shalt  }
.Lfunc_end2:
_tile_overlayer_lowered:
.L_overlay_start_2:
0x1b2: {  	(tag) =	ssettag $0x2  }
0x1b3: {  	s0 =	rddreg [dreg:$0x0];
	s2 =	stileid.u32  }
0x1b4: {  	s1 =	rddreg [dreg:$0x1];
	p0 =	sne.s32 s2, $0x0  }
0x1b5: {  	s3 =	rddreg [dreg:$0x2];
	[bflag:$0x3] =	sbarrier.arrive $0xFFFF;
	s2 =	simm.s32 @!p0 $0x1C09  }
0x1b6: {  	[timem:s3], [sflag:s2] =	dma.local @!p0 [hbm:s0], s1  }
0x1b7: {  	s0 =	simm.s32 @!p0 $0x9  }
0x1b8: {  	_ =	swait.ge @!p0 [sflag:s0], s1  }
0x1b9: {  	s1 =	ssub.s32 @!p0 $0x0, s1;
	[sflag:s0] =	ssyncset.done @!p0 $0x0  }
0x1ba: {  	[sflag:s0] =	ssyncadd.s32 @!p0 s1  }
0x1bb: {  	[bflag:$0x3] =	sbarrier.arrive $0xFFFF  }
0x1bc: {  	_ =	shalt  }

</sc_bundles>
